<compile_context>
chip_gen: v7x
topology: tpu7x:2x2x1
jax: 0.10.2.dev20260603
libtpu: 0.0.44.dev20260713+nightly
codegen_flags: <defaults>
</compile_context>

<pallas_src>
import functools

import jax
import jax.numpy as jnp
from jax import lax
from jax.experimental import pallas as pl
from jax.experimental.pallas import tpu as pltpu
from jax.experimental.pallas import tpu_sc as plsc

_N = 10000
_E = 320000
_DIN = 128
_DOUT = 32
_NC = 2
_NS = 16
_NW = _NC * _NS
_EPT = _E // _NW
_G = 80
_NG = _EPT // _G
_NP = 10240
_NSLOT = 10
_KAHEAD = 6
_RPTP = _NP // _NS

_mesh = plsc.VectorSubcoreMesh(core_axis_name="c", subcore_axis_name="s")


@functools.partial(
    pl.kernel,
    out_type=jax.ShapeDtypeStruct((2, _NW, _NP), jnp.float32),
    scratch_types=[
        pltpu.VMEM((_NG, _G), jnp.int32),
        pltpu.VMEM((_NG, _G), jnp.int32),
        pltpu.VMEM((2 * _NP,), jnp.float32),
    ],
    mesh=_mesh,
    compiler_params=pltpu.CompilerParams(
        needs_layout_passes=False, use_tc_tiling_on_sc=False),
)
def _deg_kernel(e3_hbm, hist_hbm, idx_v, idx2_v, hist_v):
    c = lax.axis_index("c")
    s = lax.axis_index("s")
    wid = s * _NC + c
    z16 = jnp.zeros((16,), jnp.float32)
    ones16 = jnp.ones((16,), jnp.float32)

    def zbody(i, _):
        hist_v[pl.ds(i * 16, 16)] = z16
        return 0

    lax.fori_loop(0, (2 * _NP) // 16, zbody, 0, unroll=8)

    pltpu.sync_copy(e3_hbm.at[0, pl.ds(wid * _NG, _NG)], idx_v)
    pltpu.sync_copy(e3_hbm.at[1, pl.ds(wid * _NG, _NG)], idx2_v)

    def sbody(r, _):
        for k in range(_G // 16):
            idx = idx_v[r, pl.ds(k * 16, 16)]
            plsc.addupdate_scatter(hist_v, [idx], ones16)
        return 0

    lax.fori_loop(0, _NG, sbody, 0, unroll=4)

    def dbody(r, _):
        for k in range(_G // 16):
            idx = idx2_v[r, pl.ds(k * 16, 16)] + _NP
            plsc.addupdate_scatter(hist_v, [idx], ones16)
        return 0

    lax.fori_loop(0, _NG, dbody, 0, unroll=4)

    pltpu.sync_copy(hist_v.at[pl.ds(0, _NP)], hist_hbm.at[0, wid])
    pltpu.sync_copy(hist_v.at[pl.ds(_NP, _NP)], hist_hbm.at[1, wid])


_BLK = 1024


def _tc_matmul_body(x_ref, w_ref, y4_ref):
    w = w_ref[0]
    w4 = jnp.concatenate([w, w, w, w], axis=1)
    z = jnp.dot(x_ref[...], w4, preferred_element_type=jnp.float32)
    lane = lax.broadcasted_iota(jnp.int32, (4, 128), 1)
    grp = lax.broadcasted_iota(jnp.int32, (4, 128), 0)
    m = (lane // _DOUT == grp).astype(jnp.float32)
    y4_ref[...] = (z.reshape(_BLK // 4, 4, 128) * m[None]).sum(axis=1)


_tc_matmul = pl.pallas_call(
    _tc_matmul_body,
    grid=(10,),
    in_specs=[
        pl.BlockSpec((_BLK, _DIN), lambda i: (i, 0)),
        pl.BlockSpec((1, _DIN, _DOUT), lambda i: (0, 0, 0)),
    ],
    out_specs=pl.BlockSpec((_BLK // 4, 128), lambda i: (i, 0)),
    out_shape=jax.ShapeDtypeStruct((_NP // 4, 128), jnp.float32),
)


def _tc_scale_body(hout_ref, hin_ref, y4raw_ref, y4_ref, rin4_ref):
    outdeg = jnp.sum(hout_ref[0], axis=0).reshape(_BLK)
    rout = lax.rsqrt(jnp.maximum(outdeg, 1.0))
    indeg = jnp.sum(hin_ref[0], axis=0).reshape(_BLK)
    rin = lax.rsqrt(jnp.maximum(indeg, 1.0))
    lane = lax.broadcasted_iota(jnp.int32, (4, 128), 1)
    grp = lax.broadcasted_iota(jnp.int32, (4, 128), 0)
    m = (lane // _DOUT == grp).astype(jnp.float32)[None]
    ro2 = jnp.broadcast_to(rout[:, None], (_BLK, 128))
    rout4 = (ro2.reshape(_BLK // 4, 4, 128) * m).sum(axis=1)
    y4_ref[...] = y4raw_ref[...] * rout4
    ri2 = jnp.broadcast_to(rin[:, None], (_BLK, 128))
    rin4_ref[...] = (ri2.reshape(_BLK // 4, 4, 128) * m).sum(axis=1)


_tc_scale = pl.pallas_call(
    _tc_scale_body,
    grid=(10,),
    in_specs=[
        pl.BlockSpec((1, _NW, _BLK // 128, 128), lambda i: (0, 0, i, 0)),
        pl.BlockSpec((1, _NW, _BLK // 128, 128), lambda i: (1, 0, i, 0)),
        pl.BlockSpec((_BLK // 4, 128), lambda i: (i, 0)),
    ],
    out_specs=[
        pl.BlockSpec((_BLK // 4, 128), lambda i: (i, 0)),
        pl.BlockSpec((_BLK // 4, 128), lambda i: (i, 0)),
    ],
    out_shape=[
        jax.ShapeDtypeStruct((_NP // 4, 128), jnp.float32),
        jax.ShapeDtypeStruct((_NP // 4, 128), jnp.float32),
    ],
)


@functools.partial(
    pl.kernel,
    out_type=jax.ShapeDtypeStruct((_NC, _NP // 4, 128), jnp.float32),
    scratch_types=[
        pltpu.VMEM((_NG, _G), jnp.int32),
        pltpu.VMEM((_NG, _G), jnp.int32),
        pltpu.VMEM((_NSLOT, _G, _DOUT), jnp.float32),
        pltpu.VMEM((_RPTP, _DOUT), jnp.float32),
        pltpu.VMEM((_RPTP // 4, 128), jnp.float32),
        pltpu.VMEM_SHARED((_NP, _DOUT), jnp.float32),
        pltpu.SemaphoreType.DMA((_NSLOT,)),
        pltpu.SemaphoreType.DMA((_NSLOT,)),
    ],
    mesh=_mesh,
    compiler_params=pltpu.CompilerParams(use_tc_tiling_on_sc=False),
)
def _agg_kernel(e3_hbm, y_hbm, out_hbm,
                si_v, di_v, rows_v, buf_v, buf2_v, agg_sh, gsem, ssem):
    c = lax.axis_index("c")
    s = lax.axis_index("s")
    wid = s * _NC + c
    z16 = jnp.zeros((16,), jnp.float32)

    def zbody(i, _):
        buf_v[i, pl.ds(0, 16)] = z16
        buf_v[i, pl.ds(16, 16)] = z16
        return 0

    lax.fori_loop(0, _RPTP, zbody, 0, unroll=8)
    pltpu.sync_copy(buf_v, agg_sh.at[pl.ds(s * _RPTP, _RPTP)])
    plsc.subcore_barrier()

    pltpu.sync_copy(e3_hbm.at[0, pl.ds(wid * _NG, _NG)], si_v)
    pltpu.sync_copy(e3_hbm.at[1, pl.ds(wid * _NG, _NG)], di_v)

    for b in range(_KAHEAD):
        pltpu.async_copy(y_hbm.at[si_v.at[b]], rows_v.at[b], gsem.at[b])

    def visit(v, b):
        pltpu.make_async_copy(
            y_hbm.at[si_v.at[v]], rows_v.at[b], gsem.at[b]
        ).wait()
        pltpu.async_copy(
            rows_v.at[b], agg_sh.at[di_v.at[v]], ssem.at[b], add=True
        )
        gn = v + _KAHEAD
        bs = (b + _KAHEAD) % _NSLOT

        @pl.when(gn < _NG)
        def _():
            @pl.when(v >= _NSLOT - _KAHEAD)
            def _():
                pltpu.make_async_copy(
                    rows_v.at[bs], agg_sh.at[di_v.at[v]], ssem.at[bs]
                ).wait()

            pltpu.async_copy(y_hbm.at[si_v.at[gn]], rows_v.at[bs], gsem.at[bs])

    def gbody(g0, _):
        for k in range(_NSLOT):
            visit(g0 * _NSLOT + k, k)
        return 0

    lax.fori_loop(0, _NG // _NSLOT, gbody, 0)

    for k in range(_NG % _NSLOT):
        visit((_NG // _NSLOT) * _NSLOT + k, k)

    for b in range(_NSLOT):
        pltpu.make_async_copy(
            rows_v.at[b], agg_sh.at[di_v.at[b]], ssem.at[b]
        ).wait()
    plsc.subcore_barrier()

    pltpu.sync_copy(agg_sh.at[pl.ds(s * _RPTP, _RPTP)], buf_v)

    def rbody(r, _):
        for a in range(4):
            buf2_v[r, pl.ds(a * _DOUT, 16)] = buf_v[4 * r + a, pl.ds(0, 16)]
            buf2_v[r, pl.ds(a * _DOUT + 16, 16)] = buf_v[4 * r + a, pl.ds(16, 16)]
        return 0

    lax.fori_loop(0, _RPTP // 4, rbody, 0, unroll=4)
    pltpu.sync_copy(buf2_v, out_hbm.at[c, pl.ds(s * (_RPTP // 4), _RPTP // 4)])


def _tc_combine_body(p_ref, rin4_ref, o_ref):
    o_ref[...] = (p_ref[0] + p_ref[1]) * rin4_ref[...]


_tc_combine = pl.pallas_call(
    _tc_combine_body,
    grid=(10,),
    in_specs=[
        pl.BlockSpec((_NC, _BLK // 4, 128), lambda i: (0, i, 0)),
        pl.BlockSpec((_BLK // 4, 128), lambda i: (i, 0)),
    ],
    out_specs=pl.BlockSpec((_BLK // 4, 128), lambda i: (i, 0)),
    out_shape=jax.ShapeDtypeStruct((_N // 4, 128), jnp.float32),
)


def kernel(edge_index, x, W):
    e3 = edge_index.reshape(2, _NW * _NG, _G)
    hist = _deg_kernel(e3).reshape(2, _NW, _NP // 128, 128)
    y4raw = _tc_matmul(x, W)
    y4, rin4 = _tc_scale(hist, hist, y4raw)
    p4 = _agg_kernel(e3, y4.reshape(_NP, _DOUT))
    return _tc_combine(p4, rin4).reshape(_N, _DOUT)

# --- scband reference (transcript-rebuilt; emitter-appended) ---
"""Pipeline reference for scband-kiargcn-1056561954823 (READ-ONLY COPY).

The authoritative reference and input builder live on the scoring server;
editing this copy changes nothing except your own understanding.
"""

import jax, jax.numpy as jnp
import numpy as np

N_NODES = 10000
N_EDGES = 320000
D_IN = 128
D_OUT = 32
NUM_REL = 1


def setup_inputs(seed: int = 0) -> dict:
    key = jax.random.key(seed)
    k1, k2, k3 = jax.random.split(key, 3)
    x = jax.random.normal(k1, (N_NODES, D_IN), dtype=jnp.float32)
    edge_index = jax.random.randint(k2, (2, N_EDGES), 0, N_NODES, dtype=jnp.int32)
    # One GraphConv weight per relation (numRel=1), bias=False
    W = jax.random.normal(k3, (NUM_REL, D_IN, D_OUT), dtype=jnp.float32) * 0.05
    return {"edge_index": edge_index, "x": x, "W": W}


def _graph_conv(edge_index, x, w):
    # DGL GraphConv with norm='both', weight=True, bias=False, activation=None,
    # allow_zero_in_degree=True. in_feats (128) > out_feats (32) so weight is
    # applied before aggregation (mult_first), matching DGL's implementation.
    src = edge_index[0]
    dst = edge_index[1]
    out_deg = jnp.maximum(jnp.bincount(src, length=N_NODES).astype(jnp.float32), 1.0)
    in_deg = jnp.maximum(jnp.bincount(dst, length=N_NODES).astype(jnp.float32), 1.0)
    h = x * jax.lax.rsqrt(out_deg)[:, None]
    h = h @ w
    agg = jnp.zeros((N_NODES, D_OUT), dtype=x.dtype).at[dst].add(h[src])
    rst = agg * jax.lax.rsqrt(in_deg)[:, None]
    return rst


def reference(edge_index, x, W):
    mes = []
    for i in range(NUM_REL):
        mes.append(_graph_conv(edge_index, x, W[i]))
    Z = jnp.stack(mes, axis=0).sum(0)
    return Z

if __name__ == "__main__":
    import jax
    _d = setup_inputs()
    print(jax.jit(kernel)(*tuple(_d.values())))

</pallas_src>

<mosaic_0001>
#map = affine_map<(d0, d1) -> (0, 0, 0)>
module attributes {stable_mosaic.version = 14 : i64} {
  func.func @_deg_kernel(%arg0: i32, %arg1: i32, %arg2: memref<2x4000x80xi32, #tpu.memory_space<hbm>>, %arg3: memref<2x32x10240xf32, #tpu.memory_space<hbm>>, %arg4: memref<125x80xi32, #tpu.memory_space<vmem>>, %arg5: memref<125x80xi32, #tpu.memory_space<vmem>>, %arg6: memref<20480xf32, #tpu.memory_space<vmem>>) attributes {dimension_semantics = [#tpu.dimension_semantics<core_parallel>, #tpu.dimension_semantics<subcore_parallel>], iteration_bounds = array<i64: 2, 16>, scalar_prefetch = 0 : i64, scratch_operands = 3 : i64, tpu.core_type = #tpu.core_type<sc_vector_subcore>, window_params = [{transform_indices = #map}, {transform_indices = #map}]} {
    %mul3A = arith.constant 2 : i32
    %mul3A_0 = arith.muli %arg1, %mul3A : i32
    %add3A = arith.addi %mul3A_0, %arg0 : i32
    %broadcast_in_dim3A = arith.constant 0.000000e+00 : f32
    %broadcast_in_dim3A_1 = vector.broadcast %broadcast_in_dim3A : f32 to vector<16xf32>
    %broadcast_in_dim3A_2 = arith.constant 1.000000e+00 : f32
    %broadcast_in_dim3A_3 = vector.broadcast %broadcast_in_dim3A_2 : f32 to vector<16xf32>
    %scan3A = arith.constant 0 : i32
    %scan3A_4 = arith.constant 0 : i32
    %scan3A_5 = arith.constant 1280 : i32
    %scan3A_6 = arith.addi %scan3A_4, %scan3A_5 : i32
    %scan3A_7 = arith.constant 8 : i32
    %scan3A_8 = scf.for %scan3A_81 = %scan3A_4 to %scan3A_6 step %scan3A_7 iter_args(%scan3A_82 = %scan3A) -> (i32)  : i32 {
      %mul3A_83 = arith.constant 16 : i32
      %mul3A_84 = arith.muli %scan3A_81, %mul3A_83 : i32
      %swap3A = arith.index_cast %mul3A_84 : i32 to index
      %swap3A_85 = tpu.vector_load %arg6[%swap3A] {strides = array<i32>} : memref<20480xf32, #tpu.memory_space<vmem>>, vector<16xf32>,
      tpu.vector_store %arg6[%swap3A], %broadcast_in_dim3A_1 {strides = array<i32>} : memref<20480xf32, #tpu.memory_space<vmem>>, vector<16xf32>,
      %scan3A_86 = arith.constant 0 : i32
      %scan3A_87 = arith.constant 1 : i32
      %scan3A_88 = arith.addi %scan3A_81, %scan3A_87 : i32
      %mul3A_89 = arith.constant 16 : i32
      %mul3A_90 = arith.muli %scan3A_88, %mul3A_89 : i32
      %swap3A_91 = arith.index_cast %mul3A_90 : i32 to index
      %swap3A_92 = tpu.vector_load %arg6[%swap3A_91] {strides = array<i32>} : memref<20480xf32, #tpu.memory_space<vmem>>, vector<16xf32>,
      tpu.vector_store %arg6[%swap3A_91], %broadcast_in_dim3A_1 {strides = array<i32>} : memref<20480xf32, #tpu.memory_space<vmem>>, vector<16xf32>,
      %scan3A_93 = arith.constant 0 : i32
      %scan3A_94 = arith.constant 2 : i32
      %scan3A_95 = arith.addi %scan3A_81, %scan3A_94 : i32
      %mul3A_96 = arith.constant 16 : i32
      %mul3A_97 = arith.muli %scan3A_95, %mul3A_96 : i32
      %swap3A_98 = arith.index_cast %mul3A_97 : i32 to index
      %swap3A_99 = tpu.vector_load %arg6[%swap3A_98] {strides = array<i32>} : memref<20480xf32, #tpu.memory_space<vmem>>, vector<16xf32>,
      tpu.vector_store %arg6[%swap3A_98], %broadcast_in_dim3A_1 {strides = array<i32>} : memref<20480xf32, #tpu.memory_space<vmem>>, vector<16xf32>,
      %scan3A_100 = arith.constant 0 : i32
      %scan3A_101 = arith.constant 3 : i32
      %scan3A_102 = arith.addi %scan3A_81, %scan3A_101 : i32
      %mul3A_103 = arith.constant 16 : i32
      %mul3A_104 = arith.muli %scan3A_102, %mul3A_103 : i32
      %swap3A_105 = arith.index_cast %mul3A_104 : i32 to index
      %swap3A_106 = tpu.vector_load %arg6[%swap3A_105] {strides = array<i32>} : memref<20480xf32, #tpu.memory_space<vmem>>, vector<16xf32>,
      tpu.vector_store %arg6[%swap3A_105], %broadcast_in_dim3A_1 {strides = array<i32>} : memref<20480xf32, #tpu.memory_space<vmem>>, vector<16xf32>,
      %scan3A_107 = arith.constant 0 : i32
      %scan3A_108 = arith.constant 4 : i32
      %scan3A_109 = arith.addi %scan3A_81, %scan3A_108 : i32
      %mul3A_110 = arith.constant 16 : i32
      %mul3A_111 = arith.muli %scan3A_109, %mul3A_110 : i32
      %swap3A_112 = arith.index_cast %mul3A_111 : i32 to index
      %swap3A_113 = tpu.vector_load %arg6[%swap3A_112] {strides = array<i32>} : memref<20480xf32, #tpu.memory_space<vmem>>, vector<16xf32>,
      tpu.vector_store %arg6[%swap3A_112], %broadcast_in_dim3A_1 {strides = array<i32>} : memref<20480xf32, #tpu.memory_space<vmem>>, vector<16xf32>,
      %scan3A_114 = arith.constant 0 : i32
      %scan3A_115 = arith.constant 5 : i32
      %scan3A_116 = arith.addi %scan3A_81, %scan3A_115 : i32
      %mul3A_117 = arith.constant 16 : i32
      %mul3A_118 = arith.muli %scan3A_116, %mul3A_117 : i32
      %swap3A_119 = arith.index_cast %mul3A_118 : i32 to index
      %swap3A_120 = tpu.vector_load %arg6[%swap3A_119] {strides = array<i32>} : memref<20480xf32, #tpu.memory_space<vmem>>, vector<16xf32>,
      tpu.vector_store %arg6[%swap3A_119], %broadcast_in_dim3A_1 {strides = array<i32>} : memref<20480xf32, #tpu.memory_space<vmem>>, vector<16xf32>,
      %scan3A_121 = arith.constant 0 : i32
      %scan3A_122 = arith.constant 6 : i32
      %scan3A_123 = arith.addi %scan3A_81, %scan3A_122 : i32
      %mul3A_124 = arith.constant 16 : i32
      %mul3A_125 = arith.muli %scan3A_123, %mul3A_124 : i32
      %swap3A_126 = arith.index_cast %mul3A_125 : i32 to index
      %swap3A_127 = tpu.vector_load %arg6[%swap3A_126] {strides = array<i32>} : memref<20480xf32, #tpu.memory_space<vmem>>, vector<16xf32>,
      tpu.vector_store %arg6[%swap3A_126], %broadcast_in_dim3A_1 {strides = array<i32>} : memref<20480xf32, #tpu.memory_space<vmem>>, vector<16xf32>,
      %scan3A_128 = arith.constant 0 : i32
      %scan3A_129 = arith.constant 7 : i32
      %scan3A_130 = arith.addi %scan3A_81, %scan3A_129 : i32
      %mul3A_131 = arith.constant 16 : i32
      %mul3A_132 = arith.muli %scan3A_130, %mul3A_131 : i32
      %swap3A_133 = arith.index_cast %mul3A_132 : i32 to index
      %swap3A_134 = tpu.vector_load %arg6[%swap3A_133] {strides = array<i32>} : memref<20480xf32, #tpu.memory_space<vmem>>, vector<16xf32>,
      tpu.vector_store %arg6[%swap3A_133], %broadcast_in_dim3A_1 {strides = array<i32>} : memref<20480xf32, #tpu.memory_space<vmem>>, vector<16xf32>,
      %scan3A_135 = arith.constant 0 : i32
      scf.yield %scan3A_135 : i32
    }
    %scan3A_9 = arith.constant 1280 : i32
    %mul3A_10 = arith.constant 125 : i32
    %mul3A_11 = arith.muli %add3A, %mul3A_10 : i32
    %run_scoped3A = arith.constant 0 : i32
    "tpu.region"() ({
      %run_scoped3A_81 = tpu.sem_alloc : memref<!tpu.dma_semaphore, #tpu.memory_space<semaphore_mem>>
      %dma_start3A = arith.constant 0 : i32
      %dma_start3A_82 = tpu.memref_slice %arg2[%run_scoped3A, %mul3A_11, %dma_start3A] : memref<2x4000x80xi32, #tpu.memory_space<hbm>> -> memref<1x125x80xi32, #tpu.memory_space<hbm>>
      %dma_start3A_83 = tpu.memref_squeeze %dma_start3A_82 : memref<1x125x80xi32, #tpu.memory_space<hbm>> -> memref<125x80xi32, #tpu.memory_space<hbm>>
      %dma_start3A_84 = arith.constant 0 : i32
      %dma_start3A_85 = tpu.memref_slice %arg2[%run_scoped3A, %mul3A_11, %dma_start3A_84] : memref<2x4000x80xi32, #tpu.memory_space<hbm>> -> memref<1x125x80xi32, #tpu.memory_space<hbm>>
      %dma_start3A_86 = tpu.memref_squeeze %dma_start3A_85 : memref<1x125x80xi32, #tpu.memory_space<hbm>> -> memref<125x80xi32, #tpu.memory_space<hbm>>
      tpu.enqueue_dma source(%dma_start3A_86 : memref<125x80xi32, #tpu.memory_space<hbm>>) target(%arg4 : memref<125x80xi32, #tpu.memory_space<vmem>>) target_semaphore(%run_scoped3A_81 : memref<!tpu.dma_semaphore, #tpu.memory_space<semaphore_mem>>)
      %dma_wait3A = arith.constant 0 : i32
      %dma_wait3A_87 = tpu.memref_slice %arg2[%run_scoped3A, %mul3A_11, %dma_wait3A] : memref<2x4000x80xi32, #tpu.memory_space<hbm>> -> memref<1x125x80xi32, #tpu.memory_space<hbm>>
      %dma_wait3A_88 = tpu.memref_squeeze %dma_wait3A_87 : memref<1x125x80xi32, #tpu.memory_space<hbm>> -> memref<125x80xi32, #tpu.memory_space<hbm>>
      %dma_wait3A_89 = arith.constant 0 : i32
      %dma_wait3A_90 = tpu.memref_slice %arg2[%run_scoped3A, %mul3A_11, %dma_wait3A_89] : memref<2x4000x80xi32, #tpu.memory_space<hbm>> -> memref<1x125x80xi32, #tpu.memory_space<hbm>>
      %dma_wait3A_91 = tpu.memref_squeeze %dma_wait3A_90 : memref<1x125x80xi32, #tpu.memory_space<hbm>> -> memref<125x80xi32, #tpu.memory_space<hbm>>
      tpu.wait_dma2 semaphore(%run_scoped3A_81 : memref<!tpu.dma_semaphore, #tpu.memory_space<semaphore_mem>>) src(%dma_wait3A_91 : memref<125x80xi32, #tpu.memory_space<hbm>>) dst(%arg4 : memref<125x80xi32, #tpu.memory_space<vmem>>)
      tpu.yield
    }) : () -> ()
    %mul3A_12 = arith.constant 125 : i32
    %mul3A_13 = arith.muli %add3A, %mul3A_12 : i32
    %run_scoped3A_14 = arith.constant 1 : i32
    "tpu.region"() ({
      %run_scoped3A_81 = tpu.sem_alloc : memref<!tpu.dma_semaphore, #tpu.memory_space<semaphore_mem>>
      %dma_start3A = arith.constant 0 : i32
      %dma_start3A_82 = tpu.memref_slice %arg2[%run_scoped3A_14, %mul3A_13, %dma_start3A] : memref<2x4000x80xi32, #tpu.memory_space<hbm>> -> memref<1x125x80xi32, #tpu.memory_space<hbm>>
      %dma_start3A_83 = tpu.memref_squeeze %dma_start3A_82 : memref<1x125x80xi32, #tpu.memory_space<hbm>> -> memref<125x80xi32, #tpu.memory_space<hbm>>
      %dma_start3A_84 = arith.constant 0 : i32
      %dma_start3A_85 = tpu.memref_slice %arg2[%run_scoped3A_14, %mul3A_13, %dma_start3A_84] : memref<2x4000x80xi32, #tpu.memory_space<hbm>> -> memref<1x125x80xi32, #tpu.memory_space<hbm>>
      %dma_start3A_86 = tpu.memref_squeeze %dma_start3A_85 : memref<1x125x80xi32, #tpu.memory_space<hbm>> -> memref<125x80xi32, #tpu.memory_space<hbm>>
      tpu.enqueue_dma source(%dma_start3A_86 : memref<125x80xi32, #tpu.memory_space<hbm>>) target(%arg5 : memref<125x80xi32, #tpu.memory_space<vmem>>) target_semaphore(%run_scoped3A_81 : memref<!tpu.dma_semaphore, #tpu.memory_space<semaphore_mem>>)
      %dma_wait3A = arith.constant 0 : i32
      %dma_wait3A_87 = tpu.memref_slice %arg2[%run_scoped3A_14, %mul3A_13, %dma_wait3A] : memref<2x4000x80xi32, #tpu.memory_space<hbm>> -> memref<1x125x80xi32, #tpu.memory_space<hbm>>
      %dma_wait3A_88 = tpu.memref_squeeze %dma_wait3A_87 : memref<1x125x80xi32, #tpu.memory_space<hbm>> -> memref<125x80xi32, #tpu.memory_space<hbm>>
      %dma_wait3A_89 = arith.constant 0 : i32
      %dma_wait3A_90 = tpu.memref_slice %arg2[%run_scoped3A_14, %mul3A_13, %dma_wait3A_89] : memref<2x4000x80xi32, #tpu.memory_space<hbm>> -> memref<1x125x80xi32, #tpu.memory_space<hbm>>
      %dma_wait3A_91 = tpu.memref_squeeze %dma_wait3A_90 : memref<1x125x80xi32, #tpu.memory_space<hbm>> -> memref<125x80xi32, #tpu.memory_space<hbm>>
      tpu.wait_dma2 semaphore(%run_scoped3A_81 : memref<!tpu.dma_semaphore, #tpu.memory_space<semaphore_mem>>) src(%dma_wait3A_91 : memref<125x80xi32, #tpu.memory_space<hbm>>) dst(%arg5 : memref<125x80xi32, #tpu.memory_space<vmem>>)
      tpu.yield
    }) : () -> ()
    %scan3A_15 = arith.constant 0 : i32
    %scan3A_16 = arith.constant 0 : i32
    %scan3A_17 = arith.constant 124 : i32
    %scan3A_18 = arith.addi %scan3A_16, %scan3A_17 : i32
    %scan3A_19 = arith.constant 4 : i32
    %scan3A_20 = scf.for %scan3A_81 = %scan3A_16 to %scan3A_18 step %scan3A_19 iter_args(%scan3A_82 = %scan3A_15) -> (i32)  : i32 {
      %get3A_83 = arith.index_cast %scan3A_81 : i32 to index
      %get3A_84 = arith.constant 0 : index
      %get3A_85 = tpu.vector_load %arg4[%get3A_83, %get3A_84] {strides = array<i32>} : memref<125x80xi32, #tpu.memory_space<vmem>>, vector<16xi32>,
      tpu.vector_store_idx %arg6[%get3A_85], %broadcast_in_dim3A_3 {add = true} : memref<20480xf32, #tpu.memory_space<vmem>>[vector<16xi32>], vector<16xf32>,
      %get3A_86 = arith.index_cast %scan3A_81 : i32 to index
      %get3A_87 = arith.constant 16 : index
      %get3A_88 = tpu.vector_load %arg4[%get3A_86, %get3A_87] {strides = array<i32>} : memref<125x80xi32, #tpu.memory_space<vmem>>, vector<16xi32>,
      tpu.vector_store_idx %arg6[%get3A_88], %broadcast_in_dim3A_3 {add = true} : memref<20480xf32, #tpu.memory_space<vmem>>[vector<16xi32>], vector<16xf32>,
      %get3A_89 = arith.index_cast %scan3A_81 : i32 to index
      %get3A_90 = arith.constant 32 : index
      %get3A_91 = tpu.vector_load %arg4[%get3A_89, %get3A_90] {strides = array<i32>} : memref<125x80xi32, #tpu.memory_space<vmem>>, vector<16xi32>,
      tpu.vector_store_idx %arg6[%get3A_91], %broadcast_in_dim3A_3 {add = true} : memref<20480xf32, #tpu.memory_space<vmem>>[vector<16xi32>], vector<16xf32>,
      %get3A_92 = arith.index_cast %scan3A_81 : i32 to index
      %get3A_93 = arith.constant 48 : index
      %get3A_94 = tpu.vector_load %arg4[%get3A_92, %get3A_93] {strides = array<i32>} : memref<125x80xi32, #tpu.memory_space<vmem>>, vector<16xi32>,
      tpu.vector_store_idx %arg6[%get3A_94], %broadcast_in_dim3A_3 {add = true} : memref<20480xf32, #tpu.memory_space<vmem>>[vector<16xi32>], vector<16xf32>,
      %get3A_95 = arith.index_cast %scan3A_81 : i32 to index
      %get3A_96 = arith.constant 64 : index
      %get3A_97 = tpu.vector_load %arg4[%get3A_95, %get3A_96] {strides = array<i32>} : memref<125x80xi32, #tpu.memory_space<vmem>>, vector<16xi32>,
      tpu.vector_store_idx %arg6[%get3A_97], %broadcast_in_dim3A_3 {add = true} : memref<20480xf32, #tpu.memory_space<vmem>>[vector<16xi32>], vector<16xf32>,
      %scan3A_98 = arith.constant 0 : i32
      %scan3A_99 = arith.constant 1 : i32
      %scan3A_100 = arith.addi %scan3A_81, %scan3A_99 : i32
      %get3A_101 = arith.index_cast %scan3A_100 : i32 to index
      %get3A_102 = arith.constant 0 : index
      %get3A_103 = tpu.vector_load %arg4[%get3A_101, %get3A_102] {strides = array<i32>} : memref<125x80xi32, #tpu.memory_space<vmem>>, vector<16xi32>,
      tpu.vector_store_idx %arg6[%get3A_103], %broadcast_in_dim3A_3 {add = true} : memref<20480xf32, #tpu.memory_space<vmem>>[vector<16xi32>], vector<16xf32>,
      %get3A_104 = arith.index_cast %scan3A_100 : i32 to index
      %get3A_105 = arith.constant 16 : index
      %get3A_106 = tpu.vector_load %arg4[%get3A_104, %get3A_105] {strides = array<i32>} : memref<125x80xi32, #tpu.memory_space<vmem>>, vector<16xi32>,
      tpu.vector_store_idx %arg6[%get3A_106], %broadcast_in_dim3A_3 {add = true} : memref<20480xf32, #tpu.memory_space<vmem>>[vector<16xi32>], vector<16xf32>,
      %get3A_107 = arith.index_cast %scan3A_100 : i32 to index
      %get3A_108 = arith.constant 32 : index
      %get3A_109 = tpu.vector_load %arg4[%get3A_107, %get3A_108] {strides = array<i32>} : memref<125x80xi32, #tpu.memory_space<vmem>>, vector<16xi32>,
      tpu.vector_store_idx %arg6[%get3A_109], %broadcast_in_dim3A_3 {add = true} : memref<20480xf32, #tpu.memory_space<vmem>>[vector<16xi32>], vector<16xf32>,
      %get3A_110 = arith.index_cast %scan3A_100 : i32 to index
      %get3A_111 = arith.constant 48 : index
      %get3A_112 = tpu.vector_load %arg4[%get3A_110, %get3A_111] {strides = array<i32>} : memref<125x80xi32, #tpu.memory_space<vmem>>, vector<16xi32>,
      tpu.vector_store_idx %arg6[%get3A_112], %broadcast_in_dim3A_3 {add = true} : memref<20480xf32, #tpu.memory_space<vmem>>[vector<16xi32>], vector<16xf32>,
      %get3A_113 = arith.index_cast %scan3A_100 : i32 to index
      %get3A_114 = arith.constant 64 : index
      %get3A_115 = tpu.vector_load %arg4[%get3A_113, %get3A_114] {strides = array<i32>} : memref<125x80xi32, #tpu.memory_space<vmem>>, vector<16xi32>,
      tpu.vector_store_idx %arg6[%get3A_115], %broadcast_in_dim3A_3 {add = true} : memref<20480xf32, #tpu.memory_space<vmem>>[vector<16xi32>], vector<16xf32>,
      %scan3A_116 = arith.constant 0 : i32
      %scan3A_117 = arith.constant 2 : i32
      %scan3A_118 = arith.addi %scan3A_81, %scan3A_117 : i32
      %get3A_119 = arith.index_cast %scan3A_118 : i32 to index
      %get3A_120 = arith.constant 0 : index
      %get3A_121 = tpu.vector_load %arg4[%get3A_119, %get3A_120] {strides = array<i32>} : memref<125x80xi32, #tpu.memory_space<vmem>>, vector<16xi32>,
      tpu.vector_store_idx %arg6[%get3A_121], %broadcast_in_dim3A_3 {add = true} : memref<20480xf32, #tpu.memory_space<vmem>>[vector<16xi32>], vector<16xf32>,
      %get3A_122 = arith.index_cast %scan3A_118 : i32 to index
      %get3A_123 = arith.constant 16 : index
      %get3A_124 = tpu.vector_load %arg4[%get3A_122, %get3A_123] {strides = array<i32>} : memref<125x80xi32, #tpu.memory_space<vmem>>, vector<16xi32>,
      tpu.vector_store_idx %arg6[%get3A_124], %broadcast_in_dim3A_3 {add = true} : memref<20480xf32, #tpu.memory_space<vmem>>[vector<16xi32>], vector<16xf32>,
      %get3A_125 = arith.index_cast %scan3A_118 : i32 to index
      %get3A_126 = arith.constant 32 : index
      %get3A_127 = tpu.vector_load %arg4[%get3A_125, %get3A_126] {strides = array<i32>} : memref<125x80xi32, #tpu.memory_space<vmem>>, vector<16xi32>,
      tpu.vector_store_idx %arg6[%get3A_127], %broadcast_in_dim3A_3 {add = true} : memref<20480xf32, #tpu.memory_space<vmem>>[vector<16xi32>], vector<16xf32>,
      %get3A_128 = arith.index_cast %scan3A_118 : i32 to index
      %get3A_129 = arith.constant 48 : index
      %get3A_130 = tpu.vector_load %arg4[%get3A_128, %get3A_129] {strides = array<i32>} : memref<125x80xi32, #tpu.memory_space<vmem>>, vector<16xi32>,
      tpu.vector_store_idx %arg6[%get3A_130], %broadcast_in_dim3A_3 {add = true} : memref<20480xf32, #tpu.memory_space<vmem>>[vector<16xi32>], vector<16xf32>,
      %get3A_131 = arith.index_cast %scan3A_118 : i32 to index
      %get3A_132 = arith.constant 64 : index
      %get3A_133 = tpu.vector_load %arg4[%get3A_131, %get3A_132] {strides = array<i32>} : memref<125x80xi32, #tpu.memory_space<vmem>>, vector<16xi32>,
      tpu.vector_store_idx %arg6[%get3A_133], %broadcast_in_dim3A_3 {add = true} : memref<20480xf32, #tpu.memory_space<vmem>>[vector<16xi32>], vector<16xf32>,
      %scan3A_134 = arith.constant 0 : i32
      %scan3A_135 = arith.constant 3 : i32
      %scan3A_136 = arith.addi %scan3A_81, %scan3A_135 : i32
      %get3A_137 = arith.index_cast %scan3A_136 : i32 to index
      %get3A_138 = arith.constant 0 : index
      %get3A_139 = tpu.vector_load %arg4[%get3A_137, %get3A_138] {strides = array<i32>} : memref<125x80xi32, #tpu.memory_space<vmem>>, vector<16xi32>,
      tpu.vector_store_idx %arg6[%get3A_139], %broadcast_in_dim3A_3 {add = true} : memref<20480xf32, #tpu.memory_space<vmem>>[vector<16xi32>], vector<16xf32>,
      %get3A_140 = arith.index_cast %scan3A_136 : i32 to index
      %get3A_141 = arith.constant 16 : index
      %get3A_142 = tpu.vector_load %arg4[%get3A_140, %get3A_141] {strides = array<i32>} : memref<125x80xi32, #tpu.memory_space<vmem>>, vector<16xi32>,
      tpu.vector_store_idx %arg6[%get3A_142], %broadcast_in_dim3A_3 {add = true} : memref<20480xf32, #tpu.memory_space<vmem>>[vector<16xi32>], vector<16xf32>,
      %get3A_143 = arith.index_cast %scan3A_136 : i32 to index
      %get3A_144 = arith.constant 32 : index
      %get3A_145 = tpu.vector_load %arg4[%get3A_143, %get3A_144] {strides = array<i32>} : memref<125x80xi32, #tpu.memory_space<vmem>>, vector<16xi32>,
      tpu.vector_store_idx %arg6[%get3A_145], %broadcast_in_dim3A_3 {add = true} : memref<20480xf32, #tpu.memory_space<vmem>>[vector<16xi32>], vector<16xf32>,
      %get3A_146 = arith.index_cast %scan3A_136 : i32 to index
      %get3A_147 = arith.constant 48 : index
      %get3A_148 = tpu.vector_load %arg4[%get3A_146, %get3A_147] {strides = array<i32>} : memref<125x80xi32, #tpu.memory_space<vmem>>, vector<16xi32>,
      tpu.vector_store_idx %arg6[%get3A_148], %broadcast_in_dim3A_3 {add = true} : memref<20480xf32, #tpu.memory_space<vmem>>[vector<16xi32>], vector<16xf32>,
      %get3A_149 = arith.index_cast %scan3A_136 : i32 to index
      %get3A_150 = arith.constant 64 : index
      %get3A_151 = tpu.vector_load %arg4[%get3A_149, %get3A_150] {strides = array<i32>} : memref<125x80xi32, #tpu.memory_space<vmem>>, vector<16xi32>,
      tpu.vector_store_idx %arg6[%get3A_151], %broadcast_in_dim3A_3 {add = true} : memref<20480xf32, #tpu.memory_space<vmem>>[vector<16xi32>], vector<16xf32>,
      %scan3A_152 = arith.constant 0 : i32
      scf.yield %scan3A_152 : i32
    }
    %scan3A_21 = arith.constant 124 : i32
    %scan3A_22 = arith.addi %scan3A_16, %scan3A_21 : i32
    %get3A = arith.index_cast %scan3A_22 : i32 to index
    %get3A_23 = arith.constant 0 : index
    %get3A_24 = tpu.vector_load %arg4[%get3A, %get3A_23] {strides = array<i32>} : memref<125x80xi32, #tpu.memory_space<vmem>>, vector<16xi32>,
    tpu.vector_store_idx %arg6[%get3A_24], %broadcast_in_dim3A_3 {add = true} : memref<20480xf32, #tpu.memory_space<vmem>>[vector<16xi32>], vector<16xf32>,
    %get3A_25 = arith.index_cast %scan3A_22 : i32 to index
    %get3A_26 = arith.constant 16 : index
    %get3A_27 = tpu.vector_load %arg4[%get3A_25, %get3A_26] {strides = array<i32>} : memref<125x80xi32, #tpu.memory_space<vmem>>, vector<16xi32>,
    tpu.vector_store_idx %arg6[%get3A_27], %broadcast_in_dim3A_3 {add = true} : memref<20480xf32, #tpu.memory_space<vmem>>[vector<16xi32>], vector<16xf32>,
    %get3A_28 = arith.index_cast %scan3A_22 : i32 to index
    %get3A_29 = arith.constant 32 : index
    %get3A_30 = tpu.vector_load %arg4[%get3A_28, %get3A_29] {strides = array<i32>} : memref<125x80xi32, #tpu.memory_space<vmem>>, vector<16xi32>,
    tpu.vector_store_idx %arg6[%get3A_30], %broadcast_in_dim3A_3 {add = true} : memref<20480xf32, #tpu.memory_space<vmem>>[vector<16xi32>], vector<16xf32>,
    %get3A_31 = arith.index_cast %scan3A_22 : i32 to index
    %get3A_32 = arith.constant 48 : index
    %get3A_33 = tpu.vector_load %arg4[%get3A_31, %get3A_32] {strides = array<i32>} : memref<125x80xi32, #tpu.memory_space<vmem>>, vector<16xi32>,
    tpu.vector_store_idx %arg6[%get3A_33], %broadcast_in_dim3A_3 {add = true} : memref<20480xf32, #tpu.memory_space<vmem>>[vector<16xi32>], vector<16xf32>,
    %get3A_34 = arith.index_cast %scan3A_22 : i32 to index
    %get3A_35 = arith.constant 64 : index
    %get3A_36 = tpu.vector_load %arg4[%get3A_34, %get3A_35] {strides = array<i32>} : memref<125x80xi32, #tpu.memory_space<vmem>>, vector<16xi32>,
    tpu.vector_store_idx %arg6[%get3A_36], %broadcast_in_dim3A_3 {add = true} : memref<20480xf32, #tpu.memory_space<vmem>>[vector<16xi32>], vector<16xf32>,
    %scan3A_37 = arith.constant 0 : i32
    %scan3A_38 = arith.constant 125 : i32
    %scan3A_39 = arith.constant 0 : i32
    %scan3A_40 = arith.constant 0 : i32
    %scan3A_41 = arith.constant 124 : i32
    %scan3A_42 = arith.addi %scan3A_40, %scan3A_41 : i32
    %scan3A_43 = arith.constant 4 : i32
    %scan3A_44 = scf.for %scan3A_81 = %scan3A_40 to %scan3A_42 step %scan3A_43 iter_args(%scan3A_82 = %scan3A_39) -> (i32)  : i32 {
      %get3A_83 = arith.index_cast %scan3A_81 : i32 to index
      %get3A_84 = arith.constant 0 : index
      %get3A_85 = tpu.vector_load %arg5[%get3A_83, %get3A_84] {strides = array<i32>} : memref<125x80xi32, #tpu.memory_space<vmem>>, vector<16xi32>,
      %add3A_86 = arith.constant 10240 : i32
      %add3A_87 = vector.broadcast %add3A_86 : i32 to vector<16xi32>
      %add3A_88 = arith.addi %get3A_85, %add3A_87 : vector<16xi32>
      tpu.vector_store_idx %arg6[%add3A_88], %broadcast_in_dim3A_3 {add = true} : memref<20480xf32, #tpu.memory_space<vmem>>[vector<16xi32>], vector<16xf32>,
      %get3A_89 = arith.index_cast %scan3A_81 : i32 to index
      %get3A_90 = arith.constant 16 : index
      %get3A_91 = tpu.vector_load %arg5[%get3A_89, %get3A_90] {strides = array<i32>} : memref<125x80xi32, #tpu.memory_space<vmem>>, vector<16xi32>,
      %add3A_92 = arith.constant 10240 : i32
      %add3A_93 = vector.broadcast %add3A_92 : i32 to vector<16xi32>
      %add3A_94 = arith.addi %get3A_91, %add3A_93 : vector<16xi32>
      tpu.vector_store_idx %arg6[%add3A_94], %broadcast_in_dim3A_3 {add = true} : memref<20480xf32, #tpu.memory_space<vmem>>[vector<16xi32>], vector<16xf32>,
      %get3A_95 = arith.index_cast %scan3A_81 : i32 to index
      %get3A_96 = arith.constant 32 : index
      %get3A_97 = tpu.vector_load %arg5[%get3A_95, %get3A_96] {strides = array<i32>} : memref<125x80xi32, #tpu.memory_space<vmem>>, vector<16xi32>,
      %add3A_98 = arith.constant 10240 : i32
      %add3A_99 = vector.broadcast %add3A_98 : i32 to vector<16xi32>
      %add3A_100 = arith.addi %get3A_97, %add3A_99 : vector<16xi32>
      tpu.vector_store_idx %arg6[%add3A_100], %broadcast_in_dim3A_3 {add = true} : memref<20480xf32, #tpu.memory_space<vmem>>[vector<16xi32>], vector<16xf32>,
      %get3A_101 = arith.index_cast %scan3A_81 : i32 to index
      %get3A_102 = arith.constant 48 : index
      %get3A_103 = tpu.vector_load %arg5[%get3A_101, %get3A_102] {strides = array<i32>} : memref<125x80xi32, #tpu.memory_space<vmem>>, vector<16xi32>,
      %add3A_104 = arith.constant 10240 : i32
      %add3A_105 = vector.broadcast %add3A_104 : i32 to vector<16xi32>
      %add3A_106 = arith.addi %get3A_103, %add3A_105 : vector<16xi32>
      tpu.vector_store_idx %arg6[%add3A_106], %broadcast_in_dim3A_3 {add = true} : memref<20480xf32, #tpu.memory_space<vmem>>[vector<16xi32>], vector<16xf32>,
      %get3A_107 = arith.index_cast %scan3A_81 : i32 to index
      %get3A_108 = arith.constant 64 : index
      %get3A_109 = tpu.vector_load %arg5[%get3A_107, %get3A_108] {strides = array<i32>} : memref<125x80xi32, #tpu.memory_space<vmem>>, vector<16xi32>,
      %add3A_110 = arith.constant 10240 : i32
      %add3A_111 = vector.broadcast %add3A_110 : i32 to vector<16xi32>
      %add3A_112 = arith.addi %get3A_109, %add3A_111 : vector<16xi32>
      tpu.vector_store_idx %arg6[%add3A_112], %broadcast_in_dim3A_3 {add = true} : memref<20480xf32, #tpu.memory_space<vmem>>[vector<16xi32>], vector<16xf32>,
      %scan3A_113 = arith.constant 0 : i32
      %scan3A_114 = arith.constant 1 : i32
      %scan3A_115 = arith.addi %scan3A_81, %scan3A_114 : i32
      %get3A_116 = arith.index_cast %scan3A_115 : i32 to index
      %get3A_117 = arith.constant 0 : index
      %get3A_118 = tpu.vector_load %arg5[%get3A_116, %get3A_117] {strides = array<i32>} : memref<125x80xi32, #tpu.memory_space<vmem>>, vector<16xi32>,
      %add3A_119 = arith.constant 10240 : i32
      %add3A_120 = vector.broadcast %add3A_119 : i32 to vector<16xi32>
      %add3A_121 = arith.addi %get3A_118, %add3A_120 : vector<16xi32>
      tpu.vector_store_idx %arg6[%add3A_121], %broadcast_in_dim3A_3 {add = true} : memref<20480xf32, #tpu.memory_space<vmem>>[vector<16xi32>], vector<16xf32>,
      %get3A_122 = arith.index_cast %scan3A_115 : i32 to index
      %get3A_123 = arith.constant 16 : index
      %get3A_124 = tpu.vector_load %arg5[%get3A_122, %get3A_123] {strides = array<i32>} : memref<125x80xi32, #tpu.memory_space<vmem>>, vector<16xi32>,
      %add3A_125 = arith.constant 10240 : i32
      %add3A_126 = vector.broadcast %add3A_125 : i32 to vector<16xi32>
      %add3A_127 = arith.addi %get3A_124, %add3A_126 : vector<16xi32>
      tpu.vector_store_idx %arg6[%add3A_127], %broadcast_in_dim3A_3 {add = true} : memref<20480xf32, #tpu.memory_space<vmem>>[vector<16xi32>], vector<16xf32>,
      %get3A_128 = arith.index_cast %scan3A_115 : i32 to index
      %get3A_129 = arith.constant 32 : index
      %get3A_130 = tpu.vector_load %arg5[%get3A_128, %get3A_129] {strides = array<i32>} : memref<125x80xi32, #tpu.memory_space<vmem>>, vector<16xi32>,
      %add3A_131 = arith.constant 10240 : i32
      %add3A_132 = vector.broadcast %add3A_131 : i32 to vector<16xi32>
      %add3A_133 = arith.addi %get3A_130, %add3A_132 : vector<16xi32>
      tpu.vector_store_idx %arg6[%add3A_133], %broadcast_in_dim3A_3 {add = true} : memref<20480xf32, #tpu.memory_space<vmem>>[vector<16xi32>], vector<16xf32>,
      %get3A_134 = arith.index_cast %scan3A_115 : i32 to index
      %get3A_135 = arith.constant 48 : index
      %get3A_136 = tpu.vector_load %arg5[%get3A_134, %get3A_135] {strides = array<i32>} : memref<125x80xi32, #tpu.memory_space<vmem>>, vector<16xi32>,
      %add3A_137 = arith.constant 10240 : i32
      %add3A_138 = vector.broadcast %add3A_137 : i32 to vector<16xi32>
      %add3A_139 = arith.addi %get3A_136, %add3A_138 : vector<16xi32>
      tpu.vector_store_idx %arg6[%add3A_139], %broadcast_in_dim3A_3 {add = true} : memref<20480xf32, #tpu.memory_space<vmem>>[vector<16xi32>], vector<16xf32>,
      %get3A_140 = arith.index_cast %scan3A_115 : i32 to index
      %get3A_141 = arith.constant 64 : index
      %get3A_142 = tpu.vector_load %arg5[%get3A_140, %get3A_141] {strides = array<i32>} : memref<125x80xi32, #tpu.memory_space<vmem>>, vector<16xi32>,
      %add3A_143 = arith.constant 10240 : i32
      %add3A_144 = vector.broadcast %add3A_143 : i32 to vector<16xi32>
      %add3A_145 = arith.addi %get3A_142, %add3A_144 : vector<16xi32>
      tpu.vector_store_idx %arg6[%add3A_145], %broadcast_in_dim3A_3 {add = true} : memref<20480xf32, #tpu.memory_space<vmem>>[vector<16xi32>], vector<16xf32>,
      %scan3A_146 = arith.constant 0 : i32
      %scan3A_147 = arith.constant 2 : i32
      %scan3A_148 = arith.addi %scan3A_81, %scan3A_147 : i32
      %get3A_149 = arith.index_cast %scan3A_148 : i32 to index
      %get3A_150 = arith.constant 0 : index
      %get3A_151 = tpu.vector_load %arg5[%get3A_149, %get3A_150] {strides = array<i32>} : memref<125x80xi32, #tpu.memory_space<vmem>>, vector<16xi32>,
      %add3A_152 = arith.constant 10240 : i32
      %add3A_153 = vector.broadcast %add3A_152 : i32 to vector<16xi32>
      %add3A_154 = arith.addi %get3A_151, %add3A_153 : vector<16xi32>
      tpu.vector_store_idx %arg6[%add3A_154], %broadcast_in_dim3A_3 {add = true} : memref<20480xf32, #tpu.memory_space<vmem>>[vector<16xi32>], vector<16xf32>,
      %get3A_155 = arith.index_cast %scan3A_148 : i32 to index
      %get3A_156 = arith.constant 16 : index
      %get3A_157 = tpu.vector_load %arg5[%get3A_155, %get3A_156] {strides = array<i32>} : memref<125x80xi32, #tpu.memory_space<vmem>>, vector<16xi32>,
      %add3A_158 = arith.constant 10240 : i32
      %add3A_159 = vector.broadcast %add3A_158 : i32 to vector<16xi32>
      %add3A_160 = arith.addi %get3A_157, %add3A_159 : vector<16xi32>
      tpu.vector_store_idx %arg6[%add3A_160], %broadcast_in_dim3A_3 {add = true} : memref<20480xf32, #tpu.memory_space<vmem>>[vector<16xi32>], vector<16xf32>,
      %get3A_161 = arith.index_cast %scan3A_148 : i32 to index
      %get3A_162 = arith.constant 32 : index
      %get3A_163 = tpu.vector_load %arg5[%get3A_161, %get3A_162] {strides = array<i32>} : memref<125x80xi32, #tpu.memory_space<vmem>>, vector<16xi32>,
      %add3A_164 = arith.constant 10240 : i32
      %add3A_165 = vector.broadcast %add3A_164 : i32 to vector<16xi32>
      %add3A_166 = arith.addi %get3A_163, %add3A_165 : vector<16xi32>
      tpu.vector_store_idx %arg6[%add3A_166], %broadcast_in_dim3A_3 {add = true} : memref<20480xf32, #tpu.memory_space<vmem>>[vector<16xi32>], vector<16xf32>,
      %get3A_167 = arith.index_cast %scan3A_148 : i32 to index
      %get3A_168 = arith.constant 48 : index
      %get3A_169 = tpu.vector_load %arg5[%get3A_167, %get3A_168] {strides = array<i32>} : memref<125x80xi32, #tpu.memory_space<vmem>>, vector<16xi32>,
      %add3A_170 = arith.constant 10240 : i32
      %add3A_171 = vector.broadcast %add3A_170 : i32 to vector<16xi32>
      %add3A_172 = arith.addi %get3A_169, %add3A_171 : vector<16xi32>
      tpu.vector_store_idx %arg6[%add3A_172], %broadcast_in_dim3A_3 {add = true} : memref<20480xf32, #tpu.memory_space<vmem>>[vector<16xi32>], vector<16xf32>,
      %get3A_173 = arith.index_cast %scan3A_148 : i32 to index
      %get3A_174 = arith.constant 64 : index
      %get3A_175 = tpu.vector_load %arg5[%get3A_173, %get3A_174] {strides = array<i32>} : memref<125x80xi32, #tpu.memory_space<vmem>>, vector<16xi32>,
      %add3A_176 = arith.constant 10240 : i32
      %add3A_177 = vector.broadcast %add3A_176 : i32 to vector<16xi32>
      %add3A_178 = arith.addi %get3A_175, %add3A_177 : vector<16xi32>
      tpu.vector_store_idx %arg6[%add3A_178], %broadcast_in_dim3A_3 {add = true} : memref<20480xf32, #tpu.memory_space<vmem>>[vector<16xi32>], vector<16xf32>,
      %scan3A_179 = arith.constant 0 : i32
      %scan3A_180 = arith.constant 3 : i32
      %scan3A_181 = arith.addi %scan3A_81, %scan3A_180 : i32
      %get3A_182 = arith.index_cast %scan3A_181 : i32 to index
      %get3A_183 = arith.constant 0 : index
      %get3A_184 = tpu.vector_load %arg5[%get3A_182, %get3A_183] {strides = array<i32>} : memref<125x80xi32, #tpu.memory_space<vmem>>, vector<16xi32>,
      %add3A_185 = arith.constant 10240 : i32
      %add3A_186 = vector.broadcast %add3A_185 : i32 to vector<16xi32>
      %add3A_187 = arith.addi %get3A_184, %add3A_186 : vector<16xi32>
      tpu.vector_store_idx %arg6[%add3A_187], %broadcast_in_dim3A_3 {add = true} : memref<20480xf32, #tpu.memory_space<vmem>>[vector<16xi32>], vector<16xf32>,
      %get3A_188 = arith.index_cast %scan3A_181 : i32 to index
      %get3A_189 = arith.constant 16 : index
      %get3A_190 = tpu.vector_load %arg5[%get3A_188, %get3A_189] {strides = array<i32>} : memref<125x80xi32, #tpu.memory_space<vmem>>, vector<16xi32>,
      %add3A_191 = arith.constant 10240 : i32
      %add3A_192 = vector.broadcast %add3A_191 : i32 to vector<16xi32>
      %add3A_193 = arith.addi %get3A_190, %add3A_192 : vector<16xi32>
      tpu.vector_store_idx %arg6[%add3A_193], %broadcast_in_dim3A_3 {add = true} : memref<20480xf32, #tpu.memory_space<vmem>>[vector<16xi32>], vector<16xf32>,
      %get3A_194 = arith.index_cast %scan3A_181 : i32 to index
      %get3A_195 = arith.constant 32 : index
      %get3A_196 = tpu.vector_load %arg5[%get3A_194, %get3A_195] {strides = array<i32>} : memref<125x80xi32, #tpu.memory_space<vmem>>, vector<16xi32>,
      %add3A_197 = arith.constant 10240 : i32
      %add3A_198 = vector.broadcast %add3A_197 : i32 to vector<16xi32>
      %add3A_199 = arith.addi %get3A_196, %add3A_198 : vector<16xi32>
      tpu.vector_store_idx %arg6[%add3A_199], %broadcast_in_dim3A_3 {add = true} : memref<20480xf32, #tpu.memory_space<vmem>>[vector<16xi32>], vector<16xf32>,
      %get3A_200 = arith.index_cast %scan3A_181 : i32 to index
      %get3A_201 = arith.constant 48 : index
      %get3A_202 = tpu.vector_load %arg5[%get3A_200, %get3A_201] {strides = array<i32>} : memref<125x80xi32, #tpu.memory_space<vmem>>, vector<16xi32>,
      %add3A_203 = arith.constant 10240 : i32
      %add3A_204 = vector.broadcast %add3A_203 : i32 to vector<16xi32>
      %add3A_205 = arith.addi %get3A_202, %add3A_204 : vector<16xi32>
      tpu.vector_store_idx %arg6[%add3A_205], %broadcast_in_dim3A_3 {add = true} : memref<20480xf32, #tpu.memory_space<vmem>>[vector<16xi32>], vector<16xf32>,
      %get3A_206 = arith.index_cast %scan3A_181 : i32 to index
      %get3A_207 = arith.constant 64 : index
      %get3A_208 = tpu.vector_load %arg5[%get3A_206, %get3A_207] {strides = array<i32>} : memref<125x80xi32, #tpu.memory_space<vmem>>, vector<16xi32>,
      %add3A_209 = arith.constant 10240 : i32
      %add3A_210 = vector.broadcast %add3A_209 : i32 to vector<16xi32>
      %add3A_211 = arith.addi %get3A_208, %add3A_210 : vector<16xi32>
      tpu.vector_store_idx %arg6[%add3A_211], %broadcast_in_dim3A_3 {add = true} : memref<20480xf32, #tpu.memory_space<vmem>>[vector<16xi32>], vector<16xf32>,
      %scan3A_212 = arith.constant 0 : i32
      scf.yield %scan3A_212 : i32
    }
    %scan3A_45 = arith.constant 124 : i32
    %scan3A_46 = arith.addi %scan3A_40, %scan3A_45 : i32
    %get3A_47 = arith.index_cast %scan3A_46 : i32 to index
    %get3A_48 = arith.constant 0 : index
    %get3A_49 = tpu.vector_load %arg5[%get3A_47, %get3A_48] {strides = array<i32>} : memref<125x80xi32, #tpu.memory_space<vmem>>, vector<16xi32>,
    %add3A_50 = arith.constant 10240 : i32
    %add3A_51 = vector.broadcast %add3A_50 : i32 to vector<16xi32>
    %add3A_52 = arith.addi %get3A_49, %add3A_51 : vector<16xi32>
    tpu.vector_store_idx %arg6[%add3A_52], %broadcast_in_dim3A_3 {add = true} : memref<20480xf32, #tpu.memory_space<vmem>>[vector<16xi32>], vector<16xf32>,
    %get3A_53 = arith.index_cast %scan3A_46 : i32 to index
    %get3A_54 = arith.constant 16 : index
    %get3A_55 = tpu.vector_load %arg5[%get3A_53, %get3A_54] {strides = array<i32>} : memref<125x80xi32, #tpu.memory_space<vmem>>, vector<16xi32>,
    %add3A_56 = arith.constant 10240 : i32
    %add3A_57 = vector.broadcast %add3A_56 : i32 to vector<16xi32>
    %add3A_58 = arith.addi %get3A_55, %add3A_57 : vector<16xi32>
    tpu.vector_store_idx %arg6[%add3A_58], %broadcast_in_dim3A_3 {add = true} : memref<20480xf32, #tpu.memory_space<vmem>>[vector<16xi32>], vector<16xf32>,
    %get3A_59 = arith.index_cast %scan3A_46 : i32 to index
    %get3A_60 = arith.constant 32 : index
    %get3A_61 = tpu.vector_load %arg5[%get3A_59, %get3A_60] {strides = array<i32>} : memref<125x80xi32, #tpu.memory_space<vmem>>, vector<16xi32>,
    %add3A_62 = arith.constant 10240 : i32
    %add3A_63 = vector.broadcast %add3A_62 : i32 to vector<16xi32>
    %add3A_64 = arith.addi %get3A_61, %add3A_63 : vector<16xi32>
    tpu.vector_store_idx %arg6[%add3A_64], %broadcast_in_dim3A_3 {add = true} : memref<20480xf32, #tpu.memory_space<vmem>>[vector<16xi32>], vector<16xf32>,
    %get3A_65 = arith.index_cast %scan3A_46 : i32 to index
    %get3A_66 = arith.constant 48 : index
    %get3A_67 = tpu.vector_load %arg5[%get3A_65, %get3A_66] {strides = array<i32>} : memref<125x80xi32, #tpu.memory_space<vmem>>, vector<16xi32>,
    %add3A_68 = arith.constant 10240 : i32
    %add3A_69 = vector.broadcast %add3A_68 : i32 to vector<16xi32>
    %add3A_70 = arith.addi %get3A_67, %add3A_69 : vector<16xi32>
    tpu.vector_store_idx %arg6[%add3A_70], %broadcast_in_dim3A_3 {add = true} : memref<20480xf32, #tpu.memory_space<vmem>>[vector<16xi32>], vector<16xf32>,
    %get3A_71 = arith.index_cast %scan3A_46 : i32 to index
    %get3A_72 = arith.constant 64 : index
    %get3A_73 = tpu.vector_load %arg5[%get3A_71, %get3A_72] {strides = array<i32>} : memref<125x80xi32, #tpu.memory_space<vmem>>, vector<16xi32>,
    %add3A_74 = arith.constant 10240 : i32
    %add3A_75 = vector.broadcast %add3A_74 : i32 to vector<16xi32>
    %add3A_76 = arith.addi %get3A_73, %add3A_75 : vector<16xi32>
    tpu.vector_store_idx %arg6[%add3A_76], %broadcast_in_dim3A_3 {add = true} : memref<20480xf32, #tpu.memory_space<vmem>>[vector<16xi32>], vector<16xf32>,
    %scan3A_77 = arith.constant 0 : i32
    %scan3A_78 = arith.constant 125 : i32
    %run_scoped3A_79 = arith.constant 0 : i32
    "tpu.region"() ({
      %run_scoped3A_81 = tpu.sem_alloc : memref<!tpu.dma_semaphore, #tpu.memory_space<semaphore_mem>>
      %dma_start3A = arith.constant 0 : i32
      %dma_start3A_82 = tpu.memref_slice %arg6[%dma_start3A] : memref<20480xf32, #tpu.memory_space<vmem>> -> memref<10240xf32, #tpu.memory_space<vmem>>
      %dma_start3A_83 = arith.constant 0 : i32
      %dma_start3A_84 = tpu.memref_slice %arg3[%run_scoped3A_79, %add3A, %dma_start3A_83] : memref<2x32x10240xf32, #tpu.memory_space<hbm>> -> memref<1x1x10240xf32, #tpu.memory_space<hbm>>
      %dma_start3A_85 = tpu.memref_squeeze %dma_start3A_84 : memref<1x1x10240xf32, #tpu.memory_space<hbm>> -> memref<10240xf32, #tpu.memory_space<hbm>>
      %dma_start3A_86 = arith.constant 0 : i32
      %dma_start3A_87 = tpu.memref_slice %arg3[%run_scoped3A_79, %add3A, %dma_start3A_86] : memref<2x32x10240xf32, #tpu.memory_space<hbm>> -> memref<1x1x10240xf32, #tpu.memory_space<hbm>>
      %dma_start3A_88 = tpu.memref_squeeze %dma_start3A_87 : memref<1x1x10240xf32, #tpu.memory_space<hbm>> -> memref<10240xf32, #tpu.memory_space<hbm>>
      %dma_start3A_89 = arith.constant 0 : i32
      %dma_start3A_90 = tpu.memref_slice %arg6[%dma_start3A_89] : memref<20480xf32, #tpu.memory_space<vmem>> -> memref<10240xf32, #tpu.memory_space<vmem>>
      tpu.enqueue_dma source(%dma_start3A_90 : memref<10240xf32, #tpu.memory_space<vmem>>) target(%dma_start3A_88 : memref<10240xf32, #tpu.memory_space<hbm>>) target_semaphore(%run_scoped3A_81 : memref<!tpu.dma_semaphore, #tpu.memory_space<semaphore_mem>>)
      %dma_wait3A = arith.constant 0 : i32
      %dma_wait3A_91 = tpu.memref_slice %arg6[%dma_wait3A] : memref<20480xf32, #tpu.memory_space<vmem>> -> memref<10240xf32, #tpu.memory_space<vmem>>
      %dma_wait3A_92 = arith.constant 0 : i32
      %dma_wait3A_93 = tpu.memref_slice %arg3[%run_scoped3A_79, %add3A, %dma_wait3A_92] : memref<2x32x10240xf32, #tpu.memory_space<hbm>> -> memref<1x1x10240xf32, #tpu.memory_space<hbm>>
      %dma_wait3A_94 = tpu.memref_squeeze %dma_wait3A_93 : memref<1x1x10240xf32, #tpu.memory_space<hbm>> -> memref<10240xf32, #tpu.memory_space<hbm>>
      %dma_wait3A_95 = arith.constant 0 : i32
      %dma_wait3A_96 = tpu.memref_slice %arg3[%run_scoped3A_79, %add3A, %dma_wait3A_95] : memref<2x32x10240xf32, #tpu.memory_space<hbm>> -> memref<1x1x10240xf32, #tpu.memory_space<hbm>>
      %dma_wait3A_97 = tpu.memref_squeeze %dma_wait3A_96 : memref<1x1x10240xf32, #tpu.memory_space<hbm>> -> memref<10240xf32, #tpu.memory_space<hbm>>
      %dma_wait3A_98 = arith.constant 0 : i32
      %dma_wait3A_99 = tpu.memref_slice %arg6[%dma_wait3A_98] : memref<20480xf32, #tpu.memory_space<vmem>> -> memref<10240xf32, #tpu.memory_space<vmem>>
      tpu.wait_dma2 semaphore(%run_scoped3A_81 : memref<!tpu.dma_semaphore, #tpu.memory_space<semaphore_mem>>) src(%dma_wait3A_99 : memref<10240xf32, #tpu.memory_space<vmem>>) dst(%dma_wait3A_97 : memref<10240xf32, #tpu.memory_space<hbm>>)
      tpu.yield
    }) : () -> ()
    %run_scoped3A_80 = arith.constant 1 : i32
    "tpu.region"() ({
      %run_scoped3A_81 = tpu.sem_alloc : memref<!tpu.dma_semaphore, #tpu.memory_space<semaphore_mem>>
      %dma_start3A = arith.constant 10240 : i32
      %dma_start3A_82 = tpu.memref_slice %arg6[%dma_start3A] : memref<20480xf32, #tpu.memory_space<vmem>> -> memref<10240xf32, #tpu.memory_space<vmem>>
      %dma_start3A_83 = arith.constant 0 : i32
      %dma_start3A_84 = tpu.memref_slice %arg3[%run_scoped3A_80, %add3A, %dma_start3A_83] : memref<2x32x10240xf32, #tpu.memory_space<hbm>> -> memref<1x1x10240xf32, #tpu.memory_space<hbm>>
      %dma_start3A_85 = tpu.memref_squeeze %dma_start3A_84 : memref<1x1x10240xf32, #tpu.memory_space<hbm>> -> memref<10240xf32, #tpu.memory_space<hbm>>
      %dma_start3A_86 = arith.constant 0 : i32
      %dma_start3A_87 = tpu.memref_slice %arg3[%run_scoped3A_80, %add3A, %dma_start3A_86] : memref<2x32x10240xf32, #tpu.memory_space<hbm>> -> memref<1x1x10240xf32, #tpu.memory_space<hbm>>
      %dma_start3A_88 = tpu.memref_squeeze %dma_start3A_87 : memref<1x1x10240xf32, #tpu.memory_space<hbm>> -> memref<10240xf32, #tpu.memory_space<hbm>>
      %dma_start3A_89 = arith.constant 10240 : i32
      %dma_start3A_90 = tpu.memref_slice %arg6[%dma_start3A_89] : memref<20480xf32, #tpu.memory_space<vmem>> -> memref<10240xf32, #tpu.memory_space<vmem>>
      tpu.enqueue_dma source(%dma_start3A_90 : memref<10240xf32, #tpu.memory_space<vmem>>) target(%dma_start3A_88 : memref<10240xf32, #tpu.memory_space<hbm>>) target_semaphore(%run_scoped3A_81 : memref<!tpu.dma_semaphore, #tpu.memory_space<semaphore_mem>>)
      %dma_wait3A = arith.constant 10240 : i32
      %dma_wait3A_91 = tpu.memref_slice %arg6[%dma_wait3A] : memref<20480xf32, #tpu.memory_space<vmem>> -> memref<10240xf32, #tpu.memory_space<vmem>>
      %dma_wait3A_92 = arith.constant 0 : i32
      %dma_wait3A_93 = tpu.memref_slice %arg3[%run_scoped3A_80, %add3A, %dma_wait3A_92] : memref<2x32x10240xf32, #tpu.memory_space<hbm>> -> memref<1x1x10240xf32, #tpu.memory_space<hbm>>
      %dma_wait3A_94 = tpu.memref_squeeze %dma_wait3A_93 : memref<1x1x10240xf32, #tpu.memory_space<hbm>> -> memref<10240xf32, #tpu.memory_space<hbm>>
      %dma_wait3A_95 = arith.constant 0 : i32
      %dma_wait3A_96 = tpu.memref_slice %arg3[%run_scoped3A_80, %add3A, %dma_wait3A_95] : memref<2x32x10240xf32, #tpu.memory_space<hbm>> -> memref<1x1x10240xf32, #tpu.memory_space<hbm>>
      %dma_wait3A_97 = tpu.memref_squeeze %dma_wait3A_96 : memref<1x1x10240xf32, #tpu.memory_space<hbm>> -> memref<10240xf32, #tpu.memory_space<hbm>>
      %dma_wait3A_98 = arith.constant 10240 : i32
      %dma_wait3A_99 = tpu.memref_slice %arg6[%dma_wait3A_98] : memref<20480xf32, #tpu.memory_space<vmem>> -> memref<10240xf32, #tpu.memory_space<vmem>>
      tpu.wait_dma2 semaphore(%run_scoped3A_81 : memref<!tpu.dma_semaphore, #tpu.memory_space<semaphore_mem>>) src(%dma_wait3A_99 : memref<10240xf32, #tpu.memory_space<vmem>>) dst(%dma_wait3A_97 : memref<10240xf32, #tpu.memory_space<hbm>>)
      tpu.yield
    }) : () -> ()
    return
  }
}

#map = affine_map<(d0, d1) -> (0, 0, 0)>
#map1 = affine_map<(d0, d1) -> (0, 0)>
module attributes {stable_mosaic.version = 14 : i64} {
  func.func @_agg_kernel(%arg0: i32, %arg1: i32, %arg2: memref<2x4000x80xi32, #tpu.memory_space<hbm>>, %arg3: memref<10240x32xf32, #tpu.memory_space<hbm>>, %arg4: memref<2x2560x128xf32, #tpu.memory_space<hbm>>, %arg5: memref<125x80xi32, #tpu.memory_space<vmem>>, %arg6: memref<125x80xi32, #tpu.memory_space<vmem>>, %arg7: memref<10x80x32xf32, #tpu.memory_space<vmem>>, %arg8: memref<640x32xf32, #tpu.memory_space<vmem>>, %arg9: memref<160x128xf32, #tpu.memory_space<vmem>>, %arg10: memref<10240x32xf32, #tpu.memory_space<vmem_shared>>, %arg11: memref<10x!tpu.dma_semaphore, #tpu.memory_space<semaphore_mem>>, %arg12: memref<10x!tpu.dma_semaphore, #tpu.memory_space<semaphore_mem>>) attributes {dimension_semantics = [#tpu.dimension_semantics<core_parallel>, #tpu.dimension_semantics<subcore_parallel>], iteration_bounds = array<i64: 2, 16>, scalar_prefetch = 0 : i64, scratch_operands = 8 : i64, tpu.core_type = #tpu.core_type<sc_vector_subcore>, window_params = [{transform_indices = #map}, {transform_indices = #map1}, {transform_indices = #map}]} {
    %mul3A = arith.constant 2 : i32
    %mul3A_0 = arith.muli %arg1, %mul3A : i32
    %add3A = arith.addi %mul3A_0, %arg0 : i32
    %broadcast_in_dim3A = arith.constant 0.000000e+00 : f32
    %broadcast_in_dim3A_1 = vector.broadcast %broadcast_in_dim3A : f32 to vector<16xf32>
    %scan3A = arith.constant 0 : i32
    %scan3A_2 = arith.constant 0 : i32
    %scan3A_3 = arith.constant 640 : i32
    %scan3A_4 = arith.addi %scan3A_2, %scan3A_3 : i32
    %scan3A_5 = arith.constant 8 : i32
    %scan3A_6 = scf.for %scan3A_422 = %scan3A_2 to %scan3A_4 step %scan3A_5 iter_args(%scan3A_423 = %scan3A) -> (i32)  : i32 {
      %swap3A = arith.index_cast %scan3A_422 : i32 to index
      %swap3A_424 = arith.constant 0 : index
      %swap3A_425 = tpu.vector_load %arg8[%swap3A, %swap3A_424] {strides = array<i32>} : memref<640x32xf32, #tpu.memory_space<vmem>>, vector<1x16xf32>,
      %swap3A_426 = vector.shape_cast %swap3A_425 : vector<1x16xf32> to vector<16xf32>
      %swap3A_427 = vector.shape_cast %broadcast_in_dim3A_1 : vector<16xf32> to vector<1x16xf32>
      tpu.vector_store %arg8[%swap3A, %swap3A_424], %swap3A_427 {strides = array<i32>} : memref<640x32xf32, #tpu.memory_space<vmem>>, vector<1x16xf32>,
      %swap3A_428 = arith.index_cast %scan3A_422 : i32 to index
      %swap3A_429 = arith.constant 16 : index
      %swap3A_430 = tpu.vector_load %arg8[%swap3A_428, %swap3A_429] {strides = array<i32>} : memref<640x32xf32, #tpu.memory_space<vmem>>, vector<1x16xf32>,
      %swap3A_431 = vector.shape_cast %swap3A_430 : vector<1x16xf32> to vector<16xf32>
      %swap3A_432 = vector.shape_cast %broadcast_in_dim3A_1 : vector<16xf32> to vector<1x16xf32>
      tpu.vector_store %arg8[%swap3A_428, %swap3A_429], %swap3A_432 {strides = array<i32>} : memref<640x32xf32, #tpu.memory_space<vmem>>, vector<1x16xf32>,
      %scan3A_433 = arith.constant 0 : i32
      %scan3A_434 = arith.constant 1 : i32
      %scan3A_435 = arith.addi %scan3A_422, %scan3A_434 : i32
      %swap3A_436 = arith.index_cast %scan3A_435 : i32 to index
      %swap3A_437 = arith.constant 0 : index
      %swap3A_438 = tpu.vector_load %arg8[%swap3A_436, %swap3A_437] {strides = array<i32>} : memref<640x32xf32, #tpu.memory_space<vmem>>, vector<1x16xf32>,
      %swap3A_439 = vector.shape_cast %swap3A_438 : vector<1x16xf32> to vector<16xf32>
      %swap3A_440 = vector.shape_cast %broadcast_in_dim3A_1 : vector<16xf32> to vector<1x16xf32>
      tpu.vector_store %arg8[%swap3A_436, %swap3A_437], %swap3A_440 {strides = array<i32>} : memref<640x32xf32, #tpu.memory_space<vmem>>, vector<1x16xf32>,
      %swap3A_441 = arith.index_cast %scan3A_435 : i32 to index
      %swap3A_442 = arith.constant 16 : index
      %swap3A_443 = tpu.vector_load %arg8[%swap3A_441, %swap3A_442] {strides = array<i32>} : memref<640x32xf32, #tpu.memory_space<vmem>>, vector<1x16xf32>,
      %swap3A_444 = vector.shape_cast %swap3A_443 : vector<1x16xf32> to vector<16xf32>
      %swap3A_445 = vector.shape_cast %broadcast_in_dim3A_1 : vector<16xf32> to vector<1x16xf32>
      tpu.vector_store %arg8[%swap3A_441, %swap3A_442], %swap3A_445 {strides = array<i32>} : memref<640x32xf32, #tpu.memory_space<vmem>>, vector<1x16xf32>,
      %scan3A_446 = arith.constant 0 : i32
      %scan3A_447 = arith.constant 2 : i32
      %scan3A_448 = arith.addi %scan3A_422, %scan3A_447 : i32
      %swap3A_449 = arith.index_cast %scan3A_448 : i32 to index
      %swap3A_450 = arith.constant 0 : index
      %swap3A_451 = tpu.vector_load %arg8[%swap3A_449, %swap3A_450] {strides = array<i32>} : memref<640x32xf32, #tpu.memory_space<vmem>>, vector<1x16xf32>,
      %swap3A_452 = vector.shape_cast %swap3A_451 : vector<1x16xf32> to vector<16xf32>
      %swap3A_453 = vector.shape_cast %broadcast_in_dim3A_1 : vector<16xf32> to vector<1x16xf32>
      tpu.vector_store %arg8[%swap3A_449, %swap3A_450], %swap3A_453 {strides = array<i32>} : memref<640x32xf32, #tpu.memory_space<vmem>>, vector<1x16xf32>,
      %swap3A_454 = arith.index_cast %scan3A_448 : i32 to index
      %swap3A_455 = arith.constant 16 : index
      %swap3A_456 = tpu.vector_load %arg8[%swap3A_454, %swap3A_455] {strides = array<i32>} : memref<640x32xf32, #tpu.memory_space<vmem>>, vector<1x16xf32>,
      %swap3A_457 = vector.shape_cast %swap3A_456 : vector<1x16xf32> to vector<16xf32>
      %swap3A_458 = vector.shape_cast %broadcast_in_dim3A_1 : vector<16xf32> to vector<1x16xf32>
      tpu.vector_store %arg8[%swap3A_454, %swap3A_455], %swap3A_458 {strides = array<i32>} : memref<640x32xf32, #tpu.memory_space<vmem>>, vector<1x16xf32>,
      %scan3A_459 = arith.constant 0 : i32
      %scan3A_460 = arith.constant 3 : i32
      %scan3A_461 = arith.addi %scan3A_422, %scan3A_460 : i32
      %swap3A_462 = arith.index_cast %scan3A_461 : i32 to index
      %swap3A_463 = arith.constant 0 : index
      %swap3A_464 = tpu.vector_load %arg8[%swap3A_462, %swap3A_463] {strides = array<i32>} : memref<640x32xf32, #tpu.memory_space<vmem>>, vector<1x16xf32>,
      %swap3A_465 = vector.shape_cast %swap3A_464 : vector<1x16xf32> to vector<16xf32>
      %swap3A_466 = vector.shape_cast %broadcast_in_dim3A_1 : vector<16xf32> to vector<1x16xf32>
      tpu.vector_store %arg8[%swap3A_462, %swap3A_463], %swap3A_466 {strides = array<i32>} : memref<640x32xf32, #tpu.memory_space<vmem>>, vector<1x16xf32>,
      %swap3A_467 = arith.index_cast %scan3A_461 : i32 to index
      %swap3A_468 = arith.constant 16 : index
      %swap3A_469 = tpu.vector_load %arg8[%swap3A_467, %swap3A_468] {strides = array<i32>} : memref<640x32xf32, #tpu.memory_space<vmem>>, vector<1x16xf32>,
      %swap3A_470 = vector.shape_cast %swap3A_469 : vector<1x16xf32> to vector<16xf32>
      %swap3A_471 = vector.shape_cast %broadcast_in_dim3A_1 : vector<16xf32> to vector<1x16xf32>
      tpu.vector_store %arg8[%swap3A_467, %swap3A_468], %swap3A_471 {strides = array<i32>} : memref<640x32xf32, #tpu.memory_space<vmem>>, vector<1x16xf32>,
      %scan3A_472 = arith.constant 0 : i32
      %scan3A_473 = arith.constant 4 : i32
      %scan3A_474 = arith.addi %scan3A_422, %scan3A_473 : i32
      %swap3A_475 = arith.index_cast %scan3A_474 : i32 to index
      %swap3A_476 = arith.constant 0 : index
      %swap3A_477 = tpu.vector_load %arg8[%swap3A_475, %swap3A_476] {strides = array<i32>} : memref<640x32xf32, #tpu.memory_space<vmem>>, vector<1x16xf32>,
      %swap3A_478 = vector.shape_cast %swap3A_477 : vector<1x16xf32> to vector<16xf32>
      %swap3A_479 = vector.shape_cast %broadcast_in_dim3A_1 : vector<16xf32> to vector<1x16xf32>
      tpu.vector_store %arg8[%swap3A_475, %swap3A_476], %swap3A_479 {strides = array<i32>} : memref<640x32xf32, #tpu.memory_space<vmem>>, vector<1x16xf32>,
      %swap3A_480 = arith.index_cast %scan3A_474 : i32 to index
      %swap3A_481 = arith.constant 16 : index
      %swap3A_482 = tpu.vector_load %arg8[%swap3A_480, %swap3A_481] {strides = array<i32>} : memref<640x32xf32, #tpu.memory_space<vmem>>, vector<1x16xf32>,
      %swap3A_483 = vector.shape_cast %swap3A_482 : vector<1x16xf32> to vector<16xf32>
      %swap3A_484 = vector.shape_cast %broadcast_in_dim3A_1 : vector<16xf32> to vector<1x16xf32>
      tpu.vector_store %arg8[%swap3A_480, %swap3A_481], %swap3A_484 {strides = array<i32>} : memref<640x32xf32, #tpu.memory_space<vmem>>, vector<1x16xf32>,
      %scan3A_485 = arith.constant 0 : i32
      %scan3A_486 = arith.constant 5 : i32
      %scan3A_487 = arith.addi %scan3A_422, %scan3A_486 : i32
      %swap3A_488 = arith.index_cast %scan3A_487 : i32 to index
      %swap3A_489 = arith.constant 0 : index
      %swap3A_490 = tpu.vector_load %arg8[%swap3A_488, %swap3A_489] {strides = array<i32>} : memref<640x32xf32, #tpu.memory_space<vmem>>, vector<1x16xf32>,
      %swap3A_491 = vector.shape_cast %swap3A_490 : vector<1x16xf32> to vector<16xf32>
      %swap3A_492 = vector.shape_cast %broadcast_in_dim3A_1 : vector<16xf32> to vector<1x16xf32>
      tpu.vector_store %arg8[%swap3A_488, %swap3A_489], %swap3A_492 {strides = array<i32>} : memref<640x32xf32, #tpu.memory_space<vmem>>, vector<1x16xf32>,
      %swap3A_493 = arith.index_cast %scan3A_487 : i32 to index
      %swap3A_494 = arith.constant 16 : index
      %swap3A_495 = tpu.vector_load %arg8[%swap3A_493, %swap3A_494] {strides = array<i32>} : memref<640x32xf32, #tpu.memory_space<vmem>>, vector<1x16xf32>,
      %swap3A_496 = vector.shape_cast %swap3A_495 : vector<1x16xf32> to vector<16xf32>
      %swap3A_497 = vector.shape_cast %broadcast_in_dim3A_1 : vector<16xf32> to vector<1x16xf32>
      tpu.vector_store %arg8[%swap3A_493, %swap3A_494], %swap3A_497 {strides = array<i32>} : memref<640x32xf32, #tpu.memory_space<vmem>>, vector<1x16xf32>,
      %scan3A_498 = arith.constant 0 : i32
      %scan3A_499 = arith.constant 6 : i32
      %scan3A_500 = arith.addi %scan3A_422, %scan3A_499 : i32
      %swap3A_501 = arith.index_cast %scan3A_500 : i32 to index
      %swap3A_502 = arith.constant 0 : index
      %swap3A_503 = tpu.vector_load %arg8[%swap3A_501, %swap3A_502] {strides = array<i32>} : memref<640x32xf32, #tpu.memory_space<vmem>>, vector<1x16xf32>,
      %swap3A_504 = vector.shape_cast %swap3A_503 : vector<1x16xf32> to vector<16xf32>
      %swap3A_505 = vector.shape_cast %broadcast_in_dim3A_1 : vector<16xf32> to vector<1x16xf32>
      tpu.vector_store %arg8[%swap3A_501, %swap3A_502], %swap3A_505 {strides = array<i32>} : memref<640x32xf32, #tpu.memory_space<vmem>>, vector<1x16xf32>,
      %swap3A_506 = arith.index_cast %scan3A_500 : i32 to index
      %swap3A_507 = arith.constant 16 : index
      %swap3A_508 = tpu.vector_load %arg8[%swap3A_506, %swap3A_507] {strides = array<i32>} : memref<640x32xf32, #tpu.memory_space<vmem>>, vector<1x16xf32>,
      %swap3A_509 = vector.shape_cast %swap3A_508 : vector<1x16xf32> to vector<16xf32>
      %swap3A_510 = vector.shape_cast %broadcast_in_dim3A_1 : vector<16xf32> to vector<1x16xf32>
      tpu.vector_store %arg8[%swap3A_506, %swap3A_507], %swap3A_510 {strides = array<i32>} : memref<640x32xf32, #tpu.memory_space<vmem>>, vector<1x16xf32>,
      %scan3A_511 = arith.constant 0 : i32
      %scan3A_512 = arith.constant 7 : i32
      %scan3A_513 = arith.addi %scan3A_422, %scan3A_512 : i32
      %swap3A_514 = arith.index_cast %scan3A_513 : i32 to index
      %swap3A_515 = arith.constant 0 : index
      %swap3A_516 = tpu.vector_load %arg8[%swap3A_514, %swap3A_515] {strides = array<i32>} : memref<640x32xf32, #tpu.memory_space<vmem>>, vector<1x16xf32>,
      %swap3A_517 = vector.shape_cast %swap3A_516 : vector<1x16xf32> to vector<16xf32>
      %swap3A_518 = vector.shape_cast %broadcast_in_dim3A_1 : vector<16xf32> to vector<1x16xf32>
      tpu.vector_store %arg8[%swap3A_514, %swap3A_515], %swap3A_518 {strides = array<i32>} : memref<640x32xf32, #tpu.memory_space<vmem>>, vector<1x16xf32>,
      %swap3A_519 = arith.index_cast %scan3A_513 : i32 to index
      %swap3A_520 = arith.constant 16 : index
      %swap3A_521 = tpu.vector_load %arg8[%swap3A_519, %swap3A_520] {strides = array<i32>} : memref<640x32xf32, #tpu.memory_space<vmem>>, vector<1x16xf32>,
      %swap3A_522 = vector.shape_cast %swap3A_521 : vector<1x16xf32> to vector<16xf32>
      %swap3A_523 = vector.shape_cast %broadcast_in_dim3A_1 : vector<16xf32> to vector<1x16xf32>
      tpu.vector_store %arg8[%swap3A_519, %swap3A_520], %swap3A_523 {strides = array<i32>} : memref<640x32xf32, #tpu.memory_space<vmem>>, vector<1x16xf32>,
      %scan3A_524 = arith.constant 0 : i32
      scf.yield %scan3A_524 : i32
    }
    %scan3A_7 = arith.constant 640 : i32
    %mul3A_8 = arith.constant 640 : i32
    %mul3A_9 = arith.muli %arg1, %mul3A_8 : i32
    "tpu.region"() ({
      %run_scoped3A_422 = tpu.sem_alloc : memref<!tpu.dma_semaphore, #tpu.memory_space<semaphore_mem>>
      %dma_start3A_423 = arith.constant 0 : i32
      %dma_start3A_424 = tpu.memref_slice %arg10[%mul3A_9, %dma_start3A_423] : memref<10240x32xf32, #tpu.memory_space<vmem_shared>> -> memref<640x32xf32, #tpu.memory_space<vmem_shared>>
      %dma_start3A_425 = arith.constant 0 : i32
      %dma_start3A_426 = tpu.memref_slice %arg10[%mul3A_9, %dma_start3A_425] : memref<10240x32xf32, #tpu.memory_space<vmem_shared>> -> memref<640x32xf32, #tpu.memory_space<vmem_shared>>
      tpu.enqueue_dma source(%arg8 : memref<640x32xf32, #tpu.memory_space<vmem>>) target(%dma_start3A_426 : memref<640x32xf32, #tpu.memory_space<vmem_shared>>) target_semaphore(%run_scoped3A_422 : memref<!tpu.dma_semaphore, #tpu.memory_space<semaphore_mem>>)
      %dma_wait3A_427 = arith.constant 0 : i32
      %dma_wait3A_428 = tpu.memref_slice %arg10[%mul3A_9, %dma_wait3A_427] : memref<10240x32xf32, #tpu.memory_space<vmem_shared>> -> memref<640x32xf32, #tpu.memory_space<vmem_shared>>
      %dma_wait3A_429 = arith.constant 0 : i32
      %dma_wait3A_430 = tpu.memref_slice %arg10[%mul3A_9, %dma_wait3A_429] : memref<10240x32xf32, #tpu.memory_space<vmem_shared>> -> memref<640x32xf32, #tpu.memory_space<vmem_shared>>
      tpu.wait_dma2 semaphore(%run_scoped3A_422 : memref<!tpu.dma_semaphore, #tpu.memory_space<semaphore_mem>>) src(%arg8 : memref<640x32xf32, #tpu.memory_space<vmem>>) dst(%dma_wait3A_430 : memref<640x32xf32, #tpu.memory_space<vmem_shared>>)
      tpu.yield
    }) : () -> ()
    %barrier3A = arith.constant 0 : index
    tpu.barrier barrier_id(%barrier3A)
    %mul3A_10 = arith.constant 125 : i32
    %mul3A_11 = arith.muli %add3A, %mul3A_10 : i32
    %run_scoped3A = arith.constant 0 : i32
    "tpu.region"() ({
      %run_scoped3A_422 = tpu.sem_alloc : memref<!tpu.dma_semaphore, #tpu.memory_space<semaphore_mem>>
      %dma_start3A_423 = arith.constant 0 : i32
      %dma_start3A_424 = tpu.memref_slice %arg2[%run_scoped3A, %mul3A_11, %dma_start3A_423] : memref<2x4000x80xi32, #tpu.memory_space<hbm>> -> memref<1x125x80xi32, #tpu.memory_space<hbm>>
      %dma_start3A_425 = tpu.memref_squeeze %dma_start3A_424 : memref<1x125x80xi32, #tpu.memory_space<hbm>> -> memref<125x80xi32, #tpu.memory_space<hbm>>
      %dma_start3A_426 = arith.constant 0 : i32
      %dma_start3A_427 = tpu.memref_slice %arg2[%run_scoped3A, %mul3A_11, %dma_start3A_426] : memref<2x4000x80xi32, #tpu.memory_space<hbm>> -> memref<1x125x80xi32, #tpu.memory_space<hbm>>
      %dma_start3A_428 = tpu.memref_squeeze %dma_start3A_427 : memref<1x125x80xi32, #tpu.memory_space<hbm>> -> memref<125x80xi32, #tpu.memory_space<hbm>>
      tpu.enqueue_dma source(%dma_start3A_428 : memref<125x80xi32, #tpu.memory_space<hbm>>) target(%arg5 : memref<125x80xi32, #tpu.memory_space<vmem>>) target_semaphore(%run_scoped3A_422 : memref<!tpu.dma_semaphore, #tpu.memory_space<semaphore_mem>>)
      %dma_wait3A_429 = arith.constant 0 : i32
      %dma_wait3A_430 = tpu.memref_slice %arg2[%run_scoped3A, %mul3A_11, %dma_wait3A_429] : memref<2x4000x80xi32, #tpu.memory_space<hbm>> -> memref<1x125x80xi32, #tpu.memory_space<hbm>>
      %dma_wait3A_431 = tpu.memref_squeeze %dma_wait3A_430 : memref<1x125x80xi32, #tpu.memory_space<hbm>> -> memref<125x80xi32, #tpu.memory_space<hbm>>
      %dma_wait3A_432 = arith.constant 0 : i32
      %dma_wait3A_433 = tpu.memref_slice %arg2[%run_scoped3A, %mul3A_11, %dma_wait3A_432] : memref<2x4000x80xi32, #tpu.memory_space<hbm>> -> memref<1x125x80xi32, #tpu.memory_space<hbm>>
      %dma_wait3A_434 = tpu.memref_squeeze %dma_wait3A_433 : memref<1x125x80xi32, #tpu.memory_space<hbm>> -> memref<125x80xi32, #tpu.memory_space<hbm>>
      tpu.wait_dma2 semaphore(%run_scoped3A_422 : memref<!tpu.dma_semaphore, #tpu.memory_space<semaphore_mem>>) src(%dma_wait3A_434 : memref<125x80xi32, #tpu.memory_space<hbm>>) dst(%arg5 : memref<125x80xi32, #tpu.memory_space<vmem>>)
      tpu.yield
    }) : () -> ()
    %mul3A_12 = arith.constant 125 : i32
    %mul3A_13 = arith.muli %add3A, %mul3A_12 : i32
    %run_scoped3A_14 = arith.constant 1 : i32
    "tpu.region"() ({
      %run_scoped3A_422 = tpu.sem_alloc : memref<!tpu.dma_semaphore, #tpu.memory_space<semaphore_mem>>
      %dma_start3A_423 = arith.constant 0 : i32
      %dma_start3A_424 = tpu.memref_slice %arg2[%run_scoped3A_14, %mul3A_13, %dma_start3A_423] : memref<2x4000x80xi32, #tpu.memory_space<hbm>> -> memref<1x125x80xi32, #tpu.memory_space<hbm>>
      %dma_start3A_425 = tpu.memref_squeeze %dma_start3A_424 : memref<1x125x80xi32, #tpu.memory_space<hbm>> -> memref<125x80xi32, #tpu.memory_space<hbm>>
      %dma_start3A_426 = arith.constant 0 : i32
      %dma_start3A_427 = tpu.memref_slice %arg2[%run_scoped3A_14, %mul3A_13, %dma_start3A_426] : memref<2x4000x80xi32, #tpu.memory_space<hbm>> -> memref<1x125x80xi32, #tpu.memory_space<hbm>>
      %dma_start3A_428 = tpu.memref_squeeze %dma_start3A_427 : memref<1x125x80xi32, #tpu.memory_space<hbm>> -> memref<125x80xi32, #tpu.memory_space<hbm>>
      tpu.enqueue_dma source(%dma_start3A_428 : memref<125x80xi32, #tpu.memory_space<hbm>>) target(%arg6 : memref<125x80xi32, #tpu.memory_space<vmem>>) target_semaphore(%run_scoped3A_422 : memref<!tpu.dma_semaphore, #tpu.memory_space<semaphore_mem>>)
      %dma_wait3A_429 = arith.constant 0 : i32
      %dma_wait3A_430 = tpu.memref_slice %arg2[%run_scoped3A_14, %mul3A_13, %dma_wait3A_429] : memref<2x4000x80xi32, #tpu.memory_space<hbm>> -> memref<1x125x80xi32, #tpu.memory_space<hbm>>
      %dma_wait3A_431 = tpu.memref_squeeze %dma_wait3A_430 : memref<1x125x80xi32, #tpu.memory_space<hbm>> -> memref<125x80xi32, #tpu.memory_space<hbm>>
      %dma_wait3A_432 = arith.constant 0 : i32
      %dma_wait3A_433 = tpu.memref_slice %arg2[%run_scoped3A_14, %mul3A_13, %dma_wait3A_432] : memref<2x4000x80xi32, #tpu.memory_space<hbm>> -> memref<1x125x80xi32, #tpu.memory_space<hbm>>
      %dma_wait3A_434 = tpu.memref_squeeze %dma_wait3A_433 : memref<1x125x80xi32, #tpu.memory_space<hbm>> -> memref<125x80xi32, #tpu.memory_space<hbm>>
      tpu.wait_dma2 semaphore(%run_scoped3A_422 : memref<!tpu.dma_semaphore, #tpu.memory_space<semaphore_mem>>) src(%dma_wait3A_434 : memref<125x80xi32, #tpu.memory_space<hbm>>) dst(%arg6 : memref<125x80xi32, #tpu.memory_space<vmem>>)
      tpu.yield
    }) : () -> ()
    %dma_start3A = arith.constant 0 : i32
    %dma_start3A_15 = arith.constant 0 : i32
    %dma_start3A_16 = arith.constant 0 : i32
    %dma_start3A_17 = arith.constant 0 : i32
    %dma_start3A_18 = arith.constant 0 : i32
    %dma_start3A_19 = tpu.memref_slice %arg7[%dma_start3A_15, %dma_start3A_17, %dma_start3A_18] : memref<10x80x32xf32, #tpu.memory_space<vmem>> -> memref<1x80x32xf32, #tpu.memory_space<vmem>>
    %dma_start3A_20 = tpu.memref_squeeze %dma_start3A_19 : memref<1x80x32xf32, #tpu.memory_space<vmem>> -> memref<80x32xf32, #tpu.memory_space<vmem>>
    %dma_start3A_21 = arith.constant 0 : i32
    %dma_start3A_22 = tpu.memref_slice %arg5[%dma_start3A, %dma_start3A_21] : memref<125x80xi32, #tpu.memory_space<vmem>> -> memref<1x80xi32, #tpu.memory_space<vmem>>
    %dma_start3A_23 = tpu.memref_squeeze %dma_start3A_22 : memref<1x80xi32, #tpu.memory_space<vmem>> -> memref<80xi32, #tpu.memory_space<vmem>>
    %dma_start3A_24 = arith.constant 0 : i32
    %dma_start3A_25 = arith.constant 0 : i32
    %dma_start3A_26 = tpu.memref_slice %arg3[%dma_start3A_24, %dma_start3A_25] : memref<10240x32xf32, #tpu.memory_space<hbm>> -> memref<10240x32xf32, #tpu.memory_space<hbm>>
    %dma_start3A_27 = tpu.memref_slice %arg11[%dma_start3A_16] : memref<10x!tpu.dma_semaphore, #tpu.memory_space<semaphore_mem>> -> memref<1x!tpu.dma_semaphore, #tpu.memory_space<semaphore_mem>>
    %dma_start3A_28 = tpu.memref_squeeze %dma_start3A_27 : memref<1x!tpu.dma_semaphore, #tpu.memory_space<semaphore_mem>> -> memref<!tpu.dma_semaphore, #tpu.memory_space<semaphore_mem>>
    tpu.enqueue_indirect_dma source(%dma_start3A_26 : memref<10240x32xf32, #tpu.memory_space<hbm>>) target(%dma_start3A_20 : memref<80x32xf32, #tpu.memory_space<vmem>>) offsets(%dma_start3A_23 : memref<80xi32, #tpu.memory_space<vmem>>) semaphore(%dma_start3A_28 : memref<!tpu.dma_semaphore, #tpu.memory_space<semaphore_mem>>)
    %dma_start3A_29 = arith.constant 1 : i32
    %dma_start3A_30 = arith.constant 1 : i32
    %dma_start3A_31 = arith.constant 1 : i32
    %dma_start3A_32 = arith.constant 0 : i32
    %dma_start3A_33 = arith.constant 0 : i32
    %dma_start3A_34 = tpu.memref_slice %arg7[%dma_start3A_30, %dma_start3A_32, %dma_start3A_33] : memref<10x80x32xf32, #tpu.memory_space<vmem>> -> memref<1x80x32xf32, #tpu.memory_space<vmem>>
    %dma_start3A_35 = tpu.memref_squeeze %dma_start3A_34 : memref<1x80x32xf32, #tpu.memory_space<vmem>> -> memref<80x32xf32, #tpu.memory_space<vmem>>
    %dma_start3A_36 = arith.constant 0 : i32
    %dma_start3A_37 = tpu.memref_slice %arg5[%dma_start3A_29, %dma_start3A_36] : memref<125x80xi32, #tpu.memory_space<vmem>> -> memref<1x80xi32, #tpu.memory_space<vmem>>
    %dma_start3A_38 = tpu.memref_squeeze %dma_start3A_37 : memref<1x80xi32, #tpu.memory_space<vmem>> -> memref<80xi32, #tpu.memory_space<vmem>>
    %dma_start3A_39 = arith.constant 0 : i32
    %dma_start3A_40 = arith.constant 0 : i32
    %dma_start3A_41 = tpu.memref_slice %arg3[%dma_start3A_39, %dma_start3A_40] : memref<10240x32xf32, #tpu.memory_space<hbm>> -> memref<10240x32xf32, #tpu.memory_space<hbm>>
    %dma_start3A_42 = tpu.memref_slice %arg11[%dma_start3A_31] : memref<10x!tpu.dma_semaphore, #tpu.memory_space<semaphore_mem>> -> memref<1x!tpu.dma_semaphore, #tpu.memory_space<semaphore_mem>>
    %dma_start3A_43 = tpu.memref_squeeze %dma_start3A_42 : memref<1x!tpu.dma_semaphore, #tpu.memory_space<semaphore_mem>> -> memref<!tpu.dma_semaphore, #tpu.memory_space<semaphore_mem>>
    tpu.enqueue_indirect_dma source(%dma_start3A_41 : memref<10240x32xf32, #tpu.memory_space<hbm>>) target(%dma_start3A_35 : memref<80x32xf32, #tpu.memory_space<vmem>>) offsets(%dma_start3A_38 : memref<80xi32, #tpu.memory_space<vmem>>) semaphore(%dma_start3A_43 : memref<!tpu.dma_semaphore, #tpu.memory_space<semaphore_mem>>)
    %dma_start3A_44 = arith.constant 2 : i32
    %dma_start3A_45 = arith.constant 2 : i32
    %dma_start3A_46 = arith.constant 2 : i32
    %dma_start3A_47 = arith.constant 0 : i32
    %dma_start3A_48 = arith.constant 0 : i32
    %dma_start3A_49 = tpu.memref_slice %arg7[%dma_start3A_45, %dma_start3A_47, %dma_start3A_48] : memref<10x80x32xf32, #tpu.memory_space<vmem>> -> memref<1x80x32xf32, #tpu.memory_space<vmem>>
    %dma_start3A_50 = tpu.memref_squeeze %dma_start3A_49 : memref<1x80x32xf32, #tpu.memory_space<vmem>> -> memref<80x32xf32, #tpu.memory_space<vmem>>
    %dma_start3A_51 = arith.constant 0 : i32
    %dma_start3A_52 = tpu.memref_slice %arg5[%dma_start3A_44, %dma_start3A_51] : memref<125x80xi32, #tpu.memory_space<vmem>> -> memref<1x80xi32, #tpu.memory_space<vmem>>
    %dma_start3A_53 = tpu.memref_squeeze %dma_start3A_52 : memref<1x80xi32, #tpu.memory_space<vmem>> -> memref<80xi32, #tpu.memory_space<vmem>>
    %dma_start3A_54 = arith.constant 0 : i32
    %dma_start3A_55 = arith.constant 0 : i32
    %dma_start3A_56 = tpu.memref_slice %arg3[%dma_start3A_54, %dma_start3A_55] : memref<10240x32xf32, #tpu.memory_space<hbm>> -> memref<10240x32xf32, #tpu.memory_space<hbm>>
    %dma_start3A_57 = tpu.memref_slice %arg11[%dma_start3A_46] : memref<10x!tpu.dma_semaphore, #tpu.memory_space<semaphore_mem>> -> memref<1x!tpu.dma_semaphore, #tpu.memory_space<semaphore_mem>>
    %dma_start3A_58 = tpu.memref_squeeze %dma_start3A_57 : memref<1x!tpu.dma_semaphore, #tpu.memory_space<semaphore_mem>> -> memref<!tpu.dma_semaphore, #tpu.memory_space<semaphore_mem>>
    tpu.enqueue_indirect_dma source(%dma_start3A_56 : memref<10240x32xf32, #tpu.memory_space<hbm>>) target(%dma_start3A_50 : memref<80x32xf32, #tpu.memory_space<vmem>>) offsets(%dma_start3A_53 : memref<80xi32, #tpu.memory_space<vmem>>) semaphore(%dma_start3A_58 : memref<!tpu.dma_semaphore, #tpu.memory_space<semaphore_mem>>)
    %dma_start3A_59 = arith.constant 3 : i32
    %dma_start3A_60 = arith.constant 3 : i32
    %dma_start3A_61 = arith.constant 3 : i32
    %dma_start3A_62 = arith.constant 0 : i32
    %dma_start3A_63 = arith.constant 0 : i32
    %dma_start3A_64 = tpu.memref_slice %arg7[%dma_start3A_60, %dma_start3A_62, %dma_start3A_63] : memref<10x80x32xf32, #tpu.memory_space<vmem>> -> memref<1x80x32xf32, #tpu.memory_space<vmem>>
    %dma_start3A_65 = tpu.memref_squeeze %dma_start3A_64 : memref<1x80x32xf32, #tpu.memory_space<vmem>> -> memref<80x32xf32, #tpu.memory_space<vmem>>
    %dma_start3A_66 = arith.constant 0 : i32
    %dma_start3A_67 = tpu.memref_slice %arg5[%dma_start3A_59, %dma_start3A_66] : memref<125x80xi32, #tpu.memory_space<vmem>> -> memref<1x80xi32, #tpu.memory_space<vmem>>
    %dma_start3A_68 = tpu.memref_squeeze %dma_start3A_67 : memref<1x80xi32, #tpu.memory_space<vmem>> -> memref<80xi32, #tpu.memory_space<vmem>>
    %dma_start3A_69 = arith.constant 0 : i32
    %dma_start3A_70 = arith.constant 0 : i32
    %dma_start3A_71 = tpu.memref_slice %arg3[%dma_start3A_69, %dma_start3A_70] : memref<10240x32xf32, #tpu.memory_space<hbm>> -> memref<10240x32xf32, #tpu.memory_space<hbm>>
    %dma_start3A_72 = tpu.memref_slice %arg11[%dma_start3A_61] : memref<10x!tpu.dma_semaphore, #tpu.memory_space<semaphore_mem>> -> memref<1x!tpu.dma_semaphore, #tpu.memory_space<semaphore_mem>>
    %dma_start3A_73 = tpu.memref_squeeze %dma_start3A_72 : memref<1x!tpu.dma_semaphore, #tpu.memory_space<semaphore_mem>> -> memref<!tpu.dma_semaphore, #tpu.memory_space<semaphore_mem>>
    tpu.enqueue_indirect_dma source(%dma_start3A_71 : memref<10240x32xf32, #tpu.memory_space<hbm>>) target(%dma_start3A_65 : memref<80x32xf32, #tpu.memory_space<vmem>>) offsets(%dma_start3A_68 : memref<80xi32, #tpu.memory_space<vmem>>) semaphore(%dma_start3A_73 : memref<!tpu.dma_semaphore, #tpu.memory_space<semaphore_mem>>)
    %dma_start3A_74 = arith.constant 4 : i32
    %dma_start3A_75 = arith.constant 4 : i32
    %dma_start3A_76 = arith.constant 4 : i32
    %dma_start3A_77 = arith.constant 0 : i32
    %dma_start3A_78 = arith.constant 0 : i32
    %dma_start3A_79 = tpu.memref_slice %arg7[%dma_start3A_75, %dma_start3A_77, %dma_start3A_78] : memref<10x80x32xf32, #tpu.memory_space<vmem>> -> memref<1x80x32xf32, #tpu.memory_space<vmem>>
    %dma_start3A_80 = tpu.memref_squeeze %dma_start3A_79 : memref<1x80x32xf32, #tpu.memory_space<vmem>> -> memref<80x32xf32, #tpu.memory_space<vmem>>
    %dma_start3A_81 = arith.constant 0 : i32
    %dma_start3A_82 = tpu.memref_slice %arg5[%dma_start3A_74, %dma_start3A_81] : memref<125x80xi32, #tpu.memory_space<vmem>> -> memref<1x80xi32, #tpu.memory_space<vmem>>
    %dma_start3A_83 = tpu.memref_squeeze %dma_start3A_82 : memref<1x80xi32, #tpu.memory_space<vmem>> -> memref<80xi32, #tpu.memory_space<vmem>>
    %dma_start3A_84 = arith.constant 0 : i32
    %dma_start3A_85 = arith.constant 0 : i32
    %dma_start3A_86 = tpu.memref_slice %arg3[%dma_start3A_84, %dma_start3A_85] : memref<10240x32xf32, #tpu.memory_space<hbm>> -> memref<10240x32xf32, #tpu.memory_space<hbm>>
    %dma_start3A_87 = tpu.memref_slice %arg11[%dma_start3A_76] : memref<10x!tpu.dma_semaphore, #tpu.memory_space<semaphore_mem>> -> memref<1x!tpu.dma_semaphore, #tpu.memory_space<semaphore_mem>>
    %dma_start3A_88 = tpu.memref_squeeze %dma_start3A_87 : memref<1x!tpu.dma_semaphore, #tpu.memory_space<semaphore_mem>> -> memref<!tpu.dma_semaphore, #tpu.memory_space<semaphore_mem>>
    tpu.enqueue_indirect_dma source(%dma_start3A_86 : memref<10240x32xf32, #tpu.memory_space<hbm>>) target(%dma_start3A_80 : memref<80x32xf32, #tpu.memory_space<vmem>>) offsets(%dma_start3A_83 : memref<80xi32, #tpu.memory_space<vmem>>) semaphore(%dma_start3A_88 : memref<!tpu.dma_semaphore, #tpu.memory_space<semaphore_mem>>)
    %dma_start3A_89 = arith.constant 5 : i32
    %dma_start3A_90 = arith.constant 5 : i32
    %dma_start3A_91 = arith.constant 5 : i32
    %dma_start3A_92 = arith.constant 0 : i32
    %dma_start3A_93 = arith.constant 0 : i32
    %dma_start3A_94 = tpu.memref_slice %arg7[%dma_start3A_90, %dma_start3A_92, %dma_start3A_93] : memref<10x80x32xf32, #tpu.memory_space<vmem>> -> memref<1x80x32xf32, #tpu.memory_space<vmem>>
    %dma_start3A_95 = tpu.memref_squeeze %dma_start3A_94 : memref<1x80x32xf32, #tpu.memory_space<vmem>> -> memref<80x32xf32, #tpu.memory_space<vmem>>
    %dma_start3A_96 = arith.constant 0 : i32
    %dma_start3A_97 = tpu.memref_slice %arg5[%dma_start3A_89, %dma_start3A_96] : memref<125x80xi32, #tpu.memory_space<vmem>> -> memref<1x80xi32, #tpu.memory_space<vmem>>
    %dma_start3A_98 = tpu.memref_squeeze %dma_start3A_97 : memref<1x80xi32, #tpu.memory_space<vmem>> -> memref<80xi32, #tpu.memory_space<vmem>>
    %dma_start3A_99 = arith.constant 0 : i32
    %dma_start3A_100 = arith.constant 0 : i32
    %dma_start3A_101 = tpu.memref_slice %arg3[%dma_start3A_99, %dma_start3A_100] : memref<10240x32xf32, #tpu.memory_space<hbm>> -> memref<10240x32xf32, #tpu.memory_space<hbm>>
    %dma_start3A_102 = tpu.memref_slice %arg11[%dma_start3A_91] : memref<10x!tpu.dma_semaphore, #tpu.memory_space<semaphore_mem>> -> memref<1x!tpu.dma_semaphore, #tpu.memory_space<semaphore_mem>>
    %dma_start3A_103 = tpu.memref_squeeze %dma_start3A_102 : memref<1x!tpu.dma_semaphore, #tpu.memory_space<semaphore_mem>> -> memref<!tpu.dma_semaphore, #tpu.memory_space<semaphore_mem>>
    tpu.enqueue_indirect_dma source(%dma_start3A_101 : memref<10240x32xf32, #tpu.memory_space<hbm>>) target(%dma_start3A_95 : memref<80x32xf32, #tpu.memory_space<vmem>>) offsets(%dma_start3A_98 : memref<80xi32, #tpu.memory_space<vmem>>) semaphore(%dma_start3A_103 : memref<!tpu.dma_semaphore, #tpu.memory_space<semaphore_mem>>)
    %scan3A_104 = arith.constant 0 : i32
    %scan3A_105 = arith.constant 0 : i32
    %scan3A_106 = arith.constant 12 : i32
    %scan3A_107 = arith.addi %scan3A_105, %scan3A_106 : i32
    %scan3A_108 = arith.constant 1 : i32
    %scan3A_109 = scf.for %scan3A_422 = %scan3A_105 to %scan3A_107 step %scan3A_108 iter_args(%scan3A_423 = %scan3A_104) -> (i32)  : i32 {
      %mul3A_424 = arith.constant 10 : i32
      %mul3A_425 = arith.muli %scan3A_422, %mul3A_424 : i32
      %add3A_426 = arith.constant 0 : i32
      %add3A_427 = arith.addi %mul3A_425, %add3A_426 : i32
      %dma_wait3A_428 = arith.constant 0 : i32
      %dma_wait3A_429 = arith.constant 0 : i32
      %dma_wait3A_430 = arith.constant 0 : i32
      %dma_wait3A_431 = arith.constant 0 : i32
      %dma_wait3A_432 = tpu.memref_slice %arg7[%dma_wait3A_428, %dma_wait3A_430, %dma_wait3A_431] : memref<10x80x32xf32, #tpu.memory_space<vmem>> -> memref<1x80x32xf32, #tpu.memory_space<vmem>>
      %dma_wait3A_433 = tpu.memref_squeeze %dma_wait3A_432 : memref<1x80x32xf32, #tpu.memory_space<vmem>> -> memref<80x32xf32, #tpu.memory_space<vmem>>
      %dma_wait3A_434 = arith.constant 0 : i32
      %dma_wait3A_435 = tpu.memref_slice %arg5[%add3A_427, %dma_wait3A_434] : memref<125x80xi32, #tpu.memory_space<vmem>> -> memref<1x80xi32, #tpu.memory_space<vmem>>
      %dma_wait3A_436 = tpu.memref_squeeze %dma_wait3A_435 : memref<1x80xi32, #tpu.memory_space<vmem>> -> memref<80xi32, #tpu.memory_space<vmem>>
      %dma_wait3A_437 = arith.constant 0 : i32
      %dma_wait3A_438 = arith.constant 0 : i32
      %dma_wait3A_439 = tpu.memref_slice %arg3[%dma_wait3A_437, %dma_wait3A_438] : memref<10240x32xf32, #tpu.memory_space<hbm>> -> memref<10240x32xf32, #tpu.memory_space<hbm>>
      %dma_wait3A_440 = tpu.memref_slice %arg11[%dma_wait3A_429] : memref<10x!tpu.dma_semaphore, #tpu.memory_space<semaphore_mem>> -> memref<1x!tpu.dma_semaphore, #tpu.memory_space<semaphore_mem>>
      %dma_wait3A_441 = tpu.memref_squeeze %dma_wait3A_440 : memref<1x!tpu.dma_semaphore, #tpu.memory_space<semaphore_mem>> -> memref<!tpu.dma_semaphore, #tpu.memory_space<semaphore_mem>>
      tpu.wait_indirect_dma semaphore(%dma_wait3A_441 : memref<!tpu.dma_semaphore, #tpu.memory_space<semaphore_mem>>) src(%dma_wait3A_439 : memref<10240x32xf32, #tpu.memory_space<hbm>>) dst(%dma_wait3A_433 : memref<80x32xf32, #tpu.memory_space<vmem>>)
      %dma_start3A_442 = arith.constant 0 : i32
      %dma_start3A_443 = arith.constant 0 : i32
      %dma_start3A_444 = arith.constant 0 : i32
      %dma_start3A_445 = arith.constant 0 : i32
      %dma_start3A_446 = tpu.memref_slice %arg7[%dma_start3A_442, %dma_start3A_444, %dma_start3A_445] : memref<10x80x32xf32, #tpu.memory_space<vmem>> -> memref<1x80x32xf32, #tpu.memory_space<vmem>>
      %dma_start3A_447 = tpu.memref_squeeze %dma_start3A_446 : memref<1x80x32xf32, #tpu.memory_space<vmem>> -> memref<80x32xf32, #tpu.memory_space<vmem>>
      %dma_start3A_448 = arith.constant 0 : i32
      %dma_start3A_449 = tpu.memref_slice %arg6[%add3A_427, %dma_start3A_448] : memref<125x80xi32, #tpu.memory_space<vmem>> -> memref<1x80xi32, #tpu.memory_space<vmem>>
      %dma_start3A_450 = tpu.memref_squeeze %dma_start3A_449 : memref<1x80xi32, #tpu.memory_space<vmem>> -> memref<80xi32, #tpu.memory_space<vmem>>
      %dma_start3A_451 = arith.constant 0 : i32
      %dma_start3A_452 = arith.constant 0 : i32
      %dma_start3A_453 = tpu.memref_slice %arg10[%dma_start3A_451, %dma_start3A_452] : memref<10240x32xf32, #tpu.memory_space<vmem_shared>> -> memref<10240x32xf32, #tpu.memory_space<vmem_shared>>
      %dma_start3A_454 = tpu.memref_slice %arg12[%dma_start3A_443] : memref<10x!tpu.dma_semaphore, #tpu.memory_space<semaphore_mem>> -> memref<1x!tpu.dma_semaphore, #tpu.memory_space<semaphore_mem>>
      %dma_start3A_455 = tpu.memref_squeeze %dma_start3A_454 : memref<1x!tpu.dma_semaphore, #tpu.memory_space<semaphore_mem>> -> memref<!tpu.dma_semaphore, #tpu.memory_space<semaphore_mem>>
      tpu.enqueue_indirect_dma source(%dma_start3A_447 : memref<80x32xf32, #tpu.memory_space<vmem>>) target(%dma_start3A_453 : memref<10240x32xf32, #tpu.memory_space<vmem_shared>>) offsets(%dma_start3A_450 : memref<80xi32, #tpu.memory_space<vmem>>) semaphore(%dma_start3A_455 : memref<!tpu.dma_semaphore, #tpu.memory_space<semaphore_mem>>) {add = true}
      %add3A_456 = arith.constant 6 : i32
      %add3A_457 = arith.addi %add3A_427, %add3A_456 : i32
      %lt3A = arith.constant 125 : i32
      %lt3A_458 = arith.cmpi slt, %add3A_457, %lt3A : i32
      %convert_element_type3A = arith.extui %lt3A_458 : i1 to i32
      %cond3A = arith.constant 0 : i32
      %cond3A_459 = arith.cmpi ne, %convert_element_type3A, %cond3A : i32
      scf.if %cond3A_459 {
        %ge3A = arith.constant 4 : i32
        %ge3A_812 = arith.cmpi sge, %add3A_427, %ge3A : i32
        %convert_element_type3A_813 = arith.extui %ge3A_812 : i1 to i32
        %cond3A_814 = arith.constant 0 : i32
        %cond3A_815 = arith.cmpi ne, %convert_element_type3A_813, %cond3A_814 : i32
        scf.if %cond3A_815 {
          %dma_wait3A_830 = arith.constant 6 : i32
          %dma_wait3A_831 = arith.constant 6 : i32
          %dma_wait3A_832 = arith.constant 0 : i32
          %dma_wait3A_833 = arith.constant 0 : i32
          %dma_wait3A_834 = tpu.memref_slice %arg7[%dma_wait3A_830, %dma_wait3A_832, %dma_wait3A_833] : memref<10x80x32xf32, #tpu.memory_space<vmem>> -> memref<1x80x32xf32, #tpu.memory_space<vmem>>
          %dma_wait3A_835 = tpu.memref_squeeze %dma_wait3A_834 : memref<1x80x32xf32, #tpu.memory_space<vmem>> -> memref<80x32xf32, #tpu.memory_space<vmem>>
          %dma_wait3A_836 = arith.constant 0 : i32
          %dma_wait3A_837 = tpu.memref_slice %arg6[%add3A_427, %dma_wait3A_836] : memref<125x80xi32, #tpu.memory_space<vmem>> -> memref<1x80xi32, #tpu.memory_space<vmem>>
          %dma_wait3A_838 = tpu.memref_squeeze %dma_wait3A_837 : memref<1x80xi32, #tpu.memory_space<vmem>> -> memref<80xi32, #tpu.memory_space<vmem>>
          %dma_wait3A_839 = arith.constant 0 : i32
          %dma_wait3A_840 = arith.constant 0 : i32
          %dma_wait3A_841 = tpu.memref_slice %arg10[%dma_wait3A_839, %dma_wait3A_840] : memref<10240x32xf32, #tpu.memory_space<vmem_shared>> -> memref<10240x32xf32, #tpu.memory_space<vmem_shared>>
          %dma_wait3A_842 = tpu.memref_slice %arg12[%dma_wait3A_831] : memref<10x!tpu.dma_semaphore, #tpu.memory_space<semaphore_mem>> -> memref<1x!tpu.dma_semaphore, #tpu.memory_space<semaphore_mem>>
          %dma_wait3A_843 = tpu.memref_squeeze %dma_wait3A_842 : memref<1x!tpu.dma_semaphore, #tpu.memory_space<semaphore_mem>> -> memref<!tpu.dma_semaphore, #tpu.memory_space<semaphore_mem>>
          tpu.wait_indirect_dma semaphore(%dma_wait3A_843 : memref<!tpu.dma_semaphore, #tpu.memory_space<semaphore_mem>>) src(%dma_wait3A_835 : memref<80x32xf32, #tpu.memory_space<vmem>>) dst(%dma_wait3A_841 : memref<10240x32xf32, #tpu.memory_space<vmem_shared>>)
        } else {
        }
        %dma_start3A_816 = arith.constant 6 : i32
        %dma_start3A_817 = arith.constant 6 : i32
        %dma_start3A_818 = arith.constant 0 : i32
        %dma_start3A_819 = arith.constant 0 : i32
        %dma_start3A_820 = tpu.memref_slice %arg7[%dma_start3A_816, %dma_start3A_818, %dma_start3A_819] : memref<10x80x32xf32, #tpu.memory_space<vmem>> -> memref<1x80x32xf32, #tpu.memory_space<vmem>>
        %dma_start3A_821 = tpu.memref_squeeze %dma_start3A_820 : memref<1x80x32xf32, #tpu.memory_space<vmem>> -> memref<80x32xf32, #tpu.memory_space<vmem>>
        %dma_start3A_822 = arith.constant 0 : i32
        %dma_start3A_823 = tpu.memref_slice %arg5[%add3A_457, %dma_start3A_822] : memref<125x80xi32, #tpu.memory_space<vmem>> -> memref<1x80xi32, #tpu.memory_space<vmem>>
        %dma_start3A_824 = tpu.memref_squeeze %dma_start3A_823 : memref<1x80xi32, #tpu.memory_space<vmem>> -> memref<80xi32, #tpu.memory_space<vmem>>
        %dma_start3A_825 = arith.constant 0 : i32
        %dma_start3A_826 = arith.constant 0 : i32
        %dma_start3A_827 = tpu.memref_slice %arg3[%dma_start3A_825, %dma_start3A_826] : memref<10240x32xf32, #tpu.memory_space<hbm>> -> memref<10240x32xf32, #tpu.memory_space<hbm>>
        %dma_start3A_828 = tpu.memref_slice %arg11[%dma_start3A_817] : memref<10x!tpu.dma_semaphore, #tpu.memory_space<semaphore_mem>> -> memref<1x!tpu.dma_semaphore, #tpu.memory_space<semaphore_mem>>
        %dma_start3A_829 = tpu.memref_squeeze %dma_start3A_828 : memref<1x!tpu.dma_semaphore, #tpu.memory_space<semaphore_mem>> -> memref<!tpu.dma_semaphore, #tpu.memory_space<semaphore_mem>>
        tpu.enqueue_indirect_dma source(%dma_start3A_827 : memref<10240x32xf32, #tpu.memory_space<hbm>>) target(%dma_start3A_821 : memref<80x32xf32, #tpu.memory_space<vmem>>) offsets(%dma_start3A_824 : memref<80xi32, #tpu.memory_space<vmem>>) semaphore(%dma_start3A_829 : memref<!tpu.dma_semaphore, #tpu.memory_space<semaphore_mem>>)
      } else {
      }
      %mul3A_460 = arith.constant 10 : i32
      %mul3A_461 = arith.muli %scan3A_422, %mul3A_460 : i32
      %add3A_462 = arith.constant 1 : i32
      %add3A_463 = arith.addi %mul3A_461, %add3A_462 : i32
      %dma_wait3A_464 = arith.constant 1 : i32
      %dma_wait3A_465 = arith.constant 1 : i32
      %dma_wait3A_466 = arith.constant 0 : i32
      %dma_wait3A_467 = arith.constant 0 : i32
      %dma_wait3A_468 = tpu.memref_slice %arg7[%dma_wait3A_464, %dma_wait3A_466, %dma_wait3A_467] : memref<10x80x32xf32, #tpu.memory_space<vmem>> -> memref<1x80x32xf32, #tpu.memory_space<vmem>>
      %dma_wait3A_469 = tpu.memref_squeeze %dma_wait3A_468 : memref<1x80x32xf32, #tpu.memory_space<vmem>> -> memref<80x32xf32, #tpu.memory_space<vmem>>
      %dma_wait3A_470 = arith.constant 0 : i32
      %dma_wait3A_471 = tpu.memref_slice %arg5[%add3A_463, %dma_wait3A_470] : memref<125x80xi32, #tpu.memory_space<vmem>> -> memref<1x80xi32, #tpu.memory_space<vmem>>
      %dma_wait3A_472 = tpu.memref_squeeze %dma_wait3A_471 : memref<1x80xi32, #tpu.memory_space<vmem>> -> memref<80xi32, #tpu.memory_space<vmem>>
      %dma_wait3A_473 = arith.constant 0 : i32
      %dma_wait3A_474 = arith.constant 0 : i32
      %dma_wait3A_475 = tpu.memref_slice %arg3[%dma_wait3A_473, %dma_wait3A_474] : memref<10240x32xf32, #tpu.memory_space<hbm>> -> memref<10240x32xf32, #tpu.memory_space<hbm>>
      %dma_wait3A_476 = tpu.memref_slice %arg11[%dma_wait3A_465] : memref<10x!tpu.dma_semaphore, #tpu.memory_space<semaphore_mem>> -> memref<1x!tpu.dma_semaphore, #tpu.memory_space<semaphore_mem>>
      %dma_wait3A_477 = tpu.memref_squeeze %dma_wait3A_476 : memref<1x!tpu.dma_semaphore, #tpu.memory_space<semaphore_mem>> -> memref<!tpu.dma_semaphore, #tpu.memory_space<semaphore_mem>>
      tpu.wait_indirect_dma semaphore(%dma_wait3A_477 : memref<!tpu.dma_semaphore, #tpu.memory_space<semaphore_mem>>) src(%dma_wait3A_475 : memref<10240x32xf32, #tpu.memory_space<hbm>>) dst(%dma_wait3A_469 : memref<80x32xf32, #tpu.memory_space<vmem>>)
      %dma_start3A_478 = arith.constant 1 : i32
      %dma_start3A_479 = arith.constant 1 : i32
      %dma_start3A_480 = arith.constant 0 : i32
      %dma_start3A_481 = arith.constant 0 : i32
      %dma_start3A_482 = tpu.memref_slice %arg7[%dma_start3A_478, %dma_start3A_480, %dma_start3A_481] : memref<10x80x32xf32, #tpu.memory_space<vmem>> -> memref<1x80x32xf32, #tpu.memory_space<vmem>>
      %dma_start3A_483 = tpu.memref_squeeze %dma_start3A_482 : memref<1x80x32xf32, #tpu.memory_space<vmem>> -> memref<80x32xf32, #tpu.memory_space<vmem>>
      %dma_start3A_484 = arith.constant 0 : i32
      %dma_start3A_485 = tpu.memref_slice %arg6[%add3A_463, %dma_start3A_484] : memref<125x80xi32, #tpu.memory_space<vmem>> -> memref<1x80xi32, #tpu.memory_space<vmem>>
      %dma_start3A_486 = tpu.memref_squeeze %dma_start3A_485 : memref<1x80xi32, #tpu.memory_space<vmem>> -> memref<80xi32, #tpu.memory_space<vmem>>
      %dma_start3A_487 = arith.constant 0 : i32
      %dma_start3A_488 = arith.constant 0 : i32
      %dma_start3A_489 = tpu.memref_slice %arg10[%dma_start3A_487, %dma_start3A_488] : memref<10240x32xf32, #tpu.memory_space<vmem_shared>> -> memref<10240x32xf32, #tpu.memory_space<vmem_shared>>
      %dma_start3A_490 = tpu.memref_slice %arg12[%dma_start3A_479] : memref<10x!tpu.dma_semaphore, #tpu.memory_space<semaphore_mem>> -> memref<1x!tpu.dma_semaphore, #tpu.memory_space<semaphore_mem>>
      %dma_start3A_491 = tpu.memref_squeeze %dma_start3A_490 : memref<1x!tpu.dma_semaphore, #tpu.memory_space<semaphore_mem>> -> memref<!tpu.dma_semaphore, #tpu.memory_space<semaphore_mem>>
      tpu.enqueue_indirect_dma source(%dma_start3A_483 : memref<80x32xf32, #tpu.memory_space<vmem>>) target(%dma_start3A_489 : memref<10240x32xf32, #tpu.memory_space<vmem_shared>>) offsets(%dma_start3A_486 : memref<80xi32, #tpu.memory_space<vmem>>) semaphore(%dma_start3A_491 : memref<!tpu.dma_semaphore, #tpu.memory_space<semaphore_mem>>) {add = true}
      %add3A_492 = arith.constant 6 : i32
      %add3A_493 = arith.addi %add3A_463, %add3A_492 : i32
      %lt3A_494 = arith.constant 125 : i32
      %lt3A_495 = arith.cmpi slt, %add3A_493, %lt3A_494 : i32
      %convert_element_type3A_496 = arith.extui %lt3A_495 : i1 to i32
      %cond3A_497 = arith.constant 0 : i32
      %cond3A_498 = arith.cmpi ne, %convert_element_type3A_496, %cond3A_497 : i32
      scf.if %cond3A_498 {
        %ge3A = arith.constant 4 : i32
        %ge3A_812 = arith.cmpi sge, %add3A_463, %ge3A : i32
        %convert_element_type3A_813 = arith.extui %ge3A_812 : i1 to i32
        %cond3A_814 = arith.constant 0 : i32
        %cond3A_815 = arith.cmpi ne, %convert_element_type3A_813, %cond3A_814 : i32
        scf.if %cond3A_815 {
          %dma_wait3A_830 = arith.constant 7 : i32
          %dma_wait3A_831 = arith.constant 7 : i32
          %dma_wait3A_832 = arith.constant 0 : i32
          %dma_wait3A_833 = arith.constant 0 : i32
          %dma_wait3A_834 = tpu.memref_slice %arg7[%dma_wait3A_830, %dma_wait3A_832, %dma_wait3A_833] : memref<10x80x32xf32, #tpu.memory_space<vmem>> -> memref<1x80x32xf32, #tpu.memory_space<vmem>>
          %dma_wait3A_835 = tpu.memref_squeeze %dma_wait3A_834 : memref<1x80x32xf32, #tpu.memory_space<vmem>> -> memref<80x32xf32, #tpu.memory_space<vmem>>
          %dma_wait3A_836 = arith.constant 0 : i32
          %dma_wait3A_837 = tpu.memref_slice %arg6[%add3A_463, %dma_wait3A_836] : memref<125x80xi32, #tpu.memory_space<vmem>> -> memref<1x80xi32, #tpu.memory_space<vmem>>
          %dma_wait3A_838 = tpu.memref_squeeze %dma_wait3A_837 : memref<1x80xi32, #tpu.memory_space<vmem>> -> memref<80xi32, #tpu.memory_space<vmem>>
          %dma_wait3A_839 = arith.constant 0 : i32
          %dma_wait3A_840 = arith.constant 0 : i32
          %dma_wait3A_841 = tpu.memref_slice %arg10[%dma_wait3A_839, %dma_wait3A_840] : memref<10240x32xf32, #tpu.memory_space<vmem_shared>> -> memref<10240x32xf32, #tpu.memory_space<vmem_shared>>
          %dma_wait3A_842 = tpu.memref_slice %arg12[%dma_wait3A_831] : memref<10x!tpu.dma_semaphore, #tpu.memory_space<semaphore_mem>> -> memref<1x!tpu.dma_semaphore, #tpu.memory_space<semaphore_mem>>
          %dma_wait3A_843 = tpu.memref_squeeze %dma_wait3A_842 : memref<1x!tpu.dma_semaphore, #tpu.memory_space<semaphore_mem>> -> memref<!tpu.dma_semaphore, #tpu.memory_space<semaphore_mem>>
          tpu.wait_indirect_dma semaphore(%dma_wait3A_843 : memref<!tpu.dma_semaphore, #tpu.memory_space<semaphore_mem>>) src(%dma_wait3A_835 : memref<80x32xf32, #tpu.memory_space<vmem>>) dst(%dma_wait3A_841 : memref<10240x32xf32, #tpu.memory_space<vmem_shared>>)
        } else {
        }
        %dma_start3A_816 = arith.constant 7 : i32
        %dma_start3A_817 = arith.constant 7 : i32
        %dma_start3A_818 = arith.constant 0 : i32
        %dma_start3A_819 = arith.constant 0 : i32
        %dma_start3A_820 = tpu.memref_slice %arg7[%dma_start3A_816, %dma_start3A_818, %dma_start3A_819] : memref<10x80x32xf32, #tpu.memory_space<vmem>> -> memref<1x80x32xf32, #tpu.memory_space<vmem>>
        %dma_start3A_821 = tpu.memref_squeeze %dma_start3A_820 : memref<1x80x32xf32, #tpu.memory_space<vmem>> -> memref<80x32xf32, #tpu.memory_space<vmem>>
        %dma_start3A_822 = arith.constant 0 : i32
        %dma_start3A_823 = tpu.memref_slice %arg5[%add3A_493, %dma_start3A_822] : memref<125x80xi32, #tpu.memory_space<vmem>> -> memref<1x80xi32, #tpu.memory_space<vmem>>
        %dma_start3A_824 = tpu.memref_squeeze %dma_start3A_823 : memref<1x80xi32, #tpu.memory_space<vmem>> -> memref<80xi32, #tpu.memory_space<vmem>>
        %dma_start3A_825 = arith.constant 0 : i32
        %dma_start3A_826 = arith.constant 0 : i32
        %dma_start3A_827 = tpu.memref_slice %arg3[%dma_start3A_825, %dma_start3A_826] : memref<10240x32xf32, #tpu.memory_space<hbm>> -> memref<10240x32xf32, #tpu.memory_space<hbm>>
        %dma_start3A_828 = tpu.memref_slice %arg11[%dma_start3A_817] : memref<10x!tpu.dma_semaphore, #tpu.memory_space<semaphore_mem>> -> memref<1x!tpu.dma_semaphore, #tpu.memory_space<semaphore_mem>>
        %dma_start3A_829 = tpu.memref_squeeze %dma_start3A_828 : memref<1x!tpu.dma_semaphore, #tpu.memory_space<semaphore_mem>> -> memref<!tpu.dma_semaphore, #tpu.memory_space<semaphore_mem>>
        tpu.enqueue_indirect_dma source(%dma_start3A_827 : memref<10240x32xf32, #tpu.memory_space<hbm>>) target(%dma_start3A_821 : memref<80x32xf32, #tpu.memory_space<vmem>>) offsets(%dma_start3A_824 : memref<80xi32, #tpu.memory_space<vmem>>) semaphore(%dma_start3A_829 : memref<!tpu.dma_semaphore, #tpu.memory_space<semaphore_mem>>)
      } else {
      }
      %mul3A_499 = arith.constant 10 : i32
      %mul3A_500 = arith.muli %scan3A_422, %mul3A_499 : i32
      %add3A_501 = arith.constant 2 : i32
      %add3A_502 = arith.addi %mul3A_500, %add3A_501 : i32
      %dma_wait3A_503 = arith.constant 2 : i32
      %dma_wait3A_504 = arith.constant 2 : i32
      %dma_wait3A_505 = arith.constant 0 : i32
      %dma_wait3A_506 = arith.constant 0 : i32
      %dma_wait3A_507 = tpu.memref_slice %arg7[%dma_wait3A_503, %dma_wait3A_505, %dma_wait3A_506] : memref<10x80x32xf32, #tpu.memory_space<vmem>> -> memref<1x80x32xf32, #tpu.memory_space<vmem>>
      %dma_wait3A_508 = tpu.memref_squeeze %dma_wait3A_507 : memref<1x80x32xf32, #tpu.memory_space<vmem>> -> memref<80x32xf32, #tpu.memory_space<vmem>>
      %dma_wait3A_509 = arith.constant 0 : i32
      %dma_wait3A_510 = tpu.memref_slice %arg5[%add3A_502, %dma_wait3A_509] : memref<125x80xi32, #tpu.memory_space<vmem>> -> memref<1x80xi32, #tpu.memory_space<vmem>>
      %dma_wait3A_511 = tpu.memref_squeeze %dma_wait3A_510 : memref<1x80xi32, #tpu.memory_space<vmem>> -> memref<80xi32, #tpu.memory_space<vmem>>
      %dma_wait3A_512 = arith.constant 0 : i32
      %dma_wait3A_513 = arith.constant 0 : i32
      %dma_wait3A_514 = tpu.memref_slice %arg3[%dma_wait3A_512, %dma_wait3A_513] : memref<10240x32xf32, #tpu.memory_space<hbm>> -> memref<10240x32xf32, #tpu.memory_space<hbm>>
      %dma_wait3A_515 = tpu.memref_slice %arg11[%dma_wait3A_504] : memref<10x!tpu.dma_semaphore, #tpu.memory_space<semaphore_mem>> -> memref<1x!tpu.dma_semaphore, #tpu.memory_space<semaphore_mem>>
      %dma_wait3A_516 = tpu.memref_squeeze %dma_wait3A_515 : memref<1x!tpu.dma_semaphore, #tpu.memory_space<semaphore_mem>> -> memref<!tpu.dma_semaphore, #tpu.memory_space<semaphore_mem>>
      tpu.wait_indirect_dma semaphore(%dma_wait3A_516 : memref<!tpu.dma_semaphore, #tpu.memory_space<semaphore_mem>>) src(%dma_wait3A_514 : memref<10240x32xf32, #tpu.memory_space<hbm>>) dst(%dma_wait3A_508 : memref<80x32xf32, #tpu.memory_space<vmem>>)
      %dma_start3A_517 = arith.constant 2 : i32
      %dma_start3A_518 = arith.constant 2 : i32
      %dma_start3A_519 = arith.constant 0 : i32
      %dma_start3A_520 = arith.constant 0 : i32
      %dma_start3A_521 = tpu.memref_slice %arg7[%dma_start3A_517, %dma_start3A_519, %dma_start3A_520] : memref<10x80x32xf32, #tpu.memory_space<vmem>> -> memref<1x80x32xf32, #tpu.memory_space<vmem>>
      %dma_start3A_522 = tpu.memref_squeeze %dma_start3A_521 : memref<1x80x32xf32, #tpu.memory_space<vmem>> -> memref<80x32xf32, #tpu.memory_space<vmem>>
      %dma_start3A_523 = arith.constant 0 : i32
      %dma_start3A_524 = tpu.memref_slice %arg6[%add3A_502, %dma_start3A_523] : memref<125x80xi32, #tpu.memory_space<vmem>> -> memref<1x80xi32, #tpu.memory_space<vmem>>
      %dma_start3A_525 = tpu.memref_squeeze %dma_start3A_524 : memref<1x80xi32, #tpu.memory_space<vmem>> -> memref<80xi32, #tpu.memory_space<vmem>>
      %dma_start3A_526 = arith.constant 0 : i32
      %dma_start3A_527 = arith.constant 0 : i32
      %dma_start3A_528 = tpu.memref_slice %arg10[%dma_start3A_526, %dma_start3A_527] : memref<10240x32xf32, #tpu.memory_space<vmem_shared>> -> memref<10240x32xf32, #tpu.memory_space<vmem_shared>>
      %dma_start3A_529 = tpu.memref_slice %arg12[%dma_start3A_518] : memref<10x!tpu.dma_semaphore, #tpu.memory_space<semaphore_mem>> -> memref<1x!tpu.dma_semaphore, #tpu.memory_space<semaphore_mem>>
      %dma_start3A_530 = tpu.memref_squeeze %dma_start3A_529 : memref<1x!tpu.dma_semaphore, #tpu.memory_space<semaphore_mem>> -> memref<!tpu.dma_semaphore, #tpu.memory_space<semaphore_mem>>
      tpu.enqueue_indirect_dma source(%dma_start3A_522 : memref<80x32xf32, #tpu.memory_space<vmem>>) target(%dma_start3A_528 : memref<10240x32xf32, #tpu.memory_space<vmem_shared>>) offsets(%dma_start3A_525 : memref<80xi32, #tpu.memory_space<vmem>>) semaphore(%dma_start3A_530 : memref<!tpu.dma_semaphore, #tpu.memory_space<semaphore_mem>>) {add = true}
      %add3A_531 = arith.constant 6 : i32
      %add3A_532 = arith.addi %add3A_502, %add3A_531 : i32
      %lt3A_533 = arith.constant 125 : i32
      %lt3A_534 = arith.cmpi slt, %add3A_532, %lt3A_533 : i32
      %convert_element_type3A_535 = arith.extui %lt3A_534 : i1 to i32
      %cond3A_536 = arith.constant 0 : i32
      %cond3A_537 = arith.cmpi ne, %convert_element_type3A_535, %cond3A_536 : i32
      scf.if %cond3A_537 {
        %ge3A = arith.constant 4 : i32
        %ge3A_812 = arith.cmpi sge, %add3A_502, %ge3A : i32
        %convert_element_type3A_813 = arith.extui %ge3A_812 : i1 to i32
        %cond3A_814 = arith.constant 0 : i32
        %cond3A_815 = arith.cmpi ne, %convert_element_type3A_813, %cond3A_814 : i32
        scf.if %cond3A_815 {
          %dma_wait3A_830 = arith.constant 8 : i32
          %dma_wait3A_831 = arith.constant 8 : i32
          %dma_wait3A_832 = arith.constant 0 : i32
          %dma_wait3A_833 = arith.constant 0 : i32
          %dma_wait3A_834 = tpu.memref_slice %arg7[%dma_wait3A_830, %dma_wait3A_832, %dma_wait3A_833] : memref<10x80x32xf32, #tpu.memory_space<vmem>> -> memref<1x80x32xf32, #tpu.memory_space<vmem>>
          %dma_wait3A_835 = tpu.memref_squeeze %dma_wait3A_834 : memref<1x80x32xf32, #tpu.memory_space<vmem>> -> memref<80x32xf32, #tpu.memory_space<vmem>>
          %dma_wait3A_836 = arith.constant 0 : i32
          %dma_wait3A_837 = tpu.memref_slice %arg6[%add3A_502, %dma_wait3A_836] : memref<125x80xi32, #tpu.memory_space<vmem>> -> memref<1x80xi32, #tpu.memory_space<vmem>>
          %dma_wait3A_838 = tpu.memref_squeeze %dma_wait3A_837 : memref<1x80xi32, #tpu.memory_space<vmem>> -> memref<80xi32, #tpu.memory_space<vmem>>
          %dma_wait3A_839 = arith.constant 0 : i32
          %dma_wait3A_840 = arith.constant 0 : i32
          %dma_wait3A_841 = tpu.memref_slice %arg10[%dma_wait3A_839, %dma_wait3A_840] : memref<10240x32xf32, #tpu.memory_space<vmem_shared>> -> memref<10240x32xf32, #tpu.memory_space<vmem_shared>>
          %dma_wait3A_842 = tpu.memref_slice %arg12[%dma_wait3A_831] : memref<10x!tpu.dma_semaphore, #tpu.memory_space<semaphore_mem>> -> memref<1x!tpu.dma_semaphore, #tpu.memory_space<semaphore_mem>>
          %dma_wait3A_843 = tpu.memref_squeeze %dma_wait3A_842 : memref<1x!tpu.dma_semaphore, #tpu.memory_space<semaphore_mem>> -> memref<!tpu.dma_semaphore, #tpu.memory_space<semaphore_mem>>
          tpu.wait_indirect_dma semaphore(%dma_wait3A_843 : memref<!tpu.dma_semaphore, #tpu.memory_space<semaphore_mem>>) src(%dma_wait3A_835 : memref<80x32xf32, #tpu.memory_space<vmem>>) dst(%dma_wait3A_841 : memref<10240x32xf32, #tpu.memory_space<vmem_shared>>)
        } else {
        }
        %dma_start3A_816 = arith.constant 8 : i32
        %dma_start3A_817 = arith.constant 8 : i32
        %dma_start3A_818 = arith.constant 0 : i32
        %dma_start3A_819 = arith.constant 0 : i32
        %dma_start3A_820 = tpu.memref_slice %arg7[%dma_start3A_816, %dma_start3A_818, %dma_start3A_819] : memref<10x80x32xf32, #tpu.memory_space<vmem>> -> memref<1x80x32xf32, #tpu.memory_space<vmem>>
        %dma_start3A_821 = tpu.memref_squeeze %dma_start3A_820 : memref<1x80x32xf32, #tpu.memory_space<vmem>> -> memref<80x32xf32, #tpu.memory_space<vmem>>
        %dma_start3A_822 = arith.constant 0 : i32
        %dma_start3A_823 = tpu.memref_slice %arg5[%add3A_532, %dma_start3A_822] : memref<125x80xi32, #tpu.memory_space<vmem>> -> memref<1x80xi32, #tpu.memory_space<vmem>>
        %dma_start3A_824 = tpu.memref_squeeze %dma_start3A_823 : memref<1x80xi32, #tpu.memory_space<vmem>> -> memref<80xi32, #tpu.memory_space<vmem>>
        %dma_start3A_825 = arith.constant 0 : i32
        %dma_start3A_826 = arith.constant 0 : i32
        %dma_start3A_827 = tpu.memref_slice %arg3[%dma_start3A_825, %dma_start3A_826] : memref<10240x32xf32, #tpu.memory_space<hbm>> -> memref<10240x32xf32, #tpu.memory_space<hbm>>
        %dma_start3A_828 = tpu.memref_slice %arg11[%dma_start3A_817] : memref<10x!tpu.dma_semaphore, #tpu.memory_space<semaphore_mem>> -> memref<1x!tpu.dma_semaphore, #tpu.memory_space<semaphore_mem>>
        %dma_start3A_829 = tpu.memref_squeeze %dma_start3A_828 : memref<1x!tpu.dma_semaphore, #tpu.memory_space<semaphore_mem>> -> memref<!tpu.dma_semaphore, #tpu.memory_space<semaphore_mem>>
        tpu.enqueue_indirect_dma source(%dma_start3A_827 : memref<10240x32xf32, #tpu.memory_space<hbm>>) target(%dma_start3A_821 : memref<80x32xf32, #tpu.memory_space<vmem>>) offsets(%dma_start3A_824 : memref<80xi32, #tpu.memory_space<vmem>>) semaphore(%dma_start3A_829 : memref<!tpu.dma_semaphore, #tpu.memory_space<semaphore_mem>>)
      } else {
      }
      %mul3A_538 = arith.constant 10 : i32
      %mul3A_539 = arith.muli %scan3A_422, %mul3A_538 : i32
      %add3A_540 = arith.constant 3 : i32
      %add3A_541 = arith.addi %mul3A_539, %add3A_540 : i32
      %dma_wait3A_542 = arith.constant 3 : i32
      %dma_wait3A_543 = arith.constant 3 : i32
      %dma_wait3A_544 = arith.constant 0 : i32
      %dma_wait3A_545 = arith.constant 0 : i32
      %dma_wait3A_546 = tpu.memref_slice %arg7[%dma_wait3A_542, %dma_wait3A_544, %dma_wait3A_545] : memref<10x80x32xf32, #tpu.memory_space<vmem>> -> memref<1x80x32xf32, #tpu.memory_space<vmem>>
      %dma_wait3A_547 = tpu.memref_squeeze %dma_wait3A_546 : memref<1x80x32xf32, #tpu.memory_space<vmem>> -> memref<80x32xf32, #tpu.memory_space<vmem>>
      %dma_wait3A_548 = arith.constant 0 : i32
      %dma_wait3A_549 = tpu.memref_slice %arg5[%add3A_541, %dma_wait3A_548] : memref<125x80xi32, #tpu.memory_space<vmem>> -> memref<1x80xi32, #tpu.memory_space<vmem>>
      %dma_wait3A_550 = tpu.memref_squeeze %dma_wait3A_549 : memref<1x80xi32, #tpu.memory_space<vmem>> -> memref<80xi32, #tpu.memory_space<vmem>>
      %dma_wait3A_551 = arith.constant 0 : i32
      %dma_wait3A_552 = arith.constant 0 : i32
      %dma_wait3A_553 = tpu.memref_slice %arg3[%dma_wait3A_551, %dma_wait3A_552] : memref<10240x32xf32, #tpu.memory_space<hbm>> -> memref<10240x32xf32, #tpu.memory_space<hbm>>
      %dma_wait3A_554 = tpu.memref_slice %arg11[%dma_wait3A_543] : memref<10x!tpu.dma_semaphore, #tpu.memory_space<semaphore_mem>> -> memref<1x!tpu.dma_semaphore, #tpu.memory_space<semaphore_mem>>
      %dma_wait3A_555 = tpu.memref_squeeze %dma_wait3A_554 : memref<1x!tpu.dma_semaphore, #tpu.memory_space<semaphore_mem>> -> memref<!tpu.dma_semaphore, #tpu.memory_space<semaphore_mem>>
      tpu.wait_indirect_dma semaphore(%dma_wait3A_555 : memref<!tpu.dma_semaphore, #tpu.memory_space<semaphore_mem>>) src(%dma_wait3A_553 : memref<10240x32xf32, #tpu.memory_space<hbm>>) dst(%dma_wait3A_547 : memref<80x32xf32, #tpu.memory_space<vmem>>)
      %dma_start3A_556 = arith.constant 3 : i32
      %dma_start3A_557 = arith.constant 3 : i32
      %dma_start3A_558 = arith.constant 0 : i32
      %dma_start3A_559 = arith.constant 0 : i32
      %dma_start3A_560 = tpu.memref_slice %arg7[%dma_start3A_556, %dma_start3A_558, %dma_start3A_559] : memref<10x80x32xf32, #tpu.memory_space<vmem>> -> memref<1x80x32xf32, #tpu.memory_space<vmem>>
      %dma_start3A_561 = tpu.memref_squeeze %dma_start3A_560 : memref<1x80x32xf32, #tpu.memory_space<vmem>> -> memref<80x32xf32, #tpu.memory_space<vmem>>
      %dma_start3A_562 = arith.constant 0 : i32
      %dma_start3A_563 = tpu.memref_slice %arg6[%add3A_541, %dma_start3A_562] : memref<125x80xi32, #tpu.memory_space<vmem>> -> memref<1x80xi32, #tpu.memory_space<vmem>>
      %dma_start3A_564 = tpu.memref_squeeze %dma_start3A_563 : memref<1x80xi32, #tpu.memory_space<vmem>> -> memref<80xi32, #tpu.memory_space<vmem>>
      %dma_start3A_565 = arith.constant 0 : i32
      %dma_start3A_566 = arith.constant 0 : i32
      %dma_start3A_567 = tpu.memref_slice %arg10[%dma_start3A_565, %dma_start3A_566] : memref<10240x32xf32, #tpu.memory_space<vmem_shared>> -> memref<10240x32xf32, #tpu.memory_space<vmem_shared>>
      %dma_start3A_568 = tpu.memref_slice %arg12[%dma_start3A_557] : memref<10x!tpu.dma_semaphore, #tpu.memory_space<semaphore_mem>> -> memref<1x!tpu.dma_semaphore, #tpu.memory_space<semaphore_mem>>
      %dma_start3A_569 = tpu.memref_squeeze %dma_start3A_568 : memref<1x!tpu.dma_semaphore, #tpu.memory_space<semaphore_mem>> -> memref<!tpu.dma_semaphore, #tpu.memory_space<semaphore_mem>>
      tpu.enqueue_indirect_dma source(%dma_start3A_561 : memref<80x32xf32, #tpu.memory_space<vmem>>) target(%dma_start3A_567 : memref<10240x32xf32, #tpu.memory_space<vmem_shared>>) offsets(%dma_start3A_564 : memref<80xi32, #tpu.memory_space<vmem>>) semaphore(%dma_start3A_569 : memref<!tpu.dma_semaphore, #tpu.memory_space<semaphore_mem>>) {add = true}
      %add3A_570 = arith.constant 6 : i32
      %add3A_571 = arith.addi %add3A_541, %add3A_570 : i32
      %lt3A_572 = arith.constant 125 : i32
      %lt3A_573 = arith.cmpi slt, %add3A_571, %lt3A_572 : i32
      %convert_element_type3A_574 = arith.extui %lt3A_573 : i1 to i32
      %cond3A_575 = arith.constant 0 : i32
      %cond3A_576 = arith.cmpi ne, %convert_element_type3A_574, %cond3A_575 : i32
      scf.if %cond3A_576 {
        %ge3A = arith.constant 4 : i32
        %ge3A_812 = arith.cmpi sge, %add3A_541, %ge3A : i32
        %convert_element_type3A_813 = arith.extui %ge3A_812 : i1 to i32
        %cond3A_814 = arith.constant 0 : i32
        %cond3A_815 = arith.cmpi ne, %convert_element_type3A_813, %cond3A_814 : i32
        scf.if %cond3A_815 {
          %dma_wait3A_830 = arith.constant 9 : i32
          %dma_wait3A_831 = arith.constant 9 : i32
          %dma_wait3A_832 = arith.constant 0 : i32
          %dma_wait3A_833 = arith.constant 0 : i32
          %dma_wait3A_834 = tpu.memref_slice %arg7[%dma_wait3A_830, %dma_wait3A_832, %dma_wait3A_833] : memref<10x80x32xf32, #tpu.memory_space<vmem>> -> memref<1x80x32xf32, #tpu.memory_space<vmem>>
          %dma_wait3A_835 = tpu.memref_squeeze %dma_wait3A_834 : memref<1x80x32xf32, #tpu.memory_space<vmem>> -> memref<80x32xf32, #tpu.memory_space<vmem>>
          %dma_wait3A_836 = arith.constant 0 : i32
          %dma_wait3A_837 = tpu.memref_slice %arg6[%add3A_541, %dma_wait3A_836] : memref<125x80xi32, #tpu.memory_space<vmem>> -> memref<1x80xi32, #tpu.memory_space<vmem>>
          %dma_wait3A_838 = tpu.memref_squeeze %dma_wait3A_837 : memref<1x80xi32, #tpu.memory_space<vmem>> -> memref<80xi32, #tpu.memory_space<vmem>>
          %dma_wait3A_839 = arith.constant 0 : i32
          %dma_wait3A_840 = arith.constant 0 : i32
          %dma_wait3A_841 = tpu.memref_slice %arg10[%dma_wait3A_839, %dma_wait3A_840] : memref<10240x32xf32, #tpu.memory_space<vmem_shared>> -> memref<10240x32xf32, #tpu.memory_space<vmem_shared>>
          %dma_wait3A_842 = tpu.memref_slice %arg12[%dma_wait3A_831] : memref<10x!tpu.dma_semaphore, #tpu.memory_space<semaphore_mem>> -> memref<1x!tpu.dma_semaphore, #tpu.memory_space<semaphore_mem>>
          %dma_wait3A_843 = tpu.memref_squeeze %dma_wait3A_842 : memref<1x!tpu.dma_semaphore, #tpu.memory_space<semaphore_mem>> -> memref<!tpu.dma_semaphore, #tpu.memory_space<semaphore_mem>>
          tpu.wait_indirect_dma semaphore(%dma_wait3A_843 : memref<!tpu.dma_semaphore, #tpu.memory_space<semaphore_mem>>) src(%dma_wait3A_835 : memref<80x32xf32, #tpu.memory_space<vmem>>) dst(%dma_wait3A_841 : memref<10240x32xf32, #tpu.memory_space<vmem_shared>>)
        } else {
        }
        %dma_start3A_816 = arith.constant 9 : i32
        %dma_start3A_817 = arith.constant 9 : i32
        %dma_start3A_818 = arith.constant 0 : i32
        %dma_start3A_819 = arith.constant 0 : i32
        %dma_start3A_820 = tpu.memref_slice %arg7[%dma_start3A_816, %dma_start3A_818, %dma_start3A_819] : memref<10x80x32xf32, #tpu.memory_space<vmem>> -> memref<1x80x32xf32, #tpu.memory_space<vmem>>
        %dma_start3A_821 = tpu.memref_squeeze %dma_start3A_820 : memref<1x80x32xf32, #tpu.memory_space<vmem>> -> memref<80x32xf32, #tpu.memory_space<vmem>>
        %dma_start3A_822 = arith.constant 0 : i32
        %dma_start3A_823 = tpu.memref_slice %arg5[%add3A_571, %dma_start3A_822] : memref<125x80xi32, #tpu.memory_space<vmem>> -> memref<1x80xi32, #tpu.memory_space<vmem>>
        %dma_start3A_824 = tpu.memref_squeeze %dma_start3A_823 : memref<1x80xi32, #tpu.memory_space<vmem>> -> memref<80xi32, #tpu.memory_space<vmem>>
        %dma_start3A_825 = arith.constant 0 : i32
        %dma_start3A_826 = arith.constant 0 : i32
        %dma_start3A_827 = tpu.memref_slice %arg3[%dma_start3A_825, %dma_start3A_826] : memref<10240x32xf32, #tpu.memory_space<hbm>> -> memref<10240x32xf32, #tpu.memory_space<hbm>>
        %dma_start3A_828 = tpu.memref_slice %arg11[%dma_start3A_817] : memref<10x!tpu.dma_semaphore, #tpu.memory_space<semaphore_mem>> -> memref<1x!tpu.dma_semaphore, #tpu.memory_space<semaphore_mem>>
        %dma_start3A_829 = tpu.memref_squeeze %dma_start3A_828 : memref<1x!tpu.dma_semaphore, #tpu.memory_space<semaphore_mem>> -> memref<!tpu.dma_semaphore, #tpu.memory_space<semaphore_mem>>
        tpu.enqueue_indirect_dma source(%dma_start3A_827 : memref<10240x32xf32, #tpu.memory_space<hbm>>) target(%dma_start3A_821 : memref<80x32xf32, #tpu.memory_space<vmem>>) offsets(%dma_start3A_824 : memref<80xi32, #tpu.memory_space<vmem>>) semaphore(%dma_start3A_829 : memref<!tpu.dma_semaphore, #tpu.memory_space<semaphore_mem>>)
      } else {
      }
      %mul3A_577 = arith.constant 10 : i32
      %mul3A_578 = arith.muli %scan3A_422, %mul3A_577 : i32
      %add3A_579 = arith.constant 4 : i32
      %add3A_580 = arith.addi %mul3A_578, %add3A_579 : i32
      %dma_wait3A_581 = arith.constant 4 : i32
      %dma_wait3A_582 = arith.constant 4 : i32
      %dma_wait3A_583 = arith.constant 0 : i32
      %dma_wait3A_584 = arith.constant 0 : i32
      %dma_wait3A_585 = tpu.memref_slice %arg7[%dma_wait3A_581, %dma_wait3A_583, %dma_wait3A_584] : memref<10x80x32xf32, #tpu.memory_space<vmem>> -> memref<1x80x32xf32, #tpu.memory_space<vmem>>
      %dma_wait3A_586 = tpu.memref_squeeze %dma_wait3A_585 : memref<1x80x32xf32, #tpu.memory_space<vmem>> -> memref<80x32xf32, #tpu.memory_space<vmem>>
      %dma_wait3A_587 = arith.constant 0 : i32
      %dma_wait3A_588 = tpu.memref_slice %arg5[%add3A_580, %dma_wait3A_587] : memref<125x80xi32, #tpu.memory_space<vmem>> -> memref<1x80xi32, #tpu.memory_space<vmem>>
      %dma_wait3A_589 = tpu.memref_squeeze %dma_wait3A_588 : memref<1x80xi32, #tpu.memory_space<vmem>> -> memref<80xi32, #tpu.memory_space<vmem>>
      %dma_wait3A_590 = arith.constant 0 : i32
      %dma_wait3A_591 = arith.constant 0 : i32
      %dma_wait3A_592 = tpu.memref_slice %arg3[%dma_wait3A_590, %dma_wait3A_591] : memref<10240x32xf32, #tpu.memory_space<hbm>> -> memref<10240x32xf32, #tpu.memory_space<hbm>>
      %dma_wait3A_593 = tpu.memref_slice %arg11[%dma_wait3A_582] : memref<10x!tpu.dma_semaphore, #tpu.memory_space<semaphore_mem>> -> memref<1x!tpu.dma_semaphore, #tpu.memory_space<semaphore_mem>>
      %dma_wait3A_594 = tpu.memref_squeeze %dma_wait3A_593 : memref<1x!tpu.dma_semaphore, #tpu.memory_space<semaphore_mem>> -> memref<!tpu.dma_semaphore, #tpu.memory_space<semaphore_mem>>
      tpu.wait_indirect_dma semaphore(%dma_wait3A_594 : memref<!tpu.dma_semaphore, #tpu.memory_space<semaphore_mem>>) src(%dma_wait3A_592 : memref<10240x32xf32, #tpu.memory_space<hbm>>) dst(%dma_wait3A_586 : memref<80x32xf32, #tpu.memory_space<vmem>>)
      %dma_start3A_595 = arith.constant 4 : i32
      %dma_start3A_596 = arith.constant 4 : i32
      %dma_start3A_597 = arith.constant 0 : i32
      %dma_start3A_598 = arith.constant 0 : i32
      %dma_start3A_599 = tpu.memref_slice %arg7[%dma_start3A_595, %dma_start3A_597, %dma_start3A_598] : memref<10x80x32xf32, #tpu.memory_space<vmem>> -> memref<1x80x32xf32, #tpu.memory_space<vmem>>
      %dma_start3A_600 = tpu.memref_squeeze %dma_start3A_599 : memref<1x80x32xf32, #tpu.memory_space<vmem>> -> memref<80x32xf32, #tpu.memory_space<vmem>>
      %dma_start3A_601 = arith.constant 0 : i32
      %dma_start3A_602 = tpu.memref_slice %arg6[%add3A_580, %dma_start3A_601] : memref<125x80xi32, #tpu.memory_space<vmem>> -> memref<1x80xi32, #tpu.memory_space<vmem>>
      %dma_start3A_603 = tpu.memref_squeeze %dma_start3A_602 : memref<1x80xi32, #tpu.memory_space<vmem>> -> memref<80xi32, #tpu.memory_space<vmem>>
      %dma_start3A_604 = arith.constant 0 : i32
      %dma_start3A_605 = arith.constant 0 : i32
      %dma_start3A_606 = tpu.memref_slice %arg10[%dma_start3A_604, %dma_start3A_605] : memref<10240x32xf32, #tpu.memory_space<vmem_shared>> -> memref<10240x32xf32, #tpu.memory_space<vmem_shared>>
      %dma_start3A_607 = tpu.memref_slice %arg12[%dma_start3A_596] : memref<10x!tpu.dma_semaphore, #tpu.memory_space<semaphore_mem>> -> memref<1x!tpu.dma_semaphore, #tpu.memory_space<semaphore_mem>>
      %dma_start3A_608 = tpu.memref_squeeze %dma_start3A_607 : memref<1x!tpu.dma_semaphore, #tpu.memory_space<semaphore_mem>> -> memref<!tpu.dma_semaphore, #tpu.memory_space<semaphore_mem>>
      tpu.enqueue_indirect_dma source(%dma_start3A_600 : memref<80x32xf32, #tpu.memory_space<vmem>>) target(%dma_start3A_606 : memref<10240x32xf32, #tpu.memory_space<vmem_shared>>) offsets(%dma_start3A_603 : memref<80xi32, #tpu.memory_space<vmem>>) semaphore(%dma_start3A_608 : memref<!tpu.dma_semaphore, #tpu.memory_space<semaphore_mem>>) {add = true}
      %add3A_609 = arith.constant 6 : i32
      %add3A_610 = arith.addi %add3A_580, %add3A_609 : i32
      %lt3A_611 = arith.constant 125 : i32
      %lt3A_612 = arith.cmpi slt, %add3A_610, %lt3A_611 : i32
      %convert_element_type3A_613 = arith.extui %lt3A_612 : i1 to i32
      %cond3A_614 = arith.constant 0 : i32
      %cond3A_615 = arith.cmpi ne, %convert_element_type3A_613, %cond3A_614 : i32
      scf.if %cond3A_615 {
        %ge3A = arith.constant 4 : i32
        %ge3A_812 = arith.cmpi sge, %add3A_580, %ge3A : i32
        %convert_element_type3A_813 = arith.extui %ge3A_812 : i1 to i32
        %cond3A_814 = arith.constant 0 : i32
        %cond3A_815 = arith.cmpi ne, %convert_element_type3A_813, %cond3A_814 : i32
        scf.if %cond3A_815 {
          %dma_wait3A_830 = arith.constant 0 : i32
          %dma_wait3A_831 = arith.constant 0 : i32
          %dma_wait3A_832 = arith.constant 0 : i32
          %dma_wait3A_833 = arith.constant 0 : i32
          %dma_wait3A_834 = tpu.memref_slice %arg7[%dma_wait3A_830, %dma_wait3A_832, %dma_wait3A_833] : memref<10x80x32xf32, #tpu.memory_space<vmem>> -> memref<1x80x32xf32, #tpu.memory_space<vmem>>
          %dma_wait3A_835 = tpu.memref_squeeze %dma_wait3A_834 : memref<1x80x32xf32, #tpu.memory_space<vmem>> -> memref<80x32xf32, #tpu.memory_space<vmem>>
          %dma_wait3A_836 = arith.constant 0 : i32
          %dma_wait3A_837 = tpu.memref_slice %arg6[%add3A_580, %dma_wait3A_836] : memref<125x80xi32, #tpu.memory_space<vmem>> -> memref<1x80xi32, #tpu.memory_space<vmem>>
          %dma_wait3A_838 = tpu.memref_squeeze %dma_wait3A_837 : memref<1x80xi32, #tpu.memory_space<vmem>> -> memref<80xi32, #tpu.memory_space<vmem>>
          %dma_wait3A_839 = arith.constant 0 : i32
          %dma_wait3A_840 = arith.constant 0 : i32
          %dma_wait3A_841 = tpu.memref_slice %arg10[%dma_wait3A_839, %dma_wait3A_840] : memref<10240x32xf32, #tpu.memory_space<vmem_shared>> -> memref<10240x32xf32, #tpu.memory_space<vmem_shared>>
          %dma_wait3A_842 = tpu.memref_slice %arg12[%dma_wait3A_831] : memref<10x!tpu.dma_semaphore, #tpu.memory_space<semaphore_mem>> -> memref<1x!tpu.dma_semaphore, #tpu.memory_space<semaphore_mem>>
          %dma_wait3A_843 = tpu.memref_squeeze %dma_wait3A_842 : memref<1x!tpu.dma_semaphore, #tpu.memory_space<semaphore_mem>> -> memref<!tpu.dma_semaphore, #tpu.memory_space<semaphore_mem>>
          tpu.wait_indirect_dma semaphore(%dma_wait3A_843 : memref<!tpu.dma_semaphore, #tpu.memory_space<semaphore_mem>>) src(%dma_wait3A_835 : memref<80x32xf32, #tpu.memory_space<vmem>>) dst(%dma_wait3A_841 : memref<10240x32xf32, #tpu.memory_space<vmem_shared>>)
        } else {
        }
        %dma_start3A_816 = arith.constant 0 : i32
        %dma_start3A_817 = arith.constant 0 : i32
        %dma_start3A_818 = arith.constant 0 : i32
        %dma_start3A_819 = arith.constant 0 : i32
        %dma_start3A_820 = tpu.memref_slice %arg7[%dma_start3A_816, %dma_start3A_818, %dma_start3A_819] : memref<10x80x32xf32, #tpu.memory_space<vmem>> -> memref<1x80x32xf32, #tpu.memory_space<vmem>>
        %dma_start3A_821 = tpu.memref_squeeze %dma_start3A_820 : memref<1x80x32xf32, #tpu.memory_space<vmem>> -> memref<80x32xf32, #tpu.memory_space<vmem>>
        %dma_start3A_822 = arith.constant 0 : i32
        %dma_start3A_823 = tpu.memref_slice %arg5[%add3A_610, %dma_start3A_822] : memref<125x80xi32, #tpu.memory_space<vmem>> -> memref<1x80xi32, #tpu.memory_space<vmem>>
        %dma_start3A_824 = tpu.memref_squeeze %dma_start3A_823 : memref<1x80xi32, #tpu.memory_space<vmem>> -> memref<80xi32, #tpu.memory_space<vmem>>
        %dma_start3A_825 = arith.constant 0 : i32
        %dma_start3A_826 = arith.constant 0 : i32
        %dma_start3A_827 = tpu.memref_slice %arg3[%dma_start3A_825, %dma_start3A_826] : memref<10240x32xf32, #tpu.memory_space<hbm>> -> memref<10240x32xf32, #tpu.memory_space<hbm>>
        %dma_start3A_828 = tpu.memref_slice %arg11[%dma_start3A_817] : memref<10x!tpu.dma_semaphore, #tpu.memory_space<semaphore_mem>> -> memref<1x!tpu.dma_semaphore, #tpu.memory_space<semaphore_mem>>
        %dma_start3A_829 = tpu.memref_squeeze %dma_start3A_828 : memref<1x!tpu.dma_semaphore, #tpu.memory_space<semaphore_mem>> -> memref<!tpu.dma_semaphore, #tpu.memory_space<semaphore_mem>>
        tpu.enqueue_indirect_dma source(%dma_start3A_827 : memref<10240x32xf32, #tpu.memory_space<hbm>>) target(%dma_start3A_821 : memref<80x32xf32, #tpu.memory_space<vmem>>) offsets(%dma_start3A_824 : memref<80xi32, #tpu.memory_space<vmem>>) semaphore(%dma_start3A_829 : memref<!tpu.dma_semaphore, #tpu.memory_space<semaphore_mem>>)
      } else {
      }
      %mul3A_616 = arith.constant 10 : i32
      %mul3A_617 = arith.muli %scan3A_422, %mul3A_616 : i32
      %add3A_618 = arith.constant 5 : i32
      %add3A_619 = arith.addi %mul3A_617, %add3A_618 : i32
      %dma_wait3A_620 = arith.constant 5 : i32
      %dma_wait3A_621 = arith.constant 5 : i32
      %dma_wait3A_622 = arith.constant 0 : i32
      %dma_wait3A_623 = arith.constant 0 : i32
      %dma_wait3A_624 = tpu.memref_slice %arg7[%dma_wait3A_620, %dma_wait3A_622, %dma_wait3A_623] : memref<10x80x32xf32, #tpu.memory_space<vmem>> -> memref<1x80x32xf32, #tpu.memory_space<vmem>>
      %dma_wait3A_625 = tpu.memref_squeeze %dma_wait3A_624 : memref<1x80x32xf32, #tpu.memory_space<vmem>> -> memref<80x32xf32, #tpu.memory_space<vmem>>
      %dma_wait3A_626 = arith.constant 0 : i32
      %dma_wait3A_627 = tpu.memref_slice %arg5[%add3A_619, %dma_wait3A_626] : memref<125x80xi32, #tpu.memory_space<vmem>> -> memref<1x80xi32, #tpu.memory_space<vmem>>
      %dma_wait3A_628 = tpu.memref_squeeze %dma_wait3A_627 : memref<1x80xi32, #tpu.memory_space<vmem>> -> memref<80xi32, #tpu.memory_space<vmem>>
      %dma_wait3A_629 = arith.constant 0 : i32
      %dma_wait3A_630 = arith.constant 0 : i32
      %dma_wait3A_631 = tpu.memref_slice %arg3[%dma_wait3A_629, %dma_wait3A_630] : memref<10240x32xf32, #tpu.memory_space<hbm>> -> memref<10240x32xf32, #tpu.memory_space<hbm>>
      %dma_wait3A_632 = tpu.memref_slice %arg11[%dma_wait3A_621] : memref<10x!tpu.dma_semaphore, #tpu.memory_space<semaphore_mem>> -> memref<1x!tpu.dma_semaphore, #tpu.memory_space<semaphore_mem>>
      %dma_wait3A_633 = tpu.memref_squeeze %dma_wait3A_632 : memref<1x!tpu.dma_semaphore, #tpu.memory_space<semaphore_mem>> -> memref<!tpu.dma_semaphore, #tpu.memory_space<semaphore_mem>>
      tpu.wait_indirect_dma semaphore(%dma_wait3A_633 : memref<!tpu.dma_semaphore, #tpu.memory_space<semaphore_mem>>) src(%dma_wait3A_631 : memref<10240x32xf32, #tpu.memory_space<hbm>>) dst(%dma_wait3A_625 : memref<80x32xf32, #tpu.memory_space<vmem>>)
      %dma_start3A_634 = arith.constant 5 : i32
      %dma_start3A_635 = arith.constant 5 : i32
      %dma_start3A_636 = arith.constant 0 : i32
      %dma_start3A_637 = arith.constant 0 : i32
      %dma_start3A_638 = tpu.memref_slice %arg7[%dma_start3A_634, %dma_start3A_636, %dma_start3A_637] : memref<10x80x32xf32, #tpu.memory_space<vmem>> -> memref<1x80x32xf32, #tpu.memory_space<vmem>>
      %dma_start3A_639 = tpu.memref_squeeze %dma_start3A_638 : memref<1x80x32xf32, #tpu.memory_space<vmem>> -> memref<80x32xf32, #tpu.memory_space<vmem>>
      %dma_start3A_640 = arith.constant 0 : i32
      %dma_start3A_641 = tpu.memref_slice %arg6[%add3A_619, %dma_start3A_640] : memref<125x80xi32, #tpu.memory_space<vmem>> -> memref<1x80xi32, #tpu.memory_space<vmem>>
      %dma_start3A_642 = tpu.memref_squeeze %dma_start3A_641 : memref<1x80xi32, #tpu.memory_space<vmem>> -> memref<80xi32, #tpu.memory_space<vmem>>
      %dma_start3A_643 = arith.constant 0 : i32
      %dma_start3A_644 = arith.constant 0 : i32
      %dma_start3A_645 = tpu.memref_slice %arg10[%dma_start3A_643, %dma_start3A_644] : memref<10240x32xf32, #tpu.memory_space<vmem_shared>> -> memref<10240x32xf32, #tpu.memory_space<vmem_shared>>
      %dma_start3A_646 = tpu.memref_slice %arg12[%dma_start3A_635] : memref<10x!tpu.dma_semaphore, #tpu.memory_space<semaphore_mem>> -> memref<1x!tpu.dma_semaphore, #tpu.memory_space<semaphore_mem>>
      %dma_start3A_647 = tpu.memref_squeeze %dma_start3A_646 : memref<1x!tpu.dma_semaphore, #tpu.memory_space<semaphore_mem>> -> memref<!tpu.dma_semaphore, #tpu.memory_space<semaphore_mem>>
      tpu.enqueue_indirect_dma source(%dma_start3A_639 : memref<80x32xf32, #tpu.memory_space<vmem>>) target(%dma_start3A_645 : memref<10240x32xf32, #tpu.memory_space<vmem_shared>>) offsets(%dma_start3A_642 : memref<80xi32, #tpu.memory_space<vmem>>) semaphore(%dma_start3A_647 : memref<!tpu.dma_semaphore, #tpu.memory_space<semaphore_mem>>) {add = true}
      %add3A_648 = arith.constant 6 : i32
      %add3A_649 = arith.addi %add3A_619, %add3A_648 : i32
      %lt3A_650 = arith.constant 125 : i32
      %lt3A_651 = arith.cmpi slt, %add3A_649, %lt3A_650 : i32
      %convert_element_type3A_652 = arith.extui %lt3A_651 : i1 to i32
      %cond3A_653 = arith.constant 0 : i32
      %cond3A_654 = arith.cmpi ne, %convert_element_type3A_652, %cond3A_653 : i32
      scf.if %cond3A_654 {
        %ge3A = arith.constant 4 : i32
        %ge3A_812 = arith.cmpi sge, %add3A_619, %ge3A : i32
        %convert_element_type3A_813 = arith.extui %ge3A_812 : i1 to i32
        %cond3A_814 = arith.constant 0 : i32
        %cond3A_815 = arith.cmpi ne, %convert_element_type3A_813, %cond3A_814 : i32
        scf.if %cond3A_815 {
          %dma_wait3A_830 = arith.constant 1 : i32
          %dma_wait3A_831 = arith.constant 1 : i32
          %dma_wait3A_832 = arith.constant 0 : i32
          %dma_wait3A_833 = arith.constant 0 : i32
          %dma_wait3A_834 = tpu.memref_slice %arg7[%dma_wait3A_830, %dma_wait3A_832, %dma_wait3A_833] : memref<10x80x32xf32, #tpu.memory_space<vmem>> -> memref<1x80x32xf32, #tpu.memory_space<vmem>>
          %dma_wait3A_835 = tpu.memref_squeeze %dma_wait3A_834 : memref<1x80x32xf32, #tpu.memory_space<vmem>> -> memref<80x32xf32, #tpu.memory_space<vmem>>
          %dma_wait3A_836 = arith.constant 0 : i32
          %dma_wait3A_837 = tpu.memref_slice %arg6[%add3A_619, %dma_wait3A_836] : memref<125x80xi32, #tpu.memory_space<vmem>> -> memref<1x80xi32, #tpu.memory_space<vmem>>
          %dma_wait3A_838 = tpu.memref_squeeze %dma_wait3A_837 : memref<1x80xi32, #tpu.memory_space<vmem>> -> memref<80xi32, #tpu.memory_space<vmem>>
          %dma_wait3A_839 = arith.constant 0 : i32
          %dma_wait3A_840 = arith.constant 0 : i32
          %dma_wait3A_841 = tpu.memref_slice %arg10[%dma_wait3A_839, %dma_wait3A_840] : memref<10240x32xf32, #tpu.memory_space<vmem_shared>> -> memref<10240x32xf32, #tpu.memory_space<vmem_shared>>
          %dma_wait3A_842 = tpu.memref_slice %arg12[%dma_wait3A_831] : memref<10x!tpu.dma_semaphore, #tpu.memory_space<semaphore_mem>> -> memref<1x!tpu.dma_semaphore, #tpu.memory_space<semaphore_mem>>
          %dma_wait3A_843 = tpu.memref_squeeze %dma_wait3A_842 : memref<1x!tpu.dma_semaphore, #tpu.memory_space<semaphore_mem>> -> memref<!tpu.dma_semaphore, #tpu.memory_space<semaphore_mem>>
          tpu.wait_indirect_dma semaphore(%dma_wait3A_843 : memref<!tpu.dma_semaphore, #tpu.memory_space<semaphore_mem>>) src(%dma_wait3A_835 : memref<80x32xf32, #tpu.memory_space<vmem>>) dst(%dma_wait3A_841 : memref<10240x32xf32, #tpu.memory_space<vmem_shared>>)
        } else {
        }
        %dma_start3A_816 = arith.constant 1 : i32
        %dma_start3A_817 = arith.constant 1 : i32
        %dma_start3A_818 = arith.constant 0 : i32
        %dma_start3A_819 = arith.constant 0 : i32
        %dma_start3A_820 = tpu.memref_slice %arg7[%dma_start3A_816, %dma_start3A_818, %dma_start3A_819] : memref<10x80x32xf32, #tpu.memory_space<vmem>> -> memref<1x80x32xf32, #tpu.memory_space<vmem>>
        %dma_start3A_821 = tpu.memref_squeeze %dma_start3A_820 : memref<1x80x32xf32, #tpu.memory_space<vmem>> -> memref<80x32xf32, #tpu.memory_space<vmem>>
        %dma_start3A_822 = arith.constant 0 : i32
        %dma_start3A_823 = tpu.memref_slice %arg5[%add3A_649, %dma_start3A_822] : memref<125x80xi32, #tpu.memory_space<vmem>> -> memref<1x80xi32, #tpu.memory_space<vmem>>
        %dma_start3A_824 = tpu.memref_squeeze %dma_start3A_823 : memref<1x80xi32, #tpu.memory_space<vmem>> -> memref<80xi32, #tpu.memory_space<vmem>>
        %dma_start3A_825 = arith.constant 0 : i32
        %dma_start3A_826 = arith.constant 0 : i32
        %dma_start3A_827 = tpu.memref_slice %arg3[%dma_start3A_825, %dma_start3A_826] : memref<10240x32xf32, #tpu.memory_space<hbm>> -> memref<10240x32xf32, #tpu.memory_space<hbm>>
        %dma_start3A_828 = tpu.memref_slice %arg11[%dma_start3A_817] : memref<10x!tpu.dma_semaphore, #tpu.memory_space<semaphore_mem>> -> memref<1x!tpu.dma_semaphore, #tpu.memory_space<semaphore_mem>>
        %dma_start3A_829 = tpu.memref_squeeze %dma_start3A_828 : memref<1x!tpu.dma_semaphore, #tpu.memory_space<semaphore_mem>> -> memref<!tpu.dma_semaphore, #tpu.memory_space<semaphore_mem>>
        tpu.enqueue_indirect_dma source(%dma_start3A_827 : memref<10240x32xf32, #tpu.memory_space<hbm>>) target(%dma_start3A_821 : memref<80x32xf32, #tpu.memory_space<vmem>>) offsets(%dma_start3A_824 : memref<80xi32, #tpu.memory_space<vmem>>) semaphore(%dma_start3A_829 : memref<!tpu.dma_semaphore, #tpu.memory_space<semaphore_mem>>)
      } else {
      }
      %mul3A_655 = arith.constant 10 : i32
      %mul3A_656 = arith.muli %scan3A_422, %mul3A_655 : i32
      %add3A_657 = arith.constant 6 : i32
      %add3A_658 = arith.addi %mul3A_656, %add3A_657 : i32
      %dma_wait3A_659 = arith.constant 6 : i32
      %dma_wait3A_660 = arith.constant 6 : i32
      %dma_wait3A_661 = arith.constant 0 : i32
      %dma_wait3A_662 = arith.constant 0 : i32
      %dma_wait3A_663 = tpu.memref_slice %arg7[%dma_wait3A_659, %dma_wait3A_661, %dma_wait3A_662] : memref<10x80x32xf32, #tpu.memory_space<vmem>> -> memref<1x80x32xf32, #tpu.memory_space<vmem>>
      %dma_wait3A_664 = tpu.memref_squeeze %dma_wait3A_663 : memref<1x80x32xf32, #tpu.memory_space<vmem>> -> memref<80x32xf32, #tpu.memory_space<vmem>>
      %dma_wait3A_665 = arith.constant 0 : i32
      %dma_wait3A_666 = tpu.memref_slice %arg5[%add3A_658, %dma_wait3A_665] : memref<125x80xi32, #tpu.memory_space<vmem>> -> memref<1x80xi32, #tpu.memory_space<vmem>>
      %dma_wait3A_667 = tpu.memref_squeeze %dma_wait3A_666 : memref<1x80xi32, #tpu.memory_space<vmem>> -> memref<80xi32, #tpu.memory_space<vmem>>
      %dma_wait3A_668 = arith.constant 0 : i32
      %dma_wait3A_669 = arith.constant 0 : i32
      %dma_wait3A_670 = tpu.memref_slice %arg3[%dma_wait3A_668, %dma_wait3A_669] : memref<10240x32xf32, #tpu.memory_space<hbm>> -> memref<10240x32xf32, #tpu.memory_space<hbm>>
      %dma_wait3A_671 = tpu.memref_slice %arg11[%dma_wait3A_660] : memref<10x!tpu.dma_semaphore, #tpu.memory_space<semaphore_mem>> -> memref<1x!tpu.dma_semaphore, #tpu.memory_space<semaphore_mem>>
      %dma_wait3A_672 = tpu.memref_squeeze %dma_wait3A_671 : memref<1x!tpu.dma_semaphore, #tpu.memory_space<semaphore_mem>> -> memref<!tpu.dma_semaphore, #tpu.memory_space<semaphore_mem>>
      tpu.wait_indirect_dma semaphore(%dma_wait3A_672 : memref<!tpu.dma_semaphore, #tpu.memory_space<semaphore_mem>>) src(%dma_wait3A_670 : memref<10240x32xf32, #tpu.memory_space<hbm>>) dst(%dma_wait3A_664 : memref<80x32xf32, #tpu.memory_space<vmem>>)
      %dma_start3A_673 = arith.constant 6 : i32
      %dma_start3A_674 = arith.constant 6 : i32
      %dma_start3A_675 = arith.constant 0 : i32
      %dma_start3A_676 = arith.constant 0 : i32
      %dma_start3A_677 = tpu.memref_slice %arg7[%dma_start3A_673, %dma_start3A_675, %dma_start3A_676] : memref<10x80x32xf32, #tpu.memory_space<vmem>> -> memref<1x80x32xf32, #tpu.memory_space<vmem>>
      %dma_start3A_678 = tpu.memref_squeeze %dma_start3A_677 : memref<1x80x32xf32, #tpu.memory_space<vmem>> -> memref<80x32xf32, #tpu.memory_space<vmem>>
      %dma_start3A_679 = arith.constant 0 : i32
      %dma_start3A_680 = tpu.memref_slice %arg6[%add3A_658, %dma_start3A_679] : memref<125x80xi32, #tpu.memory_space<vmem>> -> memref<1x80xi32, #tpu.memory_space<vmem>>
      %dma_start3A_681 = tpu.memref_squeeze %dma_start3A_680 : memref<1x80xi32, #tpu.memory_space<vmem>> -> memref<80xi32, #tpu.memory_space<vmem>>
      %dma_start3A_682 = arith.constant 0 : i32
      %dma_start3A_683 = arith.constant 0 : i32
      %dma_start3A_684 = tpu.memref_slice %arg10[%dma_start3A_682, %dma_start3A_683] : memref<10240x32xf32, #tpu.memory_space<vmem_shared>> -> memref<10240x32xf32, #tpu.memory_space<vmem_shared>>
      %dma_start3A_685 = tpu.memref_slice %arg12[%dma_start3A_674] : memref<10x!tpu.dma_semaphore, #tpu.memory_space<semaphore_mem>> -> memref<1x!tpu.dma_semaphore, #tpu.memory_space<semaphore_mem>>
      %dma_start3A_686 = tpu.memref_squeeze %dma_start3A_685 : memref<1x!tpu.dma_semaphore, #tpu.memory_space<semaphore_mem>> -> memref<!tpu.dma_semaphore, #tpu.memory_space<semaphore_mem>>
      tpu.enqueue_indirect_dma source(%dma_start3A_678 : memref<80x32xf32, #tpu.memory_space<vmem>>) target(%dma_start3A_684 : memref<10240x32xf32, #tpu.memory_space<vmem_shared>>) offsets(%dma_start3A_681 : memref<80xi32, #tpu.memory_space<vmem>>) semaphore(%dma_start3A_686 : memref<!tpu.dma_semaphore, #tpu.memory_space<semaphore_mem>>) {add = true}
      %add3A_687 = arith.constant 6 : i32
      %add3A_688 = arith.addi %add3A_658, %add3A_687 : i32
      %lt3A_689 = arith.constant 125 : i32
      %lt3A_690 = arith.cmpi slt, %add3A_688, %lt3A_689 : i32
      %convert_element_type3A_691 = arith.extui %lt3A_690 : i1 to i32
      %cond3A_692 = arith.constant 0 : i32
      %cond3A_693 = arith.cmpi ne, %convert_element_type3A_691, %cond3A_692 : i32
      scf.if %cond3A_693 {
        %ge3A = arith.constant 4 : i32
        %ge3A_812 = arith.cmpi sge, %add3A_658, %ge3A : i32
        %convert_element_type3A_813 = arith.extui %ge3A_812 : i1 to i32
        %cond3A_814 = arith.constant 0 : i32
        %cond3A_815 = arith.cmpi ne, %convert_element_type3A_813, %cond3A_814 : i32
        scf.if %cond3A_815 {
          %dma_wait3A_830 = arith.constant 2 : i32
          %dma_wait3A_831 = arith.constant 2 : i32
          %dma_wait3A_832 = arith.constant 0 : i32
          %dma_wait3A_833 = arith.constant 0 : i32
          %dma_wait3A_834 = tpu.memref_slice %arg7[%dma_wait3A_830, %dma_wait3A_832, %dma_wait3A_833] : memref<10x80x32xf32, #tpu.memory_space<vmem>> -> memref<1x80x32xf32, #tpu.memory_space<vmem>>
          %dma_wait3A_835 = tpu.memref_squeeze %dma_wait3A_834 : memref<1x80x32xf32, #tpu.memory_space<vmem>> -> memref<80x32xf32, #tpu.memory_space<vmem>>
          %dma_wait3A_836 = arith.constant 0 : i32
          %dma_wait3A_837 = tpu.memref_slice %arg6[%add3A_658, %dma_wait3A_836] : memref<125x80xi32, #tpu.memory_space<vmem>> -> memref<1x80xi32, #tpu.memory_space<vmem>>
          %dma_wait3A_838 = tpu.memref_squeeze %dma_wait3A_837 : memref<1x80xi32, #tpu.memory_space<vmem>> -> memref<80xi32, #tpu.memory_space<vmem>>
          %dma_wait3A_839 = arith.constant 0 : i32
          %dma_wait3A_840 = arith.constant 0 : i32
          %dma_wait3A_841 = tpu.memref_slice %arg10[%dma_wait3A_839, %dma_wait3A_840] : memref<10240x32xf32, #tpu.memory_space<vmem_shared>> -> memref<10240x32xf32, #tpu.memory_space<vmem_shared>>
          %dma_wait3A_842 = tpu.memref_slice %arg12[%dma_wait3A_831] : memref<10x!tpu.dma_semaphore, #tpu.memory_space<semaphore_mem>> -> memref<1x!tpu.dma_semaphore, #tpu.memory_space<semaphore_mem>>
          %dma_wait3A_843 = tpu.memref_squeeze %dma_wait3A_842 : memref<1x!tpu.dma_semaphore, #tpu.memory_space<semaphore_mem>> -> memref<!tpu.dma_semaphore, #tpu.memory_space<semaphore_mem>>
          tpu.wait_indirect_dma semaphore(%dma_wait3A_843 : memref<!tpu.dma_semaphore, #tpu.memory_space<semaphore_mem>>) src(%dma_wait3A_835 : memref<80x32xf32, #tpu.memory_space<vmem>>) dst(%dma_wait3A_841 : memref<10240x32xf32, #tpu.memory_space<vmem_shared>>)
        } else {
        }
        %dma_start3A_816 = arith.constant 2 : i32
        %dma_start3A_817 = arith.constant 2 : i32
        %dma_start3A_818 = arith.constant 0 : i32
        %dma_start3A_819 = arith.constant 0 : i32
        %dma_start3A_820 = tpu.memref_slice %arg7[%dma_start3A_816, %dma_start3A_818, %dma_start3A_819] : memref<10x80x32xf32, #tpu.memory_space<vmem>> -> memref<1x80x32xf32, #tpu.memory_space<vmem>>
        %dma_start3A_821 = tpu.memref_squeeze %dma_start3A_820 : memref<1x80x32xf32, #tpu.memory_space<vmem>> -> memref<80x32xf32, #tpu.memory_space<vmem>>
        %dma_start3A_822 = arith.constant 0 : i32
        %dma_start3A_823 = tpu.memref_slice %arg5[%add3A_688, %dma_start3A_822] : memref<125x80xi32, #tpu.memory_space<vmem>> -> memref<1x80xi32, #tpu.memory_space<vmem>>
        %dma_start3A_824 = tpu.memref_squeeze %dma_start3A_823 : memref<1x80xi32, #tpu.memory_space<vmem>> -> memref<80xi32, #tpu.memory_space<vmem>>
        %dma_start3A_825 = arith.constant 0 : i32
        %dma_start3A_826 = arith.constant 0 : i32
        %dma_start3A_827 = tpu.memref_slice %arg3[%dma_start3A_825, %dma_start3A_826] : memref<10240x32xf32, #tpu.memory_space<hbm>> -> memref<10240x32xf32, #tpu.memory_space<hbm>>
        %dma_start3A_828 = tpu.memref_slice %arg11[%dma_start3A_817] : memref<10x!tpu.dma_semaphore, #tpu.memory_space<semaphore_mem>> -> memref<1x!tpu.dma_semaphore, #tpu.memory_space<semaphore_mem>>
        %dma_start3A_829 = tpu.memref_squeeze %dma_start3A_828 : memref<1x!tpu.dma_semaphore, #tpu.memory_space<semaphore_mem>> -> memref<!tpu.dma_semaphore, #tpu.memory_space<semaphore_mem>>
        tpu.enqueue_indirect_dma source(%dma_start3A_827 : memref<10240x32xf32, #tpu.memory_space<hbm>>) target(%dma_start3A_821 : memref<80x32xf32, #tpu.memory_space<vmem>>) offsets(%dma_start3A_824 : memref<80xi32, #tpu.memory_space<vmem>>) semaphore(%dma_start3A_829 : memref<!tpu.dma_semaphore, #tpu.memory_space<semaphore_mem>>)
      } else {
      }
      %mul3A_694 = arith.constant 10 : i32
      %mul3A_695 = arith.muli %scan3A_422, %mul3A_694 : i32
      %add3A_696 = arith.constant 7 : i32
      %add3A_697 = arith.addi %mul3A_695, %add3A_696 : i32
      %dma_wait3A_698 = arith.constant 7 : i32
      %dma_wait3A_699 = arith.constant 7 : i32
      %dma_wait3A_700 = arith.constant 0 : i32
      %dma_wait3A_701 = arith.constant 0 : i32
      %dma_wait3A_702 = tpu.memref_slice %arg7[%dma_wait3A_698, %dma_wait3A_700, %dma_wait3A_701] : memref<10x80x32xf32, #tpu.memory_space<vmem>> -> memref<1x80x32xf32, #tpu.memory_space<vmem>>
      %dma_wait3A_703 = tpu.memref_squeeze %dma_wait3A_702 : memref<1x80x32xf32, #tpu.memory_space<vmem>> -> memref<80x32xf32, #tpu.memory_space<vmem>>
      %dma_wait3A_704 = arith.constant 0 : i32
      %dma_wait3A_705 = tpu.memref_slice %arg5[%add3A_697, %dma_wait3A_704] : memref<125x80xi32, #tpu.memory_space<vmem>> -> memref<1x80xi32, #tpu.memory_space<vmem>>
      %dma_wait3A_706 = tpu.memref_squeeze %dma_wait3A_705 : memref<1x80xi32, #tpu.memory_space<vmem>> -> memref<80xi32, #tpu.memory_space<vmem>>
      %dma_wait3A_707 = arith.constant 0 : i32
      %dma_wait3A_708 = arith.constant 0 : i32
      %dma_wait3A_709 = tpu.memref_slice %arg3[%dma_wait3A_707, %dma_wait3A_708] : memref<10240x32xf32, #tpu.memory_space<hbm>> -> memref<10240x32xf32, #tpu.memory_space<hbm>>
      %dma_wait3A_710 = tpu.memref_slice %arg11[%dma_wait3A_699] : memref<10x!tpu.dma_semaphore, #tpu.memory_space<semaphore_mem>> -> memref<1x!tpu.dma_semaphore, #tpu.memory_space<semaphore_mem>>
      %dma_wait3A_711 = tpu.memref_squeeze %dma_wait3A_710 : memref<1x!tpu.dma_semaphore, #tpu.memory_space<semaphore_mem>> -> memref<!tpu.dma_semaphore, #tpu.memory_space<semaphore_mem>>
      tpu.wait_indirect_dma semaphore(%dma_wait3A_711 : memref<!tpu.dma_semaphore, #tpu.memory_space<semaphore_mem>>) src(%dma_wait3A_709 : memref<10240x32xf32, #tpu.memory_space<hbm>>) dst(%dma_wait3A_703 : memref<80x32xf32, #tpu.memory_space<vmem>>)
      %dma_start3A_712 = arith.constant 7 : i32
      %dma_start3A_713 = arith.constant 7 : i32
      %dma_start3A_714 = arith.constant 0 : i32
      %dma_start3A_715 = arith.constant 0 : i32
      %dma_start3A_716 = tpu.memref_slice %arg7[%dma_start3A_712, %dma_start3A_714, %dma_start3A_715] : memref<10x80x32xf32, #tpu.memory_space<vmem>> -> memref<1x80x32xf32, #tpu.memory_space<vmem>>
      %dma_start3A_717 = tpu.memref_squeeze %dma_start3A_716 : memref<1x80x32xf32, #tpu.memory_space<vmem>> -> memref<80x32xf32, #tpu.memory_space<vmem>>
      %dma_start3A_718 = arith.constant 0 : i32
      %dma_start3A_719 = tpu.memref_slice %arg6[%add3A_697, %dma_start3A_718] : memref<125x80xi32, #tpu.memory_space<vmem>> -> memref<1x80xi32, #tpu.memory_space<vmem>>
      %dma_start3A_720 = tpu.memref_squeeze %dma_start3A_719 : memref<1x80xi32, #tpu.memory_space<vmem>> -> memref<80xi32, #tpu.memory_space<vmem>>
      %dma_start3A_721 = arith.constant 0 : i32
      %dma_start3A_722 = arith.constant 0 : i32
      %dma_start3A_723 = tpu.memref_slice %arg10[%dma_start3A_721, %dma_start3A_722] : memref<10240x32xf32, #tpu.memory_space<vmem_shared>> -> memref<10240x32xf32, #tpu.memory_space<vmem_shared>>
      %dma_start3A_724 = tpu.memref_slice %arg12[%dma_start3A_713] : memref<10x!tpu.dma_semaphore, #tpu.memory_space<semaphore_mem>> -> memref<1x!tpu.dma_semaphore, #tpu.memory_space<semaphore_mem>>
      %dma_start3A_725 = tpu.memref_squeeze %dma_start3A_724 : memref<1x!tpu.dma_semaphore, #tpu.memory_space<semaphore_mem>> -> memref<!tpu.dma_semaphore, #tpu.memory_space<semaphore_mem>>
      tpu.enqueue_indirect_dma source(%dma_start3A_717 : memref<80x32xf32, #tpu.memory_space<vmem>>) target(%dma_start3A_723 : memref<10240x32xf32, #tpu.memory_space<vmem_shared>>) offsets(%dma_start3A_720 : memref<80xi32, #tpu.memory_space<vmem>>) semaphore(%dma_start3A_725 : memref<!tpu.dma_semaphore, #tpu.memory_space<semaphore_mem>>) {add = true}
      %add3A_726 = arith.constant 6 : i32
      %add3A_727 = arith.addi %add3A_697, %add3A_726 : i32
      %lt3A_728 = arith.constant 125 : i32
      %lt3A_729 = arith.cmpi slt, %add3A_727, %lt3A_728 : i32
      %convert_element_type3A_730 = arith.extui %lt3A_729 : i1 to i32
      %cond3A_731 = arith.constant 0 : i32
      %cond3A_732 = arith.cmpi ne, %convert_element_type3A_730, %cond3A_731 : i32
      scf.if %cond3A_732 {
        %ge3A = arith.constant 4 : i32
        %ge3A_812 = arith.cmpi sge, %add3A_697, %ge3A : i32
        %convert_element_type3A_813 = arith.extui %ge3A_812 : i1 to i32
        %cond3A_814 = arith.constant 0 : i32
        %cond3A_815 = arith.cmpi ne, %convert_element_type3A_813, %cond3A_814 : i32
        scf.if %cond3A_815 {
          %dma_wait3A_830 = arith.constant 3 : i32
          %dma_wait3A_831 = arith.constant 3 : i32
          %dma_wait3A_832 = arith.constant 0 : i32
          %dma_wait3A_833 = arith.constant 0 : i32
          %dma_wait3A_834 = tpu.memref_slice %arg7[%dma_wait3A_830, %dma_wait3A_832, %dma_wait3A_833] : memref<10x80x32xf32, #tpu.memory_space<vmem>> -> memref<1x80x32xf32, #tpu.memory_space<vmem>>
          %dma_wait3A_835 = tpu.memref_squeeze %dma_wait3A_834 : memref<1x80x32xf32, #tpu.memory_space<vmem>> -> memref<80x32xf32, #tpu.memory_space<vmem>>
          %dma_wait3A_836 = arith.constant 0 : i32
          %dma_wait3A_837 = tpu.memref_slice %arg6[%add3A_697, %dma_wait3A_836] : memref<125x80xi32, #tpu.memory_space<vmem>> -> memref<1x80xi32, #tpu.memory_space<vmem>>
          %dma_wait3A_838 = tpu.memref_squeeze %dma_wait3A_837 : memref<1x80xi32, #tpu.memory_space<vmem>> -> memref<80xi32, #tpu.memory_space<vmem>>
          %dma_wait3A_839 = arith.constant 0 : i32
          %dma_wait3A_840 = arith.constant 0 : i32
          %dma_wait3A_841 = tpu.memref_slice %arg10[%dma_wait3A_839, %dma_wait3A_840] : memref<10240x32xf32, #tpu.memory_space<vmem_shared>> -> memref<10240x32xf32, #tpu.memory_space<vmem_shared>>
          %dma_wait3A_842 = tpu.memref_slice %arg12[%dma_wait3A_831] : memref<10x!tpu.dma_semaphore, #tpu.memory_space<semaphore_mem>> -> memref<1x!tpu.dma_semaphore, #tpu.memory_space<semaphore_mem>>
          %dma_wait3A_843 = tpu.memref_squeeze %dma_wait3A_842 : memref<1x!tpu.dma_semaphore, #tpu.memory_space<semaphore_mem>> -> memref<!tpu.dma_semaphore, #tpu.memory_space<semaphore_mem>>
          tpu.wait_indirect_dma semaphore(%dma_wait3A_843 : memref<!tpu.dma_semaphore, #tpu.memory_space<semaphore_mem>>) src(%dma_wait3A_835 : memref<80x32xf32, #tpu.memory_space<vmem>>) dst(%dma_wait3A_841 : memref<10240x32xf32, #tpu.memory_space<vmem_shared>>)
        } else {
        }
        %dma_start3A_816 = arith.constant 3 : i32
        %dma_start3A_817 = arith.constant 3 : i32
        %dma_start3A_818 = arith.constant 0 : i32
        %dma_start3A_819 = arith.constant 0 : i32
        %dma_start3A_820 = tpu.memref_slice %arg7[%dma_start3A_816, %dma_start3A_818, %dma_start3A_819] : memref<10x80x32xf32, #tpu.memory_space<vmem>> -> memref<1x80x32xf32, #tpu.memory_space<vmem>>
        %dma_start3A_821 = tpu.memref_squeeze %dma_start3A_820 : memref<1x80x32xf32, #tpu.memory_space<vmem>> -> memref<80x32xf32, #tpu.memory_space<vmem>>
        %dma_start3A_822 = arith.constant 0 : i32
        %dma_start3A_823 = tpu.memref_slice %arg5[%add3A_727, %dma_start3A_822] : memref<125x80xi32, #tpu.memory_space<vmem>> -> memref<1x80xi32, #tpu.memory_space<vmem>>
        %dma_start3A_824 = tpu.memref_squeeze %dma_start3A_823 : memref<1x80xi32, #tpu.memory_space<vmem>> -> memref<80xi32, #tpu.memory_space<vmem>>
        %dma_start3A_825 = arith.constant 0 : i32
        %dma_start3A_826 = arith.constant 0 : i32
        %dma_start3A_827 = tpu.memref_slice %arg3[%dma_start3A_825, %dma_start3A_826] : memref<10240x32xf32, #tpu.memory_space<hbm>> -> memref<10240x32xf32, #tpu.memory_space<hbm>>
        %dma_start3A_828 = tpu.memref_slice %arg11[%dma_start3A_817] : memref<10x!tpu.dma_semaphore, #tpu.memory_space<semaphore_mem>> -> memref<1x!tpu.dma_semaphore, #tpu.memory_space<semaphore_mem>>
        %dma_start3A_829 = tpu.memref_squeeze %dma_start3A_828 : memref<1x!tpu.dma_semaphore, #tpu.memory_space<semaphore_mem>> -> memref<!tpu.dma_semaphore, #tpu.memory_space<semaphore_mem>>
        tpu.enqueue_indirect_dma source(%dma_start3A_827 : memref<10240x32xf32, #tpu.memory_space<hbm>>) target(%dma_start3A_821 : memref<80x32xf32, #tpu.memory_space<vmem>>) offsets(%dma_start3A_824 : memref<80xi32, #tpu.memory_space<vmem>>) semaphore(%dma_start3A_829 : memref<!tpu.dma_semaphore, #tpu.memory_space<semaphore_mem>>)
      } else {
      }
      %mul3A_733 = arith.constant 10 : i32
      %mul3A_734 = arith.muli %scan3A_422, %mul3A_733 : i32
      %add3A_735 = arith.constant 8 : i32
      %add3A_736 = arith.addi %mul3A_734, %add3A_735 : i32
      %dma_wait3A_737 = arith.constant 8 : i32
      %dma_wait3A_738 = arith.constant 8 : i32
      %dma_wait3A_739 = arith.constant 0 : i32
      %dma_wait3A_740 = arith.constant 0 : i32
      %dma_wait3A_741 = tpu.memref_slice %arg7[%dma_wait3A_737, %dma_wait3A_739, %dma_wait3A_740] : memref<10x80x32xf32, #tpu.memory_space<vmem>> -> memref<1x80x32xf32, #tpu.memory_space<vmem>>
      %dma_wait3A_742 = tpu.memref_squeeze %dma_wait3A_741 : memref<1x80x32xf32, #tpu.memory_space<vmem>> -> memref<80x32xf32, #tpu.memory_space<vmem>>
      %dma_wait3A_743 = arith.constant 0 : i32
      %dma_wait3A_744 = tpu.memref_slice %arg5[%add3A_736, %dma_wait3A_743] : memref<125x80xi32, #tpu.memory_space<vmem>> -> memref<1x80xi32, #tpu.memory_space<vmem>>
      %dma_wait3A_745 = tpu.memref_squeeze %dma_wait3A_744 : memref<1x80xi32, #tpu.memory_space<vmem>> -> memref<80xi32, #tpu.memory_space<vmem>>
      %dma_wait3A_746 = arith.constant 0 : i32
      %dma_wait3A_747 = arith.constant 0 : i32
      %dma_wait3A_748 = tpu.memref_slice %arg3[%dma_wait3A_746, %dma_wait3A_747] : memref<10240x32xf32, #tpu.memory_space<hbm>> -> memref<10240x32xf32, #tpu.memory_space<hbm>>
      %dma_wait3A_749 = tpu.memref_slice %arg11[%dma_wait3A_738] : memref<10x!tpu.dma_semaphore, #tpu.memory_space<semaphore_mem>> -> memref<1x!tpu.dma_semaphore, #tpu.memory_space<semaphore_mem>>
      %dma_wait3A_750 = tpu.memref_squeeze %dma_wait3A_749 : memref<1x!tpu.dma_semaphore, #tpu.memory_space<semaphore_mem>> -> memref<!tpu.dma_semaphore, #tpu.memory_space<semaphore_mem>>
      tpu.wait_indirect_dma semaphore(%dma_wait3A_750 : memref<!tpu.dma_semaphore, #tpu.memory_space<semaphore_mem>>) src(%dma_wait3A_748 : memref<10240x32xf32, #tpu.memory_space<hbm>>) dst(%dma_wait3A_742 : memref<80x32xf32, #tpu.memory_space<vmem>>)
      %dma_start3A_751 = arith.constant 8 : i32
      %dma_start3A_752 = arith.constant 8 : i32
      %dma_start3A_753 = arith.constant 0 : i32
      %dma_start3A_754 = arith.constant 0 : i32
      %dma_start3A_755 = tpu.memref_slice %arg7[%dma_start3A_751, %dma_start3A_753, %dma_start3A_754] : memref<10x80x32xf32, #tpu.memory_space<vmem>> -> memref<1x80x32xf32, #tpu.memory_space<vmem>>
      %dma_start3A_756 = tpu.memref_squeeze %dma_start3A_755 : memref<1x80x32xf32, #tpu.memory_space<vmem>> -> memref<80x32xf32, #tpu.memory_space<vmem>>
      %dma_start3A_757 = arith.constant 0 : i32
      %dma_start3A_758 = tpu.memref_slice %arg6[%add3A_736, %dma_start3A_757] : memref<125x80xi32, #tpu.memory_space<vmem>> -> memref<1x80xi32, #tpu.memory_space<vmem>>
      %dma_start3A_759 = tpu.memref_squeeze %dma_start3A_758 : memref<1x80xi32, #tpu.memory_space<vmem>> -> memref<80xi32, #tpu.memory_space<vmem>>
      %dma_start3A_760 = arith.constant 0 : i32
      %dma_start3A_761 = arith.constant 0 : i32
      %dma_start3A_762 = tpu.memref_slice %arg10[%dma_start3A_760, %dma_start3A_761] : memref<10240x32xf32, #tpu.memory_space<vmem_shared>> -> memref<10240x32xf32, #tpu.memory_space<vmem_shared>>
      %dma_start3A_763 = tpu.memref_slice %arg12[%dma_start3A_752] : memref<10x!tpu.dma_semaphore, #tpu.memory_space<semaphore_mem>> -> memref<1x!tpu.dma_semaphore, #tpu.memory_space<semaphore_mem>>
      %dma_start3A_764 = tpu.memref_squeeze %dma_start3A_763 : memref<1x!tpu.dma_semaphore, #tpu.memory_space<semaphore_mem>> -> memref<!tpu.dma_semaphore, #tpu.memory_space<semaphore_mem>>
      tpu.enqueue_indirect_dma source(%dma_start3A_756 : memref<80x32xf32, #tpu.memory_space<vmem>>) target(%dma_start3A_762 : memref<10240x32xf32, #tpu.memory_space<vmem_shared>>) offsets(%dma_start3A_759 : memref<80xi32, #tpu.memory_space<vmem>>) semaphore(%dma_start3A_764 : memref<!tpu.dma_semaphore, #tpu.memory_space<semaphore_mem>>) {add = true}
      %add3A_765 = arith.constant 6 : i32
      %add3A_766 = arith.addi %add3A_736, %add3A_765 : i32
      %lt3A_767 = arith.constant 125 : i32
      %lt3A_768 = arith.cmpi slt, %add3A_766, %lt3A_767 : i32
      %convert_element_type3A_769 = arith.extui %lt3A_768 : i1 to i32
      %cond3A_770 = arith.constant 0 : i32
      %cond3A_771 = arith.cmpi ne, %convert_element_type3A_769, %cond3A_770 : i32
      scf.if %cond3A_771 {
        %ge3A = arith.constant 4 : i32
        %ge3A_812 = arith.cmpi sge, %add3A_736, %ge3A : i32
        %convert_element_type3A_813 = arith.extui %ge3A_812 : i1 to i32
        %cond3A_814 = arith.constant 0 : i32
        %cond3A_815 = arith.cmpi ne, %convert_element_type3A_813, %cond3A_814 : i32
        scf.if %cond3A_815 {
          %dma_wait3A_830 = arith.constant 4 : i32
          %dma_wait3A_831 = arith.constant 4 : i32
          %dma_wait3A_832 = arith.constant 0 : i32
          %dma_wait3A_833 = arith.constant 0 : i32
          %dma_wait3A_834 = tpu.memref_slice %arg7[%dma_wait3A_830, %dma_wait3A_832, %dma_wait3A_833] : memref<10x80x32xf32, #tpu.memory_space<vmem>> -> memref<1x80x32xf32, #tpu.memory_space<vmem>>
          %dma_wait3A_835 = tpu.memref_squeeze %dma_wait3A_834 : memref<1x80x32xf32, #tpu.memory_space<vmem>> -> memref<80x32xf32, #tpu.memory_space<vmem>>
          %dma_wait3A_836 = arith.constant 0 : i32
          %dma_wait3A_837 = tpu.memref_slice %arg6[%add3A_736, %dma_wait3A_836] : memref<125x80xi32, #tpu.memory_space<vmem>> -> memref<1x80xi32, #tpu.memory_space<vmem>>
          %dma_wait3A_838 = tpu.memref_squeeze %dma_wait3A_837 : memref<1x80xi32, #tpu.memory_space<vmem>> -> memref<80xi32, #tpu.memory_space<vmem>>
          %dma_wait3A_839 = arith.constant 0 : i32
          %dma_wait3A_840 = arith.constant 0 : i32
          %dma_wait3A_841 = tpu.memref_slice %arg10[%dma_wait3A_839, %dma_wait3A_840] : memref<10240x32xf32, #tpu.memory_space<vmem_shared>> -> memref<10240x32xf32, #tpu.memory_space<vmem_shared>>
          %dma_wait3A_842 = tpu.memref_slice %arg12[%dma_wait3A_831] : memref<10x!tpu.dma_semaphore, #tpu.memory_space<semaphore_mem>> -> memref<1x!tpu.dma_semaphore, #tpu.memory_space<semaphore_mem>>
          %dma_wait3A_843 = tpu.memref_squeeze %dma_wait3A_842 : memref<1x!tpu.dma_semaphore, #tpu.memory_space<semaphore_mem>> -> memref<!tpu.dma_semaphore, #tpu.memory_space<semaphore_mem>>
          tpu.wait_indirect_dma semaphore(%dma_wait3A_843 : memref<!tpu.dma_semaphore, #tpu.memory_space<semaphore_mem>>) src(%dma_wait3A_835 : memref<80x32xf32, #tpu.memory_space<vmem>>) dst(%dma_wait3A_841 : memref<10240x32xf32, #tpu.memory_space<vmem_shared>>)
        } else {
        }
        %dma_start3A_816 = arith.constant 4 : i32
        %dma_start3A_817 = arith.constant 4 : i32
        %dma_start3A_818 = arith.constant 0 : i32
        %dma_start3A_819 = arith.constant 0 : i32
        %dma_start3A_820 = tpu.memref_slice %arg7[%dma_start3A_816, %dma_start3A_818, %dma_start3A_819] : memref<10x80x32xf32, #tpu.memory_space<vmem>> -> memref<1x80x32xf32, #tpu.memory_space<vmem>>
        %dma_start3A_821 = tpu.memref_squeeze %dma_start3A_820 : memref<1x80x32xf32, #tpu.memory_space<vmem>> -> memref<80x32xf32, #tpu.memory_space<vmem>>
        %dma_start3A_822 = arith.constant 0 : i32
        %dma_start3A_823 = tpu.memref_slice %arg5[%add3A_766, %dma_start3A_822] : memref<125x80xi32, #tpu.memory_space<vmem>> -> memref<1x80xi32, #tpu.memory_space<vmem>>
        %dma_start3A_824 = tpu.memref_squeeze %dma_start3A_823 : memref<1x80xi32, #tpu.memory_space<vmem>> -> memref<80xi32, #tpu.memory_space<vmem>>
        %dma_start3A_825 = arith.constant 0 : i32
        %dma_start3A_826 = arith.constant 0 : i32
        %dma_start3A_827 = tpu.memref_slice %arg3[%dma_start3A_825, %dma_start3A_826] : memref<10240x32xf32, #tpu.memory_space<hbm>> -> memref<10240x32xf32, #tpu.memory_space<hbm>>
        %dma_start3A_828 = tpu.memref_slice %arg11[%dma_start3A_817] : memref<10x!tpu.dma_semaphore, #tpu.memory_space<semaphore_mem>> -> memref<1x!tpu.dma_semaphore, #tpu.memory_space<semaphore_mem>>
        %dma_start3A_829 = tpu.memref_squeeze %dma_start3A_828 : memref<1x!tpu.dma_semaphore, #tpu.memory_space<semaphore_mem>> -> memref<!tpu.dma_semaphore, #tpu.memory_space<semaphore_mem>>
        tpu.enqueue_indirect_dma source(%dma_start3A_827 : memref<10240x32xf32, #tpu.memory_space<hbm>>) target(%dma_start3A_821 : memref<80x32xf32, #tpu.memory_space<vmem>>) offsets(%dma_start3A_824 : memref<80xi32, #tpu.memory_space<vmem>>) semaphore(%dma_start3A_829 : memref<!tpu.dma_semaphore, #tpu.memory_space<semaphore_mem>>)
      } else {
      }
      %mul3A_772 = arith.constant 10 : i32
      %mul3A_773 = arith.muli %scan3A_422, %mul3A_772 : i32
      %add3A_774 = arith.constant 9 : i32
      %add3A_775 = arith.addi %mul3A_773, %add3A_774 : i32
      %dma_wait3A_776 = arith.constant 9 : i32
      %dma_wait3A_777 = arith.constant 9 : i32
      %dma_wait3A_778 = arith.constant 0 : i32
      %dma_wait3A_779 = arith.constant 0 : i32
      %dma_wait3A_780 = tpu.memref_slice %arg7[%dma_wait3A_776, %dma_wait3A_778, %dma_wait3A_779] : memref<10x80x32xf32, #tpu.memory_space<vmem>> -> memref<1x80x32xf32, #tpu.memory_space<vmem>>
      %dma_wait3A_781 = tpu.memref_squeeze %dma_wait3A_780 : memref<1x80x32xf32, #tpu.memory_space<vmem>> -> memref<80x32xf32, #tpu.memory_space<vmem>>
      %dma_wait3A_782 = arith.constant 0 : i32
      %dma_wait3A_783 = tpu.memref_slice %arg5[%add3A_775, %dma_wait3A_782] : memref<125x80xi32, #tpu.memory_space<vmem>> -> memref<1x80xi32, #tpu.memory_space<vmem>>
      %dma_wait3A_784 = tpu.memref_squeeze %dma_wait3A_783 : memref<1x80xi32, #tpu.memory_space<vmem>> -> memref<80xi32, #tpu.memory_space<vmem>>
      %dma_wait3A_785 = arith.constant 0 : i32
      %dma_wait3A_786 = arith.constant 0 : i32
      %dma_wait3A_787 = tpu.memref_slice %arg3[%dma_wait3A_785, %dma_wait3A_786] : memref<10240x32xf32, #tpu.memory_space<hbm>> -> memref<10240x32xf32, #tpu.memory_space<hbm>>
      %dma_wait3A_788 = tpu.memref_slice %arg11[%dma_wait3A_777] : memref<10x!tpu.dma_semaphore, #tpu.memory_space<semaphore_mem>> -> memref<1x!tpu.dma_semaphore, #tpu.memory_space<semaphore_mem>>
      %dma_wait3A_789 = tpu.memref_squeeze %dma_wait3A_788 : memref<1x!tpu.dma_semaphore, #tpu.memory_space<semaphore_mem>> -> memref<!tpu.dma_semaphore, #tpu.memory_space<semaphore_mem>>
      tpu.wait_indirect_dma semaphore(%dma_wait3A_789 : memref<!tpu.dma_semaphore, #tpu.memory_space<semaphore_mem>>) src(%dma_wait3A_787 : memref<10240x32xf32, #tpu.memory_space<hbm>>) dst(%dma_wait3A_781 : memref<80x32xf32, #tpu.memory_space<vmem>>)
      %dma_start3A_790 = arith.constant 9 : i32
      %dma_start3A_791 = arith.constant 9 : i32
      %dma_start3A_792 = arith.constant 0 : i32
      %dma_start3A_793 = arith.constant 0 : i32
      %dma_start3A_794 = tpu.memref_slice %arg7[%dma_start3A_790, %dma_start3A_792, %dma_start3A_793] : memref<10x80x32xf32, #tpu.memory_space<vmem>> -> memref<1x80x32xf32, #tpu.memory_space<vmem>>
      %dma_start3A_795 = tpu.memref_squeeze %dma_start3A_794 : memref<1x80x32xf32, #tpu.memory_space<vmem>> -> memref<80x32xf32, #tpu.memory_space<vmem>>
      %dma_start3A_796 = arith.constant 0 : i32
      %dma_start3A_797 = tpu.memref_slice %arg6[%add3A_775, %dma_start3A_796] : memref<125x80xi32, #tpu.memory_space<vmem>> -> memref<1x80xi32, #tpu.memory_space<vmem>>
      %dma_start3A_798 = tpu.memref_squeeze %dma_start3A_797 : memref<1x80xi32, #tpu.memory_space<vmem>> -> memref<80xi32, #tpu.memory_space<vmem>>
      %dma_start3A_799 = arith.constant 0 : i32
      %dma_start3A_800 = arith.constant 0 : i32
      %dma_start3A_801 = tpu.memref_slice %arg10[%dma_start3A_799, %dma_start3A_800] : memref<10240x32xf32, #tpu.memory_space<vmem_shared>> -> memref<10240x32xf32, #tpu.memory_space<vmem_shared>>
      %dma_start3A_802 = tpu.memref_slice %arg12[%dma_start3A_791] : memref<10x!tpu.dma_semaphore, #tpu.memory_space<semaphore_mem>> -> memref<1x!tpu.dma_semaphore, #tpu.memory_space<semaphore_mem>>
      %dma_start3A_803 = tpu.memref_squeeze %dma_start3A_802 : memref<1x!tpu.dma_semaphore, #tpu.memory_space<semaphore_mem>> -> memref<!tpu.dma_semaphore, #tpu.memory_space<semaphore_mem>>
      tpu.enqueue_indirect_dma source(%dma_start3A_795 : memref<80x32xf32, #tpu.memory_space<vmem>>) target(%dma_start3A_801 : memref<10240x32xf32, #tpu.memory_space<vmem_shared>>) offsets(%dma_start3A_798 : memref<80xi32, #tpu.memory_space<vmem>>) semaphore(%dma_start3A_803 : memref<!tpu.dma_semaphore, #tpu.memory_space<semaphore_mem>>) {add = true}
      %add3A_804 = arith.constant 6 : i32
      %add3A_805 = arith.addi %add3A_775, %add3A_804 : i32
      %lt3A_806 = arith.constant 125 : i32
      %lt3A_807 = arith.cmpi slt, %add3A_805, %lt3A_806 : i32
      %convert_element_type3A_808 = arith.extui %lt3A_807 : i1 to i32
      %cond3A_809 = arith.constant 0 : i32
      %cond3A_810 = arith.cmpi ne, %convert_element_type3A_808, %cond3A_809 : i32
      scf.if %cond3A_810 {
        %ge3A = arith.constant 4 : i32
        %ge3A_812 = arith.cmpi sge, %add3A_775, %ge3A : i32
        %convert_element_type3A_813 = arith.extui %ge3A_812 : i1 to i32
        %cond3A_814 = arith.constant 0 : i32
        %cond3A_815 = arith.cmpi ne, %convert_element_type3A_813, %cond3A_814 : i32
        scf.if %cond3A_815 {
          %dma_wait3A_830 = arith.constant 5 : i32
          %dma_wait3A_831 = arith.constant 5 : i32
          %dma_wait3A_832 = arith.constant 0 : i32
          %dma_wait3A_833 = arith.constant 0 : i32
          %dma_wait3A_834 = tpu.memref_slice %arg7[%dma_wait3A_830, %dma_wait3A_832, %dma_wait3A_833] : memref<10x80x32xf32, #tpu.memory_space<vmem>> -> memref<1x80x32xf32, #tpu.memory_space<vmem>>
          %dma_wait3A_835 = tpu.memref_squeeze %dma_wait3A_834 : memref<1x80x32xf32, #tpu.memory_space<vmem>> -> memref<80x32xf32, #tpu.memory_space<vmem>>
          %dma_wait3A_836 = arith.constant 0 : i32
          %dma_wait3A_837 = tpu.memref_slice %arg6[%add3A_775, %dma_wait3A_836] : memref<125x80xi32, #tpu.memory_space<vmem>> -> memref<1x80xi32, #tpu.memory_space<vmem>>
          %dma_wait3A_838 = tpu.memref_squeeze %dma_wait3A_837 : memref<1x80xi32, #tpu.memory_space<vmem>> -> memref<80xi32, #tpu.memory_space<vmem>>
          %dma_wait3A_839 = arith.constant 0 : i32
          %dma_wait3A_840 = arith.constant 0 : i32
          %dma_wait3A_841 = tpu.memref_slice %arg10[%dma_wait3A_839, %dma_wait3A_840] : memref<10240x32xf32, #tpu.memory_space<vmem_shared>> -> memref<10240x32xf32, #tpu.memory_space<vmem_shared>>
          %dma_wait3A_842 = tpu.memref_slice %arg12[%dma_wait3A_831] : memref<10x!tpu.dma_semaphore, #tpu.memory_space<semaphore_mem>> -> memref<1x!tpu.dma_semaphore, #tpu.memory_space<semaphore_mem>>
          %dma_wait3A_843 = tpu.memref_squeeze %dma_wait3A_842 : memref<1x!tpu.dma_semaphore, #tpu.memory_space<semaphore_mem>> -> memref<!tpu.dma_semaphore, #tpu.memory_space<semaphore_mem>>
          tpu.wait_indirect_dma semaphore(%dma_wait3A_843 : memref<!tpu.dma_semaphore, #tpu.memory_space<semaphore_mem>>) src(%dma_wait3A_835 : memref<80x32xf32, #tpu.memory_space<vmem>>) dst(%dma_wait3A_841 : memref<10240x32xf32, #tpu.memory_space<vmem_shared>>)
        } else {
        }
        %dma_start3A_816 = arith.constant 5 : i32
        %dma_start3A_817 = arith.constant 5 : i32
        %dma_start3A_818 = arith.constant 0 : i32
        %dma_start3A_819 = arith.constant 0 : i32
        %dma_start3A_820 = tpu.memref_slice %arg7[%dma_start3A_816, %dma_start3A_818, %dma_start3A_819] : memref<10x80x32xf32, #tpu.memory_space<vmem>> -> memref<1x80x32xf32, #tpu.memory_space<vmem>>
        %dma_start3A_821 = tpu.memref_squeeze %dma_start3A_820 : memref<1x80x32xf32, #tpu.memory_space<vmem>> -> memref<80x32xf32, #tpu.memory_space<vmem>>
        %dma_start3A_822 = arith.constant 0 : i32
        %dma_start3A_823 = tpu.memref_slice %arg5[%add3A_805, %dma_start3A_822] : memref<125x80xi32, #tpu.memory_space<vmem>> -> memref<1x80xi32, #tpu.memory_space<vmem>>
        %dma_start3A_824 = tpu.memref_squeeze %dma_start3A_823 : memref<1x80xi32, #tpu.memory_space<vmem>> -> memref<80xi32, #tpu.memory_space<vmem>>
        %dma_start3A_825 = arith.constant 0 : i32
        %dma_start3A_826 = arith.constant 0 : i32
        %dma_start3A_827 = tpu.memref_slice %arg3[%dma_start3A_825, %dma_start3A_826] : memref<10240x32xf32, #tpu.memory_space<hbm>> -> memref<10240x32xf32, #tpu.memory_space<hbm>>
        %dma_start3A_828 = tpu.memref_slice %arg11[%dma_start3A_817] : memref<10x!tpu.dma_semaphore, #tpu.memory_space<semaphore_mem>> -> memref<1x!tpu.dma_semaphore, #tpu.memory_space<semaphore_mem>>
        %dma_start3A_829 = tpu.memref_squeeze %dma_start3A_828 : memref<1x!tpu.dma_semaphore, #tpu.memory_space<semaphore_mem>> -> memref<!tpu.dma_semaphore, #tpu.memory_space<semaphore_mem>>
        tpu.enqueue_indirect_dma source(%dma_start3A_827 : memref<10240x32xf32, #tpu.memory_space<hbm>>) target(%dma_start3A_821 : memref<80x32xf32, #tpu.memory_space<vmem>>) offsets(%dma_start3A_824 : memref<80xi32, #tpu.memory_space<vmem>>) semaphore(%dma_start3A_829 : memref<!tpu.dma_semaphore, #tpu.memory_space<semaphore_mem>>)
      } else {
      }
      %scan3A_811 = arith.constant 0 : i32
      scf.yield %scan3A_811 : i32
    }
    %scan3A_110 = arith.constant 12 : i32
    %dma_wait3A = arith.constant 120 : i32
    %dma_wait3A_111 = arith.constant 0 : i32
    %dma_wait3A_112 = arith.constant 0 : i32
    %dma_wait3A_113 = arith.constant 0 : i32
    %dma_wait3A_114 = arith.constant 0 : i32
    %dma_wait3A_115 = tpu.memref_slice %arg7[%dma_wait3A_111, %dma_wait3A_113, %dma_wait3A_114] : memref<10x80x32xf32, #tpu.memory_space<vmem>> -> memref<1x80x32xf32, #tpu.memory_space<vmem>>
    %dma_wait3A_116 = tpu.memref_squeeze %dma_wait3A_115 : memref<1x80x32xf32, #tpu.memory_space<vmem>> -> memref<80x32xf32, #tpu.memory_space<vmem>>
    %dma_wait3A_117 = arith.constant 0 : i32
    %dma_wait3A_118 = tpu.memref_slice %arg5[%dma_wait3A, %dma_wait3A_117] : memref<125x80xi32, #tpu.memory_space<vmem>> -> memref<1x80xi32, #tpu.memory_space<vmem>>
    %dma_wait3A_119 = tpu.memref_squeeze %dma_wait3A_118 : memref<1x80xi32, #tpu.memory_space<vmem>> -> memref<80xi32, #tpu.memory_space<vmem>>
    %dma_wait3A_120 = arith.constant 0 : i32
    %dma_wait3A_121 = arith.constant 0 : i32
    %dma_wait3A_122 = tpu.memref_slice %arg3[%dma_wait3A_120, %dma_wait3A_121] : memref<10240x32xf32, #tpu.memory_space<hbm>> -> memref<10240x32xf32, #tpu.memory_space<hbm>>
    %dma_wait3A_123 = tpu.memref_slice %arg11[%dma_wait3A_112] : memref<10x!tpu.dma_semaphore, #tpu.memory_space<semaphore_mem>> -> memref<1x!tpu.dma_semaphore, #tpu.memory_space<semaphore_mem>>
    %dma_wait3A_124 = tpu.memref_squeeze %dma_wait3A_123 : memref<1x!tpu.dma_semaphore, #tpu.memory_space<semaphore_mem>> -> memref<!tpu.dma_semaphore, #tpu.memory_space<semaphore_mem>>
    tpu.wait_indirect_dma semaphore(%dma_wait3A_124 : memref<!tpu.dma_semaphore, #tpu.memory_space<semaphore_mem>>) src(%dma_wait3A_122 : memref<10240x32xf32, #tpu.memory_space<hbm>>) dst(%dma_wait3A_116 : memref<80x32xf32, #tpu.memory_space<vmem>>)
    %dma_start3A_125 = arith.constant 0 : i32
    %dma_start3A_126 = arith.constant 120 : i32
    %dma_start3A_127 = arith.constant 0 : i32
    %dma_start3A_128 = arith.constant 0 : i32
    %dma_start3A_129 = arith.constant 0 : i32
    %dma_start3A_130 = tpu.memref_slice %arg7[%dma_start3A_125, %dma_start3A_128, %dma_start3A_129] : memref<10x80x32xf32, #tpu.memory_space<vmem>> -> memref<1x80x32xf32, #tpu.memory_space<vmem>>
    %dma_start3A_131 = tpu.memref_squeeze %dma_start3A_130 : memref<1x80x32xf32, #tpu.memory_space<vmem>> -> memref<80x32xf32, #tpu.memory_space<vmem>>
    %dma_start3A_132 = arith.constant 0 : i32
    %dma_start3A_133 = tpu.memref_slice %arg6[%dma_start3A_126, %dma_start3A_132] : memref<125x80xi32, #tpu.memory_space<vmem>> -> memref<1x80xi32, #tpu.memory_space<vmem>>
    %dma_start3A_134 = tpu.memref_squeeze %dma_start3A_133 : memref<1x80xi32, #tpu.memory_space<vmem>> -> memref<80xi32, #tpu.memory_space<vmem>>
    %dma_start3A_135 = arith.constant 0 : i32
    %dma_start3A_136 = arith.constant 0 : i32
    %dma_start3A_137 = tpu.memref_slice %arg10[%dma_start3A_135, %dma_start3A_136] : memref<10240x32xf32, #tpu.memory_space<vmem_shared>> -> memref<10240x32xf32, #tpu.memory_space<vmem_shared>>
    %dma_start3A_138 = tpu.memref_slice %arg12[%dma_start3A_127] : memref<10x!tpu.dma_semaphore, #tpu.memory_space<semaphore_mem>> -> memref<1x!tpu.dma_semaphore, #tpu.memory_space<semaphore_mem>>
    %dma_start3A_139 = tpu.memref_squeeze %dma_start3A_138 : memref<1x!tpu.dma_semaphore, #tpu.memory_space<semaphore_mem>> -> memref<!tpu.dma_semaphore, #tpu.memory_space<semaphore_mem>>
    tpu.enqueue_indirect_dma source(%dma_start3A_131 : memref<80x32xf32, #tpu.memory_space<vmem>>) target(%dma_start3A_137 : memref<10240x32xf32, #tpu.memory_space<vmem_shared>>) offsets(%dma_start3A_134 : memref<80xi32, #tpu.memory_space<vmem>>) semaphore(%dma_start3A_139 : memref<!tpu.dma_semaphore, #tpu.memory_space<semaphore_mem>>) {add = true}
    %dma_wait3A_140 = arith.constant 121 : i32
    %dma_wait3A_141 = arith.constant 1 : i32
    %dma_wait3A_142 = arith.constant 1 : i32
    %dma_wait3A_143 = arith.constant 0 : i32
    %dma_wait3A_144 = arith.constant 0 : i32
    %dma_wait3A_145 = tpu.memref_slice %arg7[%dma_wait3A_141, %dma_wait3A_143, %dma_wait3A_144] : memref<10x80x32xf32, #tpu.memory_space<vmem>> -> memref<1x80x32xf32, #tpu.memory_space<vmem>>
    %dma_wait3A_146 = tpu.memref_squeeze %dma_wait3A_145 : memref<1x80x32xf32, #tpu.memory_space<vmem>> -> memref<80x32xf32, #tpu.memory_space<vmem>>
    %dma_wait3A_147 = arith.constant 0 : i32
    %dma_wait3A_148 = tpu.memref_slice %arg5[%dma_wait3A_140, %dma_wait3A_147] : memref<125x80xi32, #tpu.memory_space<vmem>> -> memref<1x80xi32, #tpu.memory_space<vmem>>
    %dma_wait3A_149 = tpu.memref_squeeze %dma_wait3A_148 : memref<1x80xi32, #tpu.memory_space<vmem>> -> memref<80xi32, #tpu.memory_space<vmem>>
    %dma_wait3A_150 = arith.constant 0 : i32
    %dma_wait3A_151 = arith.constant 0 : i32
    %dma_wait3A_152 = tpu.memref_slice %arg3[%dma_wait3A_150, %dma_wait3A_151] : memref<10240x32xf32, #tpu.memory_space<hbm>> -> memref<10240x32xf32, #tpu.memory_space<hbm>>
    %dma_wait3A_153 = tpu.memref_slice %arg11[%dma_wait3A_142] : memref<10x!tpu.dma_semaphore, #tpu.memory_space<semaphore_mem>> -> memref<1x!tpu.dma_semaphore, #tpu.memory_space<semaphore_mem>>
    %dma_wait3A_154 = tpu.memref_squeeze %dma_wait3A_153 : memref<1x!tpu.dma_semaphore, #tpu.memory_space<semaphore_mem>> -> memref<!tpu.dma_semaphore, #tpu.memory_space<semaphore_mem>>
    tpu.wait_indirect_dma semaphore(%dma_wait3A_154 : memref<!tpu.dma_semaphore, #tpu.memory_space<semaphore_mem>>) src(%dma_wait3A_152 : memref<10240x32xf32, #tpu.memory_space<hbm>>) dst(%dma_wait3A_146 : memref<80x32xf32, #tpu.memory_space<vmem>>)
    %dma_start3A_155 = arith.constant 1 : i32
    %dma_start3A_156 = arith.constant 121 : i32
    %dma_start3A_157 = arith.constant 1 : i32
    %dma_start3A_158 = arith.constant 0 : i32
    %dma_start3A_159 = arith.constant 0 : i32
    %dma_start3A_160 = tpu.memref_slice %arg7[%dma_start3A_155, %dma_start3A_158, %dma_start3A_159] : memref<10x80x32xf32, #tpu.memory_space<vmem>> -> memref<1x80x32xf32, #tpu.memory_space<vmem>>
    %dma_start3A_161 = tpu.memref_squeeze %dma_start3A_160 : memref<1x80x32xf32, #tpu.memory_space<vmem>> -> memref<80x32xf32, #tpu.memory_space<vmem>>
    %dma_start3A_162 = arith.constant 0 : i32
    %dma_start3A_163 = tpu.memref_slice %arg6[%dma_start3A_156, %dma_start3A_162] : memref<125x80xi32, #tpu.memory_space<vmem>> -> memref<1x80xi32, #tpu.memory_space<vmem>>
    %dma_start3A_164 = tpu.memref_squeeze %dma_start3A_163 : memref<1x80xi32, #tpu.memory_space<vmem>> -> memref<80xi32, #tpu.memory_space<vmem>>
    %dma_start3A_165 = arith.constant 0 : i32
    %dma_start3A_166 = arith.constant 0 : i32
    %dma_start3A_167 = tpu.memref_slice %arg10[%dma_start3A_165, %dma_start3A_166] : memref<10240x32xf32, #tpu.memory_space<vmem_shared>> -> memref<10240x32xf32, #tpu.memory_space<vmem_shared>>
    %dma_start3A_168 = tpu.memref_slice %arg12[%dma_start3A_157] : memref<10x!tpu.dma_semaphore, #tpu.memory_space<semaphore_mem>> -> memref<1x!tpu.dma_semaphore, #tpu.memory_space<semaphore_mem>>
    %dma_start3A_169 = tpu.memref_squeeze %dma_start3A_168 : memref<1x!tpu.dma_semaphore, #tpu.memory_space<semaphore_mem>> -> memref<!tpu.dma_semaphore, #tpu.memory_space<semaphore_mem>>
    tpu.enqueue_indirect_dma source(%dma_start3A_161 : memref<80x32xf32, #tpu.memory_space<vmem>>) target(%dma_start3A_167 : memref<10240x32xf32, #tpu.memory_space<vmem_shared>>) offsets(%dma_start3A_164 : memref<80xi32, #tpu.memory_space<vmem>>) semaphore(%dma_start3A_169 : memref<!tpu.dma_semaphore, #tpu.memory_space<semaphore_mem>>) {add = true}
    %dma_wait3A_170 = arith.constant 122 : i32
    %dma_wait3A_171 = arith.constant 2 : i32
    %dma_wait3A_172 = arith.constant 2 : i32
    %dma_wait3A_173 = arith.constant 0 : i32
    %dma_wait3A_174 = arith.constant 0 : i32
    %dma_wait3A_175 = tpu.memref_slice %arg7[%dma_wait3A_171, %dma_wait3A_173, %dma_wait3A_174] : memref<10x80x32xf32, #tpu.memory_space<vmem>> -> memref<1x80x32xf32, #tpu.memory_space<vmem>>
    %dma_wait3A_176 = tpu.memref_squeeze %dma_wait3A_175 : memref<1x80x32xf32, #tpu.memory_space<vmem>> -> memref<80x32xf32, #tpu.memory_space<vmem>>
    %dma_wait3A_177 = arith.constant 0 : i32
    %dma_wait3A_178 = tpu.memref_slice %arg5[%dma_wait3A_170, %dma_wait3A_177] : memref<125x80xi32, #tpu.memory_space<vmem>> -> memref<1x80xi32, #tpu.memory_space<vmem>>
    %dma_wait3A_179 = tpu.memref_squeeze %dma_wait3A_178 : memref<1x80xi32, #tpu.memory_space<vmem>> -> memref<80xi32, #tpu.memory_space<vmem>>
    %dma_wait3A_180 = arith.constant 0 : i32
    %dma_wait3A_181 = arith.constant 0 : i32
    %dma_wait3A_182 = tpu.memref_slice %arg3[%dma_wait3A_180, %dma_wait3A_181] : memref<10240x32xf32, #tpu.memory_space<hbm>> -> memref<10240x32xf32, #tpu.memory_space<hbm>>
    %dma_wait3A_183 = tpu.memref_slice %arg11[%dma_wait3A_172] : memref<10x!tpu.dma_semaphore, #tpu.memory_space<semaphore_mem>> -> memref<1x!tpu.dma_semaphore, #tpu.memory_space<semaphore_mem>>
    %dma_wait3A_184 = tpu.memref_squeeze %dma_wait3A_183 : memref<1x!tpu.dma_semaphore, #tpu.memory_space<semaphore_mem>> -> memref<!tpu.dma_semaphore, #tpu.memory_space<semaphore_mem>>
    tpu.wait_indirect_dma semaphore(%dma_wait3A_184 : memref<!tpu.dma_semaphore, #tpu.memory_space<semaphore_mem>>) src(%dma_wait3A_182 : memref<10240x32xf32, #tpu.memory_space<hbm>>) dst(%dma_wait3A_176 : memref<80x32xf32, #tpu.memory_space<vmem>>)
    %dma_start3A_185 = arith.constant 2 : i32
    %dma_start3A_186 = arith.constant 122 : i32
    %dma_start3A_187 = arith.constant 2 : i32
    %dma_start3A_188 = arith.constant 0 : i32
    %dma_start3A_189 = arith.constant 0 : i32
    %dma_start3A_190 = tpu.memref_slice %arg7[%dma_start3A_185, %dma_start3A_188, %dma_start3A_189] : memref<10x80x32xf32, #tpu.memory_space<vmem>> -> memref<1x80x32xf32, #tpu.memory_space<vmem>>
    %dma_start3A_191 = tpu.memref_squeeze %dma_start3A_190 : memref<1x80x32xf32, #tpu.memory_space<vmem>> -> memref<80x32xf32, #tpu.memory_space<vmem>>
    %dma_start3A_192 = arith.constant 0 : i32
    %dma_start3A_193 = tpu.memref_slice %arg6[%dma_start3A_186, %dma_start3A_192] : memref<125x80xi32, #tpu.memory_space<vmem>> -> memref<1x80xi32, #tpu.memory_space<vmem>>
    %dma_start3A_194 = tpu.memref_squeeze %dma_start3A_193 : memref<1x80xi32, #tpu.memory_space<vmem>> -> memref<80xi32, #tpu.memory_space<vmem>>
    %dma_start3A_195 = arith.constant 0 : i32
    %dma_start3A_196 = arith.constant 0 : i32
    %dma_start3A_197 = tpu.memref_slice %arg10[%dma_start3A_195, %dma_start3A_196] : memref<10240x32xf32, #tpu.memory_space<vmem_shared>> -> memref<10240x32xf32, #tpu.memory_space<vmem_shared>>
    %dma_start3A_198 = tpu.memref_slice %arg12[%dma_start3A_187] : memref<10x!tpu.dma_semaphore, #tpu.memory_space<semaphore_mem>> -> memref<1x!tpu.dma_semaphore, #tpu.memory_space<semaphore_mem>>
    %dma_start3A_199 = tpu.memref_squeeze %dma_start3A_198 : memref<1x!tpu.dma_semaphore, #tpu.memory_space<semaphore_mem>> -> memref<!tpu.dma_semaphore, #tpu.memory_space<semaphore_mem>>
    tpu.enqueue_indirect_dma source(%dma_start3A_191 : memref<80x32xf32, #tpu.memory_space<vmem>>) target(%dma_start3A_197 : memref<10240x32xf32, #tpu.memory_space<vmem_shared>>) offsets(%dma_start3A_194 : memref<80xi32, #tpu.memory_space<vmem>>) semaphore(%dma_start3A_199 : memref<!tpu.dma_semaphore, #tpu.memory_space<semaphore_mem>>) {add = true}
    %dma_wait3A_200 = arith.constant 123 : i32
    %dma_wait3A_201 = arith.constant 3 : i32
    %dma_wait3A_202 = arith.constant 3 : i32
    %dma_wait3A_203 = arith.constant 0 : i32
    %dma_wait3A_204 = arith.constant 0 : i32
    %dma_wait3A_205 = tpu.memref_slice %arg7[%dma_wait3A_201, %dma_wait3A_203, %dma_wait3A_204] : memref<10x80x32xf32, #tpu.memory_space<vmem>> -> memref<1x80x32xf32, #tpu.memory_space<vmem>>
    %dma_wait3A_206 = tpu.memref_squeeze %dma_wait3A_205 : memref<1x80x32xf32, #tpu.memory_space<vmem>> -> memref<80x32xf32, #tpu.memory_space<vmem>>
    %dma_wait3A_207 = arith.constant 0 : i32
    %dma_wait3A_208 = tpu.memref_slice %arg5[%dma_wait3A_200, %dma_wait3A_207] : memref<125x80xi32, #tpu.memory_space<vmem>> -> memref<1x80xi32, #tpu.memory_space<vmem>>
    %dma_wait3A_209 = tpu.memref_squeeze %dma_wait3A_208 : memref<1x80xi32, #tpu.memory_space<vmem>> -> memref<80xi32, #tpu.memory_space<vmem>>
    %dma_wait3A_210 = arith.constant 0 : i32
    %dma_wait3A_211 = arith.constant 0 : i32
    %dma_wait3A_212 = tpu.memref_slice %arg3[%dma_wait3A_210, %dma_wait3A_211] : memref<10240x32xf32, #tpu.memory_space<hbm>> -> memref<10240x32xf32, #tpu.memory_space<hbm>>
    %dma_wait3A_213 = tpu.memref_slice %arg11[%dma_wait3A_202] : memref<10x!tpu.dma_semaphore, #tpu.memory_space<semaphore_mem>> -> memref<1x!tpu.dma_semaphore, #tpu.memory_space<semaphore_mem>>
    %dma_wait3A_214 = tpu.memref_squeeze %dma_wait3A_213 : memref<1x!tpu.dma_semaphore, #tpu.memory_space<semaphore_mem>> -> memref<!tpu.dma_semaphore, #tpu.memory_space<semaphore_mem>>
    tpu.wait_indirect_dma semaphore(%dma_wait3A_214 : memref<!tpu.dma_semaphore, #tpu.memory_space<semaphore_mem>>) src(%dma_wait3A_212 : memref<10240x32xf32, #tpu.memory_space<hbm>>) dst(%dma_wait3A_206 : memref<80x32xf32, #tpu.memory_space<vmem>>)
    %dma_start3A_215 = arith.constant 3 : i32
    %dma_start3A_216 = arith.constant 123 : i32
    %dma_start3A_217 = arith.constant 3 : i32
    %dma_start3A_218 = arith.constant 0 : i32
    %dma_start3A_219 = arith.constant 0 : i32
    %dma_start3A_220 = tpu.memref_slice %arg7[%dma_start3A_215, %dma_start3A_218, %dma_start3A_219] : memref<10x80x32xf32, #tpu.memory_space<vmem>> -> memref<1x80x32xf32, #tpu.memory_space<vmem>>
    %dma_start3A_221 = tpu.memref_squeeze %dma_start3A_220 : memref<1x80x32xf32, #tpu.memory_space<vmem>> -> memref<80x32xf32, #tpu.memory_space<vmem>>
    %dma_start3A_222 = arith.constant 0 : i32
    %dma_start3A_223 = tpu.memref_slice %arg6[%dma_start3A_216, %dma_start3A_222] : memref<125x80xi32, #tpu.memory_space<vmem>> -> memref<1x80xi32, #tpu.memory_space<vmem>>
    %dma_start3A_224 = tpu.memref_squeeze %dma_start3A_223 : memref<1x80xi32, #tpu.memory_space<vmem>> -> memref<80xi32, #tpu.memory_space<vmem>>
    %dma_start3A_225 = arith.constant 0 : i32
    %dma_start3A_226 = arith.constant 0 : i32
    %dma_start3A_227 = tpu.memref_slice %arg10[%dma_start3A_225, %dma_start3A_226] : memref<10240x32xf32, #tpu.memory_space<vmem_shared>> -> memref<10240x32xf32, #tpu.memory_space<vmem_shared>>
    %dma_start3A_228 = tpu.memref_slice %arg12[%dma_start3A_217] : memref<10x!tpu.dma_semaphore, #tpu.memory_space<semaphore_mem>> -> memref<1x!tpu.dma_semaphore, #tpu.memory_space<semaphore_mem>>
    %dma_start3A_229 = tpu.memref_squeeze %dma_start3A_228 : memref<1x!tpu.dma_semaphore, #tpu.memory_space<semaphore_mem>> -> memref<!tpu.dma_semaphore, #tpu.memory_space<semaphore_mem>>
    tpu.enqueue_indirect_dma source(%dma_start3A_221 : memref<80x32xf32, #tpu.memory_space<vmem>>) target(%dma_start3A_227 : memref<10240x32xf32, #tpu.memory_space<vmem_shared>>) offsets(%dma_start3A_224 : memref<80xi32, #tpu.memory_space<vmem>>) semaphore(%dma_start3A_229 : memref<!tpu.dma_semaphore, #tpu.memory_space<semaphore_mem>>) {add = true}
    %dma_wait3A_230 = arith.constant 124 : i32
    %dma_wait3A_231 = arith.constant 4 : i32
    %dma_wait3A_232 = arith.constant 4 : i32
    %dma_wait3A_233 = arith.constant 0 : i32
    %dma_wait3A_234 = arith.constant 0 : i32
    %dma_wait3A_235 = tpu.memref_slice %arg7[%dma_wait3A_231, %dma_wait3A_233, %dma_wait3A_234] : memref<10x80x32xf32, #tpu.memory_space<vmem>> -> memref<1x80x32xf32, #tpu.memory_space<vmem>>
    %dma_wait3A_236 = tpu.memref_squeeze %dma_wait3A_235 : memref<1x80x32xf32, #tpu.memory_space<vmem>> -> memref<80x32xf32, #tpu.memory_space<vmem>>
    %dma_wait3A_237 = arith.constant 0 : i32
    %dma_wait3A_238 = tpu.memref_slice %arg5[%dma_wait3A_230, %dma_wait3A_237] : memref<125x80xi32, #tpu.memory_space<vmem>> -> memref<1x80xi32, #tpu.memory_space<vmem>>
    %dma_wait3A_239 = tpu.memref_squeeze %dma_wait3A_238 : memref<1x80xi32, #tpu.memory_space<vmem>> -> memref<80xi32, #tpu.memory_space<vmem>>
    %dma_wait3A_240 = arith.constant 0 : i32
    %dma_wait3A_241 = arith.constant 0 : i32
    %dma_wait3A_242 = tpu.memref_slice %arg3[%dma_wait3A_240, %dma_wait3A_241] : memref<10240x32xf32, #tpu.memory_space<hbm>> -> memref<10240x32xf32, #tpu.memory_space<hbm>>
    %dma_wait3A_243 = tpu.memref_slice %arg11[%dma_wait3A_232] : memref<10x!tpu.dma_semaphore, #tpu.memory_space<semaphore_mem>> -> memref<1x!tpu.dma_semaphore, #tpu.memory_space<semaphore_mem>>
    %dma_wait3A_244 = tpu.memref_squeeze %dma_wait3A_243 : memref<1x!tpu.dma_semaphore, #tpu.memory_space<semaphore_mem>> -> memref<!tpu.dma_semaphore, #tpu.memory_space<semaphore_mem>>
    tpu.wait_indirect_dma semaphore(%dma_wait3A_244 : memref<!tpu.dma_semaphore, #tpu.memory_space<semaphore_mem>>) src(%dma_wait3A_242 : memref<10240x32xf32, #tpu.memory_space<hbm>>) dst(%dma_wait3A_236 : memref<80x32xf32, #tpu.memory_space<vmem>>)
    %dma_start3A_245 = arith.constant 4 : i32
    %dma_start3A_246 = arith.constant 124 : i32
    %dma_start3A_247 = arith.constant 4 : i32
    %dma_start3A_248 = arith.constant 0 : i32
    %dma_start3A_249 = arith.constant 0 : i32
    %dma_start3A_250 = tpu.memref_slice %arg7[%dma_start3A_245, %dma_start3A_248, %dma_start3A_249] : memref<10x80x32xf32, #tpu.memory_space<vmem>> -> memref<1x80x32xf32, #tpu.memory_space<vmem>>
    %dma_start3A_251 = tpu.memref_squeeze %dma_start3A_250 : memref<1x80x32xf32, #tpu.memory_space<vmem>> -> memref<80x32xf32, #tpu.memory_space<vmem>>
    %dma_start3A_252 = arith.constant 0 : i32
    %dma_start3A_253 = tpu.memref_slice %arg6[%dma_start3A_246, %dma_start3A_252] : memref<125x80xi32, #tpu.memory_space<vmem>> -> memref<1x80xi32, #tpu.memory_space<vmem>>
    %dma_start3A_254 = tpu.memref_squeeze %dma_start3A_253 : memref<1x80xi32, #tpu.memory_space<vmem>> -> memref<80xi32, #tpu.memory_space<vmem>>
    %dma_start3A_255 = arith.constant 0 : i32
    %dma_start3A_256 = arith.constant 0 : i32
    %dma_start3A_257 = tpu.memref_slice %arg10[%dma_start3A_255, %dma_start3A_256] : memref<10240x32xf32, #tpu.memory_space<vmem_shared>> -> memref<10240x32xf32, #tpu.memory_space<vmem_shared>>
    %dma_start3A_258 = tpu.memref_slice %arg12[%dma_start3A_247] : memref<10x!tpu.dma_semaphore, #tpu.memory_space<semaphore_mem>> -> memref<1x!tpu.dma_semaphore, #tpu.memory_space<semaphore_mem>>
    %dma_start3A_259 = tpu.memref_squeeze %dma_start3A_258 : memref<1x!tpu.dma_semaphore, #tpu.memory_space<semaphore_mem>> -> memref<!tpu.dma_semaphore, #tpu.memory_space<semaphore_mem>>
    tpu.enqueue_indirect_dma source(%dma_start3A_251 : memref<80x32xf32, #tpu.memory_space<vmem>>) target(%dma_start3A_257 : memref<10240x32xf32, #tpu.memory_space<vmem_shared>>) offsets(%dma_start3A_254 : memref<80xi32, #tpu.memory_space<vmem>>) semaphore(%dma_start3A_259 : memref<!tpu.dma_semaphore, #tpu.memory_space<semaphore_mem>>) {add = true}
    %dma_wait3A_260 = arith.constant 0 : i32
    %dma_wait3A_261 = arith.constant 0 : i32
    %dma_wait3A_262 = arith.constant 0 : i32
    %dma_wait3A_263 = arith.constant 0 : i32
    %dma_wait3A_264 = arith.constant 0 : i32
    %dma_wait3A_265 = tpu.memref_slice %arg7[%dma_wait3A_260, %dma_wait3A_263, %dma_wait3A_264] : memref<10x80x32xf32, #tpu.memory_space<vmem>> -> memref<1x80x32xf32, #tpu.memory_space<vmem>>
    %dma_wait3A_266 = tpu.memref_squeeze %dma_wait3A_265 : memref<1x80x32xf32, #tpu.memory_space<vmem>> -> memref<80x32xf32, #tpu.memory_space<vmem>>
    %dma_wait3A_267 = arith.constant 0 : i32
    %dma_wait3A_268 = tpu.memref_slice %arg6[%dma_wait3A_261, %dma_wait3A_267] : memref<125x80xi32, #tpu.memory_space<vmem>> -> memref<1x80xi32, #tpu.memory_space<vmem>>
    %dma_wait3A_269 = tpu.memref_squeeze %dma_wait3A_268 : memref<1x80xi32, #tpu.memory_space<vmem>> -> memref<80xi32, #tpu.memory_space<vmem>>
    %dma_wait3A_270 = arith.constant 0 : i32
    %dma_wait3A_271 = arith.constant 0 : i32
    %dma_wait3A_272 = tpu.memref_slice %arg10[%dma_wait3A_270, %dma_wait3A_271] : memref<10240x32xf32, #tpu.memory_space<vmem_shared>> -> memref<10240x32xf32, #tpu.memory_space<vmem_shared>>
    %dma_wait3A_273 = tpu.memref_slice %arg12[%dma_wait3A_262] : memref<10x!tpu.dma_semaphore, #tpu.memory_space<semaphore_mem>> -> memref<1x!tpu.dma_semaphore, #tpu.memory_space<semaphore_mem>>
    %dma_wait3A_274 = tpu.memref_squeeze %dma_wait3A_273 : memref<1x!tpu.dma_semaphore, #tpu.memory_space<semaphore_mem>> -> memref<!tpu.dma_semaphore, #tpu.memory_space<semaphore_mem>>
    tpu.wait_indirect_dma semaphore(%dma_wait3A_274 : memref<!tpu.dma_semaphore, #tpu.memory_space<semaphore_mem>>) src(%dma_wait3A_266 : memref<80x32xf32, #tpu.memory_space<vmem>>) dst(%dma_wait3A_272 : memref<10240x32xf32, #tpu.memory_space<vmem_shared>>)
    %dma_wait3A_275 = arith.constant 1 : i32
    %dma_wait3A_276 = arith.constant 1 : i32
    %dma_wait3A_277 = arith.constant 1 : i32
    %dma_wait3A_278 = arith.constant 0 : i32
    %dma_wait3A_279 = arith.constant 0 : i32
    %dma_wait3A_280 = tpu.memref_slice %arg7[%dma_wait3A_275, %dma_wait3A_278, %dma_wait3A_279] : memref<10x80x32xf32, #tpu.memory_space<vmem>> -> memref<1x80x32xf32, #tpu.memory_space<vmem>>
    %dma_wait3A_281 = tpu.memref_squeeze %dma_wait3A_280 : memref<1x80x32xf32, #tpu.memory_space<vmem>> -> memref<80x32xf32, #tpu.memory_space<vmem>>
    %dma_wait3A_282 = arith.constant 0 : i32
    %dma_wait3A_283 = tpu.memref_slice %arg6[%dma_wait3A_276, %dma_wait3A_282] : memref<125x80xi32, #tpu.memory_space<vmem>> -> memref<1x80xi32, #tpu.memory_space<vmem>>
    %dma_wait3A_284 = tpu.memref_squeeze %dma_wait3A_283 : memref<1x80xi32, #tpu.memory_space<vmem>> -> memref<80xi32, #tpu.memory_space<vmem>>
    %dma_wait3A_285 = arith.constant 0 : i32
    %dma_wait3A_286 = arith.constant 0 : i32
    %dma_wait3A_287 = tpu.memref_slice %arg10[%dma_wait3A_285, %dma_wait3A_286] : memref<10240x32xf32, #tpu.memory_space<vmem_shared>> -> memref<10240x32xf32, #tpu.memory_space<vmem_shared>>
    %dma_wait3A_288 = tpu.memref_slice %arg12[%dma_wait3A_277] : memref<10x!tpu.dma_semaphore, #tpu.memory_space<semaphore_mem>> -> memref<1x!tpu.dma_semaphore, #tpu.memory_space<semaphore_mem>>
    %dma_wait3A_289 = tpu.memref_squeeze %dma_wait3A_288 : memref<1x!tpu.dma_semaphore, #tpu.memory_space<semaphore_mem>> -> memref<!tpu.dma_semaphore, #tpu.memory_space<semaphore_mem>>
    tpu.wait_indirect_dma semaphore(%dma_wait3A_289 : memref<!tpu.dma_semaphore, #tpu.memory_space<semaphore_mem>>) src(%dma_wait3A_281 : memref<80x32xf32, #tpu.memory_space<vmem>>) dst(%dma_wait3A_287 : memref<10240x32xf32, #tpu.memory_space<vmem_shared>>)
    %dma_wait3A_290 = arith.constant 2 : i32
    %dma_wait3A_291 = arith.constant 2 : i32
    %dma_wait3A_292 = arith.constant 2 : i32
    %dma_wait3A_293 = arith.constant 0 : i32
    %dma_wait3A_294 = arith.constant 0 : i32
    %dma_wait3A_295 = tpu.memref_slice %arg7[%dma_wait3A_290, %dma_wait3A_293, %dma_wait3A_294] : memref<10x80x32xf32, #tpu.memory_space<vmem>> -> memref<1x80x32xf32, #tpu.memory_space<vmem>>
    %dma_wait3A_296 = tpu.memref_squeeze %dma_wait3A_295 : memref<1x80x32xf32, #tpu.memory_space<vmem>> -> memref<80x32xf32, #tpu.memory_space<vmem>>
    %dma_wait3A_297 = arith.constant 0 : i32
    %dma_wait3A_298 = tpu.memref_slice %arg6[%dma_wait3A_291, %dma_wait3A_297] : memref<125x80xi32, #tpu.memory_space<vmem>> -> memref<1x80xi32, #tpu.memory_space<vmem>>
    %dma_wait3A_299 = tpu.memref_squeeze %dma_wait3A_298 : memref<1x80xi32, #tpu.memory_space<vmem>> -> memref<80xi32, #tpu.memory_space<vmem>>
    %dma_wait3A_300 = arith.constant 0 : i32
    %dma_wait3A_301 = arith.constant 0 : i32
    %dma_wait3A_302 = tpu.memref_slice %arg10[%dma_wait3A_300, %dma_wait3A_301] : memref<10240x32xf32, #tpu.memory_space<vmem_shared>> -> memref<10240x32xf32, #tpu.memory_space<vmem_shared>>
    %dma_wait3A_303 = tpu.memref_slice %arg12[%dma_wait3A_292] : memref<10x!tpu.dma_semaphore, #tpu.memory_space<semaphore_mem>> -> memref<1x!tpu.dma_semaphore, #tpu.memory_space<semaphore_mem>>
    %dma_wait3A_304 = tpu.memref_squeeze %dma_wait3A_303 : memref<1x!tpu.dma_semaphore, #tpu.memory_space<semaphore_mem>> -> memref<!tpu.dma_semaphore, #tpu.memory_space<semaphore_mem>>
    tpu.wait_indirect_dma semaphore(%dma_wait3A_304 : memref<!tpu.dma_semaphore, #tpu.memory_space<semaphore_mem>>) src(%dma_wait3A_296 : memref<80x32xf32, #tpu.memory_space<vmem>>) dst(%dma_wait3A_302 : memref<10240x32xf32, #tpu.memory_space<vmem_shared>>)
    %dma_wait3A_305 = arith.constant 3 : i32
    %dma_wait3A_306 = arith.constant 3 : i32
    %dma_wait3A_307 = arith.constant 3 : i32
    %dma_wait3A_308 = arith.constant 0 : i32
    %dma_wait3A_309 = arith.constant 0 : i32
    %dma_wait3A_310 = tpu.memref_slice %arg7[%dma_wait3A_305, %dma_wait3A_308, %dma_wait3A_309] : memref<10x80x32xf32, #tpu.memory_space<vmem>> -> memref<1x80x32xf32, #tpu.memory_space<vmem>>
    %dma_wait3A_311 = tpu.memref_squeeze %dma_wait3A_310 : memref<1x80x32xf32, #tpu.memory_space<vmem>> -> memref<80x32xf32, #tpu.memory_space<vmem>>
    %dma_wait3A_312 = arith.constant 0 : i32
    %dma_wait3A_313 = tpu.memref_slice %arg6[%dma_wait3A_306, %dma_wait3A_312] : memref<125x80xi32, #tpu.memory_space<vmem>> -> memref<1x80xi32, #tpu.memory_space<vmem>>
    %dma_wait3A_314 = tpu.memref_squeeze %dma_wait3A_313 : memref<1x80xi32, #tpu.memory_space<vmem>> -> memref<80xi32, #tpu.memory_space<vmem>>
    %dma_wait3A_315 = arith.constant 0 : i32
    %dma_wait3A_316 = arith.constant 0 : i32
    %dma_wait3A_317 = tpu.memref_slice %arg10[%dma_wait3A_315, %dma_wait3A_316] : memref<10240x32xf32, #tpu.memory_space<vmem_shared>> -> memref<10240x32xf32, #tpu.memory_space<vmem_shared>>
    %dma_wait3A_318 = tpu.memref_slice %arg12[%dma_wait3A_307] : memref<10x!tpu.dma_semaphore, #tpu.memory_space<semaphore_mem>> -> memref<1x!tpu.dma_semaphore, #tpu.memory_space<semaphore_mem>>
    %dma_wait3A_319 = tpu.memref_squeeze %dma_wait3A_318 : memref<1x!tpu.dma_semaphore, #tpu.memory_space<semaphore_mem>> -> memref<!tpu.dma_semaphore, #tpu.memory_space<semaphore_mem>>
    tpu.wait_indirect_dma semaphore(%dma_wait3A_319 : memref<!tpu.dma_semaphore, #tpu.memory_space<semaphore_mem>>) src(%dma_wait3A_311 : memref<80x32xf32, #tpu.memory_space<vmem>>) dst(%dma_wait3A_317 : memref<10240x32xf32, #tpu.memory_space<vmem_shared>>)
    %dma_wait3A_320 = arith.constant 4 : i32
    %dma_wait3A_321 = arith.constant 4 : i32
    %dma_wait3A_322 = arith.constant 4 : i32
    %dma_wait3A_323 = arith.constant 0 : i32
    %dma_wait3A_324 = arith.constant 0 : i32
    %dma_wait3A_325 = tpu.memref_slice %arg7[%dma_wait3A_320, %dma_wait3A_323, %dma_wait3A_324] : memref<10x80x32xf32, #tpu.memory_space<vmem>> -> memref<1x80x32xf32, #tpu.memory_space<vmem>>
    %dma_wait3A_326 = tpu.memref_squeeze %dma_wait3A_325 : memref<1x80x32xf32, #tpu.memory_space<vmem>> -> memref<80x32xf32, #tpu.memory_space<vmem>>
    %dma_wait3A_327 = arith.constant 0 : i32
    %dma_wait3A_328 = tpu.memref_slice %arg6[%dma_wait3A_321, %dma_wait3A_327] : memref<125x80xi32, #tpu.memory_space<vmem>> -> memref<1x80xi32, #tpu.memory_space<vmem>>
    %dma_wait3A_329 = tpu.memref_squeeze %dma_wait3A_328 : memref<1x80xi32, #tpu.memory_space<vmem>> -> memref<80xi32, #tpu.memory_space<vmem>>
    %dma_wait3A_330 = arith.constant 0 : i32
    %dma_wait3A_331 = arith.constant 0 : i32
    %dma_wait3A_332 = tpu.memref_slice %arg10[%dma_wait3A_330, %dma_wait3A_331] : memref<10240x32xf32, #tpu.memory_space<vmem_shared>> -> memref<10240x32xf32, #tpu.memory_space<vmem_shared>>
    %dma_wait3A_333 = tpu.memref_slice %arg12[%dma_wait3A_322] : memref<10x!tpu.dma_semaphore, #tpu.memory_space<semaphore_mem>> -> memref<1x!tpu.dma_semaphore, #tpu.memory_space<semaphore_mem>>
    %dma_wait3A_334 = tpu.memref_squeeze %dma_wait3A_333 : memref<1x!tpu.dma_semaphore, #tpu.memory_space<semaphore_mem>> -> memref<!tpu.dma_semaphore, #tpu.memory_space<semaphore_mem>>
    tpu.wait_indirect_dma semaphore(%dma_wait3A_334 : memref<!tpu.dma_semaphore, #tpu.memory_space<semaphore_mem>>) src(%dma_wait3A_326 : memref<80x32xf32, #tpu.memory_space<vmem>>) dst(%dma_wait3A_332 : memref<10240x32xf32, #tpu.memory_space<vmem_shared>>)
    %dma_wait3A_335 = arith.constant 5 : i32
    %dma_wait3A_336 = arith.constant 5 : i32
    %dma_wait3A_337 = arith.constant 5 : i32
    %dma_wait3A_338 = arith.constant 0 : i32
    %dma_wait3A_339 = arith.constant 0 : i32
    %dma_wait3A_340 = tpu.memref_slice %arg7[%dma_wait3A_335, %dma_wait3A_338, %dma_wait3A_339] : memref<10x80x32xf32, #tpu.memory_space<vmem>> -> memref<1x80x32xf32, #tpu.memory_space<vmem>>
    %dma_wait3A_341 = tpu.memref_squeeze %dma_wait3A_340 : memref<1x80x32xf32, #tpu.memory_space<vmem>> -> memref<80x32xf32, #tpu.memory_space<vmem>>
    %dma_wait3A_342 = arith.constant 0 : i32
    %dma_wait3A_343 = tpu.memref_slice %arg6[%dma_wait3A_336, %dma_wait3A_342] : memref<125x80xi32, #tpu.memory_space<vmem>> -> memref<1x80xi32, #tpu.memory_space<vmem>>
    %dma_wait3A_344 = tpu.memref_squeeze %dma_wait3A_343 : memref<1x80xi32, #tpu.memory_space<vmem>> -> memref<80xi32, #tpu.memory_space<vmem>>
    %dma_wait3A_345 = arith.constant 0 : i32
    %dma_wait3A_346 = arith.constant 0 : i32
    %dma_wait3A_347 = tpu.memref_slice %arg10[%dma_wait3A_345, %dma_wait3A_346] : memref<10240x32xf32, #tpu.memory_space<vmem_shared>> -> memref<10240x32xf32, #tpu.memory_space<vmem_shared>>
    %dma_wait3A_348 = tpu.memref_slice %arg12[%dma_wait3A_337] : memref<10x!tpu.dma_semaphore, #tpu.memory_space<semaphore_mem>> -> memref<1x!tpu.dma_semaphore, #tpu.memory_space<semaphore_mem>>
    %dma_wait3A_349 = tpu.memref_squeeze %dma_wait3A_348 : memref<1x!tpu.dma_semaphore, #tpu.memory_space<semaphore_mem>> -> memref<!tpu.dma_semaphore, #tpu.memory_space<semaphore_mem>>
    tpu.wait_indirect_dma semaphore(%dma_wait3A_349 : memref<!tpu.dma_semaphore, #tpu.memory_space<semaphore_mem>>) src(%dma_wait3A_341 : memref<80x32xf32, #tpu.memory_space<vmem>>) dst(%dma_wait3A_347 : memref<10240x32xf32, #tpu.memory_space<vmem_shared>>)
    %dma_wait3A_350 = arith.constant 6 : i32
    %dma_wait3A_351 = arith.constant 6 : i32
    %dma_wait3A_352 = arith.constant 6 : i32
    %dma_wait3A_353 = arith.constant 0 : i32
    %dma_wait3A_354 = arith.constant 0 : i32
    %dma_wait3A_355 = tpu.memref_slice %arg7[%dma_wait3A_350, %dma_wait3A_353, %dma_wait3A_354] : memref<10x80x32xf32, #tpu.memory_space<vmem>> -> memref<1x80x32xf32, #tpu.memory_space<vmem>>
    %dma_wait3A_356 = tpu.memref_squeeze %dma_wait3A_355 : memref<1x80x32xf32, #tpu.memory_space<vmem>> -> memref<80x32xf32, #tpu.memory_space<vmem>>
    %dma_wait3A_357 = arith.constant 0 : i32
    %dma_wait3A_358 = tpu.memref_slice %arg6[%dma_wait3A_351, %dma_wait3A_357] : memref<125x80xi32, #tpu.memory_space<vmem>> -> memref<1x80xi32, #tpu.memory_space<vmem>>
    %dma_wait3A_359 = tpu.memref_squeeze %dma_wait3A_358 : memref<1x80xi32, #tpu.memory_space<vmem>> -> memref<80xi32, #tpu.memory_space<vmem>>
    %dma_wait3A_360 = arith.constant 0 : i32
    %dma_wait3A_361 = arith.constant 0 : i32
    %dma_wait3A_362 = tpu.memref_slice %arg10[%dma_wait3A_360, %dma_wait3A_361] : memref<10240x32xf32, #tpu.memory_space<vmem_shared>> -> memref<10240x32xf32, #tpu.memory_space<vmem_shared>>
    %dma_wait3A_363 = tpu.memref_slice %arg12[%dma_wait3A_352] : memref<10x!tpu.dma_semaphore, #tpu.memory_space<semaphore_mem>> -> memref<1x!tpu.dma_semaphore, #tpu.memory_space<semaphore_mem>>
    %dma_wait3A_364 = tpu.memref_squeeze %dma_wait3A_363 : memref<1x!tpu.dma_semaphore, #tpu.memory_space<semaphore_mem>> -> memref<!tpu.dma_semaphore, #tpu.memory_space<semaphore_mem>>
    tpu.wait_indirect_dma semaphore(%dma_wait3A_364 : memref<!tpu.dma_semaphore, #tpu.memory_space<semaphore_mem>>) src(%dma_wait3A_356 : memref<80x32xf32, #tpu.memory_space<vmem>>) dst(%dma_wait3A_362 : memref<10240x32xf32, #tpu.memory_space<vmem_shared>>)
    %dma_wait3A_365 = arith.constant 7 : i32
    %dma_wait3A_366 = arith.constant 7 : i32
    %dma_wait3A_367 = arith.constant 7 : i32
    %dma_wait3A_368 = arith.constant 0 : i32
    %dma_wait3A_369 = arith.constant 0 : i32
    %dma_wait3A_370 = tpu.memref_slice %arg7[%dma_wait3A_365, %dma_wait3A_368, %dma_wait3A_369] : memref<10x80x32xf32, #tpu.memory_space<vmem>> -> memref<1x80x32xf32, #tpu.memory_space<vmem>>
    %dma_wait3A_371 = tpu.memref_squeeze %dma_wait3A_370 : memref<1x80x32xf32, #tpu.memory_space<vmem>> -> memref<80x32xf32, #tpu.memory_space<vmem>>
    %dma_wait3A_372 = arith.constant 0 : i32
    %dma_wait3A_373 = tpu.memref_slice %arg6[%dma_wait3A_366, %dma_wait3A_372] : memref<125x80xi32, #tpu.memory_space<vmem>> -> memref<1x80xi32, #tpu.memory_space<vmem>>
    %dma_wait3A_374 = tpu.memref_squeeze %dma_wait3A_373 : memref<1x80xi32, #tpu.memory_space<vmem>> -> memref<80xi32, #tpu.memory_space<vmem>>
    %dma_wait3A_375 = arith.constant 0 : i32
    %dma_wait3A_376 = arith.constant 0 : i32
    %dma_wait3A_377 = tpu.memref_slice %arg10[%dma_wait3A_375, %dma_wait3A_376] : memref<10240x32xf32, #tpu.memory_space<vmem_shared>> -> memref<10240x32xf32, #tpu.memory_space<vmem_shared>>
    %dma_wait3A_378 = tpu.memref_slice %arg12[%dma_wait3A_367] : memref<10x!tpu.dma_semaphore, #tpu.memory_space<semaphore_mem>> -> memref<1x!tpu.dma_semaphore, #tpu.memory_space<semaphore_mem>>
    %dma_wait3A_379 = tpu.memref_squeeze %dma_wait3A_378 : memref<1x!tpu.dma_semaphore, #tpu.memory_space<semaphore_mem>> -> memref<!tpu.dma_semaphore, #tpu.memory_space<semaphore_mem>>
    tpu.wait_indirect_dma semaphore(%dma_wait3A_379 : memref<!tpu.dma_semaphore, #tpu.memory_space<semaphore_mem>>) src(%dma_wait3A_371 : memref<80x32xf32, #tpu.memory_space<vmem>>) dst(%dma_wait3A_377 : memref<10240x32xf32, #tpu.memory_space<vmem_shared>>)
    %dma_wait3A_380 = arith.constant 8 : i32
    %dma_wait3A_381 = arith.constant 8 : i32
    %dma_wait3A_382 = arith.constant 8 : i32
    %dma_wait3A_383 = arith.constant 0 : i32
    %dma_wait3A_384 = arith.constant 0 : i32
    %dma_wait3A_385 = tpu.memref_slice %arg7[%dma_wait3A_380, %dma_wait3A_383, %dma_wait3A_384] : memref<10x80x32xf32, #tpu.memory_space<vmem>> -> memref<1x80x32xf32, #tpu.memory_space<vmem>>
    %dma_wait3A_386 = tpu.memref_squeeze %dma_wait3A_385 : memref<1x80x32xf32, #tpu.memory_space<vmem>> -> memref<80x32xf32, #tpu.memory_space<vmem>>
    %dma_wait3A_387 = arith.constant 0 : i32
    %dma_wait3A_388 = tpu.memref_slice %arg6[%dma_wait3A_381, %dma_wait3A_387] : memref<125x80xi32, #tpu.memory_space<vmem>> -> memref<1x80xi32, #tpu.memory_space<vmem>>
    %dma_wait3A_389 = tpu.memref_squeeze %dma_wait3A_388 : memref<1x80xi32, #tpu.memory_space<vmem>> -> memref<80xi32, #tpu.memory_space<vmem>>
    %dma_wait3A_390 = arith.constant 0 : i32
    %dma_wait3A_391 = arith.constant 0 : i32
    %dma_wait3A_392 = tpu.memref_slice %arg10[%dma_wait3A_390, %dma_wait3A_391] : memref<10240x32xf32, #tpu.memory_space<vmem_shared>> -> memref<10240x32xf32, #tpu.memory_space<vmem_shared>>
    %dma_wait3A_393 = tpu.memref_slice %arg12[%dma_wait3A_382] : memref<10x!tpu.dma_semaphore, #tpu.memory_space<semaphore_mem>> -> memref<1x!tpu.dma_semaphore, #tpu.memory_space<semaphore_mem>>
    %dma_wait3A_394 = tpu.memref_squeeze %dma_wait3A_393 : memref<1x!tpu.dma_semaphore, #tpu.memory_space<semaphore_mem>> -> memref<!tpu.dma_semaphore, #tpu.memory_space<semaphore_mem>>
    tpu.wait_indirect_dma semaphore(%dma_wait3A_394 : memref<!tpu.dma_semaphore, #tpu.memory_space<semaphore_mem>>) src(%dma_wait3A_386 : memref<80x32xf32, #tpu.memory_space<vmem>>) dst(%dma_wait3A_392 : memref<10240x32xf32, #tpu.memory_space<vmem_shared>>)
    %dma_wait3A_395 = arith.constant 9 : i32
    %dma_wait3A_396 = arith.constant 9 : i32
    %dma_wait3A_397 = arith.constant 9 : i32
    %dma_wait3A_398 = arith.constant 0 : i32
    %dma_wait3A_399 = arith.constant 0 : i32
    %dma_wait3A_400 = tpu.memref_slice %arg7[%dma_wait3A_395, %dma_wait3A_398, %dma_wait3A_399] : memref<10x80x32xf32, #tpu.memory_space<vmem>> -> memref<1x80x32xf32, #tpu.memory_space<vmem>>
    %dma_wait3A_401 = tpu.memref_squeeze %dma_wait3A_400 : memref<1x80x32xf32, #tpu.memory_space<vmem>> -> memref<80x32xf32, #tpu.memory_space<vmem>>
    %dma_wait3A_402 = arith.constant 0 : i32
    %dma_wait3A_403 = tpu.memref_slice %arg6[%dma_wait3A_396, %dma_wait3A_402] : memref<125x80xi32, #tpu.memory_space<vmem>> -> memref<1x80xi32, #tpu.memory_space<vmem>>
    %dma_wait3A_404 = tpu.memref_squeeze %dma_wait3A_403 : memref<1x80xi32, #tpu.memory_space<vmem>> -> memref<80xi32, #tpu.memory_space<vmem>>
    %dma_wait3A_405 = arith.constant 0 : i32
    %dma_wait3A_406 = arith.constant 0 : i32
    %dma_wait3A_407 = tpu.memref_slice %arg10[%dma_wait3A_405, %dma_wait3A_406] : memref<10240x32xf32, #tpu.memory_space<vmem_shared>> -> memref<10240x32xf32, #tpu.memory_space<vmem_shared>>
    %dma_wait3A_408 = tpu.memref_slice %arg12[%dma_wait3A_397] : memref<10x!tpu.dma_semaphore, #tpu.memory_space<semaphore_mem>> -> memref<1x!tpu.dma_semaphore, #tpu.memory_space<semaphore_mem>>
    %dma_wait3A_409 = tpu.memref_squeeze %dma_wait3A_408 : memref<1x!tpu.dma_semaphore, #tpu.memory_space<semaphore_mem>> -> memref<!tpu.dma_semaphore, #tpu.memory_space<semaphore_mem>>
    tpu.wait_indirect_dma semaphore(%dma_wait3A_409 : memref<!tpu.dma_semaphore, #tpu.memory_space<semaphore_mem>>) src(%dma_wait3A_401 : memref<80x32xf32, #tpu.memory_space<vmem>>) dst(%dma_wait3A_407 : memref<10240x32xf32, #tpu.memory_space<vmem_shared>>)
    %barrier3A_410 = arith.constant 0 : index
    tpu.barrier barrier_id(%barrier3A_410)
    %mul3A_411 = arith.constant 640 : i32
    %mul3A_412 = arith.muli %arg1, %mul3A_411 : i32
    "tpu.region"() ({
      %run_scoped3A_422 = tpu.sem_alloc : memref<!tpu.dma_semaphore, #tpu.memory_space<semaphore_mem>>
      %dma_start3A_423 = arith.constant 0 : i32
      %dma_start3A_424 = tpu.memref_slice %arg10[%mul3A_412, %dma_start3A_423] : memref<10240x32xf32, #tpu.memory_space<vmem_shared>> -> memref<640x32xf32, #tpu.memory_space<vmem_shared>>
      %dma_start3A_425 = arith.constant 0 : i32
      %dma_start3A_426 = tpu.memref_slice %arg10[%mul3A_412, %dma_start3A_425] : memref<10240x32xf32, #tpu.memory_space<vmem_shared>> -> memref<640x32xf32, #tpu.memory_space<vmem_shared>>
      tpu.enqueue_dma source(%dma_start3A_426 : memref<640x32xf32, #tpu.memory_space<vmem_shared>>) target(%arg8 : memref<640x32xf32, #tpu.memory_space<vmem>>) target_semaphore(%run_scoped3A_422 : memref<!tpu.dma_semaphore, #tpu.memory_space<semaphore_mem>>)
      %dma_wait3A_427 = arith.constant 0 : i32
      %dma_wait3A_428 = tpu.memref_slice %arg10[%mul3A_412, %dma_wait3A_427] : memref<10240x32xf32, #tpu.memory_space<vmem_shared>> -> memref<640x32xf32, #tpu.memory_space<vmem_shared>>
      %dma_wait3A_429 = arith.constant 0 : i32
      %dma_wait3A_430 = tpu.memref_slice %arg10[%mul3A_412, %dma_wait3A_429] : memref<10240x32xf32, #tpu.memory_space<vmem_shared>> -> memref<640x32xf32, #tpu.memory_space<vmem_shared>>
      tpu.wait_dma2 semaphore(%run_scoped3A_422 : memref<!tpu.dma_semaphore, #tpu.memory_space<semaphore_mem>>) src(%dma_wait3A_430 : memref<640x32xf32, #tpu.memory_space<vmem_shared>>) dst(%arg8 : memref<640x32xf32, #tpu.memory_space<vmem>>)
      tpu.yield
    }) : () -> ()
    %scan3A_413 = arith.constant 0 : i32
    %scan3A_414 = arith.constant 0 : i32
    %scan3A_415 = arith.constant 160 : i32
    %scan3A_416 = arith.addi %scan3A_414, %scan3A_415 : i32
    %scan3A_417 = arith.constant 4 : i32
    %scan3A_418 = scf.for %scan3A_422 = %scan3A_414 to %scan3A_416 step %scan3A_417 iter_args(%scan3A_423 = %scan3A_413) -> (i32)  : i32 {
      %mul3A_424 = arith.constant 4 : i32
      %mul3A_425 = arith.muli %mul3A_424, %scan3A_422 : i32
      %add3A_426 = arith.constant 0 : i32
      %add3A_427 = arith.addi %mul3A_425, %add3A_426 : i32
      %get3A = arith.index_cast %add3A_427 : i32 to index
      %get3A_428 = arith.constant 0 : index
      %get3A_429 = tpu.vector_load %arg8[%get3A, %get3A_428] {strides = array<i32>} : memref<640x32xf32, #tpu.memory_space<vmem>>, vector<1x16xf32>,
      %get3A_430 = vector.shape_cast %get3A_429 : vector<1x16xf32> to vector<16xf32>
      %swap3A = arith.index_cast %scan3A_422 : i32 to index
      %swap3A_431 = arith.constant 0 : index
      %swap3A_432 = tpu.vector_load %arg9[%swap3A, %swap3A_431] {strides = array<i32>} : memref<160x128xf32, #tpu.memory_space<vmem>>, vector<1x16xf32>,
      %swap3A_433 = vector.shape_cast %swap3A_432 : vector<1x16xf32> to vector<16xf32>
      %swap3A_434 = vector.shape_cast %get3A_430 : vector<16xf32> to vector<1x16xf32>
      tpu.vector_store %arg9[%swap3A, %swap3A_431], %swap3A_434 {strides = array<i32>} : memref<160x128xf32, #tpu.memory_space<vmem>>, vector<1x16xf32>,
      %mul3A_435 = arith.constant 4 : i32
      %mul3A_436 = arith.muli %mul3A_435, %scan3A_422 : i32
      %add3A_437 = arith.constant 0 : i32
      %add3A_438 = arith.addi %mul3A_436, %add3A_437 : i32
      %get3A_439 = arith.index_cast %add3A_438 : i32 to index
      %get3A_440 = arith.constant 16 : index
      %get3A_441 = tpu.vector_load %arg8[%get3A_439, %get3A_440] {strides = array<i32>} : memref<640x32xf32, #tpu.memory_space<vmem>>, vector<1x16xf32>,
      %get3A_442 = vector.shape_cast %get3A_441 : vector<1x16xf32> to vector<16xf32>
      %swap3A_443 = arith.index_cast %scan3A_422 : i32 to index
      %swap3A_444 = arith.constant 16 : index
      %swap3A_445 = tpu.vector_load %arg9[%swap3A_443, %swap3A_444] {strides = array<i32>} : memref<160x128xf32, #tpu.memory_space<vmem>>, vector<1x16xf32>,
      %swap3A_446 = vector.shape_cast %swap3A_445 : vector<1x16xf32> to vector<16xf32>
      %swap3A_447 = vector.shape_cast %get3A_442 : vector<16xf32> to vector<1x16xf32>
      tpu.vector_store %arg9[%swap3A_443, %swap3A_444], %swap3A_447 {strides = array<i32>} : memref<160x128xf32, #tpu.memory_space<vmem>>, vector<1x16xf32>,
      %mul3A_448 = arith.constant 4 : i32
      %mul3A_449 = arith.muli %mul3A_448, %scan3A_422 : i32
      %add3A_450 = arith.constant 1 : i32
      %add3A_451 = arith.addi %mul3A_449, %add3A_450 : i32
      %get3A_452 = arith.index_cast %add3A_451 : i32 to index
      %get3A_453 = arith.constant 0 : index
      %get3A_454 = tpu.vector_load %arg8[%get3A_452, %get3A_453] {strides = array<i32>} : memref<640x32xf32, #tpu.memory_space<vmem>>, vector<1x16xf32>,
      %get3A_455 = vector.shape_cast %get3A_454 : vector<1x16xf32> to vector<16xf32>
      %swap3A_456 = arith.index_cast %scan3A_422 : i32 to index
      %swap3A_457 = arith.constant 32 : index
      %swap3A_458 = tpu.vector_load %arg9[%swap3A_456, %swap3A_457] {strides = array<i32>} : memref<160x128xf32, #tpu.memory_space<vmem>>, vector<1x16xf32>,
      %swap3A_459 = vector.shape_cast %swap3A_458 : vector<1x16xf32> to vector<16xf32>
      %swap3A_460 = vector.shape_cast %get3A_455 : vector<16xf32> to vector<1x16xf32>
      tpu.vector_store %arg9[%swap3A_456, %swap3A_457], %swap3A_460 {strides = array<i32>} : memref<160x128xf32, #tpu.memory_space<vmem>>, vector<1x16xf32>,
      %mul3A_461 = arith.constant 4 : i32
      %mul3A_462 = arith.muli %mul3A_461, %scan3A_422 : i32
      %add3A_463 = arith.constant 1 : i32
      %add3A_464 = arith.addi %mul3A_462, %add3A_463 : i32
      %get3A_465 = arith.index_cast %add3A_464 : i32 to index
      %get3A_466 = arith.constant 16 : index
      %get3A_467 = tpu.vector_load %arg8[%get3A_465, %get3A_466] {strides = array<i32>} : memref<640x32xf32, #tpu.memory_space<vmem>>, vector<1x16xf32>,
      %get3A_468 = vector.shape_cast %get3A_467 : vector<1x16xf32> to vector<16xf32>
      %swap3A_469 = arith.index_cast %scan3A_422 : i32 to index
      %swap3A_470 = arith.constant 48 : index
      %swap3A_471 = tpu.vector_load %arg9[%swap3A_469, %swap3A_470] {strides = array<i32>} : memref<160x128xf32, #tpu.memory_space<vmem>>, vector<1x16xf32>,
      %swap3A_472 = vector.shape_cast %swap3A_471 : vector<1x16xf32> to vector<16xf32>
      %swap3A_473 = vector.shape_cast %get3A_468 : vector<16xf32> to vector<1x16xf32>
      tpu.vector_store %arg9[%swap3A_469, %swap3A_470], %swap3A_473 {strides = array<i32>} : memref<160x128xf32, #tpu.memory_space<vmem>>, vector<1x16xf32>,
      %mul3A_474 = arith.constant 4 : i32
      %mul3A_475 = arith.muli %mul3A_474, %scan3A_422 : i32
      %add3A_476 = arith.constant 2 : i32
      %add3A_477 = arith.addi %mul3A_475, %add3A_476 : i32
      %get3A_478 = arith.index_cast %add3A_477 : i32 to index
      %get3A_479 = arith.constant 0 : index
      %get3A_480 = tpu.vector_load %arg8[%get3A_478, %get3A_479] {strides = array<i32>} : memref<640x32xf32, #tpu.memory_space<vmem>>, vector<1x16xf32>,
      %get3A_481 = vector.shape_cast %get3A_480 : vector<1x16xf32> to vector<16xf32>
      %swap3A_482 = arith.index_cast %scan3A_422 : i32 to index
      %swap3A_483 = arith.constant 64 : index
      %swap3A_484 = tpu.vector_load %arg9[%swap3A_482, %swap3A_483] {strides = array<i32>} : memref<160x128xf32, #tpu.memory_space<vmem>>, vector<1x16xf32>,
      %swap3A_485 = vector.shape_cast %swap3A_484 : vector<1x16xf32> to vector<16xf32>
      %swap3A_486 = vector.shape_cast %get3A_481 : vector<16xf32> to vector<1x16xf32>
      tpu.vector_store %arg9[%swap3A_482, %swap3A_483], %swap3A_486 {strides = array<i32>} : memref<160x128xf32, #tpu.memory_space<vmem>>, vector<1x16xf32>,
      %mul3A_487 = arith.constant 4 : i32
      %mul3A_488 = arith.muli %mul3A_487, %scan3A_422 : i32
      %add3A_489 = arith.constant 2 : i32
      %add3A_490 = arith.addi %mul3A_488, %add3A_489 : i32
      %get3A_491 = arith.index_cast %add3A_490 : i32 to index
      %get3A_492 = arith.constant 16 : index
      %get3A_493 = tpu.vector_load %arg8[%get3A_491, %get3A_492] {strides = array<i32>} : memref<640x32xf32, #tpu.memory_space<vmem>>, vector<1x16xf32>,
      %get3A_494 = vector.shape_cast %get3A_493 : vector<1x16xf32> to vector<16xf32>
      %swap3A_495 = arith.index_cast %scan3A_422 : i32 to index
      %swap3A_496 = arith.constant 80 : index
      %swap3A_497 = tpu.vector_load %arg9[%swap3A_495, %swap3A_496] {strides = array<i32>} : memref<160x128xf32, #tpu.memory_space<vmem>>, vector<1x16xf32>,
      %swap3A_498 = vector.shape_cast %swap3A_497 : vector<1x16xf32> to vector<16xf32>
      %swap3A_499 = vector.shape_cast %get3A_494 : vector<16xf32> to vector<1x16xf32>
      tpu.vector_store %arg9[%swap3A_495, %swap3A_496], %swap3A_499 {strides = array<i32>} : memref<160x128xf32, #tpu.memory_space<vmem>>, vector<1x16xf32>,
      %mul3A_500 = arith.constant 4 : i32
      %mul3A_501 = arith.muli %mul3A_500, %scan3A_422 : i32
      %add3A_502 = arith.constant 3 : i32
      %add3A_503 = arith.addi %mul3A_501, %add3A_502 : i32
      %get3A_504 = arith.index_cast %add3A_503 : i32 to index
      %get3A_505 = arith.constant 0 : index
      %get3A_506 = tpu.vector_load %arg8[%get3A_504, %get3A_505] {strides = array<i32>} : memref<640x32xf32, #tpu.memory_space<vmem>>, vector<1x16xf32>,
      %get3A_507 = vector.shape_cast %get3A_506 : vector<1x16xf32> to vector<16xf32>
      %swap3A_508 = arith.index_cast %scan3A_422 : i32 to index
      %swap3A_509 = arith.constant 96 : index
      %swap3A_510 = tpu.vector_load %arg9[%swap3A_508, %swap3A_509] {strides = array<i32>} : memref<160x128xf32, #tpu.memory_space<vmem>>, vector<1x16xf32>,
      %swap3A_511 = vector.shape_cast %swap3A_510 : vector<1x16xf32> to vector<16xf32>
      %swap3A_512 = vector.shape_cast %get3A_507 : vector<16xf32> to vector<1x16xf32>
      tpu.vector_store %arg9[%swap3A_508, %swap3A_509], %swap3A_512 {strides = array<i32>} : memref<160x128xf32, #tpu.memory_space<vmem>>, vector<1x16xf32>,
      %mul3A_513 = arith.constant 4 : i32
      %mul3A_514 = arith.muli %mul3A_513, %scan3A_422 : i32
      %add3A_515 = arith.constant 3 : i32
      %add3A_516 = arith.addi %mul3A_514, %add3A_515 : i32
      %get3A_517 = arith.index_cast %add3A_516 : i32 to index
      %get3A_518 = arith.constant 16 : index
      %get3A_519 = tpu.vector_load %arg8[%get3A_517, %get3A_518] {strides = array<i32>} : memref<640x32xf32, #tpu.memory_space<vmem>>, vector<1x16xf32>,
      %get3A_520 = vector.shape_cast %get3A_519 : vector<1x16xf32> to vector<16xf32>
      %swap3A_521 = arith.index_cast %scan3A_422 : i32 to index
      %swap3A_522 = arith.constant 112 : index
      %swap3A_523 = tpu.vector_load %arg9[%swap3A_521, %swap3A_522] {strides = array<i32>} : memref<160x128xf32, #tpu.memory_space<vmem>>, vector<1x16xf32>,
      %swap3A_524 = vector.shape_cast %swap3A_523 : vector<1x16xf32> to vector<16xf32>
      %swap3A_525 = vector.shape_cast %get3A_520 : vector<16xf32> to vector<1x16xf32>
      tpu.vector_store %arg9[%swap3A_521, %swap3A_522], %swap3A_525 {strides = array<i32>} : memref<160x128xf32, #tpu.memory_space<vmem>>, vector<1x16xf32>,
      %scan3A_526 = arith.constant 0 : i32
      %scan3A_527 = arith.constant 1 : i32
      %scan3A_528 = arith.addi %scan3A_422, %scan3A_527 : i32
      %mul3A_529 = arith.constant 4 : i32
      %mul3A_530 = arith.muli %mul3A_529, %scan3A_528 : i32
      %add3A_531 = arith.constant 0 : i32
      %add3A_532 = arith.addi %mul3A_530, %add3A_531 : i32
      %get3A_533 = arith.index_cast %add3A_532 : i32 to index
      %get3A_534 = arith.constant 0 : index
      %get3A_535 = tpu.vector_load %arg8[%get3A_533, %get3A_534] {strides = array<i32>} : memref<640x32xf32, #tpu.memory_space<vmem>>, vector<1x16xf32>,
      %get3A_536 = vector.shape_cast %get3A_535 : vector<1x16xf32> to vector<16xf32>
      %swap3A_537 = arith.index_cast %scan3A_528 : i32 to index
      %swap3A_538 = arith.constant 0 : index
      %swap3A_539 = tpu.vector_load %arg9[%swap3A_537, %swap3A_538] {strides = array<i32>} : memref<160x128xf32, #tpu.memory_space<vmem>>, vector<1x16xf32>,
      %swap3A_540 = vector.shape_cast %swap3A_539 : vector<1x16xf32> to vector<16xf32>
      %swap3A_541 = vector.shape_cast %get3A_536 : vector<16xf32> to vector<1x16xf32>
      tpu.vector_store %arg9[%swap3A_537, %swap3A_538], %swap3A_541 {strides = array<i32>} : memref<160x128xf32, #tpu.memory_space<vmem>>, vector<1x16xf32>,
      %mul3A_542 = arith.constant 4 : i32
      %mul3A_543 = arith.muli %mul3A_542, %scan3A_528 : i32
      %add3A_544 = arith.constant 0 : i32
      %add3A_545 = arith.addi %mul3A_543, %add3A_544 : i32
      %get3A_546 = arith.index_cast %add3A_545 : i32 to index
      %get3A_547 = arith.constant 16 : index
      %get3A_548 = tpu.vector_load %arg8[%get3A_546, %get3A_547] {strides = array<i32>} : memref<640x32xf32, #tpu.memory_space<vmem>>, vector<1x16xf32>,
      %get3A_549 = vector.shape_cast %get3A_548 : vector<1x16xf32> to vector<16xf32>
      %swap3A_550 = arith.index_cast %scan3A_528 : i32 to index
      %swap3A_551 = arith.constant 16 : index
      %swap3A_552 = tpu.vector_load %arg9[%swap3A_550, %swap3A_551] {strides = array<i32>} : memref<160x128xf32, #tpu.memory_space<vmem>>, vector<1x16xf32>,
      %swap3A_553 = vector.shape_cast %swap3A_552 : vector<1x16xf32> to vector<16xf32>
      %swap3A_554 = vector.shape_cast %get3A_549 : vector<16xf32> to vector<1x16xf32>
      tpu.vector_store %arg9[%swap3A_550, %swap3A_551], %swap3A_554 {strides = array<i32>} : memref<160x128xf32, #tpu.memory_space<vmem>>, vector<1x16xf32>,
      %mul3A_555 = arith.constant 4 : i32
      %mul3A_556 = arith.muli %mul3A_555, %scan3A_528 : i32
      %add3A_557 = arith.constant 1 : i32
      %add3A_558 = arith.addi %mul3A_556, %add3A_557 : i32
      %get3A_559 = arith.index_cast %add3A_558 : i32 to index
      %get3A_560 = arith.constant 0 : index
      %get3A_561 = tpu.vector_load %arg8[%get3A_559, %get3A_560] {strides = array<i32>} : memref<640x32xf32, #tpu.memory_space<vmem>>, vector<1x16xf32>,
      %get3A_562 = vector.shape_cast %get3A_561 : vector<1x16xf32> to vector<16xf32>
      %swap3A_563 = arith.index_cast %scan3A_528 : i32 to index
      %swap3A_564 = arith.constant 32 : index
      %swap3A_565 = tpu.vector_load %arg9[%swap3A_563, %swap3A_564] {strides = array<i32>} : memref<160x128xf32, #tpu.memory_space<vmem>>, vector<1x16xf32>,
      %swap3A_566 = vector.shape_cast %swap3A_565 : vector<1x16xf32> to vector<16xf32>
      %swap3A_567 = vector.shape_cast %get3A_562 : vector<16xf32> to vector<1x16xf32>
      tpu.vector_store %arg9[%swap3A_563, %swap3A_564], %swap3A_567 {strides = array<i32>} : memref<160x128xf32, #tpu.memory_space<vmem>>, vector<1x16xf32>,
      %mul3A_568 = arith.constant 4 : i32
      %mul3A_569 = arith.muli %mul3A_568, %scan3A_528 : i32
      %add3A_570 = arith.constant 1 : i32
      %add3A_571 = arith.addi %mul3A_569, %add3A_570 : i32
      %get3A_572 = arith.index_cast %add3A_571 : i32 to index
      %get3A_573 = arith.constant 16 : index
      %get3A_574 = tpu.vector_load %arg8[%get3A_572, %get3A_573] {strides = array<i32>} : memref<640x32xf32, #tpu.memory_space<vmem>>, vector<1x16xf32>,
      %get3A_575 = vector.shape_cast %get3A_574 : vector<1x16xf32> to vector<16xf32>
      %swap3A_576 = arith.index_cast %scan3A_528 : i32 to index
      %swap3A_577 = arith.constant 48 : index
      %swap3A_578 = tpu.vector_load %arg9[%swap3A_576, %swap3A_577] {strides = array<i32>} : memref<160x128xf32, #tpu.memory_space<vmem>>, vector<1x16xf32>,
      %swap3A_579 = vector.shape_cast %swap3A_578 : vector<1x16xf32> to vector<16xf32>
      %swap3A_580 = vector.shape_cast %get3A_575 : vector<16xf32> to vector<1x16xf32>
      tpu.vector_store %arg9[%swap3A_576, %swap3A_577], %swap3A_580 {strides = array<i32>} : memref<160x128xf32, #tpu.memory_space<vmem>>, vector<1x16xf32>,
      %mul3A_581 = arith.constant 4 : i32
      %mul3A_582 = arith.muli %mul3A_581, %scan3A_528 : i32
      %add3A_583 = arith.constant 2 : i32
      %add3A_584 = arith.addi %mul3A_582, %add3A_583 : i32
      %get3A_585 = arith.index_cast %add3A_584 : i32 to index
      %get3A_586 = arith.constant 0 : index
      %get3A_587 = tpu.vector_load %arg8[%get3A_585, %get3A_586] {strides = array<i32>} : memref<640x32xf32, #tpu.memory_space<vmem>>, vector<1x16xf32>,
      %get3A_588 = vector.shape_cast %get3A_587 : vector<1x16xf32> to vector<16xf32>
      %swap3A_589 = arith.index_cast %scan3A_528 : i32 to index
      %swap3A_590 = arith.constant 64 : index
      %swap3A_591 = tpu.vector_load %arg9[%swap3A_589, %swap3A_590] {strides = array<i32>} : memref<160x128xf32, #tpu.memory_space<vmem>>, vector<1x16xf32>,
      %swap3A_592 = vector.shape_cast %swap3A_591 : vector<1x16xf32> to vector<16xf32>
      %swap3A_593 = vector.shape_cast %get3A_588 : vector<16xf32> to vector<1x16xf32>
      tpu.vector_store %arg9[%swap3A_589, %swap3A_590], %swap3A_593 {strides = array<i32>} : memref<160x128xf32, #tpu.memory_space<vmem>>, vector<1x16xf32>,
      %mul3A_594 = arith.constant 4 : i32
      %mul3A_595 = arith.muli %mul3A_594, %scan3A_528 : i32
      %add3A_596 = arith.constant 2 : i32
      %add3A_597 = arith.addi %mul3A_595, %add3A_596 : i32
      %get3A_598 = arith.index_cast %add3A_597 : i32 to index
      %get3A_599 = arith.constant 16 : index
      %get3A_600 = tpu.vector_load %arg8[%get3A_598, %get3A_599] {strides = array<i32>} : memref<640x32xf32, #tpu.memory_space<vmem>>, vector<1x16xf32>,
      %get3A_601 = vector.shape_cast %get3A_600 : vector<1x16xf32> to vector<16xf32>
      %swap3A_602 = arith.index_cast %scan3A_528 : i32 to index
      %swap3A_603 = arith.constant 80 : index
      %swap3A_604 = tpu.vector_load %arg9[%swap3A_602, %swap3A_603] {strides = array<i32>} : memref<160x128xf32, #tpu.memory_space<vmem>>, vector<1x16xf32>,
      %swap3A_605 = vector.shape_cast %swap3A_604 : vector<1x16xf32> to vector<16xf32>
      %swap3A_606 = vector.shape_cast %get3A_601 : vector<16xf32> to vector<1x16xf32>
      tpu.vector_store %arg9[%swap3A_602, %swap3A_603], %swap3A_606 {strides = array<i32>} : memref<160x128xf32, #tpu.memory_space<vmem>>, vector<1x16xf32>,
      %mul3A_607 = arith.constant 4 : i32
      %mul3A_608 = arith.muli %mul3A_607, %scan3A_528 : i32
      %add3A_609 = arith.constant 3 : i32
      %add3A_610 = arith.addi %mul3A_608, %add3A_609 : i32
      %get3A_611 = arith.index_cast %add3A_610 : i32 to index
      %get3A_612 = arith.constant 0 : index
      %get3A_613 = tpu.vector_load %arg8[%get3A_611, %get3A_612] {strides = array<i32>} : memref<640x32xf32, #tpu.memory_space<vmem>>, vector<1x16xf32>,
      %get3A_614 = vector.shape_cast %get3A_613 : vector<1x16xf32> to vector<16xf32>
      %swap3A_615 = arith.index_cast %scan3A_528 : i32 to index
      %swap3A_616 = arith.constant 96 : index
      %swap3A_617 = tpu.vector_load %arg9[%swap3A_615, %swap3A_616] {strides = array<i32>} : memref<160x128xf32, #tpu.memory_space<vmem>>, vector<1x16xf32>,
      %swap3A_618 = vector.shape_cast %swap3A_617 : vector<1x16xf32> to vector<16xf32>
      %swap3A_619 = vector.shape_cast %get3A_614 : vector<16xf32> to vector<1x16xf32>
      tpu.vector_store %arg9[%swap3A_615, %swap3A_616], %swap3A_619 {strides = array<i32>} : memref<160x128xf32, #tpu.memory_space<vmem>>, vector<1x16xf32>,
      %mul3A_620 = arith.constant 4 : i32
      %mul3A_621 = arith.muli %mul3A_620, %scan3A_528 : i32
      %add3A_622 = arith.constant 3 : i32
      %add3A_623 = arith.addi %mul3A_621, %add3A_622 : i32
      %get3A_624 = arith.index_cast %add3A_623 : i32 to index
      %get3A_625 = arith.constant 16 : index
      %get3A_626 = tpu.vector_load %arg8[%get3A_624, %get3A_625] {strides = array<i32>} : memref<640x32xf32, #tpu.memory_space<vmem>>, vector<1x16xf32>,
      %get3A_627 = vector.shape_cast %get3A_626 : vector<1x16xf32> to vector<16xf32>
      %swap3A_628 = arith.index_cast %scan3A_528 : i32 to index
      %swap3A_629 = arith.constant 112 : index
      %swap3A_630 = tpu.vector_load %arg9[%swap3A_628, %swap3A_629] {strides = array<i32>} : memref<160x128xf32, #tpu.memory_space<vmem>>, vector<1x16xf32>,
      %swap3A_631 = vector.shape_cast %swap3A_630 : vector<1x16xf32> to vector<16xf32>
      %swap3A_632 = vector.shape_cast %get3A_627 : vector<16xf32> to vector<1x16xf32>
      tpu.vector_store %arg9[%swap3A_628, %swap3A_629], %swap3A_632 {strides = array<i32>} : memref<160x128xf32, #tpu.memory_space<vmem>>, vector<1x16xf32>,
      %scan3A_633 = arith.constant 0 : i32
      %scan3A_634 = arith.constant 2 : i32
      %scan3A_635 = arith.addi %scan3A_422, %scan3A_634 : i32
      %mul3A_636 = arith.constant 4 : i32
      %mul3A_637 = arith.muli %mul3A_636, %scan3A_635 : i32
      %add3A_638 = arith.constant 0 : i32
      %add3A_639 = arith.addi %mul3A_637, %add3A_638 : i32
      %get3A_640 = arith.index_cast %add3A_639 : i32 to index
      %get3A_641 = arith.constant 0 : index
      %get3A_642 = tpu.vector_load %arg8[%get3A_640, %get3A_641] {strides = array<i32>} : memref<640x32xf32, #tpu.memory_space<vmem>>, vector<1x16xf32>,
      %get3A_643 = vector.shape_cast %get3A_642 : vector<1x16xf32> to vector<16xf32>
      %swap3A_644 = arith.index_cast %scan3A_635 : i32 to index
      %swap3A_645 = arith.constant 0 : index
      %swap3A_646 = tpu.vector_load %arg9[%swap3A_644, %swap3A_645] {strides = array<i32>} : memref<160x128xf32, #tpu.memory_space<vmem>>, vector<1x16xf32>,
      %swap3A_647 = vector.shape_cast %swap3A_646 : vector<1x16xf32> to vector<16xf32>
      %swap3A_648 = vector.shape_cast %get3A_643 : vector<16xf32> to vector<1x16xf32>
      tpu.vector_store %arg9[%swap3A_644, %swap3A_645], %swap3A_648 {strides = array<i32>} : memref<160x128xf32, #tpu.memory_space<vmem>>, vector<1x16xf32>,
      %mul3A_649 = arith.constant 4 : i32
      %mul3A_650 = arith.muli %mul3A_649, %scan3A_635 : i32
      %add3A_651 = arith.constant 0 : i32
      %add3A_652 = arith.addi %mul3A_650, %add3A_651 : i32
      %get3A_653 = arith.index_cast %add3A_652 : i32 to index
      %get3A_654 = arith.constant 16 : index
      %get3A_655 = tpu.vector_load %arg8[%get3A_653, %get3A_654] {strides = array<i32>} : memref<640x32xf32, #tpu.memory_space<vmem>>, vector<1x16xf32>,
      %get3A_656 = vector.shape_cast %get3A_655 : vector<1x16xf32> to vector<16xf32>
      %swap3A_657 = arith.index_cast %scan3A_635 : i32 to index
      %swap3A_658 = arith.constant 16 : index
      %swap3A_659 = tpu.vector_load %arg9[%swap3A_657, %swap3A_658] {strides = array<i32>} : memref<160x128xf32, #tpu.memory_space<vmem>>, vector<1x16xf32>,
      %swap3A_660 = vector.shape_cast %swap3A_659 : vector<1x16xf32> to vector<16xf32>
      %swap3A_661 = vector.shape_cast %get3A_656 : vector<16xf32> to vector<1x16xf32>
      tpu.vector_store %arg9[%swap3A_657, %swap3A_658], %swap3A_661 {strides = array<i32>} : memref<160x128xf32, #tpu.memory_space<vmem>>, vector<1x16xf32>,
      %mul3A_662 = arith.constant 4 : i32
      %mul3A_663 = arith.muli %mul3A_662, %scan3A_635 : i32
      %add3A_664 = arith.constant 1 : i32
      %add3A_665 = arith.addi %mul3A_663, %add3A_664 : i32
      %get3A_666 = arith.index_cast %add3A_665 : i32 to index
      %get3A_667 = arith.constant 0 : index
      %get3A_668 = tpu.vector_load %arg8[%get3A_666, %get3A_667] {strides = array<i32>} : memref<640x32xf32, #tpu.memory_space<vmem>>, vector<1x16xf32>,
      %get3A_669 = vector.shape_cast %get3A_668 : vector<1x16xf32> to vector<16xf32>
      %swap3A_670 = arith.index_cast %scan3A_635 : i32 to index
      %swap3A_671 = arith.constant 32 : index
      %swap3A_672 = tpu.vector_load %arg9[%swap3A_670, %swap3A_671] {strides = array<i32>} : memref<160x128xf32, #tpu.memory_space<vmem>>, vector<1x16xf32>,
      %swap3A_673 = vector.shape_cast %swap3A_672 : vector<1x16xf32> to vector<16xf32>
      %swap3A_674 = vector.shape_cast %get3A_669 : vector<16xf32> to vector<1x16xf32>
      tpu.vector_store %arg9[%swap3A_670, %swap3A_671], %swap3A_674 {strides = array<i32>} : memref<160x128xf32, #tpu.memory_space<vmem>>, vector<1x16xf32>,
      %mul3A_675 = arith.constant 4 : i32
      %mul3A_676 = arith.muli %mul3A_675, %scan3A_635 : i32
      %add3A_677 = arith.constant 1 : i32
      %add3A_678 = arith.addi %mul3A_676, %add3A_677 : i32
      %get3A_679 = arith.index_cast %add3A_678 : i32 to index
      %get3A_680 = arith.constant 16 : index
      %get3A_681 = tpu.vector_load %arg8[%get3A_679, %get3A_680] {strides = array<i32>} : memref<640x32xf32, #tpu.memory_space<vmem>>, vector<1x16xf32>,
      %get3A_682 = vector.shape_cast %get3A_681 : vector<1x16xf32> to vector<16xf32>
      %swap3A_683 = arith.index_cast %scan3A_635 : i32 to index
      %swap3A_684 = arith.constant 48 : index
      %swap3A_685 = tpu.vector_load %arg9[%swap3A_683, %swap3A_684] {strides = array<i32>} : memref<160x128xf32, #tpu.memory_space<vmem>>, vector<1x16xf32>,
      %swap3A_686 = vector.shape_cast %swap3A_685 : vector<1x16xf32> to vector<16xf32>
      %swap3A_687 = vector.shape_cast %get3A_682 : vector<16xf32> to vector<1x16xf32>
      tpu.vector_store %arg9[%swap3A_683, %swap3A_684], %swap3A_687 {strides = array<i32>} : memref<160x128xf32, #tpu.memory_space<vmem>>, vector<1x16xf32>,
      %mul3A_688 = arith.constant 4 : i32
      %mul3A_689 = arith.muli %mul3A_688, %scan3A_635 : i32
      %add3A_690 = arith.constant 2 : i32
      %add3A_691 = arith.addi %mul3A_689, %add3A_690 : i32
      %get3A_692 = arith.index_cast %add3A_691 : i32 to index
      %get3A_693 = arith.constant 0 : index
      %get3A_694 = tpu.vector_load %arg8[%get3A_692, %get3A_693] {strides = array<i32>} : memref<640x32xf32, #tpu.memory_space<vmem>>, vector<1x16xf32>,
      %get3A_695 = vector.shape_cast %get3A_694 : vector<1x16xf32> to vector<16xf32>
      %swap3A_696 = arith.index_cast %scan3A_635 : i32 to index
      %swap3A_697 = arith.constant 64 : index
      %swap3A_698 = tpu.vector_load %arg9[%swap3A_696, %swap3A_697] {strides = array<i32>} : memref<160x128xf32, #tpu.memory_space<vmem>>, vector<1x16xf32>,
      %swap3A_699 = vector.shape_cast %swap3A_698 : vector<1x16xf32> to vector<16xf32>
      %swap3A_700 = vector.shape_cast %get3A_695 : vector<16xf32> to vector<1x16xf32>
      tpu.vector_store %arg9[%swap3A_696, %swap3A_697], %swap3A_700 {strides = array<i32>} : memref<160x128xf32, #tpu.memory_space<vmem>>, vector<1x16xf32>,
      %mul3A_701 = arith.constant 4 : i32
      %mul3A_702 = arith.muli %mul3A_701, %scan3A_635 : i32
      %add3A_703 = arith.constant 2 : i32
      %add3A_704 = arith.addi %mul3A_702, %add3A_703 : i32
      %get3A_705 = arith.index_cast %add3A_704 : i32 to index
      %get3A_706 = arith.constant 16 : index
      %get3A_707 = tpu.vector_load %arg8[%get3A_705, %get3A_706] {strides = array<i32>} : memref<640x32xf32, #tpu.memory_space<vmem>>, vector<1x16xf32>,
      %get3A_708 = vector.shape_cast %get3A_707 : vector<1x16xf32> to vector<16xf32>
      %swap3A_709 = arith.index_cast %scan3A_635 : i32 to index
      %swap3A_710 = arith.constant 80 : index
      %swap3A_711 = tpu.vector_load %arg9[%swap3A_709, %swap3A_710] {strides = array<i32>} : memref<160x128xf32, #tpu.memory_space<vmem>>, vector<1x16xf32>,
      %swap3A_712 = vector.shape_cast %swap3A_711 : vector<1x16xf32> to vector<16xf32>
      %swap3A_713 = vector.shape_cast %get3A_708 : vector<16xf32> to vector<1x16xf32>
      tpu.vector_store %arg9[%swap3A_709, %swap3A_710], %swap3A_713 {strides = array<i32>} : memref<160x128xf32, #tpu.memory_space<vmem>>, vector<1x16xf32>,
      %mul3A_714 = arith.constant 4 : i32
      %mul3A_715 = arith.muli %mul3A_714, %scan3A_635 : i32
      %add3A_716 = arith.constant 3 : i32
      %add3A_717 = arith.addi %mul3A_715, %add3A_716 : i32
      %get3A_718 = arith.index_cast %add3A_717 : i32 to index
      %get3A_719 = arith.constant 0 : index
      %get3A_720 = tpu.vector_load %arg8[%get3A_718, %get3A_719] {strides = array<i32>} : memref<640x32xf32, #tpu.memory_space<vmem>>, vector<1x16xf32>,
      %get3A_721 = vector.shape_cast %get3A_720 : vector<1x16xf32> to vector<16xf32>
      %swap3A_722 = arith.index_cast %scan3A_635 : i32 to index
      %swap3A_723 = arith.constant 96 : index
      %swap3A_724 = tpu.vector_load %arg9[%swap3A_722, %swap3A_723] {strides = array<i32>} : memref<160x128xf32, #tpu.memory_space<vmem>>, vector<1x16xf32>,
      %swap3A_725 = vector.shape_cast %swap3A_724 : vector<1x16xf32> to vector<16xf32>
      %swap3A_726 = vector.shape_cast %get3A_721 : vector<16xf32> to vector<1x16xf32>
      tpu.vector_store %arg9[%swap3A_722, %swap3A_723], %swap3A_726 {strides = array<i32>} : memref<160x128xf32, #tpu.memory_space<vmem>>, vector<1x16xf32>,
      %mul3A_727 = arith.constant 4 : i32
      %mul3A_728 = arith.muli %mul3A_727, %scan3A_635 : i32
      %add3A_729 = arith.constant 3 : i32
      %add3A_730 = arith.addi %mul3A_728, %add3A_729 : i32
      %get3A_731 = arith.index_cast %add3A_730 : i32 to index
      %get3A_732 = arith.constant 16 : index
      %get3A_733 = tpu.vector_load %arg8[%get3A_731, %get3A_732] {strides = array<i32>} : memref<640x32xf32, #tpu.memory_space<vmem>>, vector<1x16xf32>,
      %get3A_734 = vector.shape_cast %get3A_733 : vector<1x16xf32> to vector<16xf32>
      %swap3A_735 = arith.index_cast %scan3A_635 : i32 to index
      %swap3A_736 = arith.constant 112 : index
      %swap3A_737 = tpu.vector_load %arg9[%swap3A_735, %swap3A_736] {strides = array<i32>} : memref<160x128xf32, #tpu.memory_space<vmem>>, vector<1x16xf32>,
      %swap3A_738 = vector.shape_cast %swap3A_737 : vector<1x16xf32> to vector<16xf32>
      %swap3A_739 = vector.shape_cast %get3A_734 : vector<16xf32> to vector<1x16xf32>
      tpu.vector_store %arg9[%swap3A_735, %swap3A_736], %swap3A_739 {strides = array<i32>} : memref<160x128xf32, #tpu.memory_space<vmem>>, vector<1x16xf32>,
      %scan3A_740 = arith.constant 0 : i32
      %scan3A_741 = arith.constant 3 : i32
      %scan3A_742 = arith.addi %scan3A_422, %scan3A_741 : i32
      %mul3A_743 = arith.constant 4 : i32
      %mul3A_744 = arith.muli %mul3A_743, %scan3A_742 : i32
      %add3A_745 = arith.constant 0 : i32
      %add3A_746 = arith.addi %mul3A_744, %add3A_745 : i32
      %get3A_747 = arith.index_cast %add3A_746 : i32 to index
      %get3A_748 = arith.constant 0 : index
      %get3A_749 = tpu.vector_load %arg8[%get3A_747, %get3A_748] {strides = array<i32>} : memref<640x32xf32, #tpu.memory_space<vmem>>, vector<1x16xf32>,
      %get3A_750 = vector.shape_cast %get3A_749 : vector<1x16xf32> to vector<16xf32>
      %swap3A_751 = arith.index_cast %scan3A_742 : i32 to index
      %swap3A_752 = arith.constant 0 : index
      %swap3A_753 = tpu.vector_load %arg9[%swap3A_751, %swap3A_752] {strides = array<i32>} : memref<160x128xf32, #tpu.memory_space<vmem>>, vector<1x16xf32>,
      %swap3A_754 = vector.shape_cast %swap3A_753 : vector<1x16xf32> to vector<16xf32>
      %swap3A_755 = vector.shape_cast %get3A_750 : vector<16xf32> to vector<1x16xf32>
      tpu.vector_store %arg9[%swap3A_751, %swap3A_752], %swap3A_755 {strides = array<i32>} : memref<160x128xf32, #tpu.memory_space<vmem>>, vector<1x16xf32>,
      %mul3A_756 = arith.constant 4 : i32
      %mul3A_757 = arith.muli %mul3A_756, %scan3A_742 : i32
      %add3A_758 = arith.constant 0 : i32
      %add3A_759 = arith.addi %mul3A_757, %add3A_758 : i32
      %get3A_760 = arith.index_cast %add3A_759 : i32 to index
      %get3A_761 = arith.constant 16 : index
      %get3A_762 = tpu.vector_load %arg8[%get3A_760, %get3A_761] {strides = array<i32>} : memref<640x32xf32, #tpu.memory_space<vmem>>, vector<1x16xf32>,
      %get3A_763 = vector.shape_cast %get3A_762 : vector<1x16xf32> to vector<16xf32>
      %swap3A_764 = arith.index_cast %scan3A_742 : i32 to index
      %swap3A_765 = arith.constant 16 : index
      %swap3A_766 = tpu.vector_load %arg9[%swap3A_764, %swap3A_765] {strides = array<i32>} : memref<160x128xf32, #tpu.memory_space<vmem>>, vector<1x16xf32>,
      %swap3A_767 = vector.shape_cast %swap3A_766 : vector<1x16xf32> to vector<16xf32>
      %swap3A_768 = vector.shape_cast %get3A_763 : vector<16xf32> to vector<1x16xf32>
      tpu.vector_store %arg9[%swap3A_764, %swap3A_765], %swap3A_768 {strides = array<i32>} : memref<160x128xf32, #tpu.memory_space<vmem>>, vector<1x16xf32>,
      %mul3A_769 = arith.constant 4 : i32
      %mul3A_770 = arith.muli %mul3A_769, %scan3A_742 : i32
      %add3A_771 = arith.constant 1 : i32
      %add3A_772 = arith.addi %mul3A_770, %add3A_771 : i32
      %get3A_773 = arith.index_cast %add3A_772 : i32 to index
      %get3A_774 = arith.constant 0 : index
      %get3A_775 = tpu.vector_load %arg8[%get3A_773, %get3A_774] {strides = array<i32>} : memref<640x32xf32, #tpu.memory_space<vmem>>, vector<1x16xf32>,
      %get3A_776 = vector.shape_cast %get3A_775 : vector<1x16xf32> to vector<16xf32>
      %swap3A_777 = arith.index_cast %scan3A_742 : i32 to index
      %swap3A_778 = arith.constant 32 : index
      %swap3A_779 = tpu.vector_load %arg9[%swap3A_777, %swap3A_778] {strides = array<i32>} : memref<160x128xf32, #tpu.memory_space<vmem>>, vector<1x16xf32>,
      %swap3A_780 = vector.shape_cast %swap3A_779 : vector<1x16xf32> to vector<16xf32>
      %swap3A_781 = vector.shape_cast %get3A_776 : vector<16xf32> to vector<1x16xf32>
      tpu.vector_store %arg9[%swap3A_777, %swap3A_778], %swap3A_781 {strides = array<i32>} : memref<160x128xf32, #tpu.memory_space<vmem>>, vector<1x16xf32>,
      %mul3A_782 = arith.constant 4 : i32
      %mul3A_783 = arith.muli %mul3A_782, %scan3A_742 : i32
      %add3A_784 = arith.constant 1 : i32
      %add3A_785 = arith.addi %mul3A_783, %add3A_784 : i32
      %get3A_786 = arith.index_cast %add3A_785 : i32 to index
      %get3A_787 = arith.constant 16 : index
      %get3A_788 = tpu.vector_load %arg8[%get3A_786, %get3A_787] {strides = array<i32>} : memref<640x32xf32, #tpu.memory_space<vmem>>, vector<1x16xf32>,
      %get3A_789 = vector.shape_cast %get3A_788 : vector<1x16xf32> to vector<16xf32>
      %swap3A_790 = arith.index_cast %scan3A_742 : i32 to index
      %swap3A_791 = arith.constant 48 : index
      %swap3A_792 = tpu.vector_load %arg9[%swap3A_790, %swap3A_791] {strides = array<i32>} : memref<160x128xf32, #tpu.memory_space<vmem>>, vector<1x16xf32>,
      %swap3A_793 = vector.shape_cast %swap3A_792 : vector<1x16xf32> to vector<16xf32>
      %swap3A_794 = vector.shape_cast %get3A_789 : vector<16xf32> to vector<1x16xf32>
      tpu.vector_store %arg9[%swap3A_790, %swap3A_791], %swap3A_794 {strides = array<i32>} : memref<160x128xf32, #tpu.memory_space<vmem>>, vector<1x16xf32>,
      %mul3A_795 = arith.constant 4 : i32
      %mul3A_796 = arith.muli %mul3A_795, %scan3A_742 : i32
      %add3A_797 = arith.constant 2 : i32
      %add3A_798 = arith.addi %mul3A_796, %add3A_797 : i32
      %get3A_799 = arith.index_cast %add3A_798 : i32 to index
      %get3A_800 = arith.constant 0 : index
      %get3A_801 = tpu.vector_load %arg8[%get3A_799, %get3A_800] {strides = array<i32>} : memref<640x32xf32, #tpu.memory_space<vmem>>, vector<1x16xf32>,
      %get3A_802 = vector.shape_cast %get3A_801 : vector<1x16xf32> to vector<16xf32>
      %swap3A_803 = arith.index_cast %scan3A_742 : i32 to index
      %swap3A_804 = arith.constant 64 : index
      %swap3A_805 = tpu.vector_load %arg9[%swap3A_803, %swap3A_804] {strides = array<i32>} : memref<160x128xf32, #tpu.memory_space<vmem>>, vector<1x16xf32>,
      %swap3A_806 = vector.shape_cast %swap3A_805 : vector<1x16xf32> to vector<16xf32>
      %swap3A_807 = vector.shape_cast %get3A_802 : vector<16xf32> to vector<1x16xf32>
      tpu.vector_store %arg9[%swap3A_803, %swap3A_804], %swap3A_807 {strides = array<i32>} : memref<160x128xf32, #tpu.memory_space<vmem>>, vector<1x16xf32>,
      %mul3A_808 = arith.constant 4 : i32
      %mul3A_809 = arith.muli %mul3A_808, %scan3A_742 : i32
      %add3A_810 = arith.constant 2 : i32
      %add3A_811 = arith.addi %mul3A_809, %add3A_810 : i32
      %get3A_812 = arith.index_cast %add3A_811 : i32 to index
      %get3A_813 = arith.constant 16 : index
      %get3A_814 = tpu.vector_load %arg8[%get3A_812, %get3A_813] {strides = array<i32>} : memref<640x32xf32, #tpu.memory_space<vmem>>, vector<1x16xf32>,
      %get3A_815 = vector.shape_cast %get3A_814 : vector<1x16xf32> to vector<16xf32>
      %swap3A_816 = arith.index_cast %scan3A_742 : i32 to index
      %swap3A_817 = arith.constant 80 : index
      %swap3A_818 = tpu.vector_load %arg9[%swap3A_816, %swap3A_817] {strides = array<i32>} : memref<160x128xf32, #tpu.memory_space<vmem>>, vector<1x16xf32>,
      %swap3A_819 = vector.shape_cast %swap3A_818 : vector<1x16xf32> to vector<16xf32>
      %swap3A_820 = vector.shape_cast %get3A_815 : vector<16xf32> to vector<1x16xf32>
      tpu.vector_store %arg9[%swap3A_816, %swap3A_817], %swap3A_820 {strides = array<i32>} : memref<160x128xf32, #tpu.memory_space<vmem>>, vector<1x16xf32>,
      %mul3A_821 = arith.constant 4 : i32
      %mul3A_822 = arith.muli %mul3A_821, %scan3A_742 : i32
      %add3A_823 = arith.constant 3 : i32
      %add3A_824 = arith.addi %mul3A_822, %add3A_823 : i32
      %get3A_825 = arith.index_cast %add3A_824 : i32 to index
      %get3A_826 = arith.constant 0 : index
      %get3A_827 = tpu.vector_load %arg8[%get3A_825, %get3A_826] {strides = array<i32>} : memref<640x32xf32, #tpu.memory_space<vmem>>, vector<1x16xf32>,
      %get3A_828 = vector.shape_cast %get3A_827 : vector<1x16xf32> to vector<16xf32>
      %swap3A_829 = arith.index_cast %scan3A_742 : i32 to index
      %swap3A_830 = arith.constant 96 : index
      %swap3A_831 = tpu.vector_load %arg9[%swap3A_829, %swap3A_830] {strides = array<i32>} : memref<160x128xf32, #tpu.memory_space<vmem>>, vector<1x16xf32>,
      %swap3A_832 = vector.shape_cast %swap3A_831 : vector<1x16xf32> to vector<16xf32>
      %swap3A_833 = vector.shape_cast %get3A_828 : vector<16xf32> to vector<1x16xf32>
      tpu.vector_store %arg9[%swap3A_829, %swap3A_830], %swap3A_833 {strides = array<i32>} : memref<160x128xf32, #tpu.memory_space<vmem>>, vector<1x16xf32>,
      %mul3A_834 = arith.constant 4 : i32
      %mul3A_835 = arith.muli %mul3A_834, %scan3A_742 : i32
      %add3A_836 = arith.constant 3 : i32
      %add3A_837 = arith.addi %mul3A_835, %add3A_836 : i32
      %get3A_838 = arith.index_cast %add3A_837 : i32 to index
      %get3A_839 = arith.constant 16 : index
      %get3A_840 = tpu.vector_load %arg8[%get3A_838, %get3A_839] {strides = array<i32>} : memref<640x32xf32, #tpu.memory_space<vmem>>, vector<1x16xf32>,
      %get3A_841 = vector.shape_cast %get3A_840 : vector<1x16xf32> to vector<16xf32>
      %swap3A_842 = arith.index_cast %scan3A_742 : i32 to index
      %swap3A_843 = arith.constant 112 : index
      %swap3A_844 = tpu.vector_load %arg9[%swap3A_842, %swap3A_843] {strides = array<i32>} : memref<160x128xf32, #tpu.memory_space<vmem>>, vector<1x16xf32>,
      %swap3A_845 = vector.shape_cast %swap3A_844 : vector<1x16xf32> to vector<16xf32>
      %swap3A_846 = vector.shape_cast %get3A_841 : vector<16xf32> to vector<1x16xf32>
      tpu.vector_store %arg9[%swap3A_842, %swap3A_843], %swap3A_846 {strides = array<i32>} : memref<160x128xf32, #tpu.memory_space<vmem>>, vector<1x16xf32>,
      %scan3A_847 = arith.constant 0 : i32
      scf.yield %scan3A_847 : i32
    }
    %scan3A_419 = arith.constant 160 : i32
    %mul3A_420 = arith.constant 160 : i32
    %mul3A_421 = arith.muli %arg1, %mul3A_420 : i32
    "tpu.region"() ({
      %run_scoped3A_422 = tpu.sem_alloc : memref<!tpu.dma_semaphore, #tpu.memory_space<semaphore_mem>>
      %dma_start3A_423 = arith.constant 0 : i32
      %dma_start3A_424 = tpu.memref_slice %arg4[%arg0, %mul3A_421, %dma_start3A_423] : memref<2x2560x128xf32, #tpu.memory_space<hbm>> -> memref<1x160x128xf32, #tpu.memory_space<hbm>>
      %dma_start3A_425 = tpu.memref_squeeze %dma_start3A_424 : memref<1x160x128xf32, #tpu.memory_space<hbm>> -> memref<160x128xf32, #tpu.memory_space<hbm>>
      %dma_start3A_426 = arith.constant 0 : i32
      %dma_start3A_427 = tpu.memref_slice %arg4[%arg0, %mul3A_421, %dma_start3A_426] : memref<2x2560x128xf32, #tpu.memory_space<hbm>> -> memref<1x160x128xf32, #tpu.memory_space<hbm>>
      %dma_start3A_428 = tpu.memref_squeeze %dma_start3A_427 : memref<1x160x128xf32, #tpu.memory_space<hbm>> -> memref<160x128xf32, #tpu.memory_space<hbm>>
      tpu.enqueue_dma source(%arg9 : memref<160x128xf32, #tpu.memory_space<vmem>>) target(%dma_start3A_428 : memref<160x128xf32, #tpu.memory_space<hbm>>) target_semaphore(%run_scoped3A_422 : memref<!tpu.dma_semaphore, #tpu.memory_space<semaphore_mem>>)
      %dma_wait3A_429 = arith.constant 0 : i32
      %dma_wait3A_430 = tpu.memref_slice %arg4[%arg0, %mul3A_421, %dma_wait3A_429] : memref<2x2560x128xf32, #tpu.memory_space<hbm>> -> memref<1x160x128xf32, #tpu.memory_space<hbm>>
      %dma_wait3A_431 = tpu.memref_squeeze %dma_wait3A_430 : memref<1x160x128xf32, #tpu.memory_space<hbm>> -> memref<160x128xf32, #tpu.memory_space<hbm>>
      %dma_wait3A_432 = arith.constant 0 : i32
      %dma_wait3A_433 = tpu.memref_slice %arg4[%arg0, %mul3A_421, %dma_wait3A_432] : memref<2x2560x128xf32, #tpu.memory_space<hbm>> -> memref<1x160x128xf32, #tpu.memory_space<hbm>>
      %dma_wait3A_434 = tpu.memref_squeeze %dma_wait3A_433 : memref<1x160x128xf32, #tpu.memory_space<hbm>> -> memref<160x128xf32, #tpu.memory_space<hbm>>
      tpu.wait_dma2 semaphore(%run_scoped3A_422 : memref<!tpu.dma_semaphore, #tpu.memory_space<semaphore_mem>>) src(%arg9 : memref<160x128xf32, #tpu.memory_space<vmem>>) dst(%dma_wait3A_434 : memref<160x128xf32, #tpu.memory_space<hbm>>)
      tpu.yield
    }) : () -> ()
    return
  }
}

module attributes {stable_mosaic.version = 14 : i64} {
  func.func @_tc_matmul_body(%arg0: i32, %arg1: memref<1024x128xf32, #tpu.memory_space<vmem>>, %arg2: memref<1x128x32xf32, #tpu.memory_space<vmem>>, %arg3: memref<256x128xf32, #tpu.memory_space<vmem>>) attributes {dimension_semantics = [#tpu.dimension_semantics<arbitrary>], iteration_bounds = array<i64: 10>, scalar_prefetch = 0 : i64, scratch_operands = 0 : i64, tpu.core_type = #tpu.core_type<tc>, window_params = [{transform_indices = @transform_0, window_bounds = array<i64: 1024, 128>}, {pipeline_mode = #tpu.pipeline_mode<synchronous>, transform_indices = @transform_1, window_bounds = array<i64: 1, 128, 32>}, {transform_indices = @transform_2, window_bounds = array<i64: 256, 128>}]} {
    %get3A = arith.constant 0 : index
    %get3A_0 = arith.constant 0 : index
    %get3A_1 = arith.constant 0 : index
    %get3A_2 = vector.load %arg2[%get3A, %get3A_0, %get3A_1] : memref<1x128x32xf32, #tpu.memory_space<vmem>>, vector<1x128x32xf32>
    %get3A_3 = vector.shape_cast %get3A_2 : vector<1x128x32xf32> to vector<128x32xf32>
    %concatenate3A = tpu.concatenate %get3A_3, %get3A_3, %get3A_3, %get3A_3 in 1 : vector<128x32xf32>, vector<128x32xf32>, vector<128x32xf32>, vector<128x32xf32> -> vector<128x128xf32>
    %get3A_4 = arith.constant 0 : index
    %get3A_5 = arith.constant 0 : index
    %get3A_6 = vector.load %arg1[%get3A_4, %get3A_5] : memref<1024x128xf32, #tpu.memory_space<vmem>>, vector<1024x128xf32>
    %dot_general3A = arith.constant dense<0.000000e+00> : vector<1024x128xf32>
    %dot_general3A_7 = tpu.matmul %get3A_6, %concatenate3A, %dot_general3A {dimension_numbers = #tpu.dot_dimension_numbers<[1], [0], [0], [1], [0, 0, 1, 1], [], []>, transpose_lhs_hint = false} : vector<1024x128xf32>, vector<128x128xf32>, vector<1024x128xf32> -> vector<1024x128xf32>
    %iota3A = tpu.iota {dimensions = array<i32: 1>} : vector<4x128xi32>
    %iota3A_8 = tpu.iota {dimensions = array<i32: 0>} : vector<4x128xi32>
    %jit3A = arith.constant 32 : i32
    %div3A = vector.broadcast %jit3A : i32 to vector<4x128xi32>
    %div3A_9 = arith.divsi %iota3A, %div3A : vector<4x128xi32>
    %sign3A = arith.constant 0 : i32
    %sign3A_10 = vector.broadcast %sign3A : i32 to vector<4x128xi32>
    %sign3A_11 = arith.cmpi sgt, %iota3A, %sign3A_10 : vector<4x128xi32>
    %sign3A_12 = arith.extui %sign3A_11 : vector<4x128xi1> to vector<4x128xi32>
    %sign3A_13 = arith.constant 0 : i32
    %sign3A_14 = vector.broadcast %sign3A_13 : i32 to vector<4x128xi32>
    %sign3A_15 = arith.cmpi slt, %iota3A, %sign3A_14 : vector<4x128xi32>
    %sign3A_16 = arith.extui %sign3A_15 : vector<4x128xi1> to vector<4x128xi32>
    %sign3A_17 = arith.subi %sign3A_12, %sign3A_16 : vector<4x128xi32>
    %sign3A_18 = arith.constant 0 : i32
    %sign3A_19 = arith.cmpi sgt, %jit3A, %sign3A_18 : i32
    %sign3A_20 = arith.extui %sign3A_19 : i1 to i32
    %sign3A_21 = arith.constant 0 : i32
    %sign3A_22 = arith.cmpi slt, %jit3A, %sign3A_21 : i32
    %sign3A_23 = arith.extui %sign3A_22 : i1 to i32
    %sign3A_24 = arith.subi %sign3A_20, %sign3A_23 : i32
    %ne3A = vector.broadcast %sign3A_24 : i32 to vector<4x128xi32>
    %ne3A_25 = arith.cmpi ne, %sign3A_17, %ne3A : vector<4x128xi32>
    %rem3A = vector.broadcast %jit3A : i32 to vector<4x128xi32>
    %rem3A_26 = arith.remsi %iota3A, %rem3A : vector<4x128xi32>
    %ne3A_27 = arith.constant 0 : i32
    %ne3A_28 = vector.broadcast %ne3A_27 : i32 to vector<4x128xi32>
    %ne3A_29 = arith.cmpi ne, %rem3A_26, %ne3A_28 : vector<4x128xi32>
    %and3A = arith.andi %ne3A_25, %ne3A_29 : vector<4x128xi1>
    %sub3A = arith.constant 1 : i32
    %sub3A_30 = vector.broadcast %sub3A : i32 to vector<4x128xi32>
    %sub3A_31 = arith.subi %div3A_9, %sub3A_30 : vector<4x128xi32>
    %select_n3A = arith.select %and3A, %sub3A_31, %div3A_9 : vector<4x128xi1>, vector<4x128xi32>
    %eq3A = arith.cmpi eq, %select_n3A, %iota3A_8 : vector<4x128xi32>
    %convert_element_type3A = arith.extui %eq3A : vector<4x128xi1> to vector<4x128xi32>
    %convert_element_type3A_32 = arith.sitofp %convert_element_type3A : vector<4x128xi32> to vector<4x128xf32>
    %reshape3A = vector.shape_cast %dot_general3A_7 : vector<1024x128xf32> to vector<256x4x128xf32>
    %broadcast_in_dim3A = vector.shape_cast %convert_element_type3A_32 : vector<4x128xf32> to vector<1x4x128xf32>
    %mul3A = vector.broadcast %broadcast_in_dim3A : vector<1x4x128xf32> to vector<256x4x128xf32>
    %mul3A_33 = arith.mulf %reshape3A, %mul3A : vector<256x4x128xf32>
    %reduce_sum3A = arith.constant dense<0.000000e+00> : vector<256x128xf32>
    %reduce_sum3A_34 = vector.multi_reduction <add>, %mul3A_33, %reduce_sum3A [1] : vector<256x4x128xf32> to vector<256x128xf32>
    %swap3A = arith.constant 0 : index
    %swap3A_35 = arith.constant 0 : index
    %swap3A_36 = vector.load %arg3[%swap3A, %swap3A_35] : memref<256x128xf32, #tpu.memory_space<vmem>>, vector<256x128xf32>
    tpu.vector_store %arg3[%swap3A, %swap3A_35], %reduce_sum3A_34 {strides = array<i32>} : memref<256x128xf32, #tpu.memory_space<vmem>>, vector<256x128xf32>,
    return
  }
  func.func @transform_0(%arg0: i32) -> (i32, i32) {
    %c0_i32 = arith.constant 0 : i32
    %c0_i32_0 = arith.constant 0 : i32
    return %arg0, %c0_i32 : i32, i32
  }
  func.func @transform_1(%arg0: i32) -> (i32, i32, i32) {
    %c0_i32 = arith.constant 0 : i32
    %c0_i32_0 = arith.constant 0 : i32
    %c0_i32_1 = arith.constant 0 : i32
    %c0_i32_2 = arith.constant 0 : i32
    return %c0_i32, %c0_i32_0, %c0_i32_1 : i32, i32, i32
  }
  func.func @transform_2(%arg0: i32) -> (i32, i32) {
    %c0_i32 = arith.constant 0 : i32
    %c0_i32_0 = arith.constant 0 : i32
    return %arg0, %c0_i32 : i32, i32
  }
}

module attributes {stable_mosaic.version = 14 : i64} {
  func.func @_tc_scale_body(%arg0: i32, %arg1: memref<1x32x8x128xf32, #tpu.memory_space<vmem>>, %arg2: memref<1x32x8x128xf32, #tpu.memory_space<vmem>>, %arg3: memref<256x128xf32, #tpu.memory_space<vmem>>, %arg4: memref<256x128xf32, #tpu.memory_space<vmem>>, %arg5: memref<256x128xf32, #tpu.memory_space<vmem>>) attributes {dimension_semantics = [#tpu.dimension_semantics<arbitrary>], iteration_bounds = array<i64: 10>, scalar_prefetch = 0 : i64, scratch_operands = 0 : i64, tpu.core_type = #tpu.core_type<tc>, window_params = [{transform_indices = @transform_0, window_bounds = array<i64: 1, 32, 8, 128>}, {transform_indices = @transform_1, window_bounds = array<i64: 1, 32, 8, 128>}, {transform_indices = @transform_2, window_bounds = array<i64: 256, 128>}, {transform_indices = @transform_3, window_bounds = array<i64: 256, 128>}, {transform_indices = @transform_4, window_bounds = array<i64: 256, 128>}]} {
    %get3A = arith.constant 0 : index
    %get3A_0 = arith.constant 0 : index
    %get3A_1 = arith.constant 0 : index
    %get3A_2 = arith.constant 0 : index
    %get3A_3 = vector.load %arg1[%get3A, %get3A_0, %get3A_1, %get3A_2] : memref<1x32x8x128xf32, #tpu.memory_space<vmem>>, vector<1x32x8x128xf32>
    %get3A_4 = vector.shape_cast %get3A_3 : vector<1x32x8x128xf32> to vector<32x8x128xf32>
    %reduce_sum3A = arith.constant dense<0.000000e+00> : vector<8x128xf32>
    %reduce_sum3A_5 = vector.multi_reduction <add>, %get3A_4, %reduce_sum3A [0] : vector<32x8x128xf32> to vector<8x128xf32>
    %reshape3A = vector.shape_cast %reduce_sum3A_5 : vector<8x128xf32> to vector<1024xf32>
    %max3A = arith.constant 1.000000e+00 : f32
    %max3A_6 = vector.broadcast %max3A : f32 to vector<1024xf32>
    %max3A_7 = arith.maximumf %reshape3A, %max3A_6 : vector<1024xf32>
    %rsqrt3A = math.rsqrt %max3A_7 : vector<1024xf32>
    %get3A_8 = arith.constant 0 : index
    %get3A_9 = arith.constant 0 : index
    %get3A_10 = arith.constant 0 : index
    %get3A_11 = arith.constant 0 : index
    %get3A_12 = vector.load %arg2[%get3A_8, %get3A_9, %get3A_10, %get3A_11] : memref<1x32x8x128xf32, #tpu.memory_space<vmem>>, vector<1x32x8x128xf32>
    %get3A_13 = vector.shape_cast %get3A_12 : vector<1x32x8x128xf32> to vector<32x8x128xf32>
    %reduce_sum3A_14 = arith.constant dense<0.000000e+00> : vector<8x128xf32>
    %reduce_sum3A_15 = vector.multi_reduction <add>, %get3A_13, %reduce_sum3A_14 [0] : vector<32x8x128xf32> to vector<8x128xf32>
    %reshape3A_16 = vector.shape_cast %reduce_sum3A_15 : vector<8x128xf32> to vector<1024xf32>
    %max3A_17 = arith.constant 1.000000e+00 : f32
    %max3A_18 = vector.broadcast %max3A_17 : f32 to vector<1024xf32>
    %max3A_19 = arith.maximumf %reshape3A_16, %max3A_18 : vector<1024xf32>
    %rsqrt3A_20 = math.rsqrt %max3A_19 : vector<1024xf32>
    %iota3A = tpu.iota {dimensions = array<i32: 1>} : vector<4x128xi32>
    %iota3A_21 = tpu.iota {dimensions = array<i32: 0>} : vector<4x128xi32>
    %jit3A = arith.constant 32 : i32
    %div3A = vector.broadcast %jit3A : i32 to vector<4x128xi32>
    %div3A_22 = arith.divsi %iota3A, %div3A : vector<4x128xi32>
    %sign3A = arith.constant 0 : i32
    %sign3A_23 = vector.broadcast %sign3A : i32 to vector<4x128xi32>
    %sign3A_24 = arith.cmpi sgt, %iota3A, %sign3A_23 : vector<4x128xi32>
    %sign3A_25 = arith.extui %sign3A_24 : vector<4x128xi1> to vector<4x128xi32>
    %sign3A_26 = arith.constant 0 : i32
    %sign3A_27 = vector.broadcast %sign3A_26 : i32 to vector<4x128xi32>
    %sign3A_28 = arith.cmpi slt, %iota3A, %sign3A_27 : vector<4x128xi32>
    %sign3A_29 = arith.extui %sign3A_28 : vector<4x128xi1> to vector<4x128xi32>
    %sign3A_30 = arith.subi %sign3A_25, %sign3A_29 : vector<4x128xi32>
    %sign3A_31 = arith.constant 0 : i32
    %sign3A_32 = arith.cmpi sgt, %jit3A, %sign3A_31 : i32
    %sign3A_33 = arith.extui %sign3A_32 : i1 to i32
    %sign3A_34 = arith.constant 0 : i32
    %sign3A_35 = arith.cmpi slt, %jit3A, %sign3A_34 : i32
    %sign3A_36 = arith.extui %sign3A_35 : i1 to i32
    %sign3A_37 = arith.subi %sign3A_33, %sign3A_36 : i32
    %ne3A = vector.broadcast %sign3A_37 : i32 to vector<4x128xi32>
    %ne3A_38 = arith.cmpi ne, %sign3A_30, %ne3A : vector<4x128xi32>
    %rem3A = vector.broadcast %jit3A : i32 to vector<4x128xi32>
    %rem3A_39 = arith.remsi %iota3A, %rem3A : vector<4x128xi32>
    %ne3A_40 = arith.constant 0 : i32
    %ne3A_41 = vector.broadcast %ne3A_40 : i32 to vector<4x128xi32>
    %ne3A_42 = arith.cmpi ne, %rem3A_39, %ne3A_41 : vector<4x128xi32>
    %and3A = arith.andi %ne3A_38, %ne3A_42 : vector<4x128xi1>
    %sub3A = arith.constant 1 : i32
    %sub3A_43 = vector.broadcast %sub3A : i32 to vector<4x128xi32>
    %sub3A_44 = arith.subi %div3A_22, %sub3A_43 : vector<4x128xi32>
    %select_n3A = arith.select %and3A, %sub3A_44, %div3A_22 : vector<4x128xi1>, vector<4x128xi32>
    %eq3A = arith.cmpi eq, %select_n3A, %iota3A_21 : vector<4x128xi32>
    %convert_element_type3A = arith.extui %eq3A : vector<4x128xi1> to vector<4x128xi32>
    %convert_element_type3A_45 = arith.sitofp %convert_element_type3A : vector<4x128xi32> to vector<4x128xf32>
    %broadcast_in_dim3A = vector.shape_cast %convert_element_type3A_45 : vector<4x128xf32> to vector<1x4x128xf32>
    %broadcast_in_dim3A_46 = vector.shape_cast %rsqrt3A : vector<1024xf32> to vector<1024x1xf32>
    %broadcast_in_dim3A_47 = vector.shape_cast %broadcast_in_dim3A_46 : vector<1024x1xf32> to vector<1024x1xf32>
    %broadcast_in_dim3A_48 = vector.broadcast %broadcast_in_dim3A_47 : vector<1024x1xf32> to vector<1024x128xf32>
    %reshape3A_49 = vector.shape_cast %broadcast_in_dim3A_48 : vector<1024x128xf32> to vector<256x4x128xf32>
    %mul3A = vector.broadcast %broadcast_in_dim3A : vector<1x4x128xf32> to vector<256x4x128xf32>
    %mul3A_50 = arith.mulf %reshape3A_49, %mul3A : vector<256x4x128xf32>
    %reduce_sum3A_51 = arith.constant dense<0.000000e+00> : vector<256x128xf32>
    %reduce_sum3A_52 = vector.multi_reduction <add>, %mul3A_50, %reduce_sum3A_51 [1] : vector<256x4x128xf32> to vector<256x128xf32>
    %get3A_53 = arith.constant 0 : index
    %get3A_54 = arith.constant 0 : index
    %get3A_55 = vector.load %arg3[%get3A_53, %get3A_54] : memref<256x128xf32, #tpu.memory_space<vmem>>, vector<256x128xf32>
    %mul3A_56 = arith.mulf %get3A_55, %reduce_sum3A_52 : vector<256x128xf32>
    %swap3A = arith.constant 0 : index
    %swap3A_57 = arith.constant 0 : index
    %swap3A_58 = vector.load %arg4[%swap3A, %swap3A_57] : memref<256x128xf32, #tpu.memory_space<vmem>>, vector<256x128xf32>
    tpu.vector_store %arg4[%swap3A, %swap3A_57], %mul3A_56 {strides = array<i32>} : memref<256x128xf32, #tpu.memory_space<vmem>>, vector<256x128xf32>,
    %broadcast_in_dim3A_59 = vector.shape_cast %rsqrt3A_20 : vector<1024xf32> to vector<1024x1xf32>
    %broadcast_in_dim3A_60 = vector.shape_cast %broadcast_in_dim3A_59 : vector<1024x1xf32> to vector<1024x1xf32>
    %broadcast_in_dim3A_61 = vector.broadcast %broadcast_in_dim3A_60 : vector<1024x1xf32> to vector<1024x128xf32>
    %reshape3A_62 = vector.shape_cast %broadcast_in_dim3A_61 : vector<1024x128xf32> to vector<256x4x128xf32>
    %mul3A_63 = vector.broadcast %broadcast_in_dim3A : vector<1x4x128xf32> to vector<256x4x128xf32>
    %mul3A_64 = arith.mulf %reshape3A_62, %mul3A_63 : vector<256x4x128xf32>
    %reduce_sum3A_65 = arith.constant dense<0.000000e+00> : vector<256x128xf32>
    %reduce_sum3A_66 = vector.multi_reduction <add>, %mul3A_64, %reduce_sum3A_65 [1] : vector<256x4x128xf32> to vector<256x128xf32>
    %swap3A_67 = arith.constant 0 : index
    %swap3A_68 = arith.constant 0 : index
    %swap3A_69 = vector.load %arg5[%swap3A_67, %swap3A_68] : memref<256x128xf32, #tpu.memory_space<vmem>>, vector<256x128xf32>
    tpu.vector_store %arg5[%swap3A_67, %swap3A_68], %reduce_sum3A_66 {strides = array<i32>} : memref<256x128xf32, #tpu.memory_space<vmem>>, vector<256x128xf32>,
    return
  }
  func.func @transform_0(%arg0: i32) -> (i32, i32, i32, i32) {
    %c0_i32 = arith.constant 0 : i32
    %c0_i32_0 = arith.constant 0 : i32
    %c0_i32_1 = arith.constant 0 : i32
    %c0_i32_2 = arith.constant 0 : i32
    return %c0_i32, %c0_i32_0, %arg0, %c0_i32_1 : i32, i32, i32, i32
  }
  func.func @transform_1(%arg0: i32) -> (i32, i32, i32, i32) {
    %c1_i32 = arith.constant 1 : i32
    %c0_i32 = arith.constant 0 : i32
    %c0_i32_0 = arith.constant 0 : i32
    %c0_i32_1 = arith.constant 0 : i32
    return %c1_i32, %c0_i32, %arg0, %c0_i32_0 : i32, i32, i32, i32
  }
  func.func @transform_2(%arg0: i32) -> (i32, i32) {
    %c0_i32 = arith.constant 0 : i32
    %c0_i32_0 = arith.constant 0 : i32
    return %arg0, %c0_i32 : i32, i32
  }
  func.func @transform_3(%arg0: i32) -> (i32, i32) {
    %c0_i32 = arith.constant 0 : i32
    %c0_i32_0 = arith.constant 0 : i32
    return %arg0, %c0_i32 : i32, i32
  }
  func.func @transform_4(%arg0: i32) -> (i32, i32) {
    %c0_i32 = arith.constant 0 : i32
    %c0_i32_0 = arith.constant 0 : i32
    return %arg0, %c0_i32 : i32, i32
  }
}

module attributes {stable_mosaic.version = 14 : i64} {
  func.func @_tc_combine_body(%arg0: i32, %arg1: memref<2x256x128xf32, #tpu.memory_space<vmem>>, %arg2: memref<256x128xf32, #tpu.memory_space<vmem>>, %arg3: memref<256x128xf32, #tpu.memory_space<vmem>>) attributes {dimension_semantics = [#tpu.dimension_semantics<arbitrary>], iteration_bounds = array<i64: 10>, scalar_prefetch = 0 : i64, scratch_operands = 0 : i64, tpu.core_type = #tpu.core_type<tc>, window_params = [{transform_indices = @transform_0, window_bounds = array<i64: 2, 256, 128>}, {transform_indices = @transform_1, window_bounds = array<i64: 256, 128>}, {transform_indices = @transform_2, window_bounds = array<i64: 256, 128>}]} {
    %get3A = arith.constant 0 : index
    %get3A_0 = arith.constant 0 : index
    %get3A_1 = arith.constant 0 : index
    %get3A_2 = vector.load %arg1[%get3A, %get3A_0, %get3A_1] : memref<2x256x128xf32, #tpu.memory_space<vmem>>, vector<1x256x128xf32>
    %get3A_3 = vector.shape_cast %get3A_2 : vector<1x256x128xf32> to vector<256x128xf32>
    %get3A_4 = arith.constant 1 : index
    %get3A_5 = arith.constant 0 : index
    %get3A_6 = arith.constant 0 : index
    %get3A_7 = vector.load %arg1[%get3A_4, %get3A_5, %get3A_6] : memref<2x256x128xf32, #tpu.memory_space<vmem>>, vector<1x256x128xf32>
    %get3A_8 = vector.shape_cast %get3A_7 : vector<1x256x128xf32> to vector<256x128xf32>
    %add3A = arith.addf %get3A_3, %get3A_8 : vector<256x128xf32>
    %get3A_9 = arith.constant 0 : index
    %get3A_10 = arith.constant 0 : index
    %get3A_11 = vector.load %arg2[%get3A_9, %get3A_10] : memref<256x128xf32, #tpu.memory_space<vmem>>, vector<256x128xf32>
    %mul3A = arith.mulf %add3A, %get3A_11 : vector<256x128xf32>
    %swap3A = arith.constant 0 : index
    %swap3A_12 = arith.constant 0 : index
    %swap3A_13 = vector.load %arg3[%swap3A, %swap3A_12] : memref<256x128xf32, #tpu.memory_space<vmem>>, vector<256x128xf32>
    tpu.vector_store %arg3[%swap3A, %swap3A_12], %mul3A {strides = array<i32>} : memref<256x128xf32, #tpu.memory_space<vmem>>, vector<256x128xf32>,
    return
  }
  func.func @transform_0(%arg0: i32) -> (i32, i32, i32) {
    %c0_i32 = arith.constant 0 : i32
    %c0_i32_0 = arith.constant 0 : i32
    %c0_i32_1 = arith.constant 0 : i32
    return %c0_i32, %arg0, %c0_i32_0 : i32, i32, i32
  }
  func.func @transform_1(%arg0: i32) -> (i32, i32) {
    %c0_i32 = arith.constant 0 : i32
    %c0_i32_0 = arith.constant 0 : i32
    return %arg0, %c0_i32 : i32, i32
  }
  func.func @transform_2(%arg0: i32) -> (i32, i32) {
    %c0_i32 = arith.constant 0 : i32
    %c0_i32_0 = arith.constant 0 : i32
    return %arg0, %c0_i32 : i32, i32
  }
}

</mosaic_0001>

<sc_bundles>
// kernel: kernel.10.cloned.1.call-start
scs
__scs_entry_jumppad:
0x0: {  	(pc) =	sbr.rel $0x88, $3  }
0x1: {  	(tag) =	ssettag $0x0;
	lr =	simm.s32 $0x1  }
0x2: {  	[smem:$0x3F9E] =	sst lr;
	_ =	strace $0xD0000000  }
0x3: {  	_ = 	snop  }
0x4: {  	_ = 	snop  }
0x5: {  	_ = 	snop  }
0x6: {  	_ = 	snop  }
0x7: {  	_ = 	snop  }
__scs_overlays_trampoline_lowered:
0x8: {  	[smem:$0x3FAD] =	sst s0  }
0x9: {  	[smem:$0x3FAE] =	sst s1  }
0xa: {  	[smem:$0x3FAF] =	sst s2  }
0xb: {  	[smem:$0x3FB0] =	sst s3  }
0xc: {  	[smem:$0x3FB1] =	sst s4  }
0xd: {  	[smem:$0x3FB2] =	sst s5  }
0xe: {  	[smem:$0x3FB3] =	sst s6  }
0xf: {  	[smem:$0x3FB4] =	sst s7  }
0x10: {  	[smem:$0x3FB5] =	sst s8  }
0x11: {  	[smem:$0x3FB6] =	sst s9;
	s0 =	simm.s32 @!p0 $0x0  }
0x12: {  	s1 =	sld [smem:$0x3F9C];
	s0 =	simm.s32 @p0 $0x1  }
0x13: {  	[smem:$0x3FB7] =	sst s0;
	s0 =	simm.s32 @!p1 $0x0  }
0x14: {  	s2 =	sld [smem:$0x3F9B];
	s0 =	simm.s32 @p1 $0x1  }
0x15: {  	[smem:$0x3FB8] =	sst s0;
	s0 =	simm.s32 @!p2 $0x0  }
0x16: {  	s3 =	sld [smem:$0x3FDB];
	s0 =	simm.s32 @p2 $0x1  }
0x17: {  	s4 =	simm.s32 $0x1BF5;
	[smem:$0x3FBA] =	sst s0  }
0x18: {  	s0 =	sld [smem:$0x3F9D];
	_ =	swait.ge [sflag:s4], $0x0  }
0x19: {  	s7 =	sld [smem:$0x3F9E]  }
0x1a: {  	s8 =	sadd.s32 $0xFFFFE003, lr  }
0x1b: {  	s9 =	sadd.s32 $0xFFFFFEF7, lr;
	s5 =	simm.s32 $0xFFFFFFFF;
	p2 =	slt.u32 s8, $0xFFFFF086  }
0x1c: {  	p1 =	slt.u32 s9, $0xF7A;
	s5 =	simm.s32 @!p2 $0x0  }
0x1d: {  	s5 =	simm.s32 @p1 $0x1;
	p0 =	seq.s32 s7, s2  }
0x1e: {  	s7 =	smul.u32 @!p0 $0xF7A, s2;
	p2 =	seq.s32 @!p0 s5, $0x0  }
0x1f: {  	s9 =	smul.u32 $0xF7A, s1;
	s8 =	simm.s32 @!p0 $0x1BF5;
	p2 =	por !p2, p0  }
0x20: {  	[sflag:s8] =	ssyncset.s32 @!p0 $0xFFFFF086;
	s6 =	sadd.s32 @!p0 s3, s7;
	s7 =	simm.s32 @!p0 $0x108  }
0x21: {  	s3 =	sadd.s32 s3, s9;
	s6 =	sadd.s32 @!p0 $0x88, s6;
	s7 =	simm.s32 @p2 $0x1082  }
0x22: {  	[simem:s7], [sflag:s8] =	dma.local @!p0 [hbm:s6], $0xF7A  }
0x23: {  	s9 =	sor.u32 $0xD0000000, s2;
	s6 =	simm.s32 $0x108;
	_ =	swait.ge @!p0 [sflag:s8], $0x0  }
0x24: {  	s3 =	sadd.s32 $0x88, s3;
	s6 =	simm.s32 @!p1 $0x1082;
	[sflag:s4] =	ssyncset.s32 $0xFFFFF086  }
0x25: {  	[simem:s6], [sflag:s4] =	dma.local [hbm:s3], $0xF7A  }
0x26: {  	[smem:$0x3F9E] =	sst s1;
	(tag) =	ssettag s2;
	_ =	strace s9  }
0x27: {  	s1 =	sld [smem:$0x3FAE]  }
0x28: {  	s2 =	sld [smem:$0x3FAF]  }
0x29: {  	s4 =	sld [smem:$0x3FB1]  }
0x2a: {  	p0 =	seq.s32 s5, $0x0;
	s5 =	sld [smem:$0x3FB2]  }
0x2b: {  	s6 =	sld [smem:$0x3FB3]  }
0x2c: {  	s7 =	sld [smem:$0x3FB4]  }
0x2d: {  	s3 =	simm.s32 $0x108;
	s8 =	sld [smem:$0x3FB5]  }
0x2e: {  	s3 =	simm.s32 @!p0 $0x1082;
	s9 =	sld [smem:$0x3FB6]  }
0x2f: {  	lr =	sadd.s32 s0, s3;
	s0 =	sld [smem:$0x3FAD]  }
0x30: {  	s3 =	sld [smem:$0x3FB0]  }
0x31: {  	[smem:$0x3FB9] =	sst s10  }
0x32: {  	s10 =	sld [smem:$0x3FB7];
	_ =	sdelay $0x3  }
0x33: {  	p0 =	seq.s32 s10, $0x1;
	s10 =	sld [smem:$0x3FB9];
	_ =	sdelay $0x3  }
0x34: {  	[smem:$0x3FB9] =	sst s10  }
0x35: {  	s10 =	sld [smem:$0x3FB8];
	_ =	sdelay $0x3  }
0x36: {  	p1 =	seq.s32 s10, $0x1;
	s10 =	sld [smem:$0x3FB9];
	_ =	sdelay $0x3  }
0x37: {  	[smem:$0x3FB9] =	sst s10  }
0x38: {  	s10 =	sld [smem:$0x3FBA]  }
0x39: {  	_ = 	snop;
	(pc) =	sbr.ind lr, $3  }
0x3a: {  	_ = 	snop  }
0x3b: {  	_ = 	snop  }
0x3c: {  	p2 =	seq.s32 s10, $0x1;
	s10 =	sld [smem:$0x3FB9]  }
0x3d: {  	_ =	shalt  }
0x3e: {  	_ =	shalt  }
0x3f: {  	_ =	shalt  }
0x40: {  	_ =	shalt  }
0x41: {  	_ =	shalt  }
0x42: {  	_ =	shalt  }
0x43: {  	_ =	shalt  }
0x44: {  	_ =	shalt  }
0x45: {  	_ =	shalt  }
0x46: {  	_ =	shalt  }
0x47: {  	_ =	shalt  }
0x48: {  	_ =	shalt  }
0x49: {  	_ =	shalt  }
0x4a: {  	_ =	shalt  }
0x4b: {  	_ =	shalt  }
0x4c: {  	_ =	shalt  }
0x4d: {  	_ =	shalt  }
0x4e: {  	_ =	shalt  }
0x4f: {  	_ =	shalt  }
0x50: {  	_ =	shalt  }
0x51: {  	_ =	shalt  }
0x52: {  	_ =	shalt  }
0x53: {  	_ =	shalt  }
0x54: {  	_ =	shalt  }
0x55: {  	_ =	shalt  }
0x56: {  	_ =	shalt  }
0x57: {  	_ =	shalt  }
0x58: {  	_ =	shalt  }
0x59: {  	_ =	shalt  }
0x5a: {  	_ =	shalt  }
0x5b: {  	_ =	shalt  }
0x5c: {  	_ =	shalt  }
0x5d: {  	_ =	shalt  }
0x5e: {  	_ =	shalt  }
0x5f: {  	_ =	shalt  }
0x60: {  	_ =	shalt  }
0x61: {  	_ =	shalt  }
0x62: {  	_ =	shalt  }
0x63: {  	_ =	shalt  }
0x64: {  	_ =	shalt  }
0x65: {  	_ =	shalt  }
0x66: {  	_ =	shalt  }
0x67: {  	_ =	shalt  }
0x68: {  	_ =	shalt  }
0x69: {  	_ =	shalt  }
0x6a: {  	_ =	shalt  }
0x6b: {  	_ =	shalt  }
0x6c: {  	_ =	shalt  }
0x6d: {  	_ =	shalt  }
0x6e: {  	_ =	shalt  }
0x6f: {  	_ =	shalt  }
0x70: {  	_ =	shalt  }
0x71: {  	_ =	shalt  }
0x72: {  	_ =	shalt  }
0x73: {  	_ =	shalt  }
0x74: {  	_ =	shalt  }
0x75: {  	_ =	shalt  }
0x76: {  	_ =	shalt  }
0x77: {  	_ =	shalt  }
0x78: {  	_ =	shalt  }
0x79: {  	_ =	shalt  }
0x7a: {  	_ =	shalt  }
0x7b: {  	_ =	shalt  }
0x7c: {  	_ =	shalt  }
0x7d: {  	_ =	shalt  }
0x7e: {  	_ =	shalt  }
0x7f: {  	_ =	shalt  }
0x80: {  	_ =	shalt  }
0x81: {  	_ =	shalt  }
0x82: {  	_ =	shalt  }
0x83: {  	_ =	shalt  }
0x84: {  	_ =	shalt  }
0x85: {  	_ =	shalt  }
0x86: {  	_ =	shalt  }
0x87: {  	_ =	shalt  }
.Lfunc_end0:
.L_simem_size_0:
called_computation.1_lowered:
.L_overlay_start_0:
0x88: {  	s2 =	sld [smem:$0x3FD9]  }
0x89: {  	s3 =	sld [smem:$0x3FFE];
	_ =	sdelay $0x1  }
0x8a: {  	s1 =	srdreg.scid  }
0x8b: {  	s0 =	sand.u32 $0x1, s1  }
0x8c: {  	s16 =	sshll.u32 s0, $0xA;
	s2 =	sadd.s32 s3, s2  }
0x8d: {  	s2 =	sadd.s32 s2, s16  }
0x8e: {  	[smem:$0x3FC5] =	sst s2  }
0x8f: {  	_ = 	snop  }
0x90: {  	(tm) =	ssettm $0x1  }
0x91: {  	s17 =	sld [smem:$0x3FFB];
	_ =	sdelay $0x3  }
0x92: {  	_ =	strace s17  }
0x93: {  	s2 =	sld [smem:$0x3FFC];
	_ =	sdelay $0x3  }
0x94: {  	_ =	strace s2  }
0x95: {  	s2 =	sld [smem:$0x3FFD];
	_ =	sdelay $0x3  }
0x96: {  	_ =	strace s2  }
0x97: {  	_ =	strace $0x8FFFFFFF  }
0x98: {  	s18 =	sld [smem:$0x3FDB];
	_ =	sdelay $0x1  }
0x99: {  	s19 =	simm.s32 $_scs_section_size  }
0x9a: {  	s4 =	simm.s32 $_size__tile_overlayer_lowered;
	s5 =	simm.s32 $_tile_overlayer_lowered  }
0x9b: {  	s22 =	simm.s32 $0x1BFF;
	s21 =	sshll.u32 s5, $0x1;
	s2 =	sadd.s32 s19, s18  }
0x9c: {  	s6 =	simm.s32 $0x0;
	s20 =	sshll.u32 s4, $0x1;
	s4 =	sadd.s32 s21, s2  }
0x9d: {  	[timem:s6], [sflag:s22] =	dma.local [hbm:s4], s20  }
0x9e: {  	_ =	swait.ge [sflag:s22], s20  }
0x9f: {  	s3 =	ssub.s32 $0x0, s20;
	[sflag:s22] =	ssyncset.done $0x0  }
0xa0: {  	[sflag:s22] =	ssyncadd.s32 s3;
	_ =	sdelay $0x1  }
0xa1: {  	s23 =	simm.s32 $0x1B8B  }
0xa2: {  	_ =	swait.ge [sflag:s23], $0x1  }
0xa3: {  	[sflag:s23] =	ssyncset.done $0x0  }
0xa4: {  	s25 =	simm.s32 $0x1B8E;
	s24 =	sld [smem:$0x3FFE];
	[sflag:s23] =	ssyncadd.s32 $0xFFFFFFFF  }
0xa5: {  	s26 =	simm.s32 $execute0_lowered;
	[smem:$0x3FD2] =	sst s25  }
0xa6: {  	s4 =	sshll.u32 s26, $0x1;
	_ =	strace $0x80000049;
	[dreg:$0x1] =	wrdreg $0xFFFFFFFF  }
0xa7: {  	s28 =	simm.s32 $_size_execute0_lowered;
	s2 =	sadd.s32 s2, s4;
	[dreg:$0x0] =	wrdreg $0x0  }
0xa8: {  	s4 =	sshll.u32 s28, $0x1;
	[dreg:$0x2] =	wrdreg s2  }
0xa9: {  	[dreg:$0x3] =	wrdreg s4  }
0xaa: {  	[dreg:$0x4] =	wrdreg $0xC0  }
0xab: {  	_ =	task [dreg:s6], $0x5FFFF  }
0xac: {  	[dreg:$0x1] =	wrdreg $0xFFFFFFFF  }
0xad: {  	[dreg:$0x0] =	wrdreg $0x60  }
0xae: {  	[dreg:$0x2] =	wrdreg s24  }
0xaf: {  	[dreg:$0x3] =	wrdreg $0x152200  }
0xb0: {  	[dreg:$0x4] =	wrdreg $0x9  }
0xb1: {  	_ =	task.clear_ibuf [dreg:s6], $0x5FFFF;
	_ =	strace $0x90000049  }
0xb2: {  	s29 =	simm.s32 $0x9;
	_ =	strace $0x8000004B  }
0xb3: {  	_ =	swait.ge [sflag:s29], $0x1  }
0xb4: {  	[sflag:s29] =	ssyncadd.s32 $0xFFFFFFFF  }
0xb5: {  	_ =	strace $0x9000004B  }
0xb6: {  	_ =	sfence  }
0xb7: {  	s30 =	sld [smem:$0x0];
	_ =	sdelay $0x2  }
0xb8: {  	s31 =	sshll.u32 s1, $0xD;
	s1 =	sshrl.u32 s1, $0x2  }
0xb9: {  	s3 =	sand.u32 $0x4000, s31;
	s1 =	sadd.s32 s1, s30  }
0xba: {  	s0 =	sor.u32 s3, s0;
	s1 =	sshll.u32 s1, $0x11  }
0xbb: {  	s0 =	sor.u32 s1, s0  }
0xbc: {  	s0 =	sadd.s32 $0x8F2B, s0  }
0xbd: {  	[sflag:s0] =	ssyncadd.remote.s32 $0x1  }
0xbe: {  	_ =	sfence.sel $0xFFFF  }
0xbf: {  	[dreg:$0x0] =	wrdreg $0xFFFFFFFF;
	(pc) =	sbr.abs _section_cstart, $3  }
0xc0: {  	[dreg:$0x1] =	wrdreg $0xFFFFFFFF  }
0xc1: {  	_ =	task.clear_ibuf [dreg:s6], $0x2FFFF;
	_ =	strace $0x9FFFFFFF  }
0xc2: {  	(tm) =	ssettm $0x7FFFFFFF  }
0xc3: {  	_ =	shalt  }
tec
execute0_lowered:
.L_overlay_start_1:
0x0: {  	(tag) =	ssettag $0x1  }
0x1: {  	s0 =	srdreg.scid;
	s3 =	rddreg [dreg:$0x0]  }
0x2: {  	s6 =	stileid.u32;
	s2 =	rddreg [dreg:$0x1];
	s5 =	simm.s32 $0x0  }
0x3: {  	s13 =	simm.s32 $0x50;
	s15 =	simm.s32 $0x4E20;
	s17 =	simm.s32 $0x5820  }
0x4: {  	s19 =	simm.s32 $0x6220;
	s21 =	simm.s32 $0x6C20;
	s29 =	simm.s32 $0x3  }
0x5: {  	s31 =	simm.s32 $0x4;
	s16 =	simm.s32 $0xC;
	s20 =	simm.s32 $0xD  }
0x6: {  	s10 =	simm.s32 $0xE;
	s7 =	simm.s32 $0xF;
	s8 =	simm.s32 $0xA  }
0x7: {  	s9 =	simm.s32 $0x10;
	s12 =	simm.s32 $0x0;
	s28 =	simm.s32 $0x8A20  }
0x8: {  	s30 =	simm.s32 $0x9420;
	s14 =	simm.s32 $0xA820;
	s18 =	simm.s32 $0x7620  }
0x9: {  	s0 =	sand.u32 $0x1, s0;
	s1 =	sshll.u32 s6, $0x1;
	s22 =	smul.u32 $0x5000, s6  }
0xa: {  	[smem:$0x7FF] =	sst s5;
	s6 =	smul.u32 $0x14000, s6;
	s1 =	sor.u32 s0, s1  }
0xb: {  	s4 =	smul.u32 $0x50000, s0;
	_ =	strace $0x8000004A;
	s0 =	ssub.s32 $0x2, s0  }
0xc: {  	s1 =	smul.u32 $0x2710, s1;
	s23 =	sshrl.u32 s0, $0x1;
	s6 =	sshrl.u32 s6, $0x2  }
0xd: {  	s5 =	sadd.s32 s22, s4;
	s4 =	sadd.s32 $0x15400, s3;
	s0 =	ssub.s32 s0, s23  }
0xe: {  	s24 =	sadd.s32 s6, s2;
	s22 =	simm.s32 $0x8;
	s6 =	simm.s32 $0x9  }
0xf: {  	s1 =	sshrl.u32 s1, $0x3;
	s5 =	sshrl.u32 s5, $0x3;
	[dreg:$0x3] =	wrdreg s24  }
0x10: {  	s0 =	smax.u32 s0, $0x1;
	s24 =	simm.s32 $0x1;
	s1 =	sadd.s32 s1, s3  }
0x11: {  	s3 =	sadd.s32 s5, s3;
	[dreg:$0x7] =	wrdreg s0;
	s25 =	sadd.s32 $0x1A00, s1  }
0x12: {  	s0 =	simm.s32 $0x5;
	s1 =	sadd.s32 $0xB640, s1;
	[dreg:$0x4] =	wrdreg s25  }
0x13: {  	s26 =	sadd.s32 $0x1F400, s3;
	s3 =	simm.s32 $0xB;
	[dreg:$0x5] =	wrdreg s1  }
0x14: {  	v0 =	vimm.f32 $0.0e+00;
	[dreg:$0x6] =	wrdreg s26;
	s1 =	simm.s32 $0x7620;
	s26 =	simm.s32 $0x2  }
.LBB2_1:
0x15: {  	s5 =	simm.s32 $0xB2A0  }
0x16: {  	[tilespmem:s5+$0xFFFFFF80] =	vst v0  }
0x17: {  	[tilespmem:s5+$0x70] =	vst v0  }
0x18: {  	[tilespmem:s5+$0x60] =	vst v0  }
0x19: {  	[tilespmem:s5+$0x50] =	vst v0  }
0x1a: {  	[tilespmem:s5+$0x40] =	vst v0  }
0x1b: {  	[tilespmem:s5+$0x30] =	vst v0  }
0x1c: {  	[tilespmem:s5+$0x20] =	vst v0  }
0x1d: {  	[tilespmem:s5+$0x10] =	vst v0  }
0x1e: {  	[tilespmem:s5+$0x0] =	vst v0  }
0x1f: {  	[tilespmem:s5+$0xFFFFFFF0] =	vst v0  }
0x20: {  	[tilespmem:s5+$0xFFFFFFE0] =	vst v0  }
0x21: {  	[tilespmem:s5+$0xFFFFFFD0] =	vst v0  }
0x22: {  	[tilespmem:s5+$0xFFFFFFC0] =	vst v0  }
0x23: {  	[tilespmem:s5+$0xFFFFFFB0] =	vst v0  }
0x24: {  	[dreg:$0x8] =	wrdreg s12;
	s11 =	simm.s32 $0x0;
	[tilespmem:s5+$0xFFFFFFA0] =	vst v0  }
.LBB2_2:
0x25: {  	s11 =	sadd.s32 $0x8, s11;
	[tilespmem:s5+$0xFFFFFF90] =	vst v0;
	s5 =	sadd.s32 $0x100, s5  }
0x26: {  	[tilespmem:s5+$0xFFFFFF80] =	vst v0;
	p0 =	slt.u32 s11, $0x278  }
0x27: {  	[tilespmem:s5+$0x70] =	vst v0  }
0x28: {  	[tilespmem:s5+$0x60] =	vst v0  }
0x29: {  	[tilespmem:s5+$0x50] =	vst v0  }
0x2a: {  	[tilespmem:s5+$0x40] =	vst v0  }
0x2b: {  	[tilespmem:s5+$0x30] =	vst v0  }
0x2c: {  	[tilespmem:s5+$0x20] =	vst v0  }
0x2d: {  	[tilespmem:s5+$0x10] =	vst v0  }
0x2e: {  	[tilespmem:s5+$0x0] =	vst v0  }
0x2f: {  	[tilespmem:s5+$0xFFFFFFF0] =	vst v0  }
.Ltmp0:
0x30: {  	[tilespmem:s5+$0xFFFFFFE0] =	vst v0;
	(pc) =	sbr.rel @p0 .LBB2_2-.Ltmp0, $4  }
0x31: {  	[tilespmem:s5+$0xFFFFFFD0] =	vst v0  }
0x32: {  	[tilespmem:s5+$0xFFFFFFC0] =	vst v0  }
0x33: {  	[tilespmem:s5+$0xFFFFFFB0] =	vst v0  }
0x34: {  	[tilespmem:s5+$0xFFFFFFA0] =	vst v0  }
0x35: {  	[tilespmem:s5+$0xFFFFFF90] =	vst v0;
	s23 =	rddreg [dreg:$0x3];
	s11 =	simm.s32 $0xB220  }
0x36: {  	[spmem:s23] =	stream.linear.scatter [tilespmem:s11], [sflag:$0x15], $0x5000, $0x38;
	[tilespmem:$0x1A220] =	vst v63  }
0x37: {  	s23 =	simm.s32 $0x15  }
0x38: {  	_ =	swait.ge [sflag:s23], $0x5000  }
0x39: {  	[sflag:s23] =	ssyncset.done $0x0  }
0x3a: {  	[sflag:s23] =	ssyncadd.s32 $0xFFFFB000  }
0x3b: {  	[bflag:$0x0] =	sbarrier.arrive $0xFFFF  }
0x3c: {  	s5 =	simm.s32 $0x0;
	s25 =	rddreg [dreg:$0x4]  }
0x3d: {  	[tilespmem:s5], [sflag:$0x15] =	stream.linear.gather [hbm4b:s25+s5], $0x2710, $0x38;
	[tilespmem:$0x1A220] =	vst v63  }
0x3e: {  	_ =	swait.ge [sflag:s23], $0x2710  }
0x3f: {  	[sflag:s23] =	ssyncset.done $0x0  }
0x40: {  	s25 =	simm.s32 $0x2710;
	s12 =	rddreg [dreg:$0x5];
	[sflag:s23] =	ssyncadd.s32 $0xFFFFD8F0  }
0x41: {  	[tilespmem:s25], [sflag:$0x15] =	stream.linear.gather [hbm4b:s12+s5], $0x2710, $0x38;
	[tilespmem:$0x1A220] =	vst v63  }
0x42: {  	_ =	swait.ge [sflag:s23], $0x2710  }
0x43: {  	[sflag:s23] =	ssyncset.done $0x0  }
0x44: {  	[sflag:s23] =	ssyncadd.s32 $0xFFFFD8F0  }
0x45: {  	[tilespmem:s15], [sflag:$0x1] =	stream.indirect.gather [hbm4b:s4+s13], $0x20, s5, s13, $0xb8;
	[tilespmem:$0x1A220] =	vst v63  }
0x46: {  	_ = 	snop  }
0x47: {  	[tilespmem:s17], [sflag:$0x2] =	stream.indirect.gather [hbm4b:s4+s13], $0x20, s13, s13, $0xb8;
	[tilespmem:$0x1A220] =	vst v63  }
0x48: {  	s17 =	simm.s32 $0xA0  }
0x49: {  	[tilespmem:s19], [sflag:$0x3] =	stream.indirect.gather [hbm4b:s4+s13], $0x20, s17, s13, $0xb8;
	[tilespmem:$0x1A220] =	vst v63  }
0x4a: {  	s19 =	simm.s32 $0xF0  }
0x4b: {  	[tilespmem:s21], [sflag:$0x4] =	stream.indirect.gather [hbm4b:s4+s13], $0x20, s19, s13, $0xb8;
	[tilespmem:$0x1A220] =	vst v63  }
0x4c: {  	s21 =	simm.s32 $0x140  }
0x4d: {  	[tilespmem:s1], [sflag:$0x5] =	stream.indirect.gather [hbm4b:s4+s13], $0x20, s21, s13, $0xb8;
	[tilespmem:$0x1A220] =	vst v63  }
0x4e: {  	s25 =	simm.s32 $0x8020;
	s23 =	simm.s32 $0x190  }
0x4f: {  	[tilespmem:s25], [sflag:$0x6] =	stream.indirect.gather [hbm4b:s4+s13], $0x20, s23, s13, $0xb8;
	[tilespmem:$0x1A220] =	vst v63  }
.LBB2_4:
0x50: {  	_ =	swait.ge [sflag:s24], $0xA00  }
0x51: {  	s11 =	sshra.s32 s5, $0x2;
	s17 =	simm.s32 $0x4E20;
	[sflag:s24] =	ssyncset.done $0x0  }
0x52: {  	p0 =	seq.s32 s5, $0x0;
	s23 =	sadd.s32 $0x2710, s11;
	[sflag:s24] =	ssyncadd.s32 $0xFFFFF600  }
0x53: {  	[spmem:s2] =	stream.indirect.scatter.add.f32 [tilespmem:s17], [sflag:$0xB], $0x20, s23, s13, $0xb8;
	[tilespmem:$0x1A220] =	vst v63  }
0x54: {  	s23 =	simm.s32 @!p0 $0x11  }
0x55: {  	_ =	swait.ge @!p0 [sflag:s23], $0xA00  }
0x56: {  	[sflag:s23] =	ssyncset.done @!p0 $0x0  }
0x57: {  	s12 =	sadd.s32 $0x1E0, s11;
	[sflag:s23] =	ssyncadd.s32 @!p0 $0xFFFFF600  }
0x58: {  	[tilespmem:s28], [sflag:$0x7] =	stream.indirect.gather [hbm4b:s4+s13], $0x20, s12, s13, $0xb8;
	[tilespmem:$0x1A220] =	vst v63  }
0x59: {  	_ =	swait.ge [sflag:s26], $0xA00  }
0x5a: {  	s19 =	simm.s32 $0x5820;
	[sflag:s26] =	ssyncset.done $0x0  }
0x5b: {  	s15 =	sadd.s32 $0x2760, s11;
	s23 =	simm.s32 @!p0 $0x12;
	[sflag:s26] =	ssyncadd.s32 $0xFFFFF600  }
0x5c: {  	[spmem:s2] =	stream.indirect.scatter.add.f32 [tilespmem:s19], [sflag:$0xC], $0x20, s15, s13, $0xb8;
	[tilespmem:$0x1A220] =	vst v63  }
0x5d: {  	_ =	swait.ge @!p0 [sflag:s23], $0xA00  }
0x5e: {  	[sflag:s23] =	ssyncset.done @!p0 $0x0  }
0x5f: {  	s21 =	sadd.s32 $0x230, s11;
	[sflag:s23] =	ssyncadd.s32 @!p0 $0xFFFFF600  }
0x60: {  	[tilespmem:s30], [sflag:$0x8] =	stream.indirect.gather [hbm4b:s4+s13], $0x20, s21, s13, $0xb8;
	[tilespmem:$0x1A220] =	vst v63  }
0x61: {  	_ =	swait.ge [sflag:s29], $0xA00  }
0x62: {  	s1 =	sadd.s32 $0x27B0, s11;
	[sflag:s29] =	ssyncset.done $0x0  }
0x63: {  	s23 =	simm.s32 @!p0 $0x13;
	s21 =	simm.s32 $0x6220;
	[sflag:s29] =	ssyncadd.s32 $0xFFFFF600  }
0x64: {  	[spmem:s2] =	stream.indirect.scatter.add.f32 [tilespmem:s21], [sflag:$0xD], $0x20, s1, s13, $0xb8;
	[tilespmem:$0x1A220] =	vst v63  }
0x65: {  	_ =	swait.ge @!p0 [sflag:s23], $0xA00  }
0x66: {  	[sflag:s23] =	ssyncset.done @!p0 $0x0  }
0x67: {  	s12 =	sadd.s32 $0x280, s11;
	s1 =	simm.s32 $0x9E20;
	[sflag:s23] =	ssyncadd.s32 @!p0 $0xFFFFF600  }
0x68: {  	[tilespmem:s1], [sflag:$0x9] =	stream.indirect.gather [hbm4b:s4+s13], $0x20, s12, s13, $0xb8;
	[tilespmem:$0x1A220] =	vst v63  }
0x69: {  	_ =	swait.ge [sflag:s31], $0xA00  }
0x6a: {  	s15 =	sadd.s32 $0x2800, s11;
	[sflag:s31] =	ssyncset.done $0x0  }
0x6b: {  	s23 =	simm.s32 @!p0 $0x14;
	s12 =	simm.s32 $0x6C20;
	[sflag:s31] =	ssyncadd.s32 $0xFFFFF600  }
0x6c: {  	[spmem:s2] =	stream.indirect.scatter.add.f32 [tilespmem:s12], [sflag:$0xE], $0x20, s15, s13, $0xb8;
	[tilespmem:$0x1A220] =	vst v63  }
0x6d: {  	_ =	swait.ge @!p0 [sflag:s23], $0xA00  }
0x6e: {  	[sflag:s23] =	ssyncset.done @!p0 $0x0  }
0x6f: {  	s15 =	sadd.s32 $0x2D0, s11;
	[sflag:s23] =	ssyncadd.s32 @!p0 $0xFFFFF600  }
0x70: {  	[tilespmem:s14], [sflag:$0xA] =	stream.indirect.gather [hbm4b:s4+s13], $0x20, s15, s13, $0xb8;
	[tilespmem:$0x1A220] =	vst v63  }
0x71: {  	_ =	swait.ge [sflag:s0], $0xA00  }
0x72: {  	[sflag:s0] =	ssyncset.done $0x0  }
0x73: {  	s15 =	sadd.s32 $0x2850, s11;
	[sflag:s0] =	ssyncadd.s32 $0xFFFFF600  }
0x74: {  	[spmem:s2] =	stream.indirect.scatter.add.f32 [tilespmem:s18], [sflag:$0xF], $0x20, s15, s13, $0xb8;
	[tilespmem:$0x1A220] =	vst v63  }
0x75: {  	_ =	swait.ge [sflag:s3], $0xA00  }
0x76: {  	[sflag:s3] =	ssyncset.done $0x0  }
0x77: {  	s23 =	sadd.s32 $0x320, s11;
	[sflag:s3] =	ssyncadd.s32 $0xFFFFF600  }
0x78: {  	[tilespmem:s17], [sflag:$0x1] =	stream.indirect.gather [hbm4b:s4+s13], $0x20, s23, s13, $0xb8;
	[tilespmem:$0x1A220] =	vst v63  }
0x79: {  	s23 =	simm.s32 $0x6  }
0x7a: {  	_ =	swait.ge [sflag:s23], $0xA00  }
0x7b: {  	[sflag:s23] =	ssyncset.done $0x0  }
0x7c: {  	s17 =	sadd.s32 $0x28A0, s11;
	[sflag:s23] =	ssyncadd.s32 $0xFFFFF600  }
0x7d: {  	[spmem:s2] =	stream.indirect.scatter.add.f32 [tilespmem:s25], [sflag:$0x10], $0x20, s17, s13, $0xb8;
	[tilespmem:$0x1A220] =	vst v63  }
0x7e: {  	_ =	swait.ge [sflag:s16], $0xA00  }
0x7f: {  	[sflag:s16] =	ssyncset.done $0x0  }
0x80: {  	s23 =	sadd.s32 $0x370, s11;
	[sflag:s16] =	ssyncadd.s32 $0xFFFFF600  }
0x81: {  	[tilespmem:s19], [sflag:$0x2] =	stream.indirect.gather [hbm4b:s4+s13], $0x20, s23, s13, $0xb8;
	[tilespmem:$0x1A220] =	vst v63  }
0x82: {  	s23 =	simm.s32 $0x7  }
0x83: {  	_ =	swait.ge [sflag:s23], $0xA00  }
0x84: {  	[sflag:s23] =	ssyncset.done $0x0  }
0x85: {  	s19 =	sadd.s32 $0x28F0, s11;
	[sflag:s23] =	ssyncadd.s32 $0xFFFFF600  }
0x86: {  	[spmem:s2] =	stream.indirect.scatter.add.f32 [tilespmem:s28], [sflag:$0x11], $0x20, s19, s13, $0xb8;
	[tilespmem:$0x1A220] =	vst v63  }
0x87: {  	_ =	swait.ge [sflag:s20], $0xA00  }
0x88: {  	[sflag:s20] =	ssyncset.done $0x0  }
0x89: {  	s23 =	sadd.s32 $0x3C0, s11;
	[sflag:s20] =	ssyncadd.s32 $0xFFFFF600  }
0x8a: {  	[tilespmem:s21], [sflag:$0x3] =	stream.indirect.gather [hbm4b:s4+s13], $0x20, s23, s13, $0xb8;
	[tilespmem:$0x1A220] =	vst v63  }
0x8b: {  	_ =	swait.ge [sflag:s22], $0xA00  }
0x8c: {  	[sflag:s22] =	ssyncset.done $0x0  }
0x8d: {  	s21 =	sadd.s32 $0x2940, s11;
	[sflag:s22] =	ssyncadd.s32 $0xFFFFF600  }
0x8e: {  	[spmem:s2] =	stream.indirect.scatter.add.f32 [tilespmem:s30], [sflag:$0x12], $0x20, s21, s13, $0xb8;
	[tilespmem:$0x1A220] =	vst v63  }
0x8f: {  	_ =	swait.ge [sflag:s10], $0xA00  }
0x90: {  	[sflag:s10] =	ssyncset.done $0x0  }
0x91: {  	s23 =	sadd.s32 $0x410, s11;
	[sflag:s10] =	ssyncadd.s32 $0xFFFFF600  }
0x92: {  	[tilespmem:s12], [sflag:$0x4] =	stream.indirect.gather [hbm4b:s4+s13], $0x20, s23, s13, $0xb8;
	[tilespmem:$0x1A220] =	vst v63  }
0x93: {  	_ =	swait.ge [sflag:s6], $0xA00  }
0x94: {  	[sflag:s6] =	ssyncset.done $0x0  }
0x95: {  	s12 =	sadd.s32 $0x2990, s11;
	[sflag:s6] =	ssyncadd.s32 $0xFFFFF600  }
0x96: {  	[spmem:s2] =	stream.indirect.scatter.add.f32 [tilespmem:s1], [sflag:$0x13], $0x20, s12, s13, $0xb8;
	[tilespmem:$0x1A220] =	vst v63  }
0x97: {  	_ =	swait.ge [sflag:s7], $0xA00  }
0x98: {  	[sflag:s7] =	ssyncset.done $0x0  }
0x99: {  	p0 =	seq.s32 s5, $0x8980;
	s12 =	sadd.s32 $0x460, s11;
	[sflag:s7] =	ssyncadd.s32 $0xFFFFF600  }
0x9a: {  	[tilespmem:s18], [sflag:$0x5] =	stream.indirect.gather [hbm4b:s4+s13], $0x20, s12, s13, $0xb8;
	[tilespmem:$0x1A220] =	vst v63  }
.Ltmp1:
0x9b: {  	_ = 	snop;
	(pc) =	sbr.rel @p0 .LBB2_6-.Ltmp1, $4  }
0x9c: {  	s15 =	simm.s32 $0x4E20;
	s17 =	simm.s32 $0x5820;
	_ =	swait.ge [sflag:s8], $0xA00  }
0x9d: {  	s19 =	simm.s32 $0x6220;
	s21 =	simm.s32 $0x6C20;
	[sflag:s8] =	ssyncset.done $0x0  }
0x9e: {  	s1 =	simm.s32 $0x7620;
	s12 =	sadd.s32 $0x29E0, s11;
	[sflag:s8] =	ssyncadd.s32 $0xFFFFF600  }
0x9f: {  	[spmem:s2] =	stream.indirect.scatter.add.f32 [tilespmem:s14], [sflag:$0x14], $0x20, s12, s13, $0xb8;
	[tilespmem:$0x1A220] =	vst v63  }
.Ltmp2:
0xa0: {  	(pc) =	sbr.rel .LBB2_4-.Ltmp2, $4  }
0xa1: {  	_ =	swait.ge [sflag:s9], $0xA00  }
0xa2: {  	[sflag:s9] =	ssyncset.done $0x0  }
0xa3: {  	s11 =	sadd.s32 $0x4B0, s11;
	s5 =	sadd.s32 $0xC80, s5;
	[sflag:s9] =	ssyncadd.s32 $0xFFFFF600  }
0xa4: {  	[tilespmem:s25], [sflag:$0x6] =	stream.indirect.gather [hbm4b:s4+s13], $0x20, s11, s13, $0xb8;
	[tilespmem:$0x1A220] =	vst v63  }
.LBB2_6:
0xa5: {  	_ =	swait.ge [sflag:s24], $0xA00  }
0xa6: {  	[sflag:s24] =	ssyncset.done $0x0  }
0xa7: {  	s5 =	simm.s32 $0x4C90;
	[sflag:s24] =	ssyncadd.s32 $0xFFFFF600  }
0xa8: {  	[spmem:s2] =	stream.indirect.scatter.add.f32 [tilespmem:s15], [sflag:$0xB], $0x20, s5, s13, $0xb8;
	[tilespmem:$0x1A220] =	vst v63  }
0xa9: {  	_ =	swait.ge [sflag:s26], $0xA00  }
0xaa: {  	[sflag:s26] =	ssyncset.done $0x0  }
0xab: {  	s12 =	simm.s32 $0x4CE0;
	[sflag:s26] =	ssyncadd.s32 $0xFFFFF600  }
0xac: {  	[spmem:s2] =	stream.indirect.scatter.add.f32 [tilespmem:s17], [sflag:$0xC], $0x20, s12, s13, $0xb8;
	[tilespmem:$0x1A220] =	vst v63  }
0xad: {  	_ =	swait.ge [sflag:s29], $0xA00  }
0xae: {  	[sflag:s29] =	ssyncset.done $0x0  }
0xaf: {  	s23 =	simm.s32 $0x4D30;
	[sflag:s29] =	ssyncadd.s32 $0xFFFFF600  }
0xb0: {  	[spmem:s2] =	stream.indirect.scatter.add.f32 [tilespmem:s19], [sflag:$0xD], $0x20, s23, s13, $0xb8;
	[tilespmem:$0x1A220] =	vst v63  }
0xb1: {  	_ =	swait.ge [sflag:s31], $0xA00  }
0xb2: {  	[sflag:s31] =	ssyncset.done $0x0  }
0xb3: {  	s25 =	simm.s32 $0x4D80;
	[sflag:s31] =	ssyncadd.s32 $0xFFFFF600  }
0xb4: {  	[spmem:s2] =	stream.indirect.scatter.add.f32 [tilespmem:s21], [sflag:$0xE], $0x20, s25, s13, $0xb8;
	[tilespmem:$0x1A220] =	vst v63  }
0xb5: {  	_ =	swait.ge [sflag:s0], $0xA00  }
0xb6: {  	[sflag:s0] =	ssyncset.done $0x0  }
0xb7: {  	s11 =	simm.s32 $0x4DD0;
	[sflag:s0] =	ssyncadd.s32 $0xFFFFF600  }
0xb8: {  	[spmem:s2] =	stream.indirect.scatter.add.f32 [tilespmem:s1], [sflag:$0xF], $0x20, s11, s13, $0xb8;
	[tilespmem:$0x1A220] =	vst v63  }
0xb9: {  	_ =	swait.ge [sflag:s3], $0xA00  }
0xba: {  	[sflag:s3] =	ssyncset.done $0x0  }
0xbb: {  	[sflag:s3] =	ssyncadd.s32 $0xFFFFF600  }
0xbc: {  	_ =	swait.ge [sflag:s16], $0xA00  }
0xbd: {  	[sflag:s16] =	ssyncset.done $0x0  }
0xbe: {  	[sflag:s16] =	ssyncadd.s32 $0xFFFFF600  }
0xbf: {  	_ =	swait.ge [sflag:s20], $0xA00  }
0xc0: {  	[sflag:s20] =	ssyncset.done $0x0  }
0xc1: {  	[sflag:s20] =	ssyncadd.s32 $0xFFFFF600  }
0xc2: {  	_ =	swait.ge [sflag:s10], $0xA00  }
0xc3: {  	[sflag:s10] =	ssyncset.done $0x0  }
0xc4: {  	[sflag:s10] =	ssyncadd.s32 $0xFFFFF600  }
0xc5: {  	_ =	swait.ge [sflag:s7], $0xA00  }
0xc6: {  	[sflag:s7] =	ssyncset.done $0x0  }
0xc7: {  	[sflag:s7] =	ssyncadd.s32 $0xFFFFF600  }
0xc8: {  	_ =	swait.ge [sflag:s9], $0xA00  }
0xc9: {  	[sflag:s9] =	ssyncset.done $0x0  }
0xca: {  	s12 =	simm.s32 $0x11;
	[sflag:s9] =	ssyncadd.s32 $0xFFFFF600  }
0xcb: {  	_ =	swait.ge [sflag:s12], $0xA00  }
0xcc: {  	[sflag:s12] =	ssyncset.done $0x0  }
0xcd: {  	s23 =	simm.s32 $0x12;
	[sflag:s12] =	ssyncadd.s32 $0xFFFFF600  }
0xce: {  	_ =	swait.ge [sflag:s23], $0xA00  }
0xcf: {  	[sflag:s23] =	ssyncset.done $0x0  }
0xd0: {  	s25 =	simm.s32 $0x13;
	[sflag:s23] =	ssyncadd.s32 $0xFFFFF600  }
0xd1: {  	_ =	swait.ge [sflag:s25], $0xA00  }
0xd2: {  	[sflag:s25] =	ssyncset.done $0x0  }
0xd3: {  	s11 =	simm.s32 $0x14;
	[sflag:s25] =	ssyncadd.s32 $0xFFFFF600  }
0xd4: {  	_ =	swait.ge [sflag:s11], $0xA00  }
0xd5: {  	[sflag:s11] =	ssyncset.done $0x0  }
0xd6: {  	[sflag:s11] =	ssyncadd.s32 $0xFFFFF600  }
0xd7: {  	[bflag:$0x0] =	sbarrier.arrive $0xFFFF  }
0xd8: {  	s23 =	simm.s32 $0x15;
	s11 =	simm.s32 $0xB220;
	s12 =	rddreg [dreg:$0x3]  }
0xd9: {  	[tilespmem:s11], [sflag:$0x15] =	stream.linear.gather [spmem:s12], $0x5000, $0x38;
	[tilespmem:$0x1A220] =	vst v63  }
0xda: {  	_ =	swait.ge [sflag:s23], $0x5000  }
0xdb: {  	[sflag:s23] =	ssyncset.done $0x0  }
0xdc: {  	s25 =	simm.s32 $0xB320;
	[sflag:s23] =	ssyncadd.s32 $0xFFFFB000  }
0xdd: {  	v1 =	vld [tilespmem:s25+$0xFFFFFF00];
	_ =	sdelay $0x3  }
0xde: {  	s11 =	simm.s32 $0x10320  }
0xdf: {  	[tilespmem:s11+$0xFFFFFF00] =	vst v1  }
0xe0: {  	v1 =	vld [tilespmem:s25+$0xFFFFFF10];
	_ =	sdelay $0x4  }
0xe1: {  	[tilespmem:s11+$0xFFFFFF10] =	vst v1  }
0xe2: {  	v1 =	vld [tilespmem:s25+$0xFFFFFF20];
	_ =	sdelay $0x4  }
0xe3: {  	[tilespmem:s11+$0xFFFFFF20] =	vst v1  }
0xe4: {  	v1 =	vld [tilespmem:s25+$0xFFFFFF30];
	_ =	sdelay $0x4  }
0xe5: {  	[tilespmem:s11+$0xFFFFFF30] =	vst v1  }
0xe6: {  	v1 =	vld [tilespmem:s25+$0xFFFFFF40];
	_ =	sdelay $0x4  }
0xe7: {  	[tilespmem:s11+$0xFFFFFF40] =	vst v1  }
0xe8: {  	v1 =	vld [tilespmem:s25+$0xFFFFFF50];
	_ =	sdelay $0x4  }
0xe9: {  	[tilespmem:s11+$0xFFFFFF50] =	vst v1  }
0xea: {  	v1 =	vld [tilespmem:s25+$0xFFFFFF60];
	_ =	sdelay $0x4  }
0xeb: {  	[tilespmem:s11+$0xFFFFFF60] =	vst v1  }
0xec: {  	v1 =	vld [tilespmem:s25+$0xFFFFFF70];
	_ =	sdelay $0x4  }
0xed: {  	[tilespmem:s11+$0xFFFFFF70] =	vst v1  }
0xee: {  	v1 =	vld [tilespmem:s25+$0xFFFFFF80];
	_ =	sdelay $0x4  }
0xef: {  	[tilespmem:s11+$0xFFFFFF80] =	vst v1  }
0xf0: {  	v1 =	vld [tilespmem:s25+$0xFFFFFF90];
	_ =	sdelay $0x4  }
0xf1: {  	[tilespmem:s11+$0xFFFFFF90] =	vst v1  }
0xf2: {  	v1 =	vld [tilespmem:s25+$0xFFFFFFA0];
	_ =	sdelay $0x4  }
0xf3: {  	[tilespmem:s11+$0xFFFFFFA0] =	vst v1  }
0xf4: {  	v1 =	vld [tilespmem:s25+$0xFFFFFFB0];
	_ =	sdelay $0x4  }
0xf5: {  	[tilespmem:s11+$0xFFFFFFB0] =	vst v1  }
0xf6: {  	v1 =	vld [tilespmem:s25+$0xFFFFFFC0];
	_ =	sdelay $0x4  }
0xf7: {  	[tilespmem:s11+$0xFFFFFFC0] =	vst v1  }
0xf8: {  	v1 =	vld [tilespmem:s25+$0xFFFFFFD0];
	_ =	sdelay $0x4  }
0xf9: {  	[tilespmem:s11+$0xFFFFFFD0] =	vst v1  }
0xfa: {  	v1 =	vld [tilespmem:s25+$0xFFFFFFE0];
	_ =	sdelay $0x4  }
0xfb: {  	[tilespmem:s11+$0xFFFFFFE0] =	vst v1  }
0xfc: {  	v1 =	vld [tilespmem:s25+$0xFFFFFFF0];
	_ =	sdelay $0x4  }
0xfd: {  	[tilespmem:s11+$0xFFFFFFF0] =	vst v1  }
0xfe: {  	v1 =	vld [tilespmem:s25+$0x0];
	_ =	sdelay $0x4  }
0xff: {  	[tilespmem:s11+$0x0] =	vst v1  }
0x100: {  	v1 =	vld [tilespmem:s25+$0x10];
	_ =	sdelay $0x4  }
0x101: {  	[tilespmem:s11+$0x10] =	vst v1  }
0x102: {  	v1 =	vld [tilespmem:s25+$0x20];
	_ =	sdelay $0x4  }
0x103: {  	[tilespmem:s11+$0x20] =	vst v1  }
0x104: {  	v1 =	vld [tilespmem:s25+$0x30];
	_ =	sdelay $0x4  }
0x105: {  	[tilespmem:s11+$0x30] =	vst v1  }
0x106: {  	v1 =	vld [tilespmem:s25+$0x40];
	_ =	sdelay $0x4  }
0x107: {  	[tilespmem:s11+$0x40] =	vst v1  }
0x108: {  	v1 =	vld [tilespmem:s25+$0x50];
	_ =	sdelay $0x4  }
0x109: {  	[tilespmem:s11+$0x50] =	vst v1  }
0x10a: {  	v1 =	vld [tilespmem:s25+$0x60];
	_ =	sdelay $0x4  }
0x10b: {  	[tilespmem:s11+$0x60] =	vst v1  }
0x10c: {  	v1 =	vld [tilespmem:s25+$0x70];
	_ =	sdelay $0x4  }
0x10d: {  	[tilespmem:s11+$0x70] =	vst v1  }
0x10e: {  	v1 =	vld [tilespmem:s25+$0x80];
	_ =	sdelay $0x4  }
0x10f: {  	[tilespmem:s11+$0x80] =	vst v1  }
0x110: {  	v1 =	vld [tilespmem:s25+$0x90];
	_ =	sdelay $0x4  }
0x111: {  	[tilespmem:s11+$0x90] =	vst v1  }
0x112: {  	v1 =	vld [tilespmem:s25+$0xA0];
	_ =	sdelay $0x4  }
0x113: {  	[tilespmem:s11+$0xA0] =	vst v1  }
0x114: {  	v1 =	vld [tilespmem:s25+$0xB0];
	_ =	sdelay $0x4  }
0x115: {  	[tilespmem:s11+$0xB0] =	vst v1  }
0x116: {  	v1 =	vld [tilespmem:s25+$0xC0];
	_ =	sdelay $0x4  }
0x117: {  	[tilespmem:s11+$0xC0] =	vst v1  }
0x118: {  	v1 =	vld [tilespmem:s25+$0xD0];
	_ =	sdelay $0x4  }
0x119: {  	[tilespmem:s11+$0xD0] =	vst v1  }
0x11a: {  	v1 =	vld [tilespmem:s25+$0xE0];
	_ =	sdelay $0x4  }
0x11b: {  	[tilespmem:s11+$0xE0] =	vst v1  }
0x11c: {  	v1 =	vld [tilespmem:s25+$0xF0];
	_ =	sdelay $0x4  }
0x11d: {  	s5 =	simm.s32 $0x0;
	s23 =	simm.s32 $0xB520;
	[tilespmem:s11+$0xF0] =	vst v1  }
.LBB2_7:
0x11e: {  	v1 =	vld [tilespmem:s23+$0xFFFFFF00];
	s5 =	sadd.s32 $0x4, s5  }
0x11f: {  	p0 =	slt.u32 s5, $0x9C;
	_ =	sdelay $0x2  }
0x120: {  	s11 =	sadd.s32 $0x200, s11  }
0x121: {  	[tilespmem:s11+$0xFFFFFF00] =	vst v1  }
0x122: {  	v1 =	vld [tilespmem:s23+$0xFFFFFF10];
	_ =	sdelay $0x4  }
0x123: {  	[tilespmem:s11+$0xFFFFFF10] =	vst v1  }
0x124: {  	v1 =	vld [tilespmem:s23+$0xFFFFFF20];
	_ =	sdelay $0x4  }
0x125: {  	[tilespmem:s11+$0xFFFFFF20] =	vst v1  }
0x126: {  	v1 =	vld [tilespmem:s23+$0xFFFFFF30];
	_ =	sdelay $0x4  }
0x127: {  	[tilespmem:s11+$0xFFFFFF30] =	vst v1  }
0x128: {  	v1 =	vld [tilespmem:s23+$0xFFFFFF40];
	_ =	sdelay $0x4  }
0x129: {  	[tilespmem:s11+$0xFFFFFF40] =	vst v1  }
0x12a: {  	v1 =	vld [tilespmem:s23+$0xFFFFFF50];
	_ =	sdelay $0x4  }
0x12b: {  	[tilespmem:s11+$0xFFFFFF50] =	vst v1  }
0x12c: {  	v1 =	vld [tilespmem:s23+$0xFFFFFF60];
	_ =	sdelay $0x4  }
0x12d: {  	[tilespmem:s11+$0xFFFFFF60] =	vst v1  }
0x12e: {  	v1 =	vld [tilespmem:s23+$0xFFFFFF70];
	_ =	sdelay $0x4  }
0x12f: {  	[tilespmem:s11+$0xFFFFFF70] =	vst v1  }
0x130: {  	v1 =	vld [tilespmem:s23+$0xFFFFFF80];
	_ =	sdelay $0x4  }
0x131: {  	[tilespmem:s11+$0xFFFFFF80] =	vst v1  }
0x132: {  	v1 =	vld [tilespmem:s23+$0xFFFFFF90];
	_ =	sdelay $0x4  }
0x133: {  	[tilespmem:s11+$0xFFFFFF90] =	vst v1  }
0x134: {  	v1 =	vld [tilespmem:s23+$0xFFFFFFA0];
	_ =	sdelay $0x4  }
0x135: {  	[tilespmem:s11+$0xFFFFFFA0] =	vst v1  }
0x136: {  	v1 =	vld [tilespmem:s23+$0xFFFFFFB0];
	_ =	sdelay $0x4  }
0x137: {  	[tilespmem:s11+$0xFFFFFFB0] =	vst v1  }
0x138: {  	v1 =	vld [tilespmem:s23+$0xFFFFFFC0];
	_ =	sdelay $0x4  }
0x139: {  	[tilespmem:s11+$0xFFFFFFC0] =	vst v1  }
0x13a: {  	v1 =	vld [tilespmem:s23+$0xFFFFFFD0];
	_ =	sdelay $0x4  }
0x13b: {  	[tilespmem:s11+$0xFFFFFFD0] =	vst v1  }
0x13c: {  	v1 =	vld [tilespmem:s23+$0xFFFFFFE0];
	_ =	sdelay $0x4  }
0x13d: {  	[tilespmem:s11+$0xFFFFFFE0] =	vst v1  }
0x13e: {  	v1 =	vld [tilespmem:s23+$0xFFFFFFF0];
	_ =	sdelay $0x4  }
0x13f: {  	[tilespmem:s11+$0xFFFFFFF0] =	vst v1  }
0x140: {  	v1 =	vld [tilespmem:s23+$0x0];
	_ =	sdelay $0x4  }
0x141: {  	[tilespmem:s11+$0x0] =	vst v1  }
0x142: {  	v1 =	vld [tilespmem:s23+$0x10];
	_ =	sdelay $0x4  }
0x143: {  	[tilespmem:s11+$0x10] =	vst v1  }
0x144: {  	v1 =	vld [tilespmem:s23+$0x20];
	_ =	sdelay $0x4  }
0x145: {  	[tilespmem:s11+$0x20] =	vst v1  }
0x146: {  	v1 =	vld [tilespmem:s23+$0x30];
	_ =	sdelay $0x4  }
0x147: {  	[tilespmem:s11+$0x30] =	vst v1  }
0x148: {  	v1 =	vld [tilespmem:s23+$0x40];
	_ =	sdelay $0x4  }
0x149: {  	[tilespmem:s11+$0x40] =	vst v1  }
0x14a: {  	v1 =	vld [tilespmem:s23+$0x50];
	_ =	sdelay $0x4  }
0x14b: {  	[tilespmem:s11+$0x50] =	vst v1  }
0x14c: {  	v1 =	vld [tilespmem:s23+$0x60];
	_ =	sdelay $0x4  }
0x14d: {  	[tilespmem:s11+$0x60] =	vst v1  }
0x14e: {  	v1 =	vld [tilespmem:s23+$0x70];
	_ =	sdelay $0x4  }
0x14f: {  	[tilespmem:s11+$0x70] =	vst v1  }
0x150: {  	v1 =	vld [tilespmem:s23+$0x80];
	_ =	sdelay $0x4  }
0x151: {  	[tilespmem:s11+$0x80] =	vst v1  }
0x152: {  	v1 =	vld [tilespmem:s23+$0x90];
	_ =	sdelay $0x4  }
0x153: {  	[tilespmem:s11+$0x90] =	vst v1  }
0x154: {  	v1 =	vld [tilespmem:s23+$0xA0];
	_ =	sdelay $0x4  }
0x155: {  	[tilespmem:s11+$0xA0] =	vst v1  }
0x156: {  	v1 =	vld [tilespmem:s23+$0xB0];
	_ =	sdelay $0x4  }
0x157: {  	[tilespmem:s11+$0xB0] =	vst v1  }
0x158: {  	v1 =	vld [tilespmem:s23+$0xC0];
	_ =	sdelay $0x4  }
0x159: {  	[tilespmem:s11+$0xC0] =	vst v1  }
0x15a: {  	v1 =	vld [tilespmem:s23+$0xD0];
	_ =	sdelay $0x4  }
0x15b: {  	[tilespmem:s11+$0xD0] =	vst v1  }
0x15c: {  	v1 =	vld [tilespmem:s23+$0xE0];
	_ =	sdelay $0x4  }
0x15d: {  	[tilespmem:s11+$0xE0] =	vst v1  }
0x15e: {  	v1 =	vld [tilespmem:s23+$0xF0]  }
.Ltmp3:
0x15f: {  	(pc) =	sbr.rel @p0 .LBB2_7-.Ltmp3, $2  }
0x160: {  	_ =	sdelay $0x2  }
0x161: {  	s23 =	sadd.s32 $0x200, s23;
	[tilespmem:s11+$0xF0] =	vst v1  }
0x162: {  	s5 =	simm.s32 $0x0;
	s11 =	rddreg [dreg:$0x6];
	s12 =	simm.s32 $0x10220  }
0x163: {  	[hbm4b:s11+s5] =	stream.linear.scatter [tilespmem:s12], [sflag:$0x15], $0x5000, $0x38;
	[tilespmem:$0x1A220] =	vst v63  }
0x164: {  	s11 =	simm.s32 $0x15  }
0x165: {  	_ =	swait.ge [sflag:s11], $0x5000  }
0x166: {  	s23 =	rddreg [dreg:$0x8]  }
0x167: {  	s25 =	rddreg [dreg:$0x7];
	s12 =	sadd.s32 $0x1, s23  }
0x168: {  	p0 =	sne.s32 s12, s25  }
.Ltmp4:
0x169: {  	_ = 	snop;
	(pc) =	sbr.rel @p0 .LBB2_1-.Ltmp4, $3  }
0x16a: {  	_ =	sdelay $0x1  }
0x16b: {  	[sflag:s11] =	ssyncset.done $0x0  }
0x16c: {  	[sflag:s11] =	ssyncadd.s32 $0xFFFFB000  }
0x16d: {  	_ =	sfence.sel $0x180000  }
0x16e: {  	[bflag:$0x0] =	sbarrier.arrive $0xFFFF  }
0x16f: {  	_ =	strace $0x9000004A  }
0x170: {  	s0 =	stileid.u32;
	[bflag:$0x2] =	sbarrier.arrive $0xFFFF  }
0x171: {  	p0 =	sne.s32 s0, $0x0;
	s0 =	rddreg [dreg:$0x2]  }
0x172: {  	s0 =	sadd.s32 @!p0 $0x100000, s0  }
0x173: {  	[sflag:s0] =	ssyncadd.tile.s32 @!p0 $0x1;
	_ =	shalt  }
.Lfunc_end2:
_tile_overlayer_lowered:
.L_overlay_start_2:
0x174: {  	(tag) =	ssettag $0x2  }
0x175: {  	s0 =	rddreg [dreg:$0x0];
	s2 =	stileid.u32  }
0x176: {  	s1 =	rddreg [dreg:$0x1];
	p0 =	sne.s32 s2, $0x0  }
0x177: {  	s3 =	rddreg [dreg:$0x2];
	[bflag:$0x3] =	sbarrier.arrive $0xFFFF;
	s2 =	simm.s32 @!p0 $0x1C15  }
0x178: {  	[timem:s3], [sflag:s2] =	dma.local @!p0 [hbm:s0], s1  }
0x179: {  	s0 =	simm.s32 @!p0 $0x15  }
0x17a: {  	_ =	swait.ge @!p0 [sflag:s0], s1  }
0x17b: {  	s1 =	ssub.s32 @!p0 $0x0, s1;
	[sflag:s0] =	ssyncset.done @!p0 $0x0  }
0x17c: {  	[sflag:s0] =	ssyncadd.s32 @!p0 s1  }
0x17d: {  	[bflag:$0x3] =	sbarrier.arrive $0xFFFF  }
0x17e: {  	_ =	shalt  }

// kernel: kernel.7.cloned.1.call-start
scs
__scs_entry_jumppad:
0x0: {  	(pc) =	sbr.rel $0x88, $3  }
0x1: {  	(tag) =	ssettag $0x0;
	lr =	simm.s32 $0x1  }
0x2: {  	[smem:$0x3F9E] =	sst lr;
	_ =	strace $0xD0000000  }
0x3: {  	_ = 	snop  }
0x4: {  	_ = 	snop  }
0x5: {  	_ = 	snop  }
0x6: {  	_ = 	snop  }
0x7: {  	_ = 	snop  }
__scs_overlays_trampoline_lowered:
0x8: {  	[smem:$0x3FAD] =	sst s0  }
0x9: {  	[smem:$0x3FAE] =	sst s1  }
0xa: {  	[smem:$0x3FAF] =	sst s2  }
0xb: {  	[smem:$0x3FB0] =	sst s3  }
0xc: {  	[smem:$0x3FB1] =	sst s4  }
0xd: {  	[smem:$0x3FB2] =	sst s5  }
0xe: {  	[smem:$0x3FB3] =	sst s6  }
0xf: {  	[smem:$0x3FB4] =	sst s7  }
0x10: {  	[smem:$0x3FB5] =	sst s8  }
0x11: {  	[smem:$0x3FB6] =	sst s9;
	s0 =	simm.s32 @!p0 $0x0  }
0x12: {  	s1 =	sld [smem:$0x3F9C];
	s0 =	simm.s32 @p0 $0x1  }
0x13: {  	[smem:$0x3FB7] =	sst s0;
	s0 =	simm.s32 @!p1 $0x0  }
0x14: {  	s2 =	sld [smem:$0x3F9B];
	s0 =	simm.s32 @p1 $0x1  }
0x15: {  	[smem:$0x3FB8] =	sst s0;
	s0 =	simm.s32 @!p2 $0x0  }
0x16: {  	s3 =	sld [smem:$0x3FDB];
	s0 =	simm.s32 @p2 $0x1  }
0x17: {  	s4 =	simm.s32 $0x1BF5;
	[smem:$0x3FBA] =	sst s0  }
0x18: {  	s0 =	sld [smem:$0x3F9D];
	_ =	swait.ge [sflag:s4], $0x0  }
0x19: {  	s7 =	sld [smem:$0x3F9E]  }
0x1a: {  	s8 =	sadd.s32 $0xFFFFE003, lr  }
0x1b: {  	s9 =	sadd.s32 $0xFFFFFEF7, lr;
	s5 =	simm.s32 $0xFFFFFFFF;
	p2 =	slt.u32 s8, $0xFFFFF086  }
0x1c: {  	p1 =	slt.u32 s9, $0xF7A;
	s5 =	simm.s32 @!p2 $0x0  }
0x1d: {  	s5 =	simm.s32 @p1 $0x1;
	p0 =	seq.s32 s7, s2  }
0x1e: {  	s7 =	smul.u32 @!p0 $0xF7A, s2;
	p2 =	seq.s32 @!p0 s5, $0x0  }
0x1f: {  	s9 =	smul.u32 $0xF7A, s1;
	s8 =	simm.s32 @!p0 $0x1BF5;
	p2 =	por !p2, p0  }
0x20: {  	[sflag:s8] =	ssyncset.s32 @!p0 $0xFFFFF086;
	s6 =	sadd.s32 @!p0 s3, s7;
	s7 =	simm.s32 @!p0 $0x108  }
0x21: {  	s3 =	sadd.s32 s3, s9;
	s6 =	sadd.s32 @!p0 $0x88, s6;
	s7 =	simm.s32 @p2 $0x1082  }
0x22: {  	[simem:s7], [sflag:s8] =	dma.local @!p0 [hbm:s6], $0xF7A  }
0x23: {  	s9 =	sor.u32 $0xD0000000, s2;
	s6 =	simm.s32 $0x108;
	_ =	swait.ge @!p0 [sflag:s8], $0x0  }
0x24: {  	s3 =	sadd.s32 $0x88, s3;
	s6 =	simm.s32 @!p1 $0x1082;
	[sflag:s4] =	ssyncset.s32 $0xFFFFF086  }
0x25: {  	[simem:s6], [sflag:s4] =	dma.local [hbm:s3], $0xF7A  }
0x26: {  	[smem:$0x3F9E] =	sst s1;
	(tag) =	ssettag s2;
	_ =	strace s9  }
0x27: {  	s1 =	sld [smem:$0x3FAE]  }
0x28: {  	s2 =	sld [smem:$0x3FAF]  }
0x29: {  	s4 =	sld [smem:$0x3FB1]  }
0x2a: {  	p0 =	seq.s32 s5, $0x0;
	s5 =	sld [smem:$0x3FB2]  }
0x2b: {  	s6 =	sld [smem:$0x3FB3]  }
0x2c: {  	s7 =	sld [smem:$0x3FB4]  }
0x2d: {  	s3 =	simm.s32 $0x108;
	s8 =	sld [smem:$0x3FB5]  }
0x2e: {  	s3 =	simm.s32 @!p0 $0x1082;
	s9 =	sld [smem:$0x3FB6]  }
0x2f: {  	lr =	sadd.s32 s0, s3;
	s0 =	sld [smem:$0x3FAD]  }
0x30: {  	s3 =	sld [smem:$0x3FB0]  }
0x31: {  	[smem:$0x3FB9] =	sst s10  }
0x32: {  	s10 =	sld [smem:$0x3FB7];
	_ =	sdelay $0x3  }
0x33: {  	p0 =	seq.s32 s10, $0x1;
	s10 =	sld [smem:$0x3FB9];
	_ =	sdelay $0x3  }
0x34: {  	[smem:$0x3FB9] =	sst s10  }
0x35: {  	s10 =	sld [smem:$0x3FB8];
	_ =	sdelay $0x3  }
0x36: {  	p1 =	seq.s32 s10, $0x1;
	s10 =	sld [smem:$0x3FB9];
	_ =	sdelay $0x3  }
0x37: {  	[smem:$0x3FB9] =	sst s10  }
0x38: {  	s10 =	sld [smem:$0x3FBA]  }
0x39: {  	_ = 	snop;
	(pc) =	sbr.ind lr, $3  }
0x3a: {  	_ = 	snop  }
0x3b: {  	_ = 	snop  }
0x3c: {  	p2 =	seq.s32 s10, $0x1;
	s10 =	sld [smem:$0x3FB9]  }
0x3d: {  	_ =	shalt  }
0x3e: {  	_ =	shalt  }
0x3f: {  	_ =	shalt  }
0x40: {  	_ =	shalt  }
0x41: {  	_ =	shalt  }
0x42: {  	_ =	shalt  }
0x43: {  	_ =	shalt  }
0x44: {  	_ =	shalt  }
0x45: {  	_ =	shalt  }
0x46: {  	_ =	shalt  }
0x47: {  	_ =	shalt  }
0x48: {  	_ =	shalt  }
0x49: {  	_ =	shalt  }
0x4a: {  	_ =	shalt  }
0x4b: {  	_ =	shalt  }
0x4c: {  	_ =	shalt  }
0x4d: {  	_ =	shalt  }
0x4e: {  	_ =	shalt  }
0x4f: {  	_ =	shalt  }
0x50: {  	_ =	shalt  }
0x51: {  	_ =	shalt  }
0x52: {  	_ =	shalt  }
0x53: {  	_ =	shalt  }
0x54: {  	_ =	shalt  }
0x55: {  	_ =	shalt  }
0x56: {  	_ =	shalt  }
0x57: {  	_ =	shalt  }
0x58: {  	_ =	shalt  }
0x59: {  	_ =	shalt  }
0x5a: {  	_ =	shalt  }
0x5b: {  	_ =	shalt  }
0x5c: {  	_ =	shalt  }
0x5d: {  	_ =	shalt  }
0x5e: {  	_ =	shalt  }
0x5f: {  	_ =	shalt  }
0x60: {  	_ =	shalt  }
0x61: {  	_ =	shalt  }
0x62: {  	_ =	shalt  }
0x63: {  	_ =	shalt  }
0x64: {  	_ =	shalt  }
0x65: {  	_ =	shalt  }
0x66: {  	_ =	shalt  }
0x67: {  	_ =	shalt  }
0x68: {  	_ =	shalt  }
0x69: {  	_ =	shalt  }
0x6a: {  	_ =	shalt  }
0x6b: {  	_ =	shalt  }
0x6c: {  	_ =	shalt  }
0x6d: {  	_ =	shalt  }
0x6e: {  	_ =	shalt  }
0x6f: {  	_ =	shalt  }
0x70: {  	_ =	shalt  }
0x71: {  	_ =	shalt  }
0x72: {  	_ =	shalt  }
0x73: {  	_ =	shalt  }
0x74: {  	_ =	shalt  }
0x75: {  	_ =	shalt  }
0x76: {  	_ =	shalt  }
0x77: {  	_ =	shalt  }
0x78: {  	_ =	shalt  }
0x79: {  	_ =	shalt  }
0x7a: {  	_ =	shalt  }
0x7b: {  	_ =	shalt  }
0x7c: {  	_ =	shalt  }
0x7d: {  	_ =	shalt  }
0x7e: {  	_ =	shalt  }
0x7f: {  	_ =	shalt  }
0x80: {  	_ =	shalt  }
0x81: {  	_ =	shalt  }
0x82: {  	_ =	shalt  }
0x83: {  	_ =	shalt  }
0x84: {  	_ =	shalt  }
0x85: {  	_ =	shalt  }
0x86: {  	_ =	shalt  }
0x87: {  	_ =	shalt  }
.Lfunc_end0:
.L_simem_size_0:
called_computation_lowered:
.L_overlay_start_0:
0x88: {  	s2 =	sld [smem:$0x3FD9]  }
0x89: {  	s3 =	sld [smem:$0x3FFE];
	_ =	sdelay $0x1  }
0x8a: {  	s1 =	srdreg.scid  }
0x8b: {  	s0 =	sand.u32 $0x1, s1  }
0x8c: {  	s16 =	sshll.u32 s0, $0xA;
	s2 =	sadd.s32 s3, s2  }
0x8d: {  	s2 =	sadd.s32 s2, s16  }
0x8e: {  	[smem:$0x3FC5] =	sst s2  }
0x8f: {  	_ = 	snop  }
0x90: {  	(tm) =	ssettm $0x1  }
0x91: {  	s17 =	sld [smem:$0x3FFB];
	_ =	sdelay $0x3  }
0x92: {  	_ =	strace s17  }
0x93: {  	s2 =	sld [smem:$0x3FFC];
	_ =	sdelay $0x3  }
0x94: {  	_ =	strace s2  }
0x95: {  	s2 =	sld [smem:$0x3FFD];
	_ =	sdelay $0x3  }
0x96: {  	_ =	strace s2  }
0x97: {  	_ =	strace $0x8FFFFFFF  }
0x98: {  	s18 =	sld [smem:$0x3FDB];
	_ =	sdelay $0x1  }
0x99: {  	s19 =	simm.s32 $_scs_section_size  }
0x9a: {  	s4 =	simm.s32 $_size__tile_overlayer_lowered;
	s5 =	simm.s32 $_tile_overlayer_lowered  }
0x9b: {  	s22 =	simm.s32 $0x1BFF;
	s21 =	sshll.u32 s5, $0x1;
	s2 =	sadd.s32 s19, s18  }
0x9c: {  	s6 =	simm.s32 $0x0;
	s20 =	sshll.u32 s4, $0x1;
	s4 =	sadd.s32 s21, s2  }
0x9d: {  	[timem:s6], [sflag:s22] =	dma.local [hbm:s4], s20  }
0x9e: {  	_ =	swait.ge [sflag:s22], s20  }
0x9f: {  	s3 =	ssub.s32 $0x0, s20;
	[sflag:s22] =	ssyncset.done $0x0  }
0xa0: {  	[sflag:s22] =	ssyncadd.s32 s3;
	_ =	sdelay $0x1  }
0xa1: {  	s23 =	simm.s32 $0x1B8B  }
0xa2: {  	_ =	swait.ge [sflag:s23], $0x1  }
0xa3: {  	[sflag:s23] =	ssyncset.done $0x0  }
0xa4: {  	s25 =	simm.s32 $0x1B8E;
	s24 =	sld [smem:$0x3FFE];
	[sflag:s23] =	ssyncadd.s32 $0xFFFFFFFF  }
0xa5: {  	s26 =	simm.s32 $execute0_lowered;
	[smem:$0x3FD2] =	sst s25  }
0xa6: {  	s4 =	sshll.u32 s26, $0x1;
	_ =	strace $0x80000046;
	[dreg:$0x1] =	wrdreg $0xFFFFFFFF  }
0xa7: {  	s28 =	simm.s32 $_size_execute0_lowered;
	s2 =	sadd.s32 s2, s4;
	[dreg:$0x0] =	wrdreg $0x0  }
0xa8: {  	s4 =	sshll.u32 s28, $0x1;
	[dreg:$0x2] =	wrdreg s2  }
0xa9: {  	[dreg:$0x3] =	wrdreg s4  }
0xaa: {  	[dreg:$0x4] =	wrdreg $0xC0  }
0xab: {  	_ =	task [dreg:s6], $0x5FFFF  }
0xac: {  	[dreg:$0x1] =	wrdreg $0xFFFFFFFF  }
0xad: {  	[dreg:$0x0] =	wrdreg $0x60  }
0xae: {  	[dreg:$0x2] =	wrdreg s24  }
0xaf: {  	[dreg:$0x3] =	wrdreg $0x9  }
0xb0: {  	_ =	task.clear_ibuf [dreg:s6], $0x4FFFF;
	_ =	strace $0x90000046  }
0xb1: {  	s29 =	simm.s32 $0x9;
	_ =	strace $0x80000048  }
0xb2: {  	_ =	swait.ge [sflag:s29], $0x1  }
0xb3: {  	[sflag:s29] =	ssyncadd.s32 $0xFFFFFFFF  }
0xb4: {  	_ =	strace $0x90000048  }
0xb5: {  	_ =	sfence  }
0xb6: {  	s30 =	sld [smem:$0x0];
	_ =	sdelay $0x2  }
0xb7: {  	s31 =	sshll.u32 s1, $0xD;
	s1 =	sshrl.u32 s1, $0x2  }
0xb8: {  	s3 =	sand.u32 $0x4000, s31;
	s1 =	sadd.s32 s1, s30  }
0xb9: {  	s0 =	sor.u32 s3, s0;
	s1 =	sshll.u32 s1, $0x11  }
0xba: {  	s0 =	sor.u32 s1, s0  }
0xbb: {  	s0 =	sadd.s32 $0x8F2B, s0  }
0xbc: {  	[sflag:s0] =	ssyncadd.remote.s32 $0x1  }
0xbd: {  	_ =	sfence.sel $0xFFFF  }
0xbe: {  	[dreg:$0x0] =	wrdreg $0xFFFFFFFF;
	(pc) =	sbr.abs _section_cstart, $3  }
0xbf: {  	[dreg:$0x1] =	wrdreg $0xFFFFFFFF  }
0xc0: {  	_ =	task.clear_ibuf [dreg:s6], $0x2FFFF;
	_ =	strace $0x9FFFFFFF  }
0xc1: {  	(tm) =	ssettm $0x7FFFFFFF  }
tec
execute0_lowered:
.L_overlay_start_1:
0x0: {  	(tag) =	ssettag $0x1  }
0x1: {  	s1 =	srdreg.scid;
	s0 =	stileid.u32  }
0x2: {  	s4 =	rddreg [dreg:$0x0];
	s2 =	simm.s32 $0x0;
	s9 =	simm.s32 $0x2710  }
0x3: {  	s10 =	simm.s32 $0x4E20;
	s3 =	sand.u32 $0x1, s1;
	s31 =	sshll.u32 s0, $0x1  }
0x4: {  	s11 =	simm.s32 $0x7620;
	s12 =	simm.s32 $0x0;
	s5 =	sor.u32 s3, s31  }
0x5: {  	s1 =	rddreg [dreg:$0x1];
	s3 =	ssub.s32 $0x2, s3;
	s6 =	smul.u32 $0x2710, s5  }
0x6: {  	[smem:$0x7FF] =	sst s2;
	s5 =	smul.u32 $0x2800, s5;
	s7 =	sshrl.u32 s3, $0x1  }
0x7: {  	_ =	strace $0x80000047;
	s7 =	ssub.s32 s3, s7;
	s6 =	sshrl.u32 s6, $0x3  }
0x8: {  	s5 =	sshrl.u32 s5, $0x3;
	s7 =	smax.u32 s7, $0x1;
	s6 =	sadd.s32 s6, s4  }
0x9: {  	s8 =	sadd.s32 s5, s4;
	s3 =	sadd.s32 $0x1A00, s6;
	s4 =	sadd.s32 $0xB640, s6  }
0xa: {  	v0 =	vimm.f32 $0.0e+00;
	v1 =	vimm.f32 $1.000000000e+00;
	s5 =	sadd.s32 $0x15400, s8;
	s6 =	sadd.s32 $0x1F400, s8;
	s8 =	simm.s32 $0x1  }
.LBB2_1:
0xb: {  	s13 =	simm.s32 $0x4E60  }
0xc: {  	[tilespmem:s13+$0xFFFFFFC0] =	vst v0  }
0xd: {  	[tilespmem:s13+$0x30] =	vst v0  }
0xe: {  	[tilespmem:s13+$0x20] =	vst v0  }
0xf: {  	[tilespmem:s13+$0x10] =	vst v0  }
0x10: {  	[tilespmem:s13+$0x0] =	vst v0  }
0x11: {  	[tilespmem:s13+$0xFFFFFFF0] =	vst v0  }
0x12: {  	s14 =	simm.s32 $0x0;
	[tilespmem:s13+$0xFFFFFFE0] =	vst v0  }
.LBB2_2:
0x13: {  	s14 =	sadd.s32 $0x8, s14;
	[tilespmem:s13+$0xFFFFFFD0] =	vst v0;
	s13 =	sadd.s32 $0x80, s13  }
0x14: {  	[tilespmem:s13+$0xFFFFFFC0] =	vst v0;
	p0 =	slt.u32 s14, $0x4F8  }
0x15: {  	[tilespmem:s13+$0x30] =	vst v0  }
.Ltmp0:
0x16: {  	[tilespmem:s13+$0x20] =	vst v0;
	(pc) =	sbr.rel @p0 .LBB2_2-.Ltmp0, $4  }
0x17: {  	[tilespmem:s13+$0x10] =	vst v0  }
0x18: {  	[tilespmem:s13+$0x0] =	vst v0  }
0x19: {  	[tilespmem:s13+$0xFFFFFFF0] =	vst v0  }
0x1a: {  	[tilespmem:s13+$0xFFFFFFE0] =	vst v0  }
0x1b: {  	[tilespmem:s13+$0xFFFFFFD0] =	vst v0  }
0x1c: {  	[tilespmem:s2], [sflag:$0x1] =	stream.linear.gather [hbm4b:s3+s2], $0x2710, $0x38;
	[tilespmem:$0x9E20] =	vst v63  }
0x1d: {  	_ =	swait.ge [sflag:s8], $0x2710  }
0x1e: {  	[sflag:s8] =	ssyncset.done $0x0  }
0x1f: {  	[sflag:s8] =	ssyncadd.s32 $0xFFFFD8F0  }
0x20: {  	[tilespmem:s9], [sflag:$0x1] =	stream.linear.gather [hbm4b:s4+s2], $0x2710, $0x38;
	[tilespmem:$0x9E20] =	vst v63  }
0x21: {  	_ =	swait.ge [sflag:s8], $0x2710  }
0x22: {  	[sflag:s8] =	ssyncset.done $0x0  }
0x23: {  	s13 =	simm.s32 $0xFFFFFFFC;
	s14 =	simm.s32 $0xA0;
	[sflag:s8] =	ssyncadd.s32 $0xFFFFD8F0  }
.LBB2_4:
0x24: {  	v2 =	vld [tilespmem:s14+$0xFFFFFF60];
	_ =	sdelay $0x7  }
0x25: {  	[tilespmem:v2+s10+$0x0] =	vst.idx.add.f32.msk $0xffff, v1  }
0x26: {  	v2 =	vld [tilespmem:s14+$0xFFFFFF70];
	_ =	sdelay $0x7  }
0x27: {  	[tilespmem:v2+s10+$0x0] =	vst.idx.add.f32.msk $0xffff, v1  }
0x28: {  	v2 =	vld [tilespmem:s14+$0xFFFFFF80];
	_ =	sdelay $0x7  }
0x29: {  	[tilespmem:v2+s10+$0x0] =	vst.idx.add.f32.msk $0xffff, v1  }
0x2a: {  	v2 =	vld [tilespmem:s14+$0xFFFFFF90];
	_ =	sdelay $0x7  }
0x2b: {  	[tilespmem:v2+s10+$0x0] =	vst.idx.add.f32.msk $0xffff, v1  }
0x2c: {  	v2 =	vld [tilespmem:s14+$0xFFFFFFA0];
	_ =	sdelay $0x7  }
0x2d: {  	[tilespmem:v2+s10+$0x0] =	vst.idx.add.f32.msk $0xffff, v1  }
0x2e: {  	v2 =	vld [tilespmem:s14+$0xFFFFFFB0];
	_ =	sdelay $0x7  }
0x2f: {  	[tilespmem:v2+s10+$0x0] =	vst.idx.add.f32.msk $0xffff, v1  }
0x30: {  	v2 =	vld [tilespmem:s14+$0xFFFFFFC0];
	_ =	sdelay $0x7  }
0x31: {  	[tilespmem:v2+s10+$0x0] =	vst.idx.add.f32.msk $0xffff, v1  }
0x32: {  	v2 =	vld [tilespmem:s14+$0xFFFFFFD0];
	_ =	sdelay $0x7  }
0x33: {  	[tilespmem:v2+s10+$0x0] =	vst.idx.add.f32.msk $0xffff, v1  }
0x34: {  	v2 =	vld [tilespmem:s14+$0xFFFFFFE0];
	_ =	sdelay $0x7  }
0x35: {  	[tilespmem:v2+s10+$0x0] =	vst.idx.add.f32.msk $0xffff, v1  }
0x36: {  	v2 =	vld [tilespmem:s14+$0xFFFFFFF0];
	_ =	sdelay $0x7  }
0x37: {  	[tilespmem:v2+s10+$0x0] =	vst.idx.add.f32.msk $0xffff, v1  }
0x38: {  	v2 =	vld [tilespmem:s14+$0x0];
	_ =	sdelay $0x7  }
0x39: {  	[tilespmem:v2+s10+$0x0] =	vst.idx.add.f32.msk $0xffff, v1  }
0x3a: {  	v2 =	vld [tilespmem:s14+$0x10];
	_ =	sdelay $0x7  }
0x3b: {  	[tilespmem:v2+s10+$0x0] =	vst.idx.add.f32.msk $0xffff, v1  }
0x3c: {  	v2 =	vld [tilespmem:s14+$0x20];
	_ =	sdelay $0x7  }
0x3d: {  	[tilespmem:v2+s10+$0x0] =	vst.idx.add.f32.msk $0xffff, v1  }
0x3e: {  	v2 =	vld [tilespmem:s14+$0x30];
	_ =	sdelay $0x7  }
0x3f: {  	[tilespmem:v2+s10+$0x0] =	vst.idx.add.f32.msk $0xffff, v1  }
0x40: {  	v2 =	vld [tilespmem:s14+$0x40];
	_ =	sdelay $0x7  }
0x41: {  	[tilespmem:v2+s10+$0x0] =	vst.idx.add.f32.msk $0xffff, v1  }
0x42: {  	v2 =	vld [tilespmem:s14+$0x50];
	_ =	sdelay $0x7  }
0x43: {  	[tilespmem:v2+s10+$0x0] =	vst.idx.add.f32.msk $0xffff, v1  }
0x44: {  	v2 =	vld [tilespmem:s14+$0x60];
	_ =	sdelay $0x7  }
0x45: {  	[tilespmem:v2+s10+$0x0] =	vst.idx.add.f32.msk $0xffff, v1  }
0x46: {  	v2 =	vld [tilespmem:s14+$0x70];
	_ =	sdelay $0x7  }
0x47: {  	[tilespmem:v2+s10+$0x0] =	vst.idx.add.f32.msk $0xffff, v1  }
0x48: {  	v2 =	vld [tilespmem:s14+$0x80];
	_ =	sdelay $0x7  }
0x49: {  	[tilespmem:v2+s10+$0x0] =	vst.idx.add.f32.msk $0xffff, v1  }
0x4a: {  	v2 =	vld [tilespmem:s14+$0x90];
	_ =	sdelay $0x1  }
0x4b: {  	s13 =	sadd.s32 $0x4, s13  }
0x4c: {  	p0 =	slt.u32 s13, $0x78  }
.Ltmp1:
0x4d: {  	_ = 	snop;
	(pc) =	sbr.rel @p0 .LBB2_4-.Ltmp1, $2  }
0x4e: {  	_ =	sdelay $0x2  }
0x4f: {  	s14 =	sadd.s32 $0x140, s14;
	[tilespmem:v2+s10+$0x0] =	vst.idx.add.f32.msk $0xffff, v1  }
0x50: {  	v2 =	vld [tilespmem:$0x26C0];
	_ =	sdelay $0x7  }
0x51: {  	[tilespmem:v2+s10+$0x0] =	vst.idx.add.f32.msk $0xffff, v1  }
0x52: {  	v2 =	vld [tilespmem:$0x26D0];
	_ =	sdelay $0x7  }
0x53: {  	[tilespmem:v2+s10+$0x0] =	vst.idx.add.f32.msk $0xffff, v1  }
0x54: {  	v2 =	vld [tilespmem:$0x26E0];
	_ =	sdelay $0x7  }
0x55: {  	[tilespmem:v2+s10+$0x0] =	vst.idx.add.f32.msk $0xffff, v1  }
0x56: {  	v2 =	vld [tilespmem:$0x26F0];
	_ =	sdelay $0x7  }
0x57: {  	[tilespmem:v2+s10+$0x0] =	vst.idx.add.f32.msk $0xffff, v1  }
0x58: {  	v2 =	vld [tilespmem:$0x2700];
	_ =	sdelay $0x7  }
0x59: {  	s13 =	simm.s32 $0xFFFFFFFC;
	s14 =	simm.s32 $0x27B0;
	[tilespmem:v2+s10+$0x0] =	vst.idx.add.f32.msk $0xffff, v1  }
.LBB2_6:
0x5a: {  	v2 =	vld [tilespmem:s14+$0xFFFFFF60];
	_ =	sdelay $0x4  }
0x5b: {  	v2 =	vadd.s32 $0x2800, v2;
	_ =	sdelay $0x4  }
0x5c: {  	[tilespmem:v2+s10+$0x0] =	vst.idx.add.f32.msk $0xffff, v1  }
0x5d: {  	v2 =	vld [tilespmem:s14+$0xFFFFFF70];
	_ =	sdelay $0x4  }
0x5e: {  	v2 =	vadd.s32 $0x2800, v2;
	_ =	sdelay $0x4  }
0x5f: {  	[tilespmem:v2+s10+$0x0] =	vst.idx.add.f32.msk $0xffff, v1  }
0x60: {  	v2 =	vld [tilespmem:s14+$0xFFFFFF80];
	_ =	sdelay $0x4  }
0x61: {  	v2 =	vadd.s32 $0x2800, v2;
	_ =	sdelay $0x4  }
0x62: {  	[tilespmem:v2+s10+$0x0] =	vst.idx.add.f32.msk $0xffff, v1  }
0x63: {  	v2 =	vld [tilespmem:s14+$0xFFFFFF90];
	_ =	sdelay $0x4  }
0x64: {  	v2 =	vadd.s32 $0x2800, v2;
	_ =	sdelay $0x4  }
0x65: {  	[tilespmem:v2+s10+$0x0] =	vst.idx.add.f32.msk $0xffff, v1  }
0x66: {  	v2 =	vld [tilespmem:s14+$0xFFFFFFA0];
	_ =	sdelay $0x4  }
0x67: {  	v2 =	vadd.s32 $0x2800, v2;
	_ =	sdelay $0x4  }
0x68: {  	[tilespmem:v2+s10+$0x0] =	vst.idx.add.f32.msk $0xffff, v1  }
0x69: {  	v2 =	vld [tilespmem:s14+$0xFFFFFFB0];
	_ =	sdelay $0x4  }
0x6a: {  	v2 =	vadd.s32 $0x2800, v2;
	_ =	sdelay $0x4  }
0x6b: {  	[tilespmem:v2+s10+$0x0] =	vst.idx.add.f32.msk $0xffff, v1  }
0x6c: {  	v2 =	vld [tilespmem:s14+$0xFFFFFFC0];
	_ =	sdelay $0x4  }
0x6d: {  	v2 =	vadd.s32 $0x2800, v2;
	_ =	sdelay $0x4  }
0x6e: {  	[tilespmem:v2+s10+$0x0] =	vst.idx.add.f32.msk $0xffff, v1  }
0x6f: {  	v2 =	vld [tilespmem:s14+$0xFFFFFFD0];
	_ =	sdelay $0x4  }
0x70: {  	v2 =	vadd.s32 $0x2800, v2;
	_ =	sdelay $0x4  }
0x71: {  	[tilespmem:v2+s10+$0x0] =	vst.idx.add.f32.msk $0xffff, v1  }
0x72: {  	v2 =	vld [tilespmem:s14+$0xFFFFFFE0];
	_ =	sdelay $0x4  }
0x73: {  	v2 =	vadd.s32 $0x2800, v2;
	_ =	sdelay $0x4  }
0x74: {  	[tilespmem:v2+s10+$0x0] =	vst.idx.add.f32.msk $0xffff, v1  }
0x75: {  	v2 =	vld [tilespmem:s14+$0xFFFFFFF0];
	_ =	sdelay $0x4  }
0x76: {  	v2 =	vadd.s32 $0x2800, v2;
	_ =	sdelay $0x4  }
0x77: {  	[tilespmem:v2+s10+$0x0] =	vst.idx.add.f32.msk $0xffff, v1  }
0x78: {  	v2 =	vld [tilespmem:s14+$0x0];
	_ =	sdelay $0x4  }
0x79: {  	v2 =	vadd.s32 $0x2800, v2;
	_ =	sdelay $0x4  }
0x7a: {  	[tilespmem:v2+s10+$0x0] =	vst.idx.add.f32.msk $0xffff, v1  }
0x7b: {  	v2 =	vld [tilespmem:s14+$0x10];
	_ =	sdelay $0x4  }
0x7c: {  	v2 =	vadd.s32 $0x2800, v2;
	_ =	sdelay $0x4  }
0x7d: {  	[tilespmem:v2+s10+$0x0] =	vst.idx.add.f32.msk $0xffff, v1  }
0x7e: {  	v2 =	vld [tilespmem:s14+$0x20];
	_ =	sdelay $0x4  }
0x7f: {  	v2 =	vadd.s32 $0x2800, v2;
	_ =	sdelay $0x4  }
0x80: {  	[tilespmem:v2+s10+$0x0] =	vst.idx.add.f32.msk $0xffff, v1  }
0x81: {  	v2 =	vld [tilespmem:s14+$0x30];
	_ =	sdelay $0x4  }
0x82: {  	v2 =	vadd.s32 $0x2800, v2;
	_ =	sdelay $0x4  }
0x83: {  	[tilespmem:v2+s10+$0x0] =	vst.idx.add.f32.msk $0xffff, v1  }
0x84: {  	v2 =	vld [tilespmem:s14+$0x40];
	_ =	sdelay $0x4  }
0x85: {  	v2 =	vadd.s32 $0x2800, v2;
	_ =	sdelay $0x4  }
0x86: {  	[tilespmem:v2+s10+$0x0] =	vst.idx.add.f32.msk $0xffff, v1  }
0x87: {  	v2 =	vld [tilespmem:s14+$0x50];
	_ =	sdelay $0x4  }
0x88: {  	v2 =	vadd.s32 $0x2800, v2;
	_ =	sdelay $0x4  }
0x89: {  	[tilespmem:v2+s10+$0x0] =	vst.idx.add.f32.msk $0xffff, v1  }
0x8a: {  	v2 =	vld [tilespmem:s14+$0x60];
	_ =	sdelay $0x4  }
0x8b: {  	v2 =	vadd.s32 $0x2800, v2;
	_ =	sdelay $0x4  }
0x8c: {  	[tilespmem:v2+s10+$0x0] =	vst.idx.add.f32.msk $0xffff, v1  }
0x8d: {  	v2 =	vld [tilespmem:s14+$0x70];
	_ =	sdelay $0x4  }
0x8e: {  	v2 =	vadd.s32 $0x2800, v2;
	_ =	sdelay $0x4  }
0x8f: {  	[tilespmem:v2+s10+$0x0] =	vst.idx.add.f32.msk $0xffff, v1  }
0x90: {  	v2 =	vld [tilespmem:s14+$0x80];
	_ =	sdelay $0x4  }
0x91: {  	v2 =	vadd.s32 $0x2800, v2;
	_ =	sdelay $0x4  }
0x92: {  	[tilespmem:v2+s10+$0x0] =	vst.idx.add.f32.msk $0xffff, v1  }
0x93: {  	v2 =	vld [tilespmem:s14+$0x90];
	_ =	sdelay $0x3  }
0x94: {  	s13 =	sadd.s32 $0x4, s13  }
0x95: {  	p0 =	slt.u32 s13, $0x78;
	v2 =	vadd.s32 $0x2800, v2  }
.Ltmp2:
0x96: {  	_ = 	snop;
	(pc) =	sbr.rel @p0 .LBB2_6-.Ltmp2, $2  }
0x97: {  	_ =	sdelay $0x2  }
0x98: {  	s14 =	sadd.s32 $0x140, s14;
	[tilespmem:v2+s10+$0x0] =	vst.idx.add.f32.msk $0xffff, v1  }
0x99: {  	v2 =	vld [tilespmem:$0x4DD0];
	_ =	sdelay $0x4  }
0x9a: {  	v2 =	vadd.s32 $0x2800, v2;
	_ =	sdelay $0x4  }
0x9b: {  	[tilespmem:v2+s10+$0x0] =	vst.idx.add.f32.msk $0xffff, v1  }
0x9c: {  	v2 =	vld [tilespmem:$0x4DE0];
	_ =	sdelay $0x4  }
0x9d: {  	v2 =	vadd.s32 $0x2800, v2;
	_ =	sdelay $0x4  }
0x9e: {  	[tilespmem:v2+s10+$0x0] =	vst.idx.add.f32.msk $0xffff, v1  }
0x9f: {  	v2 =	vld [tilespmem:$0x4DF0];
	_ =	sdelay $0x4  }
0xa0: {  	v2 =	vadd.s32 $0x2800, v2;
	_ =	sdelay $0x4  }
0xa1: {  	[tilespmem:v2+s10+$0x0] =	vst.idx.add.f32.msk $0xffff, v1  }
0xa2: {  	v2 =	vld [tilespmem:$0x4E00];
	_ =	sdelay $0x4  }
0xa3: {  	v2 =	vadd.s32 $0x2800, v2;
	_ =	sdelay $0x4  }
0xa4: {  	[tilespmem:v2+s10+$0x0] =	vst.idx.add.f32.msk $0xffff, v1  }
0xa5: {  	v2 =	vld [tilespmem:$0x4E10];
	_ =	sdelay $0x4  }
0xa6: {  	v2 =	vadd.s32 $0x2800, v2;
	_ =	sdelay $0x4  }
0xa7: {  	[tilespmem:v2+s10+$0x0] =	vst.idx.add.f32.msk $0xffff, v1  }
0xa8: {  	[hbm4b:s5+s2] =	stream.linear.scatter [tilespmem:s10], [sflag:$0x1], $0x2800, $0x38;
	[tilespmem:$0x9E20] =	vst v63  }
0xa9: {  	s12 =	sadd.s32 $0x1, s12;
	_ =	swait.ge [sflag:s8], $0x2800  }
0xaa: {  	p0 =	sne.s32 s12, s7;
	[sflag:s8] =	ssyncset.done $0x0  }
.Ltmp3:
0xab: {  	[sflag:s8] =	ssyncadd.s32 $0xFFFFD800;
	(pc) =	sbr.rel @p0 .LBB2_1-.Ltmp3, $4  }
0xac: {  	[hbm4b:s6+s2] =	stream.linear.scatter [tilespmem:s11], [sflag:$0x1], $0x2800, $0x38;
	[tilespmem:$0x9E20] =	vst v63  }
0xad: {  	_ =	swait.ge [sflag:s8], $0x2800  }
0xae: {  	[sflag:s8] =	ssyncset.done $0x0  }
0xaf: {  	[sflag:s8] =	ssyncadd.s32 $0xFFFFD800  }
0xb0: {  	_ =	sfence.sel $0x180000  }
0xb1: {  	[bflag:$0x0] =	sbarrier.arrive $0xFFFF  }
0xb2: {  	p0 =	sne.s32 s0, $0x0;
	_ =	strace $0x90000047  }
0xb3: {  	s0 =	sadd.s32 @!p0 $0x100000, s1;
	[bflag:$0x2] =	sbarrier.arrive $0xFFFF  }
0xb4: {  	[sflag:s0] =	ssyncadd.tile.s32 @!p0 $0x1;
	_ =	shalt  }
.Lfunc_end2:
_tile_overlayer_lowered:
.L_overlay_start_2:
0xb5: {  	(tag) =	ssettag $0x2  }
0xb6: {  	s0 =	rddreg [dreg:$0x0];
	s2 =	stileid.u32  }
0xb7: {  	s1 =	rddreg [dreg:$0x1];
	p0 =	sne.s32 s2, $0x0  }
0xb8: {  	s3 =	rddreg [dreg:$0x2];
	[bflag:$0x3] =	sbarrier.arrive $0xFFFF;
	s2 =	simm.s32 @!p0 $0x1C01  }
0xb9: {  	[timem:s3], [sflag:s2] =	dma.local @!p0 [hbm:s0], s1  }
0xba: {  	s0 =	simm.s32 @!p0 $0x1  }
0xbb: {  	_ =	swait.ge @!p0 [sflag:s0], s1  }
0xbc: {  	s1 =	ssub.s32 @!p0 $0x0, s1;
	[sflag:s0] =	ssyncset.done @!p0 $0x0  }
0xbd: {  	[sflag:s0] =	ssyncadd.s32 @!p0 s1  }
0xbe: {  	[bflag:$0x3] =	sbarrier.arrive $0xFFFF  }
0xbf: {  	_ =	shalt  }

</sc_bundles>
